<compile_context>
chip_gen: v7x
topology: tpu7x:2x2x1
jax: 0.10.2.dev20260603
libtpu: 0.0.44.dev20260713+nightly
codegen_flags: <defaults>
</compile_context>

<pallas_src>
import jax
import jax.numpy as jnp
from jax.experimental import pallas as pl

_E = 800000


def _edge_body(h_ref, w_ref, b_ref, o_ref):
    o_ref[...] = jax.nn.relu(
        jnp.dot(jax.nn.relu(h_ref[...]), w_ref[...],
                preferred_element_type=jnp.float32) + b_ref[...])


def _edge_mlp2(h1, w, b):
    bn = 2048
    grid = (pl.cdiv(_E, bn),)
    return pl.pallas_call(
        _edge_body,
        grid=grid,
        in_specs=[
            pl.BlockSpec((bn, 300), lambda i: (i, i * 0)),
            pl.BlockSpec((300, 300), lambda i: (i * 0, i * 0)),
            pl.BlockSpec((300,), lambda i: (i * 0,)),
        ],
        out_specs=pl.BlockSpec((bn, 300), lambda i: (i, i * 0)),
        out_shape=jax.ShapeDtypeStruct((_E, 300), jnp.float32),
    )(h1, w, b)


def _head_body(h_ref, w1_ref, b1_ref, w2_ref, b2_ref, w3_ref, b3_ref,
               ow_ref, ob_ref, o_ref):
    f1 = jax.nn.relu(jnp.dot(h_ref[...], w1_ref[...],
                             preferred_element_type=jnp.float32) + b1_ref[...])
    f2 = jax.nn.relu(jnp.dot(f1, w2_ref[...],
                             preferred_element_type=jnp.float32) + b2_ref[...])
    f3 = jax.nn.relu(jnp.dot(f2, w3_ref[...],
                             preferred_element_type=jnp.float32) + b3_ref[...])
    o_ref[...] = jnp.dot(f3, ow_ref[...],
                         preferred_element_type=jnp.float32) + ob_ref[...]


def _head(h, fc1_w, fc1_b, fc2_w, fc2_b, fc3_w, fc3_b, out_w, out_b):
    n = h.shape[0]
    bn = 1024
    grid = (pl.cdiv(n, bn),)
    full = lambda *s: pl.BlockSpec(s, lambda i: (i * 0,) * len(s))
    return pl.pallas_call(
        _head_body,
        grid=grid,
        in_specs=[
            pl.BlockSpec((bn, 300), lambda i: (i, i * 0)),
            full(300, 1024), full(1024), full(1024, 512), full(512),
            full(512, 300), full(300), full(300, 2), full(2),
        ],
        out_specs=pl.BlockSpec((bn, 2), lambda i: (i, i * 0)),
        out_shape=jax.ShapeDtypeStruct((n, 2), jnp.float32),
    )(h, fc1_w, fc1_b, fc2_w, fc2_b, fc3_w, fc3_b, out_w, out_b)


def _mlp2(x, w1, b1, w2, b2):
    h = jax.nn.relu(x @ w1 + b1)
    return jax.nn.relu(h @ w2 + b2)


def kernel(x, pos, edge_index, embed_w1, embed_b1, embed_w2, embed_b2,
           h_w1, h_b1, h_w2, h_b2, f_w1, f_b1, f_w2, f_b2,
           g_w1, g_b1, g_w2, g_b2, fc1_w, fc1_b, fc2_w, fc2_b,
           fc3_w, fc3_b, out_w, out_b):
    n = x.shape[0]
    h = _mlp2(x, embed_w1, embed_b1, embed_w2, embed_b2)
    src = edge_index[0]
    dst = edge_index[1]
    delta = _mlp2(h, h_w1, h_b1, h_w2, h_b2)
    A = h @ f_w1[3:] + pos @ f_w1[:3]
    B = (delta - pos) @ f_w1[:3] + f_b1
    h1 = A[src] + B[dst]
    e = _edge_mlp2(h1, f_w2, f_b2)
    aggr = jax.ops.segment_max(e, dst, num_segments=n)
    aggr = jnp.where(jnp.isfinite(aggr), aggr, 0.0)
    h2 = jax.nn.relu(_mlp2(aggr, g_w1, g_b1, g_w2, g_b2) + h)
    return _head(h2, fc1_w, fc1_b, fc2_w, fc2_b, fc3_w, fc3_b, out_w, out_b)

# --- scband reference (transcript-rebuilt; emitter-appended) ---
"""Pipeline reference for scband-point-gnnmodel-36043365548043 (READ-ONLY COPY).

The authoritative reference and input builder live on the scoring server;
editing this copy changes nothing except your own understanding.
"""

import jax, jax.numpy as jnp
import numpy as np
jax.config.update('jax_enable_x64', True)

N = 50000
E = 800000


def _mlp2(x, w1, b1, w2, b2):
    h = jax.nn.relu(x @ w1 + b1)
    return jax.nn.relu(h @ w2 + b2)


def setup_inputs(seed: int = 0) -> dict:
    key = jax.random.key(seed)
    ks = [jax.random.fold_in(key, i) for i in range(30)]

    def w(k, shape, s=0.05):
        return jax.random.normal(k, shape, dtype=jnp.float32) * s

    inp = {}
    inp['x'] = jax.random.normal(ks[0], (N, 16), dtype=jnp.float32)
    inp['pos'] = jax.random.normal(ks[1], (N, 3), dtype=jnp.float32)
    inp['edge_index'] = jax.random.randint(ks[2], (2, E), 0, N, dtype=jnp.int64)
    inp['embed_w1'] = w(ks[3], (16, 128)); inp['embed_b1'] = w(ks[4], (128,))
    inp['embed_w2'] = w(ks[5], (128, 300)); inp['embed_b2'] = w(ks[6], (300,))
    inp['h_w1'] = w(ks[7], (300, 64)); inp['h_b1'] = w(ks[8], (64,))
    inp['h_w2'] = w(ks[9], (64, 3)); inp['h_b2'] = w(ks[10], (3,))
    inp['f_w1'] = w(ks[11], (303, 300)); inp['f_b1'] = w(ks[12], (300,))
    inp['f_w2'] = w(ks[13], (300, 300)); inp['f_b2'] = w(ks[14], (300,))
    inp['g_w1'] = w(ks[15], (300, 300)); inp['g_b1'] = w(ks[16], (300,))
    inp['g_w2'] = w(ks[17], (300, 300)); inp['g_b2'] = w(ks[18], (300,))
    inp['fc1_w'] = w(ks[19], (300, 1024)); inp['fc1_b'] = w(ks[20], (1024,))
    inp['fc2_w'] = w(ks[21], (1024, 512)); inp['fc2_b'] = w(ks[22], (512,))
    inp['fc3_w'] = w(ks[23], (512, 300)); inp['fc3_b'] = w(ks[24], (300,))
    inp['out_w'] = w(ks[25], (300, 2)); inp['out_b'] = w(ks[26], (2,))
    return inp


def reference(x, pos, edge_index,
              embed_w1, embed_b1, embed_w2, embed_b2,
              h_w1, h_b1, h_w2, h_b2,
              f_w1, f_b1, f_w2, f_b2,
              g_w1, g_b1, g_w2, g_b2,
              fc1_w, fc1_b, fc2_w, fc2_b, fc3_w, fc3_b,
              out_w, out_b):
    n = x.shape[0]
    # embed: Linear(16,128)+ReLU, Linear(128,300)+ReLU
    h = jax.nn.relu(x @ embed_w1 + embed_b1)
    h = jax.nn.relu(h @ embed_w2 + embed_b2)
    src = edge_index[0]
    dst = edge_index[1]
    # PointGNNConv (1 layer): delta_i = mlp_h(x_i)
    delta = _mlp2(h, h_w1, h_b1, h_w2, h_b2)  # [N, 3]
    # message: e_ji = mlp_f([pos_j - pos_i + delta_i, x_j])
    e_in = jnp.concatenate([pos[src] - pos[dst] + delta[dst], h[src]], axis=-1)  # [E, 303]
    e = _mlp2(e_in, f_w1, f_b1, f_w2, f_b2)  # [E, 300]
    # max aggregation over destination nodes
    aggr = jax.ops.segment_max(e, dst, num_segments=n)
    aggr = jnp.where(jnp.isfinite(aggr), aggr, 0.0)  # empty segments -> 0
    # update: x_i' = mlp_g(aggr_i) + x_i, then model applies relu
    h = jax.nn.relu(_mlp2(aggr, g_w1, g_b1, g_w2, g_b2) + h)
    # head (dropout is identity in eval)
    f1 = jax.nn.relu(h @ fc1_w + fc1_b)
    f2 = jax.nn.relu(f1 @ fc2_w + fc2_b)
    f3 = jax.nn.relu(f2 @ fc3_w + fc3_b)
    return f3 @ out_w + out_b

if __name__ == "__main__":
    import jax
    _d = setup_inputs()
    print(jax.jit(kernel)(*tuple(_d.values())))

</pallas_src>

<mosaic_0001>
module attributes {stable_mosaic.version = 14 : i64} {
  func.func @_edge_body(%arg0: i32, %arg1: memref<2048x300xf32, #tpu.memory_space<vmem>>, %arg2: memref<300x300xf32, #tpu.memory_space<vmem>>, %arg3: memref<300xf32, #tpu.memory_space<vmem>>, %arg4: memref<2048x300xf32, #tpu.memory_space<vmem>>) attributes {dimension_semantics = [#tpu.dimension_semantics<arbitrary>], iteration_bounds = array<i64: 391>, scalar_prefetch = 0 : i64, scratch_operands = 0 : i64, tpu.core_type = #tpu.core_type<tc>, window_params = [{transform_indices = @transform_0, window_bounds = array<i64: 2048, 300>}, {transform_indices = @transform_1, window_bounds = array<i64: 300, 300>}, {transform_indices = @transform_2, window_bounds = array<i64: 300>}, {transform_indices = @transform_3, window_bounds = array<i64: 2048, 300>}]} {
    %get3A = arith.constant 0 : index
    %get3A_0 = arith.constant 0 : index
    %get3A_1 = vector.load %arg1[%get3A, %get3A_0] : memref<2048x300xf32, #tpu.memory_space<vmem>>, vector<2048x300xf32>
    %max3A = arith.constant 0.000000e+00 : f32
    %max3A_2 = vector.broadcast %max3A : f32 to vector<2048x300xf32>
    %max3A_3 = arith.maximumf %get3A_1, %max3A_2 : vector<2048x300xf32>
    %get3A_4 = arith.constant 0 : index
    %get3A_5 = arith.constant 0 : index
    %get3A_6 = vector.load %arg2[%get3A_4, %get3A_5] : memref<300x300xf32, #tpu.memory_space<vmem>>, vector<300x300xf32>
    %dot_general3A = arith.constant dense<0.000000e+00> : vector<2048x300xf32>
    %dot_general3A_7 = tpu.matmul %max3A_3, %get3A_6, %dot_general3A {dimension_numbers = #tpu.dot_dimension_numbers<[1], [0], [0], [1], [0, 0, 1, 1], [], []>, transpose_lhs_hint = false} : vector<2048x300xf32>, vector<300x300xf32>, vector<2048x300xf32> -> vector<2048x300xf32>
    %get3A_8 = arith.constant 0 : index
    %get3A_9 = vector.load %arg3[%get3A_8] : memref<300xf32, #tpu.memory_space<vmem>>, vector<300xf32>
    %broadcast_in_dim3A = vector.shape_cast %get3A_9 : vector<300xf32> to vector<1x300xf32>
    %add3A = vector.broadcast %broadcast_in_dim3A : vector<1x300xf32> to vector<2048x300xf32>
    %add3A_10 = arith.addf %dot_general3A_7, %add3A : vector<2048x300xf32>
    %max3A_11 = arith.constant 0.000000e+00 : f32
    %max3A_12 = vector.broadcast %max3A_11 : f32 to vector<2048x300xf32>
    %max3A_13 = arith.maximumf %add3A_10, %max3A_12 : vector<2048x300xf32>
    %swap3A = arith.constant 0 : index
    %swap3A_14 = arith.constant 0 : index
    %swap3A_15 = vector.load %arg4[%swap3A, %swap3A_14] : memref<2048x300xf32, #tpu.memory_space<vmem>>, vector<2048x300xf32>
    tpu.vector_store %arg4[%swap3A, %swap3A_14], %max3A_13 {strides = array<i32>} : memref<2048x300xf32, #tpu.memory_space<vmem>>, vector<2048x300xf32>,
    return
  }
  func.func @transform_0(%arg0: i32) -> (i32, i32) {
    %mul3A = arith.constant 0 : i32
    %mul3A_0 = arith.muli %arg0, %mul3A : i32
    %c0_i32 = arith.constant 0 : i32
    return %arg0, %mul3A_0 : i32, i32
  }
  func.func @transform_1(%arg0: i32) -> (i32, i32) {
    %mul3A = arith.constant 0 : i32
    %mul3A_0 = arith.muli %arg0, %mul3A : i32
    %mul3A_1 = arith.constant 0 : i32
    %mul3A_2 = arith.muli %arg0, %mul3A_1 : i32
    %c0_i32 = arith.constant 0 : i32
    return %mul3A_0, %mul3A_2 : i32, i32
  }
  func.func @transform_2(%arg0: i32) -> i32 {
    %mul3A = arith.constant 0 : i32
    %mul3A_0 = arith.muli %arg0, %mul3A : i32
    %c0_i32 = arith.constant 0 : i32
    return %mul3A_0 : i32
  }
  func.func @transform_3(%arg0: i32) -> (i32, i32) {
    %mul3A = arith.constant 0 : i32
    %mul3A_0 = arith.muli %arg0, %mul3A : i32
    %c0_i32 = arith.constant 0 : i32
    return %arg0, %mul3A_0 : i32, i32
  }
}

module attributes {stable_mosaic.version = 14 : i64} {
  func.func @_head_body(%arg0: i32, %arg1: memref<1024x300xf32, #tpu.memory_space<vmem>>, %arg2: memref<300x1024xf32, #tpu.memory_space<vmem>>, %arg3: memref<1024xf32, #tpu.memory_space<vmem>>, %arg4: memref<1024x512xf32, #tpu.memory_space<vmem>>, %arg5: memref<512xf32, #tpu.memory_space<vmem>>, %arg6: memref<512x300xf32, #tpu.memory_space<vmem>>, %arg7: memref<300xf32, #tpu.memory_space<vmem>>, %arg8: memref<300x2xf32, #tpu.memory_space<vmem>>, %arg9: memref<2xf32, #tpu.memory_space<vmem>>, %arg10: memref<1024x2xf32, #tpu.memory_space<vmem>>) attributes {dimension_semantics = [#tpu.dimension_semantics<arbitrary>], iteration_bounds = array<i64: 49>, scalar_prefetch = 0 : i64, scratch_operands = 0 : i64, tpu.core_type = #tpu.core_type<tc>, window_params = [{transform_indices = @transform_0, window_bounds = array<i64: 1024, 300>}, {transform_indices = @transform_1, window_bounds = array<i64: 300, 1024>}, {transform_indices = @transform_2, window_bounds = array<i64: 1024>}, {transform_indices = @transform_3, window_bounds = array<i64: 1024, 512>}, {transform_indices = @transform_4, window_bounds = array<i64: 512>}, {transform_indices = @transform_5, window_bounds = array<i64: 512, 300>}, {transform_indices = @transform_6, window_bounds = array<i64: 300>}, {transform_indices = @transform_7, window_bounds = array<i64: 300, 2>}, {transform_indices = @transform_8, window_bounds = array<i64: 2>}, {transform_indices = @transform_9, window_bounds = array<i64: 1024, 2>}]} {
    %get3A = arith.constant 0 : index
    %get3A_0 = arith.constant 0 : index
    %get3A_1 = vector.load %arg1[%get3A, %get3A_0] : memref<1024x300xf32, #tpu.memory_space<vmem>>, vector<1024x300xf32>
    %get3A_2 = arith.constant 0 : index
    %get3A_3 = arith.constant 0 : index
    %get3A_4 = vector.load %arg2[%get3A_2, %get3A_3] : memref<300x1024xf32, #tpu.memory_space<vmem>>, vector<300x1024xf32>
    %dot_general3A = arith.constant dense<0.000000e+00> : vector<1024x1024xf32>
    %dot_general3A_5 = tpu.matmul %get3A_1, %get3A_4, %dot_general3A {dimension_numbers = #tpu.dot_dimension_numbers<[1], [0], [0], [1], [0, 0, 1, 1], [], []>, transpose_lhs_hint = false} : vector<1024x300xf32>, vector<300x1024xf32>, vector<1024x1024xf32> -> vector<1024x1024xf32>
    %get3A_6 = arith.constant 0 : index
    %get3A_7 = vector.load %arg3[%get3A_6] : memref<1024xf32, #tpu.memory_space<vmem>>, vector<1024xf32>
    %broadcast_in_dim3A = vector.shape_cast %get3A_7 : vector<1024xf32> to vector<1x1024xf32>
    %add3A = vector.broadcast %broadcast_in_dim3A : vector<1x1024xf32> to vector<1024x1024xf32>
    %add3A_8 = arith.addf %dot_general3A_5, %add3A : vector<1024x1024xf32>
    %max3A = arith.constant 0.000000e+00 : f32
    %max3A_9 = vector.broadcast %max3A : f32 to vector<1024x1024xf32>
    %max3A_10 = arith.maximumf %add3A_8, %max3A_9 : vector<1024x1024xf32>
    %get3A_11 = arith.constant 0 : index
    %get3A_12 = arith.constant 0 : index
    %get3A_13 = vector.load %arg4[%get3A_11, %get3A_12] : memref<1024x512xf32, #tpu.memory_space<vmem>>, vector<1024x512xf32>
    %dot_general3A_14 = arith.constant dense<0.000000e+00> : vector<1024x512xf32>
    %dot_general3A_15 = tpu.matmul %max3A_10, %get3A_13, %dot_general3A_14 {dimension_numbers = #tpu.dot_dimension_numbers<[1], [0], [0], [1], [0, 0, 1, 1], [], []>, transpose_lhs_hint = false} : vector<1024x1024xf32>, vector<1024x512xf32>, vector<1024x512xf32> -> vector<1024x512xf32>
    %get3A_16 = arith.constant 0 : index
    %get3A_17 = vector.load %arg5[%get3A_16] : memref<512xf32, #tpu.memory_space<vmem>>, vector<512xf32>
    %broadcast_in_dim3A_18 = vector.shape_cast %get3A_17 : vector<512xf32> to vector<1x512xf32>
    %add3A_19 = vector.broadcast %broadcast_in_dim3A_18 : vector<1x512xf32> to vector<1024x512xf32>
    %add3A_20 = arith.addf %dot_general3A_15, %add3A_19 : vector<1024x512xf32>
    %max3A_21 = arith.constant 0.000000e+00 : f32
    %max3A_22 = vector.broadcast %max3A_21 : f32 to vector<1024x512xf32>
    %max3A_23 = arith.maximumf %add3A_20, %max3A_22 : vector<1024x512xf32>
    %get3A_24 = arith.constant 0 : index
    %get3A_25 = arith.constant 0 : index
    %get3A_26 = vector.load %arg6[%get3A_24, %get3A_25] : memref<512x300xf32, #tpu.memory_space<vmem>>, vector<512x300xf32>
    %dot_general3A_27 = arith.constant dense<0.000000e+00> : vector<1024x300xf32>
    %dot_general3A_28 = tpu.matmul %max3A_23, %get3A_26, %dot_general3A_27 {dimension_numbers = #tpu.dot_dimension_numbers<[1], [0], [0], [1], [0, 0, 1, 1], [], []>, transpose_lhs_hint = false} : vector<1024x512xf32>, vector<512x300xf32>, vector<1024x300xf32> -> vector<1024x300xf32>
    %get3A_29 = arith.constant 0 : index
    %get3A_30 = vector.load %arg7[%get3A_29] : memref<300xf32, #tpu.memory_space<vmem>>, vector<300xf32>
    %broadcast_in_dim3A_31 = vector.shape_cast %get3A_30 : vector<300xf32> to vector<1x300xf32>
    %add3A_32 = vector.broadcast %broadcast_in_dim3A_31 : vector<1x300xf32> to vector<1024x300xf32>
    %add3A_33 = arith.addf %dot_general3A_28, %add3A_32 : vector<1024x300xf32>
    %max3A_34 = arith.constant 0.000000e+00 : f32
    %max3A_35 = vector.broadcast %max3A_34 : f32 to vector<1024x300xf32>
    %max3A_36 = arith.maximumf %add3A_33, %max3A_35 : vector<1024x300xf32>
    %get3A_37 = arith.constant 0 : index
    %get3A_38 = arith.constant 0 : index
    %get3A_39 = vector.load %arg8[%get3A_37, %get3A_38] : memref<300x2xf32, #tpu.memory_space<vmem>>, vector<300x2xf32>
    %dot_general3A_40 = arith.constant dense<0.000000e+00> : vector<1024x2xf32>
    %dot_general3A_41 = tpu.matmul %max3A_36, %get3A_39, %dot_general3A_40 {dimension_numbers = #tpu.dot_dimension_numbers<[1], [0], [0], [1], [0, 0, 1, 1], [], []>, transpose_lhs_hint = false} : vector<1024x300xf32>, vector<300x2xf32>, vector<1024x2xf32> -> vector<1024x2xf32>
    %get3A_42 = arith.constant 0 : index
    %get3A_43 = vector.load %arg9[%get3A_42] : memref<2xf32, #tpu.memory_space<vmem>>, vector<2xf32>
    %broadcast_in_dim3A_44 = vector.shape_cast %get3A_43 : vector<2xf32> to vector<1x2xf32>
    %add3A_45 = vector.broadcast %broadcast_in_dim3A_44 : vector<1x2xf32> to vector<1024x2xf32>
    %add3A_46 = arith.addf %dot_general3A_41, %add3A_45 : vector<1024x2xf32>
    %swap3A = arith.constant 0 : index
    %swap3A_47 = arith.constant 0 : index
    %swap3A_48 = vector.load %arg10[%swap3A, %swap3A_47] : memref<1024x2xf32, #tpu.memory_space<vmem>>, vector<1024x2xf32>
    tpu.vector_store %arg10[%swap3A, %swap3A_47], %add3A_46 {strides = array<i32>} : memref<1024x2xf32, #tpu.memory_space<vmem>>, vector<1024x2xf32>,
    return
  }
  func.func @transform_0(%arg0: i32) -> (i32, i32) {
    %mul3A = arith.constant 0 : i32
    %mul3A_0 = arith.muli %arg0, %mul3A : i32
    %c0_i32 = arith.constant 0 : i32
    return %arg0, %mul3A_0 : i32, i32
  }
  func.func @transform_1(%arg0: i32) -> (i32, i32) {
    %mul3A = arith.constant 0 : i32
    %mul3A_0 = arith.muli %arg0, %mul3A : i32
    %c0_i32 = arith.constant 0 : i32
    return %mul3A_0, %mul3A_0 : i32, i32
  }
  func.func @transform_2(%arg0: i32) -> i32 {
    %mul3A = arith.constant 0 : i32
    %mul3A_0 = arith.muli %arg0, %mul3A : i32
    %c0_i32 = arith.constant 0 : i32
    return %mul3A_0 : i32
  }
  func.func @transform_3(%arg0: i32) -> (i32, i32) {
    %mul3A = arith.constant 0 : i32
    %mul3A_0 = arith.muli %arg0, %mul3A : i32
    %c0_i32 = arith.constant 0 : i32
    return %mul3A_0, %mul3A_0 : i32, i32
  }
  func.func @transform_4(%arg0: i32) -> i32 {
    %mul3A = arith.constant 0 : i32
    %mul3A_0 = arith.muli %arg0, %mul3A : i32
    %c0_i32 = arith.constant 0 : i32
    return %mul3A_0 : i32
  }
  func.func @transform_5(%arg0: i32) -> (i32, i32) {
    %mul3A = arith.constant 0 : i32
    %mul3A_0 = arith.muli %arg0, %mul3A : i32
    %c0_i32 = arith.constant 0 : i32
    return %mul3A_0, %mul3A_0 : i32, i32
  }
  func.func @transform_6(%arg0: i32) -> i32 {
    %mul3A = arith.constant 0 : i32
    %mul3A_0 = arith.muli %arg0, %mul3A : i32
    %c0_i32 = arith.constant 0 : i32
    return %mul3A_0 : i32
  }
  func.func @transform_7(%arg0: i32) -> (i32, i32) {
    %mul3A = arith.constant 0 : i32
    %mul3A_0 = arith.muli %arg0, %mul3A : i32
    %c0_i32 = arith.constant 0 : i32
    return %mul3A_0, %mul3A_0 : i32, i32
  }
  func.func @transform_8(%arg0: i32) -> i32 {
    %mul3A = arith.constant 0 : i32
    %mul3A_0 = arith.muli %arg0, %mul3A : i32
    %c0_i32 = arith.constant 0 : i32
    return %mul3A_0 : i32
  }
  func.func @transform_9(%arg0: i32) -> (i32, i32) {
    %mul3A = arith.constant 0 : i32
    %mul3A_0 = arith.muli %arg0, %mul3A : i32
    %c0_i32 = arith.constant 0 : i32
    return %arg0, %mul3A_0 : i32, i32
  }
}

</mosaic_0001>

<sc_bundles>
// kernel: gather_offload_async_start.1
scs
__scs_entry_jumppad:
0x0: {  	(pc) =	sbr.rel $0x88, $3  }
0x1: {  	(tag) =	ssettag $0x0;
	lr =	simm.s32 $0x1  }
0x2: {  	[smem:$0x3F86] =	sst lr;
	_ =	strace $0xD0000000  }
0x3: {  	_ = 	snop  }
0x4: {  	_ = 	snop  }
0x5: {  	_ = 	snop  }
0x6: {  	_ = 	snop  }
0x7: {  	_ = 	snop  }
__scs_overlays_trampoline_lowered:
0x8: {  	[smem:$0x3F95] =	sst s0  }
0x9: {  	[smem:$0x3F96] =	sst s1  }
0xa: {  	[smem:$0x3F97] =	sst s2  }
0xb: {  	[smem:$0x3F98] =	sst s3  }
0xc: {  	[smem:$0x3F99] =	sst s4  }
0xd: {  	[smem:$0x3F9A] =	sst s5  }
0xe: {  	[smem:$0x3F9B] =	sst s6  }
0xf: {  	[smem:$0x3F9C] =	sst s7  }
0x10: {  	[smem:$0x3F9D] =	sst s8  }
0x11: {  	[smem:$0x3F9E] =	sst s9;
	s0 =	simm.s32 @!p0 $0x0  }
0x12: {  	s1 =	sld [smem:$0x3F84];
	s0 =	simm.s32 @p0 $0x1  }
0x13: {  	[smem:$0x3F9F] =	sst s0;
	s0 =	simm.s32 @!p1 $0x0  }
0x14: {  	s2 =	sld [smem:$0x3F83];
	s0 =	simm.s32 @p1 $0x1  }
0x15: {  	[smem:$0x3FA0] =	sst s0;
	s0 =	simm.s32 @!p2 $0x0  }
0x16: {  	s3 =	sld [smem:$0x3FDB];
	s0 =	simm.s32 @p2 $0x1  }
0x17: {  	s4 =	simm.s32 $0x1BF5;
	[smem:$0x3FA2] =	sst s0  }
0x18: {  	s0 =	sld [smem:$0x3F85];
	_ =	swait.ge [sflag:s4], $0x0  }
0x19: {  	s7 =	sld [smem:$0x3F86]  }
0x1a: {  	s8 =	sadd.s32 $0xFFFFE003, lr  }
0x1b: {  	s9 =	sadd.s32 $0xFFFFFEF7, lr;
	s5 =	simm.s32 $0xFFFFFFFF;
	p2 =	slt.u32 s8, $0xFFFFF086  }
0x1c: {  	p1 =	slt.u32 s9, $0xF7A;
	s5 =	simm.s32 @!p2 $0x0  }
0x1d: {  	s5 =	simm.s32 @p1 $0x1;
	p0 =	seq.s32 s7, s2  }
0x1e: {  	s7 =	smul.u32 @!p0 $0xF7A, s2;
	p2 =	seq.s32 @!p0 s5, $0x0  }
0x1f: {  	s9 =	smul.u32 $0xF7A, s1;
	s8 =	simm.s32 @!p0 $0x1BF5;
	p2 =	por !p2, p0  }
0x20: {  	[sflag:s8] =	ssyncset.s32 @!p0 $0xFFFFF086;
	s6 =	sadd.s32 @!p0 s3, s7;
	s7 =	simm.s32 @!p0 $0x108  }
0x21: {  	s3 =	sadd.s32 s3, s9;
	s6 =	sadd.s32 @!p0 $0x88, s6;
	s7 =	simm.s32 @p2 $0x1082  }
0x22: {  	[simem:s7], [sflag:s8] =	dma.local @!p0 [hbm:s6], $0xF7A  }
0x23: {  	s9 =	sor.u32 $0xD0000000, s2;
	s6 =	simm.s32 $0x108;
	_ =	swait.ge @!p0 [sflag:s8], $0x0  }
0x24: {  	s3 =	sadd.s32 $0x88, s3;
	s6 =	simm.s32 @!p1 $0x1082;
	[sflag:s4] =	ssyncset.s32 $0xFFFFF086  }
0x25: {  	[simem:s6], [sflag:s4] =	dma.local [hbm:s3], $0xF7A  }
0x26: {  	[smem:$0x3F86] =	sst s1;
	(tag) =	ssettag s2;
	_ =	strace s9  }
0x27: {  	s1 =	sld [smem:$0x3F96]  }
0x28: {  	s2 =	sld [smem:$0x3F97]  }
0x29: {  	s4 =	sld [smem:$0x3F99]  }
0x2a: {  	p0 =	seq.s32 s5, $0x0;
	s5 =	sld [smem:$0x3F9A]  }
0x2b: {  	s6 =	sld [smem:$0x3F9B]  }
0x2c: {  	s7 =	sld [smem:$0x3F9C]  }
0x2d: {  	s3 =	simm.s32 $0x108;
	s8 =	sld [smem:$0x3F9D]  }
0x2e: {  	s3 =	simm.s32 @!p0 $0x1082;
	s9 =	sld [smem:$0x3F9E]  }
0x2f: {  	lr =	sadd.s32 s0, s3;
	s0 =	sld [smem:$0x3F95]  }
0x30: {  	s3 =	sld [smem:$0x3F98]  }
0x31: {  	[smem:$0x3FA1] =	sst s10  }
0x32: {  	s10 =	sld [smem:$0x3F9F];
	_ =	sdelay $0x3  }
0x33: {  	p0 =	seq.s32 s10, $0x1;
	s10 =	sld [smem:$0x3FA1];
	_ =	sdelay $0x3  }
0x34: {  	[smem:$0x3FA1] =	sst s10  }
0x35: {  	s10 =	sld [smem:$0x3FA0];
	_ =	sdelay $0x3  }
0x36: {  	p1 =	seq.s32 s10, $0x1;
	s10 =	sld [smem:$0x3FA1];
	_ =	sdelay $0x3  }
0x37: {  	[smem:$0x3FA1] =	sst s10  }
0x38: {  	s10 =	sld [smem:$0x3FA2]  }
0x39: {  	_ = 	snop;
	(pc) =	sbr.ind lr, $3  }
0x3a: {  	_ = 	snop  }
0x3b: {  	_ = 	snop  }
0x3c: {  	p2 =	seq.s32 s10, $0x1;
	s10 =	sld [smem:$0x3FA1]  }
0x3d: {  	_ =	shalt  }
0x3e: {  	_ =	shalt  }
0x3f: {  	_ =	shalt  }
0x40: {  	_ =	shalt  }
0x41: {  	_ =	shalt  }
0x42: {  	_ =	shalt  }
0x43: {  	_ =	shalt  }
0x44: {  	_ =	shalt  }
0x45: {  	_ =	shalt  }
0x46: {  	_ =	shalt  }
0x47: {  	_ =	shalt  }
0x48: {  	_ =	shalt  }
0x49: {  	_ =	shalt  }
0x4a: {  	_ =	shalt  }
0x4b: {  	_ =	shalt  }
0x4c: {  	_ =	shalt  }
0x4d: {  	_ =	shalt  }
0x4e: {  	_ =	shalt  }
0x4f: {  	_ =	shalt  }
0x50: {  	_ =	shalt  }
0x51: {  	_ =	shalt  }
0x52: {  	_ =	shalt  }
0x53: {  	_ =	shalt  }
0x54: {  	_ =	shalt  }
0x55: {  	_ =	shalt  }
0x56: {  	_ =	shalt  }
0x57: {  	_ =	shalt  }
0x58: {  	_ =	shalt  }
0x59: {  	_ =	shalt  }
0x5a: {  	_ =	shalt  }
0x5b: {  	_ =	shalt  }
0x5c: {  	_ =	shalt  }
0x5d: {  	_ =	shalt  }
0x5e: {  	_ =	shalt  }
0x5f: {  	_ =	shalt  }
0x60: {  	_ =	shalt  }
0x61: {  	_ =	shalt  }
0x62: {  	_ =	shalt  }
0x63: {  	_ =	shalt  }
0x64: {  	_ =	shalt  }
0x65: {  	_ =	shalt  }
0x66: {  	_ =	shalt  }
0x67: {  	_ =	shalt  }
0x68: {  	_ =	shalt  }
0x69: {  	_ =	shalt  }
0x6a: {  	_ =	shalt  }
0x6b: {  	_ =	shalt  }
0x6c: {  	_ =	shalt  }
0x6d: {  	_ =	shalt  }
0x6e: {  	_ =	shalt  }
0x6f: {  	_ =	shalt  }
0x70: {  	_ =	shalt  }
0x71: {  	_ =	shalt  }
0x72: {  	_ =	shalt  }
0x73: {  	_ =	shalt  }
0x74: {  	_ =	shalt  }
0x75: {  	_ =	shalt  }
0x76: {  	_ =	shalt  }
0x77: {  	_ =	shalt  }
0x78: {  	_ =	shalt  }
0x79: {  	_ =	shalt  }
0x7a: {  	_ =	shalt  }
0x7b: {  	_ =	shalt  }
0x7c: {  	_ =	shalt  }
0x7d: {  	_ =	shalt  }
0x7e: {  	_ =	shalt  }
0x7f: {  	_ =	shalt  }
0x80: {  	_ =	shalt  }
0x81: {  	_ =	shalt  }
0x82: {  	_ =	shalt  }
0x83: {  	_ =	shalt  }
0x84: {  	_ =	shalt  }
0x85: {  	_ =	shalt  }
0x86: {  	_ =	shalt  }
0x87: {  	_ =	shalt  }
.Lfunc_end0:
.L_simem_size_0:
called_computation.4_lowered:
.L_overlay_start_0:
0x88: {  	s2 =	sld [smem:$0x3FD9]  }
0x89: {  	s3 =	sld [smem:$0x3FFE];
	_ =	sdelay $0x1  }
0x8a: {  	s1 =	srdreg.scid  }
0x8b: {  	s0 =	sand.u32 $0x1, s1  }
0x8c: {  	s17 =	sshll.u32 s0, $0xA;
	s2 =	sadd.s32 s3, s2  }
0x8d: {  	s2 =	sadd.s32 s2, s17  }
0x8e: {  	[smem:$0x3FAD] =	sst s2  }
0x8f: {  	_ = 	snop  }
0x90: {  	(tm) =	ssettm $0x1  }
0x91: {  	s18 =	sld [smem:$0x3FFB];
	_ =	sdelay $0x3  }
0x92: {  	_ =	strace s18  }
0x93: {  	s2 =	sld [smem:$0x3FFC];
	_ =	sdelay $0x3  }
0x94: {  	_ =	strace s2  }
0x95: {  	s2 =	sld [smem:$0x3FFD];
	_ =	sdelay $0x3  }
0x96: {  	_ =	strace s2  }
0x97: {  	_ =	strace $0x8FFFFFFF  }
0x98: {  	s19 =	sld [smem:$0x3FDB];
	_ =	sdelay $0x1  }
0x99: {  	s20 =	simm.s32 $_scs_section_size  }
0x9a: {  	s4 =	simm.s32 $_size__tile_overlayer_lowered;
	s5 =	simm.s32 $_tile_overlayer_lowered  }
0x9b: {  	s6 =	simm.s32 $0x1BFF;
	s21 =	sshll.u32 s5, $0x1;
	s3 =	sadd.s32 s20, s19  }
0x9c: {  	s22 =	simm.s32 $0x0;
	s4 =	sshll.u32 s4, $0x1;
	s5 =	sadd.s32 s21, s3  }
0x9d: {  	[timem:s22], [sflag:s6] =	dma.local [hbm:s5], s4  }
0x9e: {  	_ =	swait.ge [sflag:s6], s4  }
0x9f: {  	s4 =	ssub.s32 $0x0, s4;
	[sflag:s6] =	ssyncset.done $0x0  }
0xa0: {  	[sflag:s6] =	ssyncadd.s32 s4;
	_ =	sdelay $0x1  }
0xa1: {  	s23 =	simm.s32 $0x1B8B  }
0xa2: {  	_ =	swait.ge [sflag:s23], $0x1  }
0xa3: {  	[sflag:s23] =	ssyncset.done $0x0  }
0xa4: {  	[sflag:s23] =	ssyncadd.s32 $0xFFFFFFFF  }
0xa5: {  	s4 =	sld [smem:$0x0]  }
0xa6: {  	s5 =	sand.u32 $0xFFFFFFFE, s1  }
0xa7: {  	p0 =	sne.s32 s1, s5  }
0xa8: {  	s5 =	sshll.u32 @p0 s5, $0xE  }
0xa9: {  	s5 =	sadd.s32 @p0 $0x11B8D, s5;
	s6 =	sshll.u32 @p0 s4, $0x11  }
0xaa: {  	s5 =	sor.u32 @p0 s6, s5  }
0xab: {  	[sflag:s5] =	ssyncadd.remote.s32 @p0 $0x1;
	_ =	sdelay $0x1  }
0xac: {  	s5 =	simm.s32 @p0 $0x1B8D  }
0xad: {  	_ =	swait.eq @p0 [sflag:s5], $0x1  }
0xae: {  	[sflag:s5] =	ssyncadd.s32 @p0 $0xFFFFFFFF  }
0xaf: {  	s6 =	sshll.u32 @!p0 s1, $0xE  }
0xb0: {  	s6 =	sor.u32 @!p0 $0x4000, s6;
	s5 =	simm.s32 @!p0 $0x1B8D  }
0xb1: {  	s4 =	sshll.u32 @!p0 s4, $0x11;
	s6 =	sadd.s32 @!p0 $0x11B8D, s6;
	_ =	swait.eq @!p0 [sflag:s5], $0x1  }
0xb2: {  	s4 =	sor.u32 @!p0 s4, s6;
	[sflag:s5] =	ssyncadd.s32 @!p0 $0xFFFFFFFF  }
0xb3: {  	s25 =	simm.s32 $0x1B8E;
	s24 =	sld [smem:$0x3FFE];
	[sflag:s4] =	ssyncadd.remote.s32 @!p0 $0x1  }
0xb4: {  	s26 =	simm.s32 $execute0_lowered;
	[smem:$0x3FD2] =	sst s25  }
0xb5: {  	s5 =	sshll.u32 s26, $0x1;
	_ =	strace $0x8000004F;
	[dreg:$0x1] =	wrdreg $0xFFFFFFFF  }
0xb6: {  	s28 =	simm.s32 $_size_execute0_lowered;
	s3 =	sadd.s32 s3, s5;
	[dreg:$0x0] =	wrdreg $0x0  }
0xb7: {  	s5 =	sshll.u32 s28, $0x1;
	[dreg:$0x2] =	wrdreg s3  }
0xb8: {  	[dreg:$0x3] =	wrdreg s5  }
0xb9: {  	[dreg:$0x4] =	wrdreg $0xC0  }
0xba: {  	_ =	task [dreg:s22], $0x5FFFF  }
0xbb: {  	[dreg:$0x1] =	wrdreg $0xFFFFFFFF  }
0xbc: {  	[dreg:$0x0] =	wrdreg $0x60  }
0xbd: {  	[dreg:$0x2] =	wrdreg s24  }
0xbe: {  	[dreg:$0x3] =	wrdreg $0x9  }
0xbf: {  	_ =	task.clear_ibuf [dreg:s22], $0x4FFFF;
	_ =	strace $0x9000004F  }
0xc0: {  	s29 =	simm.s32 $0x9;
	_ =	strace $0x80000051  }
0xc1: {  	_ =	swait.ge [sflag:s29], $0x1  }
0xc2: {  	[sflag:s29] =	ssyncadd.s32 $0xFFFFFFFF  }
0xc3: {  	_ =	strace $0x90000051  }
0xc4: {  	_ =	sfence  }
0xc5: {  	s30 =	sld [smem:$0x0];
	_ =	sdelay $0x2  }
0xc6: {  	s31 =	sshll.u32 s1, $0xD;
	s1 =	sshrl.u32 s1, $0x2  }
0xc7: {  	s4 =	sand.u32 $0x4000, s31;
	s1 =	sadd.s32 s1, s30  }
0xc8: {  	s0 =	sor.u32 s4, s0;
	s1 =	sshll.u32 s1, $0x11  }
0xc9: {  	s0 =	sor.u32 s1, s0  }
0xca: {  	s0 =	sadd.s32 $0x8F2B, s0  }
0xcb: {  	[sflag:s0] =	ssyncadd.remote.s32 $0x1  }
0xcc: {  	_ =	sfence.sel $0xFFFF  }
0xcd: {  	[dreg:$0x0] =	wrdreg $0xFFFFFFFF;
	(pc) =	sbr.abs _section_cstart, $3  }
0xce: {  	[dreg:$0x1] =	wrdreg $0xFFFFFFFF  }
0xcf: {  	_ =	task.clear_ibuf [dreg:s22], $0x2FFFF;
	_ =	strace $0x9FFFFFFF  }
0xd0: {  	(tm) =	ssettm $0x7FFFFFFF  }
0xd1: {  	_ =	shalt  }
tec
execute0_lowered:
.L_overlay_start_1:
0x0: {  	(tag) =	ssettag $0x1  }
0x1: {  	s0 =	srdreg.scid  }
0x2: {  	s1 =	sshll.u32 s0, $0x4  }
0x3: {  	s0 =	stileid.u32;
	s1 =	sand.u32 $0x10, s1  }
0x4: {  	s1 =	sor.u32 s0, s1  }
0x5: {  	s2 =	smul.u32 $0x9C, s1  }
0x6: {  	s3 =	smin.u32 s1, $0x8  }
0x7: {  	s2 =	sadd.s32 s3, s2  }
0x8: {  	p0 =	slt.u32 s1, $0x8;
	s1 =	simm.s32 $0x6220;
	s2 =	smul.u32 $0xA0, s2  }
0x9: {  	s1 =	simm.s32 @!p0 $0x6180  }
0xa: {  	s1 =	sadd.s32 s1, s2  }
0xb: {  	s3 =	smin.u32 s1, $0xC3500  }
0xc: {  	s8 =	ssub.s32 s3, s2  }
0xd: {  	p0 =	sgt.s32 s8, $0x0  }
0xe: {  	s8 =	simm.s32 @!p0 $0x0  }
0xf: {  	s10 =	rddreg [dreg:$0x0];
	s4 =	smulhi.u32 $0x66666667, s8  }
0x10: {  	s7 =	simm.s32 $0x1;
	s12 =	simm.s32 $0x3;
	s13 =	simm.s32 $0x0  }
0x11: {  	p3 =	por $0x0, $0x0;
	s5 =	sadd.s32 $0xA98600, s10;
	s9 =	sshrl.u32 s4, $0x6  }
0x12: {  	s6 =	sadd.s32 $0x2F80E00, s10;
	s14 =	smov.u32 s2;
	s11 =	smul.u32 $0xA0, s9  }
.Ltmp0:
0x13: {  	s1 =	rddreg [dreg:$0x1];
	_ =	strace $0x80000050;
	(pc) =	sbr.rel .LBB2_1-.Ltmp0, $4  }
0x14: {  	[sflag:s7] =	ssyncpa.u1 $0x0;
	p0 =	sne.s32 s8, s11;
	s11 =	simm.s32 $0x1  }
0x15: {  	s4 =	sadd.s32 $0x835E00, s10;
	s8 =	simm.s32 $0x2;
	s11 =	simm.s32 @!p0 $0x0  }
0x16: {  	s10 =	sadd.s32 $0x1200, s10;
	[sflag:s8] =	ssyncpa.u1 $0x0;
	s9 =	sadd.s32 s11, s9  }
0x17: {  	v0 =	vlaneseq.u32;
	[sflag:s12] =	ssyncpa.u1 $0x0;
	s12 =	simm.s32 $0x80;
	s11 =	sadd.s32 $0x1, s9  }
.LBB2_6:
0x18: {  	s17 =	sadd.s32 s19, s17  }
0x19: {  	v2 =	vld.msk [tilespmem:s17+$0x0 ss:$0x1], $0x1;
	_ =	sdelay $0x2  }
0x1a: {  	(v2sf) =	vpush v1, $0x1  }
0x1b: {  	(v2sf) =	vpush v1, $0x0  }
0x1c: {  	(v2sf) =	vpush v2, $0x0;
	_ =	sdelay $0xc  }
0x1d: {  	p0 =	seq.s32 s21, $0x27C;
	s20 =	simm.s32 $0x1;
	s17 =	spop (v2sf)  }
0x1e: {  	s20 =	simm.s32 @!p0 $0x2;
	s17 =	simm.s32 @p1 $0xFFFFFFFF;
	s23 =	spop (v2sf)  }
0x1f: {  	p0 =	sne.s32 s23, s17;
	s17 =	simm.s32 $0x1;
	s22 =	spop (v2sf)  }
0x20: {  	v1 =	vmov s20;
	s17 =	simm.s32 @!p0 $0x0;
	s24 =	sshrl.u32 s22, $0x3  }
0x21: {  	vm0 =	vgt.u32 v1, v0;
	s17 =	sadd.s32 s17, s18;
	s26 =	sshll.u32 s22, $0x7;
	s25 =	smul.u32 $0xC00, s24  }
0x22: {  	s17 =	smul.u32 $0x600, s17;
	s28 =	sand.u32 $0x380, s26  }
0x23: {  	s18 =	sor.u32 s28, s25  }
0x24: {  	s17 =	sshra.s32 s17, $0x2;
	s18 =	sshrl.u32 s18, $0x3  }
0x25: {  	s15 =	sadd.s32 s19, s15;
	s16 =	sadd.s32 s17, s16;
	s29 =	sadd.s32 s6, s18  }
0x26: {  	[hbm:s29] =	stream.strided.scatter [tilespmem:s16], [sflag:$0x3], $0x180, s12, s12, $0x38;
	[tilespmem:$0x1E280] =	vst v63  }
0x27: {  	v1 =	vld.msk [tilespmem:s15+$0x0 ss:$0x1], vm0;
	_ =	sdelay $0x4  }
0x28: {  	(v2sf) =	vpush v1, $0x1  }
0x29: {  	(v2sf) =	vpush v1, $0x0;
	_ =	sdelay $0xb  }
0x2a: {  	s15 =	sld [smem:$0x7FB];
	_ =	sdelay $0x1  }
0x2b: {  	s30 =	spop (v2sf)  }
0x2c: {  	p3 =	seq.s32 s15, $0x1;
	s31 =	spop (v2sf)  }
.LBB2_7:
0x2d: {  	p2 =	sne.s32 s13, s11  }
.Ltmp1:
0x2e: {  	p0 =	slt.u32 s13, $0x2;
	(pc) =	sbr.rel @!p2 .LBB2_8-.Ltmp1, $4  }
0x2f: {  	s16 =	sadd.s32 $0xA0, s14;
	s15 =	simm.s32 @!p0 $0x3  }
0x30: {  	s14 =	smov.u32 s2;
	s17 =	sadd.s32 $0x1, s13;
	_ =	swait.ge @!p0 [sflag:s15], $0xF000  }
0x31: {  	p3 =	por !p3, !p3;
	p1 =	slt.s32 s16, s3;
	[sflag:s15] =	ssyncset.done @!p0 $0x0  }
0x32: {  	s13 =	smov.u32 s17;
	s14 =	smov.u32 @p1 s16;
	[sflag:s15] =	ssyncadd.s32 @!p0 $0xFFFF1000  }
.LBB2_1:
0x33: {  	p0 =	sge.u32 s13, s9  }
0x34: {  	s15 =	sxor.u32 @!p0 $0xFFFFFFFF, s13  }
0x35: {  	s15 =	sand.u32 @!p0 $0x1, s15  }
0x36: {  	s16 =	sshrl.u32 @!p0 s14, $0x3;
	s15 =	smul.u32 @!p0 $0xA0, s15  }
0x37: {  	s18 =	sand.u32 @!p0 $0x7, s14;
	s17 =	sadd.s32 @!p0 s5, s16  }
0x38: {  	[tilespmem:s15], [sflag:$0x2] =	stream.linear.gather @!p0 [hbm4b:s17+s18], $0xA0, $0x38;
	[tilespmem:$0x1E280] =	vst v63  }
0x39: {  	s31 =	sadd.s32 $0xFFFFFFFF, s13;
	s16 =	sadd.s32 @!p0 s10, s16;
	s15 =	sadd.s32 @!p0 $0x140, s15  }
0x3a: {  	[tilespmem:s15], [sflag:$0x2] =	stream.linear.gather @!p0 [hbm4b:s16+s18], $0xA0, $0x38;
	[tilespmem:$0x1E280] =	vst v63  }
0x3b: {  	p0 =	sge.u32 s31, s9  }
.Ltmp2:
0x3c: {  	_ = 	snop;
	(pc) =	sbr.rel @p0 .LBB2_7-.Ltmp2, $1  }
0x3d: {  	_ =	sdelay $0x3  }
0x3e: {  	p2 =	por $0x0, $0x0;
	s15 =	simm.s32 $0x1  }
0x3f: {  	s15 =	simm.s32 @!p2 $0x2  }
0x40: {  	v1 =	vmov s15  }
0x41: {  	s16 =	simm.s32 @!p3 $0x0;
	s15 =	simm.s32 $0x1;
	vm0 =	vgt.u32 v1, v0  }
0x42: {  	s16 =	simm.s32 @p3 $0x1;
	s15 =	simm.s32 @!p3 $0x0  }
0x43: {  	[smem:$0x7FB] =	sst s16;
	s15 =	smul.u32 $0x280, s15  }
0x44: {  	_ =	swait.ge [sflag:s8], $0x140  }
0x45: {  	[sflag:s8] =	ssyncset.done $0x0;
	s15 =	sshrl.u32 s15, $0x2  }
0x46: {  	[sflag:s8] =	ssyncadd.s32 $0xFFFFFEC0;
	s24 =	sadd.s32 $0x0, s15  }
0x47: {  	v1 =	vld.msk [tilespmem:s24+$0x0 ss:$0x1], vm0;
	_ =	sdelay $0x4  }
0x48: {  	(v2sf) =	vpush v1, $0x1  }
0x49: {  	(v2sf) =	vpush v1, $0x0  }
0x4a: {  	p0 =	por $0x0, $0x0;
	s16 =	simm.s32 $0x1  }
0x4b: {  	s16 =	simm.s32 @!p0 $0x2  }
0x4c: {  	v2 =	vmov s16  }
0x4d: {  	vm12 =	vgt.u32 v2, v0;
	_ =	sdelay $0x4  }
0x4e: {  	p1 =	por $0x0, $0x0;
	s17 =	simm.s32 $0x1;
	s25 =	sadd.s32 $0x1, s15  }
0x4f: {  	s17 =	simm.s32 @!p1 $0x2;
	v2 =	vld.msk [tilespmem:s25+$0x0 ss:$0x1], vm12  }
0x50: {  	v3 =	vmov s17  }
0x51: {  	p2 =	por p2, p2;
	vm13 =	vgt.u32 v3, v0  }
0x52: {  	p2 =	por p2, p2  }
0x53: {  	p2 =	por p2, p2;
	s16 =	spop (v2sf)  }
0x54: {  	(v2sf) =	vpush v2, $0x1;
	s16 =	simm.s32 @p2 $0xFFFFFFFF;
	s18 =	spop (v2sf)  }
0x55: {  	p2 =	seq.s32 s18, s16  }
0x56: {  	s26 =	sadd.s32 $0x2, s15;
	(v2sf) =	vpush v2, $0x0;
	vm0 =	vgt.s32 @!p2 v1, $0x0  }
0x57: {  	v3 =	vld.msk [tilespmem:s26+$0x0 ss:$0x1], vm13;
	v1 =	vnsel @!p2 vm0, $0x0, v1  }
0x58: {  	v1 =	vmin.u32 @!p2 v1, $0xC34F  }
0x59: {  	(v2sf) =	vpush @!p2 v1, $0x0  }
0x5a: {  	s22 =	simm.s32 $0x1;
	p4 =	por p1, p1;
	p1 =	por $0x0, $0x0  }
0x5b: {  	s29 =	sand.u32 $0x1, s13;
	s22 =	simm.s32 @!p1 $0x2  }
0x5c: {  	p4 =	por p4, p4;
	p5 =	por p1, p1;
	p0 =	por p0, p0;
	(v2sf) =	vpush v3, $0x1  }
0x5d: {  	p1 =	por $0x0, $0x0;
	p5 =	por p5, p5;
	p0 =	por p0, p0;
	(v2sf) =	vpush v3, $0x0  }
0x5e: {  	p3 =	por p0, p0;
	s17 =	sadd.s32 $0x140, s15;
	s30 =	sadd.s32 $0x3, s15  }
0x5f: {  	s31 =	sadd.s32 $0x4, s15;
	s26 =	simm.s32 $0x1;
	s24 =	simm.s32 $0x18  }
0x60: {  	s26 =	simm.s32 @!p1 $0x2;
	s16 =	smul.u32 $0x3C000, s29;
	s18 =	simm.s32 $0x0  }
0x61: {  	p1 =	por p4, p4;
	p4 =	por $0x0, $0x0;
	s19 =	smul.u32 @!p2 $0x600, s18  }
0x62: {  	s20 =	simm.s32 @!p2 $0x1;
	s21 =	simm.s32 @!p2 $0x80;
	p6 =	por p2, p2;
	v1 =	vmov s22  }
0x63: {  	s16 =	sshrl.u32 s16, $0x2;
	s20 =	smov.u32 @p2 s18;
	s18 =	spop (v2sf);
	vm14 =	vgt.u32 v1, v0  }
0x64: {  	s16 =	sor.u32 $0x280, s16;
	s19 =	sshra.s32 @!p2 s19, $0x2;
	s18 =	simm.s32 @p3 $0xFFFFFFFF  }
0x65: {  	s23 =	spop (v2sf);
	p3 =	por p4, p4;
	p4 =	por p6, p6  }
0x66: {  	v4 =	vmov s26;
	p6 =	por $0x0, $0x0;
	p0 =	seq.s32 s23, s18;
	s26 =	simm.s32 @!p3 $0x0  }
0x67: {  	s18 =	smul.u32 @!p0 $0x600, s20;
	s25 =	sadd.s32 @!p0 $0x1, s20;
	s26 =	simm.s32 @p3 $0x1;
	vm1 =	vgt.s32 @!p0 v2, $0x0  }
0x68: {  	[smem:$0x7FC] =	sst s26;
	v2 =	vnsel @!p0 vm1, $0x0, v2;
	s26 =	spop @!p2 (v2sf);
	p2 =	por p0, p0  }
0x69: {  	s22 =	simm.s32 $0x14;
	s25 =	smov.u32 @p0 s20;
	v2 =	vmin.u32 @!p0 v2, $0xC34F;
	v1 =	vld.msk [tilespmem:s30+$0x0 ss:$0x1], vm14;
	s23 =	simm.s32 @!p2 $0x0  }
0x6a: {  	vm15 =	vgt.u32 v4, v0;
	s20 =	sshra.s32 @!p0 s18, $0x2;
	(v2sf) =	vpush @!p0 v2, $0x0;
	s28 =	sshrl.u32 @!p4 s26, $0x3;
	s23 =	simm.s32 @p2 $0x1  }
0x6b: {  	s26 =	sshll.u32 @!p4 s26, $0x7;
	[smem:$0x7FD] =	sst s23;
	s23 =	spop (v2sf)  }
0x6c: {  	s28 =	smul.u32 @!p4 $0xC00, s28;
	s23 =	simm.s32 @p1 $0xFFFFFFFF;
	s29 =	spop (v2sf)  }
0x6d: {  	s18 =	simm.s32 @!p0 $0x80;
	s26 =	sand.u32 @!p4 $0x380, s26;
	p3 =	seq.s32 s29, s23  }
0x6e: {  	s30 =	simm.s32 $0x1;
	(v2sf) =	vpush v1, $0x1;
	s28 =	sor.u32 @!p4 s26, s28;
	vm1 =	vgt.s32 @!p3 v3, $0x0;
	s29 =	smul.u32 @!p3 $0x600, s25  }
0x6f: {  	s30 =	simm.s32 @!p6 $0x2;
	(v2sf) =	vpush v1, $0x0;
	s28 =	sshrl.u32 @!p4 s28, $0x3;
	s23 =	sadd.s32 @!p3 $0x1, s25;
	v4 =	vnsel @!p3 vm1, $0x0, v3  }
0x70: {  	v2 =	vld.msk [tilespmem:s31+$0x0 ss:$0x1], vm15;
	s23 =	smov.u32 @p3 s25;
	v3 =	vmov s30;
	s25 =	simm.s32 @!p3 $0x80;
	v4 =	vmin.u32 @!p3 v4, $0xC34F;
	s26 =	sshra.s32 @!p3 s29, $0x2  }
.LBB2_3:
0x71: {  	s29 =	smov.u32 s23;
	p2 =	por p0, p0  }
0x72: {  	s23 =	sadd.s32 @!p4 s4, s28;
	s28 =	sadd.s32 @!p4 s19, s16;
	s31 =	sld [smem:$0x7FC]  }
0x73: {  	[tilespmem:s28], [sflag:$0x1] =	stream.strided.gather @!p4 [hbm:s23], $0x180, s21, s21, $0x38;
	[tilespmem:$0x1E280] =	vst v63  }
0x74: {  	s21 =	smov.u32 s18;
	s18 =	smov.u32 s25;
	s25 =	sld [smem:$0x7FD]  }
0x75: {  	p0 =	por p3, p3;
	s30 =	smov.u32 s24;
	s24 =	sadd.s32 $0x4, s24  }
0x76: {  	(v2sf) =	vpush @!p3 v4, $0x0;
	s19 =	smov.u32 s20;
	p3 =	por p5, p5;
	p1 =	seq.s32 s31, $0x1  }
0x77: {  	p5 =	por p1, p1;
	p1 =	por p6, p6;
	p6 =	seq.s32 s25, $0x1  }
0x78: {  	s20 =	smov.u32 s26;
	s26 =	simm.s32 @!p1 $0x0;
	p4 =	por p6, p6  }
0x79: {  	p6 =	por p0, p0;
	s25 =	spop @!p2 (v2sf);
	s26 =	simm.s32 @p1 $0x1  }
0x7a: {  	vm0 =	vgt.u32 v3, v0;
	p1 =	sne.s32 s24, $0x280;
	s23 =	simm.s32 @!p6 $0x0;
	s28 =	sshrl.u32 @!p4 s25, $0x3  }
0x7b: {  	s25 =	sshll.u32 @!p4 s25, $0x7;
	[smem:$0x7FC] =	sst s26;
	s23 =	simm.s32 @p6 $0x1  }
0x7c: {  	s26 =	sshra.s32 s22, $0x2;
	s22 =	smov.u32 s30;
	s25 =	sand.u32 @!p4 $0x380, s25  }
0x7d: {  	[smem:$0x7FD] =	sst s23;
	s23 =	sadd.s32 s26, s15;
	s26 =	spop (v2sf)  }
.Ltmp3:
0x7e: {  	s26 =	simm.s32 @p3 $0xFFFFFFFF;
	s31 =	spop (v2sf);
	(pc) =	sbr.rel @p1 .LBB2_3-.Ltmp3, $4  }
0x7f: {  	s30 =	simm.s32 $0x1;
	p3 =	seq.s32 s31, s26;
	s26 =	smul.u32 @!p4 $0xC00, s28  }
0x80: {  	(v2sf) =	vpush v2, $0x1;
	v3 =	vmov v2;
	p6 =	seq.s32 s22, $0x27C;
	v2 =	vld.msk [tilespmem:s23+$0x0 ss:$0x1], vm0;
	vm0 =	vgt.s32 @!p3 v1, $0x0;
	s28 =	smul.u32 @!p3 $0x600, s29;
	s23 =	sadd.s32 @!p3 $0x1, s29  }
0x81: {  	s30 =	simm.s32 @!p6 $0x2;
	v4 =	vnsel @!p3 vm0, $0x0, v1;
	s23 =	smov.u32 @p3 s29;
	s29 =	sor.u32 @!p4 s25, s26  }
0x82: {  	(v2sf) =	vpush v3, $0x0;
	v1 =	vmovc v3;
	v3 =	vmov s30;
	s25 =	simm.s32 @!p3 $0x80;
	v4 =	vmin.u32 @!p3 v4, $0xC34F;
	s26 =	sshra.s32 @!p3 s28, $0x2;
	s28 =	sshrl.u32 @!p4 s29, $0x3  }
0x83: {  	_ =	sdelay $0x3  }
0x84: {  	vm0 =	vgt.u32 v3, v0;
	_ =	sdelay $0x2  }
0x85: {  	(v2sf) =	vpush @!p3 v4, $0x0  }
0x86: {  	s22 =	sshra.s32 s22, $0x2  }
0x87: {  	s22 =	sadd.s32 s22, s15;
	(v2sf) =	vpush v2, $0x1  }
0x88: {  	s19 =	sadd.s32 @!p4 s19, s16;
	s24 =	spop @!p0 (v2sf);
	(v2sf) =	vpush v2, $0x0;
	v3 =	vld.msk [tilespmem:s22+$0x0 ss:$0x1], vm0;
	s22 =	sadd.s32 @!p4 s4, s28  }
0x89: {  	[tilespmem:s19], [sflag:$0x1] =	stream.strided.gather @!p4 [hbm:s22], $0x180, s21, s21, $0x38;
	[tilespmem:$0x1E280] =	vst v63  }
0x8a: {  	s19 =	sld [smem:$0x7FD]  }
0x8b: {  	p0 =	por p5, p5;
	s29 =	spop (v2sf)  }
0x8c: {  	s29 =	simm.s32 @p0 $0xFFFFFFFF;
	s30 =	spop (v2sf)  }
0x8d: {  	p1 =	seq.s32 s19, $0x1;
	p0 =	seq.s32 s30, s29  }
0x8e: {  	p2 =	por p1, p1;
	vm0 =	vgt.s32 @!p0 v1, $0x0  }
0x8f: {  	s19 =	sshrl.u32 @!p2 s24, $0x3;
	v1 =	vnsel @!p0 vm0, $0x0, v1  }
0x90: {  	s21 =	sshll.u32 @!p2 s24, $0x7;
	s19 =	smul.u32 @!p2 $0xC00, s19;
	s29 =	sld [smem:$0x7FC];
	v1 =	vmin.u32 @!p0 v1, $0xC34F  }
0x91: {  	s21 =	sand.u32 @!p2 $0x380, s21;
	(v2sf) =	vpush @!p0 v1, $0x0  }
0x92: {  	s19 =	sor.u32 @!p2 s21, s19;
	(v2sf) =	vpush v3, $0x1  }
0x93: {  	s20 =	sadd.s32 @!p2 s20, s16;
	s19 =	sshrl.u32 @!p2 s19, $0x3;
	p5 =	seq.s32 s29, $0x1;
	(v2sf) =	vpush v3, $0x0  }
0x94: {  	s22 =	spop @!p3 (v2sf);
	s19 =	sadd.s32 @!p2 s4, s19;
	p1 =	por p5, p5  }
0x95: {  	[tilespmem:s20], [sflag:$0x1] =	stream.strided.gather @!p2 [hbm:s19], $0x180, s18, s18, $0x38;
	[tilespmem:$0x1E280] =	vst v63  }
0x96: {  	s24 =	spop (v2sf);
	p1 =	por p1, p1  }
0x97: {  	p4 =	por p3, p3;
	s30 =	spop (v2sf);
	s24 =	simm.s32 @p1 $0xFFFFFFFF  }
0x98: {  	p3 =	por p4, p4;
	p1 =	seq.s32 s30, s24  }
0x99: {  	s18 =	sshrl.u32 @!p3 s22, $0x3;
	vm0 =	vgt.s32 @!p1 v2, $0x0  }
0x9a: {  	s19 =	sshll.u32 @!p3 s22, $0x7;
	s18 =	smul.u32 @!p3 $0xC00, s18;
	v1 =	vnsel @!p1 vm0, $0x0, v2  }
0x9b: {  	s19 =	sand.u32 @!p3 $0x380, s19;
	v1 =	vmin.u32 @!p1 v1, $0xC34F  }
0x9c: {  	s18 =	sor.u32 @!p3 s19, s18;
	(v2sf) =	vpush @!p1 v1, $0x0  }
0x9d: {  	s18 =	sshrl.u32 @!p3 s18, $0x3  }
0x9e: {  	p5 =	por p6, p6;
	s19 =	sadd.s32 @!p3 s26, s16;
	s18 =	sadd.s32 @!p3 s4, s18  }
0x9f: {  	[tilespmem:s19], [sflag:$0x1] =	stream.strided.gather @!p3 [hbm:s18], $0x180, s25, s25, $0x38;
	[tilespmem:$0x1E280] =	vst v63  }
0xa0: {  	p2 =	por p5, p5;
	s20 =	spop @!p0 (v2sf)  }
0xa1: {  	p2 =	por p2, p2;
	s21 =	spop (v2sf)  }
0xa2: {  	p6 =	por p0, p0;
	s21 =	simm.s32 @p2 $0xFFFFFFFF;
	s31 =	spop (v2sf)  }
0xa3: {  	p3 =	por p6, p6;
	p2 =	seq.s32 s31, s21  }
0xa4: {  	s18 =	sshrl.u32 @!p3 s20, $0x3;
	vm0 =	vgt.s32 @!p2 v3, $0x0  }
0xa5: {  	s19 =	sshll.u32 @!p3 s20, $0x7;
	s18 =	smul.u32 @!p3 $0xC00, s18;
	v1 =	vnsel @!p2 vm0, $0x0, v3  }
0xa6: {  	s20 =	smul.u32 @!p0 $0x600, s23;
	s19 =	sand.u32 @!p3 $0x380, s19;
	v1 =	vmin.u32 @!p2 v1, $0xC34F  }
0xa7: {  	s18 =	sor.u32 @!p3 s19, s18;
	(v2sf) =	vpush @!p2 v1, $0x0  }
0xa8: {  	p5 =	por p1, p1;
	s19 =	sshra.s32 @!p0 s20, $0x2;
	s18 =	sshrl.u32 @!p3 s18, $0x3  }
0xa9: {  	s20 =	simm.s32 @!p0 $0x80;
	s19 =	sadd.s32 @!p3 s19, s16;
	s18 =	sadd.s32 @!p3 s4, s18  }
0xaa: {  	[tilespmem:s19], [sflag:$0x1] =	stream.strided.gather @!p3 [hbm:s18], $0x180, s20, s20, $0x38;
	[tilespmem:$0x1E280] =	vst v63  }
0xab: {  	p3 =	por p5, p5;
	s18 =	spop @!p1 (v2sf)  }
0xac: {  	s19 =	sadd.s32 @!p0 $0x1, s23;
	s20 =	sshrl.u32 @!p3 s18, $0x3  }
0xad: {  	s19 =	smov.u32 @p0 s23;
	s18 =	sshll.u32 @!p3 s18, $0x7;
	s20 =	smul.u32 @!p3 $0xC00, s20  }
0xae: {  	s21 =	smul.u32 @!p1 $0x600, s19;
	s18 =	sand.u32 @!p3 $0x380, s18  }
0xaf: {  	s18 =	sor.u32 @!p3 s18, s20  }
0xb0: {  	s20 =	sshra.s32 @!p1 s21, $0x2;
	s18 =	sshrl.u32 @!p3 s18, $0x3  }
0xb1: {  	s21 =	simm.s32 @!p1 $0x80;
	s20 =	sadd.s32 @!p3 s20, s16;
	s18 =	sadd.s32 @!p3 s4, s18  }
0xb2: {  	[tilespmem:s20], [sflag:$0x1] =	stream.strided.gather @!p3 [hbm:s18], $0x180, s21, s21, $0x38;
	[tilespmem:$0x1E280] =	vst v63  }
0xb3: {  	s20 =	sadd.s32 @!p1 $0x1, s19  }
0xb4: {  	s20 =	smov.u32 @p1 s19  }
0xb5: {  	p6 =	por p2, p2;
	s22 =	sadd.s32 @!p2 $0x1, s20  }
0xb6: {  	p0 =	por p6, p6;
	s22 =	smov.u32 @p2 s20;
	s18 =	spop @!p2 (v2sf)  }
0xb7: {  	s22 =	smul.u32 $0x600, s22;
	s21 =	sshrl.u32 @!p0 s18, $0x3  }
0xb8: {  	s18 =	sshll.u32 @!p0 s18, $0x7;
	s19 =	smul.u32 @!p0 $0xC00, s21  }
0xb9: {  	s21 =	smul.u32 @!p2 $0x600, s20;
	s18 =	sand.u32 @!p0 $0x380, s18  }
0xba: {  	s18 =	sor.u32 @!p0 s18, s19  }
0xbb: {  	s23 =	sshrl.u32 s22, $0x2;
	s19 =	sshra.s32 @!p2 s21, $0x2;
	s18 =	sshrl.u32 @!p0 s18, $0x3  }
0xbc: {  	s20 =	simm.s32 @!p2 $0x80;
	s19 =	sadd.s32 @!p0 s19, s16;
	s18 =	sadd.s32 @!p0 s4, s18  }
0xbd: {  	[tilespmem:s19], [sflag:$0x1] =	stream.strided.gather @!p0 [hbm:s18], $0x180, s20, s20, $0x38;
	[tilespmem:$0x1E280] =	vst v63  }
0xbe: {  	_ =	swait.ge [sflag:s7], s23  }
0xbf: {  	s18 =	ssub.s32 $0x0, s23;
	[sflag:s7] =	ssyncset.done $0x0  }
0xc0: {  	s24 =	sadd.s32 $0x0, s17;
	[sflag:s7] =	ssyncadd.s32 s18  }
0xc1: {  	v1 =	vld.msk [tilespmem:s24+$0x0 ss:$0x1], $0x1;
	_ =	sdelay $0x4  }
0xc2: {  	(v2sf) =	vpush v1, $0x0;
	_ =	sdelay $0xd  }
0xc3: {  	p1 =	por $0x0, $0x0;
	s19 =	simm.s32 $0x1  }
0xc4: {  	s19 =	simm.s32 @!p1 $0x2;
	s25 =	spop (v2sf)  }
0xc5: {  	v1 =	vmov s19;
	s26 =	sshrl.u32 s25, $0x3  }
0xc6: {  	s18 =	simm.s32 $0x0;
	vm15 =	vgt.u32 v1, v0;
	s20 =	sshll.u32 s25, $0x7;
	s28 =	smul.u32 $0xC00, s26  }
0xc7: {  	s29 =	smul.u32 $0x600, s18;
	s20 =	sand.u32 $0x380, s20  }
0xc8: {  	s19 =	sor.u32 s20, s28  }
0xc9: {  	s30 =	sshra.s32 s29, $0x2;
	s19 =	sshrl.u32 s19, $0x3  }
0xca: {  	s31 =	sadd.s32 $0x0, s15;
	s20 =	sadd.s32 s30, s16;
	s19 =	sadd.s32 s6, s19  }
0xcb: {  	[hbm:s19] =	stream.strided.scatter [tilespmem:s20], [sflag:$0x3], $0x180, s12, s12, $0x38;
	[tilespmem:$0x1E280] =	vst v63  }
0xcc: {  	s21 =	simm.s32 $0x4;
	s19 =	simm.s32 $0x1;
	s20 =	simm.s32 $0x8;
	v1 =	vld.msk [tilespmem:s31+$0x0 ss:$0x1], vm15  }
.LBB2_5:
0xcd: {  	p0 =	sne.s32 s20, $0x27C;
	s22 =	sadd.s32 s19, s17  }
0xce: {  	v2 =	vld.msk [tilespmem:s22+$0x0 ss:$0x1], $0x1;
	_ =	sdelay $0x3  }
0xcf: {  	(v2sf) =	vpush v1, $0x1  }
0xd0: {  	(v2sf) =	vpush v1, $0x0  }
0xd1: {  	(v2sf) =	vpush v2, $0x0;
	_ =	sdelay $0xc  }
0xd2: {  	s22 =	spop (v2sf)  }
0xd3: {  	s23 =	simm.s32 $0x1;
	s22 =	simm.s32 @p1 $0xFFFFFFFF;
	p1 =	seq.s32 s21, $0x27C  }
0xd4: {  	s21 =	spop (v2sf);
	s23 =	simm.s32 @!p1 $0x2  }
0xd5: {  	s24 =	spop (v2sf);
	p2 =	sne.s32 s21, s22;
	v1 =	vmov s23;
	s23 =	simm.s32 $0x1  }
0xd6: {  	s21 =	smov.u32 s20;
	s22 =	sshrl.u32 s24, $0x3;
	s23 =	simm.s32 @!p2 $0x0  }
0xd7: {  	s24 =	sshll.u32 s24, $0x7;
	s22 =	smul.u32 $0xC00, s22;
	vm0 =	vgt.u32 v1, v0;
	s18 =	sadd.s32 s23, s18  }
0xd8: {  	s23 =	sand.u32 $0x380, s24;
	s24 =	smul.u32 $0x600, s18  }
.Ltmp4:
0xd9: {  	s22 =	sor.u32 s23, s22;
	(pc) =	sbr.rel @p0 .LBB2_5-.Ltmp4, $4  }
0xda: {  	s22 =	sshrl.u32 s22, $0x3;
	s23 =	sshra.s32 s24, $0x2  }
0xdb: {  	s22 =	sadd.s32 s6, s22;
	s24 =	sadd.s32 s19, s15;
	s23 =	sadd.s32 s23, s16  }
0xdc: {  	[hbm:s22] =	stream.strided.scatter [tilespmem:s23], [sflag:$0x3], $0x180, s12, s12, $0x38;
	[tilespmem:$0x1E280] =	vst v63  }
0xdd: {  	s20 =	sadd.s32 $0x4, s20;
	s19 =	sshra.s32 s21, $0x2;
	v1 =	vld.msk [tilespmem:s24+$0x0 ss:$0x1], vm0  }
.Ltmp5:
0xde: {  	_ = 	snop;
	(pc) =	sbr.rel .LBB2_6-.Ltmp5, $1  }
0xdf: {  	_ =	sdelay $0x3  }
.LBB2_8:
0xe0: {  	_ =	sfence.sel $0x180000  }
0xe1: {  	s2 =	simm.s32 $0x2;
	[bflag:$0x0] =	sbarrier.arrive $0xFFFF  }
0xe2: {  	s30 =	simm.s32 $0x3;
	[sflag:s2] =	ssyncpa.u1 $0x1  }
0xe3: {  	s31 =	simm.s32 $0x1;
	[sflag:s30] =	ssyncpa.u1 $0x1  }
0xe4: {  	[sflag:s31] =	ssyncpa.u1 $0x1  }
0xe5: {  	p0 =	sne.s32 s0, $0x0;
	_ =	strace $0x90000050  }
0xe6: {  	s0 =	sadd.s32 @!p0 $0x100000, s1;
	[bflag:$0x2] =	sbarrier.arrive $0xFFFF  }
0xe7: {  	[sflag:s0] =	ssyncadd.tile.s32 @!p0 $0x1;
	_ =	shalt  }
.Lfunc_end2:
_tile_overlayer_lowered:
.L_overlay_start_2:
0xe8: {  	(tag) =	ssettag $0x2  }
0xe9: {  	s0 =	rddreg [dreg:$0x0];
	s2 =	stileid.u32  }
0xea: {  	s1 =	rddreg [dreg:$0x1];
	p0 =	sne.s32 s2, $0x0  }
0xeb: {  	s3 =	rddreg [dreg:$0x2];
	[bflag:$0x3] =	sbarrier.arrive $0xFFFF;
	s2 =	simm.s32 @!p0 $0x1C01  }
0xec: {  	[timem:s3], [sflag:s2] =	dma.local @!p0 [hbm:s0], s1  }
0xed: {  	s0 =	simm.s32 @!p0 $0x1  }
0xee: {  	_ =	swait.ge @!p0 [sflag:s0], s1  }
0xef: {  	s1 =	ssub.s32 @!p0 $0x0, s1;
	[sflag:s0] =	ssyncset.done @!p0 $0x0  }
0xf0: {  	[sflag:s0] =	ssyncadd.s32 @!p0 s1  }
0xf1: {  	[bflag:$0x3] =	sbarrier.arrive $0xFFFF  }
0xf2: {  	_ =	shalt  }

// kernel: gather_offload_async_start
scs
__scs_entry_jumppad:
0x0: {  	(pc) =	sbr.rel $0x88, $3  }
0x1: {  	(tag) =	ssettag $0x0;
	lr =	simm.s32 $0x1  }
0x2: {  	[smem:$0x3F86] =	sst lr;
	_ =	strace $0xD0000000  }
0x3: {  	_ = 	snop  }
0x4: {  	_ = 	snop  }
0x5: {  	_ = 	snop  }
0x6: {  	_ = 	snop  }
0x7: {  	_ = 	snop  }
__scs_overlays_trampoline_lowered:
0x8: {  	[smem:$0x3F95] =	sst s0  }
0x9: {  	[smem:$0x3F96] =	sst s1  }
0xa: {  	[smem:$0x3F97] =	sst s2  }
0xb: {  	[smem:$0x3F98] =	sst s3  }
0xc: {  	[smem:$0x3F99] =	sst s4  }
0xd: {  	[smem:$0x3F9A] =	sst s5  }
0xe: {  	[smem:$0x3F9B] =	sst s6  }
0xf: {  	[smem:$0x3F9C] =	sst s7  }
0x10: {  	[smem:$0x3F9D] =	sst s8  }
0x11: {  	[smem:$0x3F9E] =	sst s9;
	s0 =	simm.s32 @!p0 $0x0  }
0x12: {  	s1 =	sld [smem:$0x3F84];
	s0 =	simm.s32 @p0 $0x1  }
0x13: {  	[smem:$0x3F9F] =	sst s0;
	s0 =	simm.s32 @!p1 $0x0  }
0x14: {  	s2 =	sld [smem:$0x3F83];
	s0 =	simm.s32 @p1 $0x1  }
0x15: {  	[smem:$0x3FA0] =	sst s0;
	s0 =	simm.s32 @!p2 $0x0  }
0x16: {  	s3 =	sld [smem:$0x3FDB];
	s0 =	simm.s32 @p2 $0x1  }
0x17: {  	s4 =	simm.s32 $0x1BF5;
	[smem:$0x3FA2] =	sst s0  }
0x18: {  	s0 =	sld [smem:$0x3F85];
	_ =	swait.ge [sflag:s4], $0x0  }
0x19: {  	s7 =	sld [smem:$0x3F86]  }
0x1a: {  	s8 =	sadd.s32 $0xFFFFE003, lr  }
0x1b: {  	s9 =	sadd.s32 $0xFFFFFEF7, lr;
	s5 =	simm.s32 $0xFFFFFFFF;
	p2 =	slt.u32 s8, $0xFFFFF086  }
0x1c: {  	p1 =	slt.u32 s9, $0xF7A;
	s5 =	simm.s32 @!p2 $0x0  }
0x1d: {  	s5 =	simm.s32 @p1 $0x1;
	p0 =	seq.s32 s7, s2  }
0x1e: {  	s7 =	smul.u32 @!p0 $0xF7A, s2;
	p2 =	seq.s32 @!p0 s5, $0x0  }
0x1f: {  	s9 =	smul.u32 $0xF7A, s1;
	s8 =	simm.s32 @!p0 $0x1BF5;
	p2 =	por !p2, p0  }
0x20: {  	[sflag:s8] =	ssyncset.s32 @!p0 $0xFFFFF086;
	s6 =	sadd.s32 @!p0 s3, s7;
	s7 =	simm.s32 @!p0 $0x108  }
0x21: {  	s3 =	sadd.s32 s3, s9;
	s6 =	sadd.s32 @!p0 $0x88, s6;
	s7 =	simm.s32 @p2 $0x1082  }
0x22: {  	[simem:s7], [sflag:s8] =	dma.local @!p0 [hbm:s6], $0xF7A  }
0x23: {  	s9 =	sor.u32 $0xD0000000, s2;
	s6 =	simm.s32 $0x108;
	_ =	swait.ge @!p0 [sflag:s8], $0x0  }
0x24: {  	s3 =	sadd.s32 $0x88, s3;
	s6 =	simm.s32 @!p1 $0x1082;
	[sflag:s4] =	ssyncset.s32 $0xFFFFF086  }
0x25: {  	[simem:s6], [sflag:s4] =	dma.local [hbm:s3], $0xF7A  }
0x26: {  	[smem:$0x3F86] =	sst s1;
	(tag) =	ssettag s2;
	_ =	strace s9  }
0x27: {  	s1 =	sld [smem:$0x3F96]  }
0x28: {  	s2 =	sld [smem:$0x3F97]  }
0x29: {  	s4 =	sld [smem:$0x3F99]  }
0x2a: {  	p0 =	seq.s32 s5, $0x0;
	s5 =	sld [smem:$0x3F9A]  }
0x2b: {  	s6 =	sld [smem:$0x3F9B]  }
0x2c: {  	s7 =	sld [smem:$0x3F9C]  }
0x2d: {  	s3 =	simm.s32 $0x108;
	s8 =	sld [smem:$0x3F9D]  }
0x2e: {  	s3 =	simm.s32 @!p0 $0x1082;
	s9 =	sld [smem:$0x3F9E]  }
0x2f: {  	lr =	sadd.s32 s0, s3;
	s0 =	sld [smem:$0x3F95]  }
0x30: {  	s3 =	sld [smem:$0x3F98]  }
0x31: {  	[smem:$0x3FA1] =	sst s10  }
0x32: {  	s10 =	sld [smem:$0x3F9F];
	_ =	sdelay $0x3  }
0x33: {  	p0 =	seq.s32 s10, $0x1;
	s10 =	sld [smem:$0x3FA1];
	_ =	sdelay $0x3  }
0x34: {  	[smem:$0x3FA1] =	sst s10  }
0x35: {  	s10 =	sld [smem:$0x3FA0];
	_ =	sdelay $0x3  }
0x36: {  	p1 =	seq.s32 s10, $0x1;
	s10 =	sld [smem:$0x3FA1];
	_ =	sdelay $0x3  }
0x37: {  	[smem:$0x3FA1] =	sst s10  }
0x38: {  	s10 =	sld [smem:$0x3FA2]  }
0x39: {  	_ = 	snop;
	(pc) =	sbr.ind lr, $3  }
0x3a: {  	_ = 	snop  }
0x3b: {  	_ = 	snop  }
0x3c: {  	p2 =	seq.s32 s10, $0x1;
	s10 =	sld [smem:$0x3FA1]  }
0x3d: {  	_ =	shalt  }
0x3e: {  	_ =	shalt  }
0x3f: {  	_ =	shalt  }
0x40: {  	_ =	shalt  }
0x41: {  	_ =	shalt  }
0x42: {  	_ =	shalt  }
0x43: {  	_ =	shalt  }
0x44: {  	_ =	shalt  }
0x45: {  	_ =	shalt  }
0x46: {  	_ =	shalt  }
0x47: {  	_ =	shalt  }
0x48: {  	_ =	shalt  }
0x49: {  	_ =	shalt  }
0x4a: {  	_ =	shalt  }
0x4b: {  	_ =	shalt  }
0x4c: {  	_ =	shalt  }
0x4d: {  	_ =	shalt  }
0x4e: {  	_ =	shalt  }
0x4f: {  	_ =	shalt  }
0x50: {  	_ =	shalt  }
0x51: {  	_ =	shalt  }
0x52: {  	_ =	shalt  }
0x53: {  	_ =	shalt  }
0x54: {  	_ =	shalt  }
0x55: {  	_ =	shalt  }
0x56: {  	_ =	shalt  }
0x57: {  	_ =	shalt  }
0x58: {  	_ =	shalt  }
0x59: {  	_ =	shalt  }
0x5a: {  	_ =	shalt  }
0x5b: {  	_ =	shalt  }
0x5c: {  	_ =	shalt  }
0x5d: {  	_ =	shalt  }
0x5e: {  	_ =	shalt  }
0x5f: {  	_ =	shalt  }
0x60: {  	_ =	shalt  }
0x61: {  	_ =	shalt  }
0x62: {  	_ =	shalt  }
0x63: {  	_ =	shalt  }
0x64: {  	_ =	shalt  }
0x65: {  	_ =	shalt  }
0x66: {  	_ =	shalt  }
0x67: {  	_ =	shalt  }
0x68: {  	_ =	shalt  }
0x69: {  	_ =	shalt  }
0x6a: {  	_ =	shalt  }
0x6b: {  	_ =	shalt  }
0x6c: {  	_ =	shalt  }
0x6d: {  	_ =	shalt  }
0x6e: {  	_ =	shalt  }
0x6f: {  	_ =	shalt  }
0x70: {  	_ =	shalt  }
0x71: {  	_ =	shalt  }
0x72: {  	_ =	shalt  }
0x73: {  	_ =	shalt  }
0x74: {  	_ =	shalt  }
0x75: {  	_ =	shalt  }
0x76: {  	_ =	shalt  }
0x77: {  	_ =	shalt  }
0x78: {  	_ =	shalt  }
0x79: {  	_ =	shalt  }
0x7a: {  	_ =	shalt  }
0x7b: {  	_ =	shalt  }
0x7c: {  	_ =	shalt  }
0x7d: {  	_ =	shalt  }
0x7e: {  	_ =	shalt  }
0x7f: {  	_ =	shalt  }
0x80: {  	_ =	shalt  }
0x81: {  	_ =	shalt  }
0x82: {  	_ =	shalt  }
0x83: {  	_ =	shalt  }
0x84: {  	_ =	shalt  }
0x85: {  	_ =	shalt  }
0x86: {  	_ =	shalt  }
0x87: {  	_ =	shalt  }
.Lfunc_end0:
.L_simem_size_0:
called_computation.3_lowered:
.L_overlay_start_0:
0x88: {  	s2 =	sld [smem:$0x3FD9]  }
0x89: {  	s3 =	sld [smem:$0x3FFE];
	_ =	sdelay $0x1  }
0x8a: {  	s1 =	srdreg.scid  }
0x8b: {  	s0 =	sand.u32 $0x1, s1  }
0x8c: {  	s17 =	sshll.u32 s0, $0xA;
	s2 =	sadd.s32 s3, s2  }
0x8d: {  	s2 =	sadd.s32 s2, s17  }
0x8e: {  	[smem:$0x3FAD] =	sst s2  }
0x8f: {  	_ = 	snop  }
0x90: {  	(tm) =	ssettm $0x1  }
0x91: {  	s18 =	sld [smem:$0x3FFB];
	_ =	sdelay $0x3  }
0x92: {  	_ =	strace s18  }
0x93: {  	s2 =	sld [smem:$0x3FFC];
	_ =	sdelay $0x3  }
0x94: {  	_ =	strace s2  }
0x95: {  	s2 =	sld [smem:$0x3FFD];
	_ =	sdelay $0x3  }
0x96: {  	_ =	strace s2  }
0x97: {  	_ =	strace $0x8FFFFFFF  }
0x98: {  	s19 =	sld [smem:$0x3FDB];
	_ =	sdelay $0x1  }
0x99: {  	s20 =	simm.s32 $_scs_section_size  }
0x9a: {  	s4 =	simm.s32 $_size__tile_overlayer_lowered;
	s5 =	simm.s32 $_tile_overlayer_lowered  }
0x9b: {  	s6 =	simm.s32 $0x1BFF;
	s21 =	sshll.u32 s5, $0x1;
	s3 =	sadd.s32 s20, s19  }
0x9c: {  	s22 =	simm.s32 $0x0;
	s4 =	sshll.u32 s4, $0x1;
	s5 =	sadd.s32 s21, s3  }
0x9d: {  	[timem:s22], [sflag:s6] =	dma.local [hbm:s5], s4  }
0x9e: {  	_ =	swait.ge [sflag:s6], s4  }
0x9f: {  	s4 =	ssub.s32 $0x0, s4;
	[sflag:s6] =	ssyncset.done $0x0  }
0xa0: {  	[sflag:s6] =	ssyncadd.s32 s4;
	_ =	sdelay $0x1  }
0xa1: {  	s23 =	simm.s32 $0x1B8B  }
0xa2: {  	_ =	swait.ge [sflag:s23], $0x1  }
0xa3: {  	[sflag:s23] =	ssyncset.done $0x0  }
0xa4: {  	[sflag:s23] =	ssyncadd.s32 $0xFFFFFFFF  }
0xa5: {  	s4 =	sld [smem:$0x0]  }
0xa6: {  	s5 =	sand.u32 $0xFFFFFFFE, s1  }
0xa7: {  	p0 =	sne.s32 s1, s5  }
0xa8: {  	s5 =	sshll.u32 @p0 s5, $0xE  }
0xa9: {  	s5 =	sadd.s32 @p0 $0x11B8D, s5;
	s6 =	sshll.u32 @p0 s4, $0x11  }
0xaa: {  	s5 =	sor.u32 @p0 s6, s5  }
0xab: {  	[sflag:s5] =	ssyncadd.remote.s32 @p0 $0x1;
	_ =	sdelay $0x1  }
0xac: {  	s5 =	simm.s32 @p0 $0x1B8D  }
0xad: {  	_ =	swait.eq @p0 [sflag:s5], $0x1  }
0xae: {  	[sflag:s5] =	ssyncadd.s32 @p0 $0xFFFFFFFF  }
0xaf: {  	s6 =	sshll.u32 @!p0 s1, $0xE  }
0xb0: {  	s6 =	sor.u32 @!p0 $0x4000, s6;
	s5 =	simm.s32 @!p0 $0x1B8D  }
0xb1: {  	s4 =	sshll.u32 @!p0 s4, $0x11;
	s6 =	sadd.s32 @!p0 $0x11B8D, s6;
	_ =	swait.eq @!p0 [sflag:s5], $0x1  }
0xb2: {  	s4 =	sor.u32 @!p0 s4, s6;
	[sflag:s5] =	ssyncadd.s32 @!p0 $0xFFFFFFFF  }
0xb3: {  	s25 =	simm.s32 $0x1B8E;
	s24 =	sld [smem:$0x3FFE];
	[sflag:s4] =	ssyncadd.remote.s32 @!p0 $0x1  }
0xb4: {  	s26 =	simm.s32 $execute0_lowered;
	[smem:$0x3FD2] =	sst s25  }
0xb5: {  	s5 =	sshll.u32 s26, $0x1;
	_ =	strace $0x8000004C;
	[dreg:$0x1] =	wrdreg $0xFFFFFFFF  }
0xb6: {  	s28 =	simm.s32 $_size_execute0_lowered;
	s3 =	sadd.s32 s3, s5;
	[dreg:$0x0] =	wrdreg $0x0  }
0xb7: {  	s5 =	sshll.u32 s28, $0x1;
	[dreg:$0x2] =	wrdreg s3  }
0xb8: {  	[dreg:$0x3] =	wrdreg s5  }
0xb9: {  	[dreg:$0x4] =	wrdreg $0xC0  }
0xba: {  	_ =	task [dreg:s22], $0x5FFFF  }
0xbb: {  	[dreg:$0x1] =	wrdreg $0xFFFFFFFF  }
0xbc: {  	[dreg:$0x0] =	wrdreg $0x60  }
0xbd: {  	[dreg:$0x2] =	wrdreg s24  }
0xbe: {  	[dreg:$0x3] =	wrdreg $0xA  }
0xbf: {  	_ =	task.clear_ibuf [dreg:s22], $0x4FFFF;
	_ =	strace $0x9000004C  }
0xc0: {  	s29 =	simm.s32 $0xA;
	_ =	strace $0x8000004E  }
0xc1: {  	_ =	swait.ge [sflag:s29], $0x1  }
0xc2: {  	[sflag:s29] =	ssyncadd.s32 $0xFFFFFFFF  }
0xc3: {  	_ =	strace $0x9000004E  }
0xc4: {  	_ =	sfence  }
0xc5: {  	s30 =	sld [smem:$0x0];
	_ =	sdelay $0x2  }
0xc6: {  	s31 =	sshll.u32 s1, $0xD;
	s1 =	sshrl.u32 s1, $0x2  }
0xc7: {  	s4 =	sand.u32 $0x4000, s31;
	s1 =	sadd.s32 s1, s30  }
0xc8: {  	s0 =	sor.u32 s4, s0;
	s1 =	sshll.u32 s1, $0x11  }
0xc9: {  	s0 =	sor.u32 s1, s0  }
0xca: {  	s0 =	sadd.s32 $0x8F2B, s0  }
0xcb: {  	[sflag:s0] =	ssyncadd.remote.s32 $0x1  }
0xcc: {  	_ =	sfence.sel $0xFFFF  }
0xcd: {  	[dreg:$0x0] =	wrdreg $0xFFFFFFFF;
	(pc) =	sbr.abs _section_cstart, $3  }
0xce: {  	[dreg:$0x1] =	wrdreg $0xFFFFFFFF  }
0xcf: {  	_ =	task.clear_ibuf [dreg:s22], $0x2FFFF;
	_ =	strace $0x9FFFFFFF  }
0xd0: {  	(tm) =	ssettm $0x7FFFFFFF  }
0xd1: {  	_ =	shalt  }
tec
execute0_lowered:
.L_overlay_start_1:
0x0: {  	(tag) =	ssettag $0x1  }
0x1: {  	s0 =	srdreg.scid  }
0x2: {  	s1 =	sshll.u32 s0, $0x4  }
0x3: {  	s0 =	stileid.u32;
	s1 =	sand.u32 $0x10, s1  }
0x4: {  	s1 =	sor.u32 s0, s1  }
0x5: {  	s2 =	smul.u32 $0x9C, s1  }
0x6: {  	s3 =	smin.u32 s1, $0x8  }
0x7: {  	s2 =	sadd.s32 s3, s2  }
0x8: {  	p0 =	slt.u32 s1, $0x8;
	s1 =	simm.s32 $0x6220;
	s2 =	smul.u32 $0xA0, s2  }
0x9: {  	s1 =	simm.s32 @!p0 $0x6180  }
0xa: {  	s1 =	sadd.s32 s1, s2  }
0xb: {  	s3 =	smin.u32 s1, $0xC3500  }
0xc: {  	s8 =	ssub.s32 s3, s2  }
0xd: {  	p0 =	sgt.s32 s8, $0x0  }
0xe: {  	s8 =	simm.s32 @!p0 $0x0  }
0xf: {  	s10 =	rddreg [dreg:$0x0];
	s4 =	smulhi.u32 $0x66666667, s8  }
0x10: {  	s7 =	simm.s32 $0x1;
	s12 =	simm.s32 $0x3;
	s13 =	simm.s32 $0x0  }
0x11: {  	p3 =	por $0x0, $0x0;
	s5 =	sadd.s32 $0xAB0E00, s10;
	s9 =	sshrl.u32 s4, $0x6  }
0x12: {  	s6 =	sadd.s32 $0xAE1E00, s10;
	s14 =	smov.u32 s2;
	s11 =	smul.u32 $0xA0, s9  }
.Ltmp0:
0x13: {  	s1 =	rddreg [dreg:$0x1];
	_ =	strace $0x8000004D;
	(pc) =	sbr.rel .LBB2_1-.Ltmp0, $4  }
0x14: {  	[sflag:s7] =	ssyncpa.u1 $0x0;
	p0 =	sne.s32 s8, s11;
	s11 =	simm.s32 $0x1  }
0x15: {  	s4 =	sadd.s32 $0x41B800, s10;
	s8 =	simm.s32 $0x2;
	s11 =	simm.s32 @!p0 $0x0  }
0x16: {  	s10 =	sadd.s32 $0xAC9600, s10;
	[sflag:s8] =	ssyncpa.u1 $0x0;
	s9 =	sadd.s32 s11, s9  }
0x17: {  	v0 =	vlaneseq.u32;
	[sflag:s12] =	ssyncpa.u1 $0x0;
	s12 =	simm.s32 $0x80;
	s11 =	sadd.s32 $0x1, s9  }
.LBB2_6:
0x18: {  	s17 =	sadd.s32 s19, s17  }
0x19: {  	v2 =	vld.msk [tilespmem:s17+$0x0 ss:$0x1], $0x1;
	_ =	sdelay $0x2  }
0x1a: {  	(v2sf) =	vpush v1, $0x1  }
0x1b: {  	(v2sf) =	vpush v1, $0x0  }
0x1c: {  	(v2sf) =	vpush v2, $0x0;
	_ =	sdelay $0xc  }
0x1d: {  	p0 =	seq.s32 s21, $0x27C;
	s20 =	simm.s32 $0x1;
	s17 =	spop (v2sf)  }
0x1e: {  	s20 =	simm.s32 @!p0 $0x2;
	s17 =	simm.s32 @p1 $0xFFFFFFFF;
	s23 =	spop (v2sf)  }
0x1f: {  	p0 =	sne.s32 s23, s17;
	s17 =	simm.s32 $0x1;
	s22 =	spop (v2sf)  }
0x20: {  	v1 =	vmov s20;
	s17 =	simm.s32 @!p0 $0x0;
	s24 =	sshrl.u32 s22, $0x3  }
0x21: {  	vm0 =	vgt.u32 v1, v0;
	s17 =	sadd.s32 s17, s18;
	s26 =	sshll.u32 s22, $0x7;
	s25 =	smul.u32 $0xC00, s24  }
0x22: {  	s17 =	smul.u32 $0x600, s17;
	s28 =	sand.u32 $0x380, s26  }
0x23: {  	s18 =	sor.u32 s28, s25  }
0x24: {  	s17 =	sshra.s32 s17, $0x2;
	s18 =	sshrl.u32 s18, $0x3  }
0x25: {  	s15 =	sadd.s32 s19, s15;
	s16 =	sadd.s32 s17, s16;
	s29 =	sadd.s32 s6, s18  }
0x26: {  	[hbm:s29] =	stream.strided.scatter [tilespmem:s16], [sflag:$0x3], $0x180, s12, s12, $0x38;
	[tilespmem:$0x1E280] =	vst v63  }
0x27: {  	v1 =	vld.msk [tilespmem:s15+$0x0 ss:$0x1], vm0;
	_ =	sdelay $0x4  }
0x28: {  	(v2sf) =	vpush v1, $0x1  }
0x29: {  	(v2sf) =	vpush v1, $0x0;
	_ =	sdelay $0xb  }
0x2a: {  	s15 =	sld [smem:$0x7FB];
	_ =	sdelay $0x1  }
0x2b: {  	s30 =	spop (v2sf)  }
0x2c: {  	p3 =	seq.s32 s15, $0x1;
	s31 =	spop (v2sf)  }
.LBB2_7:
0x2d: {  	p2 =	sne.s32 s13, s11  }
.Ltmp1:
0x2e: {  	p0 =	slt.u32 s13, $0x2;
	(pc) =	sbr.rel @!p2 .LBB2_8-.Ltmp1, $4  }
0x2f: {  	s16 =	sadd.s32 $0xA0, s14;
	s15 =	simm.s32 @!p0 $0x3  }
0x30: {  	s14 =	smov.u32 s2;
	s17 =	sadd.s32 $0x1, s13;
	_ =	swait.ge @!p0 [sflag:s15], $0xF000  }
0x31: {  	p3 =	por !p3, !p3;
	p1 =	slt.s32 s16, s3;
	[sflag:s15] =	ssyncset.done @!p0 $0x0  }
0x32: {  	s13 =	smov.u32 s17;
	s14 =	smov.u32 @p1 s16;
	[sflag:s15] =	ssyncadd.s32 @!p0 $0xFFFF1000  }
.LBB2_1:
0x33: {  	p0 =	sge.u32 s13, s9  }
0x34: {  	s15 =	sxor.u32 @!p0 $0xFFFFFFFF, s13  }
0x35: {  	s15 =	sand.u32 @!p0 $0x1, s15  }
0x36: {  	s16 =	sshrl.u32 @!p0 s14, $0x3;
	s15 =	smul.u32 @!p0 $0xA0, s15  }
0x37: {  	s18 =	sand.u32 @!p0 $0x7, s14;
	s17 =	sadd.s32 @!p0 s5, s16  }
0x38: {  	[tilespmem:s15], [sflag:$0x2] =	stream.linear.gather @!p0 [hbm4b:s17+s18], $0xA0, $0x38;
	[tilespmem:$0x1E280] =	vst v63  }
0x39: {  	s31 =	sadd.s32 $0xFFFFFFFF, s13;
	s16 =	sadd.s32 @!p0 s10, s16;
	s15 =	sadd.s32 @!p0 $0x140, s15  }
0x3a: {  	[tilespmem:s15], [sflag:$0x2] =	stream.linear.gather @!p0 [hbm4b:s16+s18], $0xA0, $0x38;
	[tilespmem:$0x1E280] =	vst v63  }
0x3b: {  	p0 =	sge.u32 s31, s9  }
.Ltmp2:
0x3c: {  	_ = 	snop;
	(pc) =	sbr.rel @p0 .LBB2_7-.Ltmp2, $1  }
0x3d: {  	_ =	sdelay $0x3  }
0x3e: {  	p2 =	por $0x0, $0x0;
	s15 =	simm.s32 $0x1  }
0x3f: {  	s15 =	simm.s32 @!p2 $0x2  }
0x40: {  	v1 =	vmov s15  }
0x41: {  	s16 =	simm.s32 @!p3 $0x0;
	s15 =	simm.s32 $0x1;
	vm0 =	vgt.u32 v1, v0  }
0x42: {  	s16 =	simm.s32 @p3 $0x1;
	s15 =	simm.s32 @!p3 $0x0  }
0x43: {  	[smem:$0x7FB] =	sst s16;
	s15 =	smul.u32 $0x280, s15  }
0x44: {  	_ =	swait.ge [sflag:s8], $0x140  }
0x45: {  	[sflag:s8] =	ssyncset.done $0x0;
	s15 =	sshrl.u32 s15, $0x2  }
0x46: {  	[sflag:s8] =	ssyncadd.s32 $0xFFFFFEC0;
	s24 =	sadd.s32 $0x0, s15  }
0x47: {  	v1 =	vld.msk [tilespmem:s24+$0x0 ss:$0x1], vm0;
	_ =	sdelay $0x4  }
0x48: {  	(v2sf) =	vpush v1, $0x1  }
0x49: {  	(v2sf) =	vpush v1, $0x0  }
0x4a: {  	p0 =	por $0x0, $0x0;
	s16 =	simm.s32 $0x1  }
0x4b: {  	s16 =	simm.s32 @!p0 $0x2  }
0x4c: {  	v2 =	vmov s16  }
0x4d: {  	vm12 =	vgt.u32 v2, v0;
	_ =	sdelay $0x4  }
0x4e: {  	p1 =	por $0x0, $0x0;
	s17 =	simm.s32 $0x1;
	s25 =	sadd.s32 $0x1, s15  }
0x4f: {  	s17 =	simm.s32 @!p1 $0x2;
	v2 =	vld.msk [tilespmem:s25+$0x0 ss:$0x1], vm12  }
0x50: {  	v3 =	vmov s17  }
0x51: {  	p2 =	por p2, p2;
	vm13 =	vgt.u32 v3, v0  }
0x52: {  	p2 =	por p2, p2  }
0x53: {  	p2 =	por p2, p2;
	s16 =	spop (v2sf)  }
0x54: {  	(v2sf) =	vpush v2, $0x1;
	s16 =	simm.s32 @p2 $0xFFFFFFFF;
	s18 =	spop (v2sf)  }
0x55: {  	p2 =	seq.s32 s18, s16  }
0x56: {  	s26 =	sadd.s32 $0x2, s15;
	(v2sf) =	vpush v2, $0x0;
	vm0 =	vgt.s32 @!p2 v1, $0x0  }
0x57: {  	v3 =	vld.msk [tilespmem:s26+$0x0 ss:$0x1], vm13;
	v1 =	vnsel @!p2 vm0, $0x0, v1  }
0x58: {  	v1 =	vmin.u32 @!p2 v1, $0xC34F  }
0x59: {  	(v2sf) =	vpush @!p2 v1, $0x0  }
0x5a: {  	s22 =	simm.s32 $0x1;
	p4 =	por p1, p1;
	p1 =	por $0x0, $0x0  }
0x5b: {  	s29 =	sand.u32 $0x1, s13;
	s22 =	simm.s32 @!p1 $0x2  }
0x5c: {  	p4 =	por p4, p4;
	p5 =	por p1, p1;
	p0 =	por p0, p0;
	(v2sf) =	vpush v3, $0x1  }
0x5d: {  	p1 =	por $0x0, $0x0;
	p5 =	por p5, p5;
	p0 =	por p0, p0;
	(v2sf) =	vpush v3, $0x0  }
0x5e: {  	p3 =	por p0, p0;
	s17 =	sadd.s32 $0x140, s15;
	s30 =	sadd.s32 $0x3, s15  }
0x5f: {  	s31 =	sadd.s32 $0x4, s15;
	s26 =	simm.s32 $0x1;
	s24 =	simm.s32 $0x18  }
0x60: {  	s26 =	simm.s32 @!p1 $0x2;
	s16 =	smul.u32 $0x3C000, s29;
	s18 =	simm.s32 $0x0  }
0x61: {  	p1 =	por p4, p4;
	p4 =	por $0x0, $0x0;
	s19 =	smul.u32 @!p2 $0x600, s18  }
0x62: {  	s20 =	simm.s32 @!p2 $0x1;
	s21 =	simm.s32 @!p2 $0x80;
	p6 =	por p2, p2;
	v1 =	vmov s22  }
0x63: {  	s16 =	sshrl.u32 s16, $0x2;
	s20 =	smov.u32 @p2 s18;
	s18 =	spop (v2sf);
	vm14 =	vgt.u32 v1, v0  }
0x64: {  	s16 =	sor.u32 $0x280, s16;
	s19 =	sshra.s32 @!p2 s19, $0x2;
	s18 =	simm.s32 @p3 $0xFFFFFFFF  }
0x65: {  	s23 =	spop (v2sf);
	p3 =	por p4, p4;
	p4 =	por p6, p6  }
0x66: {  	v4 =	vmov s26;
	p6 =	por $0x0, $0x0;
	p0 =	seq.s32 s23, s18;
	s26 =	simm.s32 @!p3 $0x0  }
0x67: {  	s18 =	smul.u32 @!p0 $0x600, s20;
	s25 =	sadd.s32 @!p0 $0x1, s20;
	s26 =	simm.s32 @p3 $0x1;
	vm1 =	vgt.s32 @!p0 v2, $0x0  }
0x68: {  	[smem:$0x7FC] =	sst s26;
	v2 =	vnsel @!p0 vm1, $0x0, v2;
	s26 =	spop @!p2 (v2sf);
	p2 =	por p0, p0  }
0x69: {  	s22 =	simm.s32 $0x14;
	s25 =	smov.u32 @p0 s20;
	v2 =	vmin.u32 @!p0 v2, $0xC34F;
	v1 =	vld.msk [tilespmem:s30+$0x0 ss:$0x1], vm14;
	s23 =	simm.s32 @!p2 $0x0  }
0x6a: {  	vm15 =	vgt.u32 v4, v0;
	s20 =	sshra.s32 @!p0 s18, $0x2;
	(v2sf) =	vpush @!p0 v2, $0x0;
	s28 =	sshrl.u32 @!p4 s26, $0x3;
	s23 =	simm.s32 @p2 $0x1  }
0x6b: {  	s26 =	sshll.u32 @!p4 s26, $0x7;
	[smem:$0x7FD] =	sst s23;
	s23 =	spop (v2sf)  }
0x6c: {  	s28 =	smul.u32 @!p4 $0xC00, s28;
	s23 =	simm.s32 @p1 $0xFFFFFFFF;
	s29 =	spop (v2sf)  }
0x6d: {  	s18 =	simm.s32 @!p0 $0x80;
	s26 =	sand.u32 @!p4 $0x380, s26;
	p3 =	seq.s32 s29, s23  }
0x6e: {  	s30 =	simm.s32 $0x1;
	(v2sf) =	vpush v1, $0x1;
	s28 =	sor.u32 @!p4 s26, s28;
	vm1 =	vgt.s32 @!p3 v3, $0x0;
	s29 =	smul.u32 @!p3 $0x600, s25  }
0x6f: {  	s30 =	simm.s32 @!p6 $0x2;
	(v2sf) =	vpush v1, $0x0;
	s28 =	sshrl.u32 @!p4 s28, $0x3;
	s23 =	sadd.s32 @!p3 $0x1, s25;
	v4 =	vnsel @!p3 vm1, $0x0, v3  }
0x70: {  	v2 =	vld.msk [tilespmem:s31+$0x0 ss:$0x1], vm15;
	s23 =	smov.u32 @p3 s25;
	v3 =	vmov s30;
	s25 =	simm.s32 @!p3 $0x80;
	v4 =	vmin.u32 @!p3 v4, $0xC34F;
	s26 =	sshra.s32 @!p3 s29, $0x2  }
.LBB2_3:
0x71: {  	s29 =	smov.u32 s23;
	p2 =	por p0, p0  }
0x72: {  	s23 =	sadd.s32 @!p4 s4, s28;
	s28 =	sadd.s32 @!p4 s19, s16;
	s31 =	sld [smem:$0x7FC]  }
0x73: {  	[tilespmem:s28], [sflag:$0x1] =	stream.strided.gather @!p4 [hbm:s23], $0x180, s21, s21, $0x38;
	[tilespmem:$0x1E280] =	vst v63  }
0x74: {  	s21 =	smov.u32 s18;
	s18 =	smov.u32 s25;
	s25 =	sld [smem:$0x7FD]  }
0x75: {  	p0 =	por p3, p3;
	s30 =	smov.u32 s24;
	s24 =	sadd.s32 $0x4, s24  }
0x76: {  	(v2sf) =	vpush @!p3 v4, $0x0;
	s19 =	smov.u32 s20;
	p3 =	por p5, p5;
	p1 =	seq.s32 s31, $0x1  }
0x77: {  	p5 =	por p1, p1;
	p1 =	por p6, p6;
	p6 =	seq.s32 s25, $0x1  }
0x78: {  	s20 =	smov.u32 s26;
	s26 =	simm.s32 @!p1 $0x0;
	p4 =	por p6, p6  }
0x79: {  	p6 =	por p0, p0;
	s25 =	spop @!p2 (v2sf);
	s26 =	simm.s32 @p1 $0x1  }
0x7a: {  	vm0 =	vgt.u32 v3, v0;
	p1 =	sne.s32 s24, $0x280;
	s23 =	simm.s32 @!p6 $0x0;
	s28 =	sshrl.u32 @!p4 s25, $0x3  }
0x7b: {  	s25 =	sshll.u32 @!p4 s25, $0x7;
	[smem:$0x7FC] =	sst s26;
	s23 =	simm.s32 @p6 $0x1  }
0x7c: {  	s26 =	sshra.s32 s22, $0x2;
	s22 =	smov.u32 s30;
	s25 =	sand.u32 @!p4 $0x380, s25  }
0x7d: {  	[smem:$0x7FD] =	sst s23;
	s23 =	sadd.s32 s26, s15;
	s26 =	spop (v2sf)  }
.Ltmp3:
0x7e: {  	s26 =	simm.s32 @p3 $0xFFFFFFFF;
	s31 =	spop (v2sf);
	(pc) =	sbr.rel @p1 .LBB2_3-.Ltmp3, $4  }
0x7f: {  	s30 =	simm.s32 $0x1;
	p3 =	seq.s32 s31, s26;
	s26 =	smul.u32 @!p4 $0xC00, s28  }
0x80: {  	(v2sf) =	vpush v2, $0x1;
	v3 =	vmov v2;
	p6 =	seq.s32 s22, $0x27C;
	v2 =	vld.msk [tilespmem:s23+$0x0 ss:$0x1], vm0;
	vm0 =	vgt.s32 @!p3 v1, $0x0;
	s28 =	smul.u32 @!p3 $0x600, s29;
	s23 =	sadd.s32 @!p3 $0x1, s29  }
0x81: {  	s30 =	simm.s32 @!p6 $0x2;
	v4 =	vnsel @!p3 vm0, $0x0, v1;
	s23 =	smov.u32 @p3 s29;
	s29 =	sor.u32 @!p4 s25, s26  }
0x82: {  	(v2sf) =	vpush v3, $0x0;
	v1 =	vmovc v3;
	v3 =	vmov s30;
	s25 =	simm.s32 @!p3 $0x80;
	v4 =	vmin.u32 @!p3 v4, $0xC34F;
	s26 =	sshra.s32 @!p3 s28, $0x2;
	s28 =	sshrl.u32 @!p4 s29, $0x3  }
0x83: {  	_ =	sdelay $0x3  }
0x84: {  	vm0 =	vgt.u32 v3, v0;
	_ =	sdelay $0x2  }
0x85: {  	(v2sf) =	vpush @!p3 v4, $0x0  }
0x86: {  	s22 =	sshra.s32 s22, $0x2  }
0x87: {  	s22 =	sadd.s32 s22, s15;
	(v2sf) =	vpush v2, $0x1  }
0x88: {  	s19 =	sadd.s32 @!p4 s19, s16;
	s24 =	spop @!p0 (v2sf);
	(v2sf) =	vpush v2, $0x0;
	v3 =	vld.msk [tilespmem:s22+$0x0 ss:$0x1], vm0;
	s22 =	sadd.s32 @!p4 s4, s28  }
0x89: {  	[tilespmem:s19], [sflag:$0x1] =	stream.strided.gather @!p4 [hbm:s22], $0x180, s21, s21, $0x38;
	[tilespmem:$0x1E280] =	vst v63  }
0x8a: {  	s19 =	sld [smem:$0x7FD]  }
0x8b: {  	p0 =	por p5, p5;
	s29 =	spop (v2sf)  }
0x8c: {  	s29 =	simm.s32 @p0 $0xFFFFFFFF;
	s30 =	spop (v2sf)  }
0x8d: {  	p1 =	seq.s32 s19, $0x1;
	p0 =	seq.s32 s30, s29  }
0x8e: {  	p2 =	por p1, p1;
	vm0 =	vgt.s32 @!p0 v1, $0x0  }
0x8f: {  	s19 =	sshrl.u32 @!p2 s24, $0x3;
	v1 =	vnsel @!p0 vm0, $0x0, v1  }
0x90: {  	s21 =	sshll.u32 @!p2 s24, $0x7;
	s19 =	smul.u32 @!p2 $0xC00, s19;
	s29 =	sld [smem:$0x7FC];
	v1 =	vmin.u32 @!p0 v1, $0xC34F  }
0x91: {  	s21 =	sand.u32 @!p2 $0x380, s21;
	(v2sf) =	vpush @!p0 v1, $0x0  }
0x92: {  	s19 =	sor.u32 @!p2 s21, s19;
	(v2sf) =	vpush v3, $0x1  }
0x93: {  	s20 =	sadd.s32 @!p2 s20, s16;
	s19 =	sshrl.u32 @!p2 s19, $0x3;
	p5 =	seq.s32 s29, $0x1;
	(v2sf) =	vpush v3, $0x0  }
0x94: {  	s22 =	spop @!p3 (v2sf);
	s19 =	sadd.s32 @!p2 s4, s19;
	p1 =	por p5, p5  }
0x95: {  	[tilespmem:s20], [sflag:$0x1] =	stream.strided.gather @!p2 [hbm:s19], $0x180, s18, s18, $0x38;
	[tilespmem:$0x1E280] =	vst v63  }
0x96: {  	s24 =	spop (v2sf);
	p1 =	por p1, p1  }
0x97: {  	p4 =	por p3, p3;
	s30 =	spop (v2sf);
	s24 =	simm.s32 @p1 $0xFFFFFFFF  }
0x98: {  	p3 =	por p4, p4;
	p1 =	seq.s32 s30, s24  }
0x99: {  	s18 =	sshrl.u32 @!p3 s22, $0x3;
	vm0 =	vgt.s32 @!p1 v2, $0x0  }
0x9a: {  	s19 =	sshll.u32 @!p3 s22, $0x7;
	s18 =	smul.u32 @!p3 $0xC00, s18;
	v1 =	vnsel @!p1 vm0, $0x0, v2  }
0x9b: {  	s19 =	sand.u32 @!p3 $0x380, s19;
	v1 =	vmin.u32 @!p1 v1, $0xC34F  }
0x9c: {  	s18 =	sor.u32 @!p3 s19, s18;
	(v2sf) =	vpush @!p1 v1, $0x0  }
0x9d: {  	s18 =	sshrl.u32 @!p3 s18, $0x3  }
0x9e: {  	p5 =	por p6, p6;
	s19 =	sadd.s32 @!p3 s26, s16;
	s18 =	sadd.s32 @!p3 s4, s18  }
0x9f: {  	[tilespmem:s19], [sflag:$0x1] =	stream.strided.gather @!p3 [hbm:s18], $0x180, s25, s25, $0x38;
	[tilespmem:$0x1E280] =	vst v63  }
0xa0: {  	p2 =	por p5, p5;
	s20 =	spop @!p0 (v2sf)  }
0xa1: {  	p2 =	por p2, p2;
	s21 =	spop (v2sf)  }
0xa2: {  	p6 =	por p0, p0;
	s21 =	simm.s32 @p2 $0xFFFFFFFF;
	s31 =	spop (v2sf)  }
0xa3: {  	p3 =	por p6, p6;
	p2 =	seq.s32 s31, s21  }
0xa4: {  	s18 =	sshrl.u32 @!p3 s20, $0x3;
	vm0 =	vgt.s32 @!p2 v3, $0x0  }
0xa5: {  	s19 =	sshll.u32 @!p3 s20, $0x7;
	s18 =	smul.u32 @!p3 $0xC00, s18;
	v1 =	vnsel @!p2 vm0, $0x0, v3  }
0xa6: {  	s20 =	smul.u32 @!p0 $0x600, s23;
	s19 =	sand.u32 @!p3 $0x380, s19;
	v1 =	vmin.u32 @!p2 v1, $0xC34F  }
0xa7: {  	s18 =	sor.u32 @!p3 s19, s18;
	(v2sf) =	vpush @!p2 v1, $0x0  }
0xa8: {  	p5 =	por p1, p1;
	s19 =	sshra.s32 @!p0 s20, $0x2;
	s18 =	sshrl.u32 @!p3 s18, $0x3  }
0xa9: {  	s20 =	simm.s32 @!p0 $0x80;
	s19 =	sadd.s32 @!p3 s19, s16;
	s18 =	sadd.s32 @!p3 s4, s18  }
0xaa: {  	[tilespmem:s19], [sflag:$0x1] =	stream.strided.gather @!p3 [hbm:s18], $0x180, s20, s20, $0x38;
	[tilespmem:$0x1E280] =	vst v63  }
0xab: {  	p3 =	por p5, p5;
	s18 =	spop @!p1 (v2sf)  }
0xac: {  	s19 =	sadd.s32 @!p0 $0x1, s23;
	s20 =	sshrl.u32 @!p3 s18, $0x3  }
0xad: {  	s19 =	smov.u32 @p0 s23;
	s18 =	sshll.u32 @!p3 s18, $0x7;
	s20 =	smul.u32 @!p3 $0xC00, s20  }
0xae: {  	s21 =	smul.u32 @!p1 $0x600, s19;
	s18 =	sand.u32 @!p3 $0x380, s18  }
0xaf: {  	s18 =	sor.u32 @!p3 s18, s20  }
0xb0: {  	s20 =	sshra.s32 @!p1 s21, $0x2;
	s18 =	sshrl.u32 @!p3 s18, $0x3  }
0xb1: {  	s21 =	simm.s32 @!p1 $0x80;
	s20 =	sadd.s32 @!p3 s20, s16;
	s18 =	sadd.s32 @!p3 s4, s18  }
0xb2: {  	[tilespmem:s20], [sflag:$0x1] =	stream.strided.gather @!p3 [hbm:s18], $0x180, s21, s21, $0x38;
	[tilespmem:$0x1E280] =	vst v63  }
0xb3: {  	s20 =	sadd.s32 @!p1 $0x1, s19  }
0xb4: {  	s20 =	smov.u32 @p1 s19  }
0xb5: {  	p6 =	por p2, p2;
	s22 =	sadd.s32 @!p2 $0x1, s20  }
0xb6: {  	p0 =	por p6, p6;
	s22 =	smov.u32 @p2 s20;
	s18 =	spop @!p2 (v2sf)  }
0xb7: {  	s22 =	smul.u32 $0x600, s22;
	s21 =	sshrl.u32 @!p0 s18, $0x3  }
0xb8: {  	s18 =	sshll.u32 @!p0 s18, $0x7;
	s19 =	smul.u32 @!p0 $0xC00, s21  }
0xb9: {  	s21 =	smul.u32 @!p2 $0x600, s20;
	s18 =	sand.u32 @!p0 $0x380, s18  }
0xba: {  	s18 =	sor.u32 @!p0 s18, s19  }
0xbb: {  	s23 =	sshrl.u32 s22, $0x2;
	s19 =	sshra.s32 @!p2 s21, $0x2;
	s18 =	sshrl.u32 @!p0 s18, $0x3  }
0xbc: {  	s20 =	simm.s32 @!p2 $0x80;
	s19 =	sadd.s32 @!p0 s19, s16;
	s18 =	sadd.s32 @!p0 s4, s18  }
0xbd: {  	[tilespmem:s19], [sflag:$0x1] =	stream.strided.gather @!p0 [hbm:s18], $0x180, s20, s20, $0x38;
	[tilespmem:$0x1E280] =	vst v63  }
0xbe: {  	_ =	swait.ge [sflag:s7], s23  }
0xbf: {  	s18 =	ssub.s32 $0x0, s23;
	[sflag:s7] =	ssyncset.done $0x0  }
0xc0: {  	s24 =	sadd.s32 $0x0, s17;
	[sflag:s7] =	ssyncadd.s32 s18  }
0xc1: {  	v1 =	vld.msk [tilespmem:s24+$0x0 ss:$0x1], $0x1;
	_ =	sdelay $0x4  }
0xc2: {  	(v2sf) =	vpush v1, $0x0;
	_ =	sdelay $0xd  }
0xc3: {  	p1 =	por $0x0, $0x0;
	s19 =	simm.s32 $0x1  }
0xc4: {  	s19 =	simm.s32 @!p1 $0x2;
	s25 =	spop (v2sf)  }
0xc5: {  	v1 =	vmov s19;
	s26 =	sshrl.u32 s25, $0x3  }
0xc6: {  	s18 =	simm.s32 $0x0;
	vm15 =	vgt.u32 v1, v0;
	s20 =	sshll.u32 s25, $0x7;
	s28 =	smul.u32 $0xC00, s26  }
0xc7: {  	s29 =	smul.u32 $0x600, s18;
	s20 =	sand.u32 $0x380, s20  }
0xc8: {  	s19 =	sor.u32 s20, s28  }
0xc9: {  	s30 =	sshra.s32 s29, $0x2;
	s19 =	sshrl.u32 s19, $0x3  }
0xca: {  	s31 =	sadd.s32 $0x0, s15;
	s20 =	sadd.s32 s30, s16;
	s19 =	sadd.s32 s6, s19  }
0xcb: {  	[hbm:s19] =	stream.strided.scatter [tilespmem:s20], [sflag:$0x3], $0x180, s12, s12, $0x38;
	[tilespmem:$0x1E280] =	vst v63  }
0xcc: {  	s21 =	simm.s32 $0x4;
	s19 =	simm.s32 $0x1;
	s20 =	simm.s32 $0x8;
	v1 =	vld.msk [tilespmem:s31+$0x0 ss:$0x1], vm15  }
.LBB2_5:
0xcd: {  	p0 =	sne.s32 s20, $0x27C;
	s22 =	sadd.s32 s19, s17  }
0xce: {  	v2 =	vld.msk [tilespmem:s22+$0x0 ss:$0x1], $0x1;
	_ =	sdelay $0x3  }
0xcf: {  	(v2sf) =	vpush v1, $0x1  }
0xd0: {  	(v2sf) =	vpush v1, $0x0  }
0xd1: {  	(v2sf) =	vpush v2, $0x0;
	_ =	sdelay $0xc  }
0xd2: {  	s22 =	spop (v2sf)  }
0xd3: {  	s23 =	simm.s32 $0x1;
	s22 =	simm.s32 @p1 $0xFFFFFFFF;
	p1 =	seq.s32 s21, $0x27C  }
0xd4: {  	s21 =	spop (v2sf);
	s23 =	simm.s32 @!p1 $0x2  }
0xd5: {  	s24 =	spop (v2sf);
	p2 =	sne.s32 s21, s22;
	v1 =	vmov s23;
	s23 =	simm.s32 $0x1  }
0xd6: {  	s21 =	smov.u32 s20;
	s22 =	sshrl.u32 s24, $0x3;
	s23 =	simm.s32 @!p2 $0x0  }
0xd7: {  	s24 =	sshll.u32 s24, $0x7;
	s22 =	smul.u32 $0xC00, s22;
	vm0 =	vgt.u32 v1, v0;
	s18 =	sadd.s32 s23, s18  }
0xd8: {  	s23 =	sand.u32 $0x380, s24;
	s24 =	smul.u32 $0x600, s18  }
.Ltmp4:
0xd9: {  	s22 =	sor.u32 s23, s22;
	(pc) =	sbr.rel @p0 .LBB2_5-.Ltmp4, $4  }
0xda: {  	s22 =	sshrl.u32 s22, $0x3;
	s23 =	sshra.s32 s24, $0x2  }
0xdb: {  	s22 =	sadd.s32 s6, s22;
	s24 =	sadd.s32 s19, s15;
	s23 =	sadd.s32 s23, s16  }
0xdc: {  	[hbm:s22] =	stream.strided.scatter [tilespmem:s23], [sflag:$0x3], $0x180, s12, s12, $0x38;
	[tilespmem:$0x1E280] =	vst v63  }
0xdd: {  	s20 =	sadd.s32 $0x4, s20;
	s19 =	sshra.s32 s21, $0x2;
	v1 =	vld.msk [tilespmem:s24+$0x0 ss:$0x1], vm0  }
.Ltmp5:
0xde: {  	_ = 	snop;
	(pc) =	sbr.rel .LBB2_6-.Ltmp5, $1  }
0xdf: {  	_ =	sdelay $0x3  }
.LBB2_8:
0xe0: {  	_ =	sfence.sel $0x180000  }
0xe1: {  	s2 =	simm.s32 $0x2;
	[bflag:$0x0] =	sbarrier.arrive $0xFFFF  }
0xe2: {  	s30 =	simm.s32 $0x3;
	[sflag:s2] =	ssyncpa.u1 $0x1  }
0xe3: {  	s31 =	simm.s32 $0x1;
	[sflag:s30] =	ssyncpa.u1 $0x1  }
0xe4: {  	[sflag:s31] =	ssyncpa.u1 $0x1  }
0xe5: {  	p0 =	sne.s32 s0, $0x0;
	_ =	strace $0x9000004D  }
0xe6: {  	s0 =	sadd.s32 @!p0 $0x100000, s1;
	[bflag:$0x2] =	sbarrier.arrive $0xFFFF  }
0xe7: {  	[sflag:s0] =	ssyncadd.tile.s32 @!p0 $0x1;
	_ =	shalt  }
.Lfunc_end2:
_tile_overlayer_lowered:
.L_overlay_start_2:
0xe8: {  	(tag) =	ssettag $0x2  }
0xe9: {  	s0 =	rddreg [dreg:$0x0];
	s2 =	stileid.u32  }
0xea: {  	s1 =	rddreg [dreg:$0x1];
	p0 =	sne.s32 s2, $0x0  }
0xeb: {  	s3 =	rddreg [dreg:$0x2];
	[bflag:$0x3] =	sbarrier.arrive $0xFFFF;
	s2 =	simm.s32 @!p0 $0x1C01  }
0xec: {  	[timem:s3], [sflag:s2] =	dma.local @!p0 [hbm:s0], s1  }
0xed: {  	s0 =	simm.s32 @!p0 $0x1  }
0xee: {  	_ =	swait.ge @!p0 [sflag:s0], s1  }
0xef: {  	s1 =	ssub.s32 @!p0 $0x0, s1;
	[sflag:s0] =	ssyncset.done @!p0 $0x0  }
0xf0: {  	[sflag:s0] =	ssyncadd.s32 @!p0 s1  }
0xf1: {  	[bflag:$0x3] =	sbarrier.arrive $0xFFFF  }
0xf2: {  	_ =	shalt  }

// kernel: scatter_offload_async_start
scs
__scs_entry_jumppad:
0x0: {  	(pc) =	sbr.rel $0x88, $3  }
0x1: {  	(tag) =	ssettag $0x0;
	lr =	simm.s32 $0x1  }
0x2: {  	[smem:$0x3F86] =	sst lr;
	_ =	strace $0xD0000000  }
0x3: {  	_ = 	snop  }
0x4: {  	_ = 	snop  }
0x5: {  	_ = 	snop  }
0x6: {  	_ = 	snop  }
0x7: {  	_ = 	snop  }
__scs_overlays_trampoline_lowered:
0x8: {  	[smem:$0x3F95] =	sst s0  }
0x9: {  	[smem:$0x3F96] =	sst s1  }
0xa: {  	[smem:$0x3F97] =	sst s2  }
0xb: {  	[smem:$0x3F98] =	sst s3  }
0xc: {  	[smem:$0x3F99] =	sst s4  }
0xd: {  	[smem:$0x3F9A] =	sst s5  }
0xe: {  	[smem:$0x3F9B] =	sst s6  }
0xf: {  	[smem:$0x3F9C] =	sst s7  }
0x10: {  	[smem:$0x3F9D] =	sst s8  }
0x11: {  	[smem:$0x3F9E] =	sst s9;
	s0 =	simm.s32 @!p0 $0x0  }
0x12: {  	s1 =	sld [smem:$0x3F84];
	s0 =	simm.s32 @p0 $0x1  }
0x13: {  	[smem:$0x3F9F] =	sst s0;
	s0 =	simm.s32 @!p1 $0x0  }
0x14: {  	s2 =	sld [smem:$0x3F83];
	s0 =	simm.s32 @p1 $0x1  }
0x15: {  	[smem:$0x3FA0] =	sst s0;
	s0 =	simm.s32 @!p2 $0x0  }
0x16: {  	s3 =	sld [smem:$0x3FDB];
	s0 =	simm.s32 @p2 $0x1  }
0x17: {  	s4 =	simm.s32 $0x1BF5;
	[smem:$0x3FA2] =	sst s0  }
0x18: {  	s0 =	sld [smem:$0x3F85];
	_ =	swait.ge [sflag:s4], $0x0  }
0x19: {  	s7 =	sld [smem:$0x3F86]  }
0x1a: {  	s8 =	sadd.s32 $0xFFFFE003, lr  }
0x1b: {  	s9 =	sadd.s32 $0xFFFFFEF7, lr;
	s5 =	simm.s32 $0xFFFFFFFF;
	p2 =	slt.u32 s8, $0xFFFFF086  }
0x1c: {  	p1 =	slt.u32 s9, $0xF7A;
	s5 =	simm.s32 @!p2 $0x0  }
0x1d: {  	s5 =	simm.s32 @p1 $0x1;
	p0 =	seq.s32 s7, s2  }
0x1e: {  	s7 =	smul.u32 @!p0 $0xF7A, s2;
	p2 =	seq.s32 @!p0 s5, $0x0  }
0x1f: {  	s9 =	smul.u32 $0xF7A, s1;
	s8 =	simm.s32 @!p0 $0x1BF5;
	p2 =	por !p2, p0  }
0x20: {  	[sflag:s8] =	ssyncset.s32 @!p0 $0xFFFFF086;
	s6 =	sadd.s32 @!p0 s3, s7;
	s7 =	simm.s32 @!p0 $0x108  }
0x21: {  	s3 =	sadd.s32 s3, s9;
	s6 =	sadd.s32 @!p0 $0x88, s6;
	s7 =	simm.s32 @p2 $0x1082  }
0x22: {  	[simem:s7], [sflag:s8] =	dma.local @!p0 [hbm:s6], $0xF7A  }
0x23: {  	s9 =	sor.u32 $0xD0000000, s2;
	s6 =	simm.s32 $0x108;
	_ =	swait.ge @!p0 [sflag:s8], $0x0  }
0x24: {  	s3 =	sadd.s32 $0x88, s3;
	s6 =	simm.s32 @!p1 $0x1082;
	[sflag:s4] =	ssyncset.s32 $0xFFFFF086  }
0x25: {  	[simem:s6], [sflag:s4] =	dma.local [hbm:s3], $0xF7A  }
0x26: {  	[smem:$0x3F86] =	sst s1;
	(tag) =	ssettag s2;
	_ =	strace s9  }
0x27: {  	s1 =	sld [smem:$0x3F96]  }
0x28: {  	s2 =	sld [smem:$0x3F97]  }
0x29: {  	s4 =	sld [smem:$0x3F99]  }
0x2a: {  	p0 =	seq.s32 s5, $0x0;
	s5 =	sld [smem:$0x3F9A]  }
0x2b: {  	s6 =	sld [smem:$0x3F9B]  }
0x2c: {  	s7 =	sld [smem:$0x3F9C]  }
0x2d: {  	s3 =	simm.s32 $0x108;
	s8 =	sld [smem:$0x3F9D]  }
0x2e: {  	s3 =	simm.s32 @!p0 $0x1082;
	s9 =	sld [smem:$0x3F9E]  }
0x2f: {  	lr =	sadd.s32 s0, s3;
	s0 =	sld [smem:$0x3F95]  }
0x30: {  	s3 =	sld [smem:$0x3F98]  }
0x31: {  	[smem:$0x3FA1] =	sst s10  }
0x32: {  	s10 =	sld [smem:$0x3F9F];
	_ =	sdelay $0x3  }
0x33: {  	p0 =	seq.s32 s10, $0x1;
	s10 =	sld [smem:$0x3FA1];
	_ =	sdelay $0x3  }
0x34: {  	[smem:$0x3FA1] =	sst s10  }
0x35: {  	s10 =	sld [smem:$0x3FA0];
	_ =	sdelay $0x3  }
0x36: {  	p1 =	seq.s32 s10, $0x1;
	s10 =	sld [smem:$0x3FA1];
	_ =	sdelay $0x3  }
0x37: {  	[smem:$0x3FA1] =	sst s10  }
0x38: {  	s10 =	sld [smem:$0x3FA2]  }
0x39: {  	_ = 	snop;
	(pc) =	sbr.ind lr, $3  }
0x3a: {  	_ = 	snop  }
0x3b: {  	_ = 	snop  }
0x3c: {  	p2 =	seq.s32 s10, $0x1;
	s10 =	sld [smem:$0x3FA1]  }
0x3d: {  	_ =	shalt  }
0x3e: {  	_ =	shalt  }
0x3f: {  	_ =	shalt  }
0x40: {  	_ =	shalt  }
0x41: {  	_ =	shalt  }
0x42: {  	_ =	shalt  }
0x43: {  	_ =	shalt  }
0x44: {  	_ =	shalt  }
0x45: {  	_ =	shalt  }
0x46: {  	_ =	shalt  }
0x47: {  	_ =	shalt  }
0x48: {  	_ =	shalt  }
0x49: {  	_ =	shalt  }
0x4a: {  	_ =	shalt  }
0x4b: {  	_ =	shalt  }
0x4c: {  	_ =	shalt  }
0x4d: {  	_ =	shalt  }
0x4e: {  	_ =	shalt  }
0x4f: {  	_ =	shalt  }
0x50: {  	_ =	shalt  }
0x51: {  	_ =	shalt  }
0x52: {  	_ =	shalt  }
0x53: {  	_ =	shalt  }
0x54: {  	_ =	shalt  }
0x55: {  	_ =	shalt  }
0x56: {  	_ =	shalt  }
0x57: {  	_ =	shalt  }
0x58: {  	_ =	shalt  }
0x59: {  	_ =	shalt  }
0x5a: {  	_ =	shalt  }
0x5b: {  	_ =	shalt  }
0x5c: {  	_ =	shalt  }
0x5d: {  	_ =	shalt  }
0x5e: {  	_ =	shalt  }
0x5f: {  	_ =	shalt  }
0x60: {  	_ =	shalt  }
0x61: {  	_ =	shalt  }
0x62: {  	_ =	shalt  }
0x63: {  	_ =	shalt  }
0x64: {  	_ =	shalt  }
0x65: {  	_ =	shalt  }
0x66: {  	_ =	shalt  }
0x67: {  	_ =	shalt  }
0x68: {  	_ =	shalt  }
0x69: {  	_ =	shalt  }
0x6a: {  	_ =	shalt  }
0x6b: {  	_ =	shalt  }
0x6c: {  	_ =	shalt  }
0x6d: {  	_ =	shalt  }
0x6e: {  	_ =	shalt  }
0x6f: {  	_ =	shalt  }
0x70: {  	_ =	shalt  }
0x71: {  	_ =	shalt  }
0x72: {  	_ =	shalt  }
0x73: {  	_ =	shalt  }
0x74: {  	_ =	shalt  }
0x75: {  	_ =	shalt  }
0x76: {  	_ =	shalt  }
0x77: {  	_ =	shalt  }
0x78: {  	_ =	shalt  }
0x79: {  	_ =	shalt  }
0x7a: {  	_ =	shalt  }
0x7b: {  	_ =	shalt  }
0x7c: {  	_ =	shalt  }
0x7d: {  	_ =	shalt  }
0x7e: {  	_ =	shalt  }
0x7f: {  	_ =	shalt  }
0x80: {  	_ =	shalt  }
0x81: {  	_ =	shalt  }
0x82: {  	_ =	shalt  }
0x83: {  	_ =	shalt  }
0x84: {  	_ =	shalt  }
0x85: {  	_ =	shalt  }
0x86: {  	_ =	shalt  }
0x87: {  	_ =	shalt  }
.Lfunc_end0:
.L_simem_size_0:
called_computation_lowered:
.L_overlay_start_0:
0x88: {  	s2 =	sld [smem:$0x3FD9]  }
0x89: {  	s3 =	sld [smem:$0x3FFE];
	_ =	sdelay $0x1  }
0x8a: {  	s1 =	srdreg.scid  }
0x8b: {  	s0 =	sand.u32 $0x1, s1  }
0x8c: {  	s15 =	sshll.u32 s0, $0xA;
	s2 =	sadd.s32 s3, s2  }
0x8d: {  	s2 =	sadd.s32 s2, s15  }
0x8e: {  	[smem:$0x3FAD] =	sst s2  }
0x8f: {  	_ = 	snop  }
0x90: {  	(tm) =	ssettm $0x1  }
0x91: {  	s16 =	sld [smem:$0x3FFB];
	_ =	sdelay $0x3  }
0x92: {  	_ =	strace s16  }
0x93: {  	s2 =	sld [smem:$0x3FFC];
	_ =	sdelay $0x3  }
0x94: {  	_ =	strace s2  }
0x95: {  	s2 =	sld [smem:$0x3FFD];
	_ =	sdelay $0x3  }
0x96: {  	_ =	strace s2  }
0x97: {  	_ =	strace $0x8FFFFFFF  }
0x98: {  	s17 =	sld [smem:$0x3FDB];
	_ =	sdelay $0x1  }
0x99: {  	s18 =	simm.s32 $_scs_section_size  }
0x9a: {  	s4 =	simm.s32 $_size__tile_overlayer_lowered;
	s5 =	simm.s32 $_tile_overlayer_lowered  }
0x9b: {  	s21 =	simm.s32 $0x1BFF;
	s20 =	sshll.u32 s5, $0x1;
	s2 =	sadd.s32 s18, s17  }
0x9c: {  	s6 =	simm.s32 $0x0;
	s19 =	sshll.u32 s4, $0x1;
	s4 =	sadd.s32 s20, s2  }
0x9d: {  	[timem:s6], [sflag:s21] =	dma.local [hbm:s4], s19  }
0x9e: {  	_ =	swait.ge [sflag:s21], s19  }
0x9f: {  	s3 =	ssub.s32 $0x0, s19;
	[sflag:s21] =	ssyncset.done $0x0  }
0xa0: {  	[sflag:s21] =	ssyncadd.s32 s3;
	_ =	sdelay $0x1  }
0xa1: {  	s22 =	simm.s32 $0x1B8B  }
0xa2: {  	_ =	swait.ge [sflag:s22], $0x1  }
0xa3: {  	[sflag:s22] =	ssyncset.done $0x0  }
0xa4: {  	s23 =	sld [smem:$0x3FFE];
	[sflag:s22] =	ssyncadd.s32 $0xFFFFFFFF  }
0xa5: {  	s25 =	simm.s32 $0x1B8E;
	s24 =	sld [smem:$0x0]  }
0xa6: {  	s26 =	simm.s32 $execute0_lowered;
	[smem:$0x3FD2] =	sst s25  }
0xa7: {  	s5 =	sshll.u32 s26, $0x1;
	_ =	strace $0x80000052;
	[dreg:$0x1] =	wrdreg $0xFFFFFFFF  }
0xa8: {  	s28 =	simm.s32 $_size_execute0_lowered;
	s2 =	sadd.s32 s2, s5;
	[dreg:$0x0] =	wrdreg $0x0  }
0xa9: {  	s5 =	sshll.u32 s28, $0x1;
	[dreg:$0x2] =	wrdreg s2  }
0xaa: {  	[dreg:$0x3] =	wrdreg s5  }
0xab: {  	[dreg:$0x4] =	wrdreg $0xC0  }
0xac: {  	_ =	task [dreg:s6], $0x5FFFF  }
0xad: {  	[dreg:$0x1] =	wrdreg $0xFFFFFFFF  }
0xae: {  	[dreg:$0x0] =	wrdreg $0x60  }
0xaf: {  	[dreg:$0x2] =	wrdreg s23  }
0xb0: {  	[dreg:$0x3] =	wrdreg s1  }
0xb1: {  	[dreg:$0x4] =	wrdreg s24  }
0xb2: {  	[dreg:$0x5] =	wrdreg $0x9  }
0xb3: {  	_ =	task.clear_ibuf [dreg:s6], $0x6FFFF;
	_ =	strace $0x90000052  }
0xb4: {  	s29 =	simm.s32 $0x9;
	_ =	strace $0x80000054  }
0xb5: {  	_ =	swait.ge [sflag:s29], $0x1  }
0xb6: {  	[sflag:s29] =	ssyncadd.s32 $0xFFFFFFFF  }
0xb7: {  	_ =	strace $0x90000054  }
0xb8: {  	_ =	sfence  }
0xb9: {  	s30 =	sld [smem:$0x0];
	_ =	sdelay $0x2  }
0xba: {  	s31 =	sshll.u32 s1, $0xD;
	s1 =	sshrl.u32 s1, $0x2  }
0xbb: {  	s3 =	sand.u32 $0x4000, s31;
	s1 =	sadd.s32 s1, s30  }
0xbc: {  	s0 =	sor.u32 s3, s0;
	s1 =	sshll.u32 s1, $0x11  }
0xbd: {  	s0 =	sor.u32 s1, s0  }
0xbe: {  	s0 =	sadd.s32 $0x8F2B, s0  }
0xbf: {  	[sflag:s0] =	ssyncadd.remote.s32 $0x1  }
0xc0: {  	_ =	sfence.sel $0xFFFF  }
0xc1: {  	[dreg:$0x0] =	wrdreg $0xFFFFFFFF;
	(pc) =	sbr.abs _section_cstart, $3  }
0xc2: {  	[dreg:$0x1] =	wrdreg $0xFFFFFFFF  }
0xc3: {  	_ =	task.clear_ibuf [dreg:s6], $0x2FFFF;
	_ =	strace $0x9FFFFFFF  }
0xc4: {  	(tm) =	ssettm $0x7FFFFFFF  }
0xc5: {  	_ =	shalt  }
tec
execute0_lowered:
.L_overlay_start_1:
0x0: {  	(tag) =	ssettag $0x1  }
0x1: {  	s7 =	rddreg [dreg:$0x0]  }
0x2: {  	s2 =	rddreg [dreg:$0x1];
	_ =	strace $0x80000053;
	s0 =	simm.s32 $0x1  }
0x3: {  	v0 =	vimm.s32 $0x0;
	[sflag:s0] =	ssyncpa.u1 $0x0  }
0x4: {  	[tilespmem:$0x268] =	vst v0  }
0x5: {  	[tilespmem:$0x278] =	vst v0  }
0x6: {  	[tilespmem:$0x288] =	vst v0  }
0x7: {  	[tilespmem:$0x298] =	vst v0  }
0x8: {  	[tilespmem:$0x2A8] =	vst v0  }
0x9: {  	[tilespmem:$0x2B8] =	vst v0  }
0xa: {  	[tilespmem:$0x2C8] =	vst v0  }
0xb: {  	[tilespmem:$0x2D8] =	vst v0  }
0xc: {  	[tilespmem:$0x2E8] =	vst v0  }
0xd: {  	[tilespmem:$0x2F8] =	vst v0  }
0xe: {  	[tilespmem:$0x308] =	vst v0  }
0xf: {  	[tilespmem:$0x318] =	vst v0  }
0x10: {  	[tilespmem:$0x328] =	vst v0  }
0x11: {  	[tilespmem:$0x338] =	vst v0  }
0x12: {  	[tilespmem:$0x348] =	vst v0  }
0x13: {  	[tilespmem:$0x358] =	vst v0  }
0x14: {  	[tilespmem:$0x368] =	vst v0  }
0x15: {  	[tilespmem:$0x378] =	vst v0  }
0x16: {  	[tilespmem:$0x388] =	vst v0  }
0x17: {  	[tilespmem:$0x398] =	vst v0  }
0x18: {  	[tilespmem:$0x3A8] =	vst v0  }
0x19: {  	[tilespmem:$0x3B8] =	vst v0  }
0x1a: {  	[tilespmem:$0x3C8] =	vst v0  }
0x1b: {  	[tilespmem:$0x3D8] =	vst v0  }
0x1c: {  	[tilespmem:$0x3E8] =	vst v0  }
0x1d: {  	[tilespmem:$0x3F8] =	vst v0  }
0x1e: {  	[tilespmem:$0x408] =	vst v0  }
0x1f: {  	[tilespmem:$0x418] =	vst v0  }
0x20: {  	[tilespmem:$0x428] =	vst v0  }
0x21: {  	[tilespmem:$0x438] =	vst v0  }
0x22: {  	[tilespmem:$0x448] =	vst v0  }
0x23: {  	[tilespmem:$0x458] =	vst v0  }
0x24: {  	[tilespmem:$0x468] =	vst v0  }
0x25: {  	[tilespmem:$0x478] =	vst v0  }
0x26: {  	[tilespmem:$0x488] =	vst v0  }
0x27: {  	[tilespmem:$0x498] =	vst v0  }
0x28: {  	[tilespmem:$0x4A8] =	vst v0  }
0x29: {  	[tilespmem:$0x4B8] =	vst v0  }
0x2a: {  	[tilespmem:$0x4C8] =	vst v0  }
0x2b: {  	[tilespmem:$0x4D8] =	vst v0  }
0x2c: {  	[tilespmem:$0x4E8] =	vst v0  }
0x2d: {  	[tilespmem:$0x4F8] =	vst v0  }
0x2e: {  	[tilespmem:$0x508] =	vst v0  }
0x2f: {  	[tilespmem:$0x518] =	vst v0  }
0x30: {  	[tilespmem:$0x528] =	vst v0  }
0x31: {  	[tilespmem:$0x538] =	vst v0  }
0x32: {  	[tilespmem:$0x548] =	vst v0  }
0x33: {  	[tilespmem:$0x558] =	vst v0  }
0x34: {  	[tilespmem:$0x568] =	vst v0  }
0x35: {  	[tilespmem:$0x578] =	vst v0  }
0x36: {  	[tilespmem:$0x588] =	vst v0  }
0x37: {  	[tilespmem:$0x598] =	vst v0  }
0x38: {  	[tilespmem:$0x5A8] =	vst v0  }
0x39: {  	[tilespmem:$0x5B8] =	vst v0  }
0x3a: {  	[tilespmem:$0x5C8] =	vst v0  }
0x3b: {  	[tilespmem:$0x5D8] =	vst v0  }
0x3c: {  	[tilespmem:$0x5E8] =	vst v0  }
0x3d: {  	[tilespmem:$0x5F8] =	vst v0  }
0x3e: {  	[tilespmem:$0x608] =	vst v0  }
0x3f: {  	[tilespmem:$0x618] =	vst v0  }
0x40: {  	[tilespmem:$0x628] =	vst v0  }
0x41: {  	[tilespmem:$0x638] =	vst v0  }
0x42: {  	[tilespmem:$0x648] =	vst v0  }
0x43: {  	[tilespmem:$0x658] =	vst v0  }
0x44: {  	[tilespmem:$0x668] =	vst v0  }
0x45: {  	[tilespmem:$0x678] =	vst v0  }
0x46: {  	[tilespmem:$0x688] =	vst v0  }
0x47: {  	[tilespmem:$0x698] =	vst v0  }
0x48: {  	[tilespmem:$0x6A8] =	vst v0  }
0x49: {  	[tilespmem:$0x6B8] =	vst v0  }
0x4a: {  	[tilespmem:$0x6C8] =	vst v0  }
0x4b: {  	[tilespmem:$0x6D8] =	vst v0  }
0x4c: {  	[tilespmem:$0x6E8] =	vst v0  }
0x4d: {  	[tilespmem:$0x6F8] =	vst v0  }
0x4e: {  	[tilespmem:$0x708] =	vst v0  }
0x4f: {  	[tilespmem:$0x718] =	vst v0  }
0x50: {  	[tilespmem:$0x728] =	vst v0  }
0x51: {  	[tilespmem:$0x738] =	vst v0  }
0x52: {  	[tilespmem:$0x748] =	vst v0  }
0x53: {  	[tilespmem:$0x758] =	vst v0  }
0x54: {  	[tilespmem:$0x768] =	vst v0  }
0x55: {  	[tilespmem:$0x778] =	vst v0  }
0x56: {  	[tilespmem:$0x788] =	vst v0  }
0x57: {  	[tilespmem:$0x798] =	vst v0  }
0x58: {  	[tilespmem:$0x7A8] =	vst v0  }
0x59: {  	[tilespmem:$0x7B8] =	vst v0  }
0x5a: {  	[tilespmem:$0x7C8] =	vst v0  }
0x5b: {  	[tilespmem:$0x7D8] =	vst v0  }
0x5c: {  	[tilespmem:$0x7E8] =	vst v0  }
0x5d: {  	[tilespmem:$0x7F8] =	vst v0  }
0x5e: {  	[tilespmem:$0x808] =	vst v0  }
0x5f: {  	[tilespmem:$0x818] =	vst v0  }
0x60: {  	[tilespmem:$0x828] =	vst v0  }
0x61: {  	[tilespmem:$0x838] =	vst v0  }
0x62: {  	[tilespmem:$0x848] =	vst v0  }
0x63: {  	[tilespmem:$0x858] =	vst v0  }
0x64: {  	[tilespmem:$0x868] =	vst v0  }
0x65: {  	[tilespmem:$0x878] =	vst v0  }
0x66: {  	[tilespmem:$0x888] =	vst v0  }
0x67: {  	[tilespmem:$0x898] =	vst v0  }
0x68: {  	[tilespmem:$0x8A8] =	vst v0  }
0x69: {  	[tilespmem:$0x8B8] =	vst v0  }
0x6a: {  	[tilespmem:$0x8C8] =	vst v0  }
0x6b: {  	[tilespmem:$0x8D8] =	vst v0  }
0x6c: {  	[tilespmem:$0x8E8] =	vst v0  }
0x6d: {  	[tilespmem:$0x8F8] =	vst v0  }
0x6e: {  	[tilespmem:$0x908] =	vst v0  }
0x6f: {  	[tilespmem:$0x918] =	vst v0  }
0x70: {  	[tilespmem:$0x928] =	vst v0  }
0x71: {  	[tilespmem:$0x938] =	vst v0  }
0x72: {  	[tilespmem:$0x948] =	vst v0  }
0x73: {  	[tilespmem:$0x958] =	vst v0  }
0x74: {  	[tilespmem:$0x968] =	vst v0  }
0x75: {  	[tilespmem:$0x978] =	vst v0  }
0x76: {  	[tilespmem:$0x988] =	vst v0  }
0x77: {  	[tilespmem:$0x998] =	vst v0  }
0x78: {  	[tilespmem:$0x9A8] =	vst v0  }
0x79: {  	[tilespmem:$0x9B8] =	vst v0  }
0x7a: {  	[tilespmem:$0x9C8] =	vst v0  }
0x7b: {  	[tilespmem:$0x9D8] =	vst v0  }
0x7c: {  	[tilespmem:$0x9E8] =	vst v0  }
0x7d: {  	[tilespmem:$0x9F8] =	vst v0  }
0x7e: {  	[tilespmem:$0xA08] =	vst v0  }
0x7f: {  	[tilespmem:$0xA18] =	vst v0  }
0x80: {  	[tilespmem:$0xA28] =	vst v0  }
0x81: {  	[tilespmem:$0xA38] =	vst v0  }
0x82: {  	[tilespmem:$0xA48] =	vst v0  }
0x83: {  	[tilespmem:$0xA58] =	vst v0  }
0x84: {  	[tilespmem:$0xA68] =	vst v0  }
0x85: {  	[tilespmem:$0xA78] =	vst v0  }
0x86: {  	[tilespmem:$0xA88] =	vst v0  }
0x87: {  	[tilespmem:$0xA98] =	vst v0  }
0x88: {  	[tilespmem:$0xAA8] =	vst v0  }
0x89: {  	[tilespmem:$0xAB8] =	vst v0  }
0x8a: {  	[tilespmem:$0xAC8] =	vst v0  }
0x8b: {  	[tilespmem:$0xAD8] =	vst v0  }
0x8c: {  	[tilespmem:$0xAE8] =	vst v0  }
0x8d: {  	[tilespmem:$0xAF8] =	vst v0  }
0x8e: {  	[tilespmem:$0xB08] =	vst v0  }
0x8f: {  	[tilespmem:$0xB18] =	vst v0  }
0x90: {  	[tilespmem:$0xB28] =	vst v0  }
0x91: {  	[tilespmem:$0xB38] =	vst v0  }
0x92: {  	[tilespmem:$0xB48] =	vst v0  }
0x93: {  	[tilespmem:$0xB58] =	vst v0  }
0x94: {  	[tilespmem:$0xB68] =	vst v0  }
0x95: {  	[tilespmem:$0xB78] =	vst v0  }
0x96: {  	[tilespmem:$0xB88] =	vst v0  }
0x97: {  	[tilespmem:$0xB98] =	vst v0  }
0x98: {  	[tilespmem:$0xBA8] =	vst v0  }
0x99: {  	[tilespmem:$0xBB8] =	vst v0  }
0x9a: {  	[tilespmem:$0xBC8] =	vst v0  }
0x9b: {  	[tilespmem:$0xBD8] =	vst v0  }
0x9c: {  	[tilespmem:$0xBE8] =	vst v0  }
0x9d: {  	[tilespmem:$0xBF8] =	vst v0  }
0x9e: {  	[tilespmem:$0xC08] =	vst v0  }
0x9f: {  	[tilespmem:$0xC18] =	vst v0  }
0xa0: {  	[tilespmem:$0xC28] =	vst v0  }
0xa1: {  	[tilespmem:$0xC38] =	vst v0  }
0xa2: {  	[tilespmem:$0xC48] =	vst v0  }
0xa3: {  	[tilespmem:$0xC58] =	vst v0  }
0xa4: {  	[tilespmem:$0xC68] =	vst v0  }
0xa5: {  	[tilespmem:$0xC78] =	vst v0  }
0xa6: {  	[tilespmem:$0xC88] =	vst v0  }
0xa7: {  	[tilespmem:$0xC98] =	vst v0  }
0xa8: {  	[tilespmem:$0xCA8] =	vst v0  }
0xa9: {  	[tilespmem:$0xCB8] =	vst v0  }
0xaa: {  	[tilespmem:$0xCC8] =	vst v0  }
0xab: {  	[tilespmem:$0xCD8] =	vst v0  }
0xac: {  	[tilespmem:$0xCE8] =	vst v0  }
0xad: {  	[tilespmem:$0xCF8] =	vst v0  }
0xae: {  	[tilespmem:$0xD08] =	vst v0  }
0xaf: {  	[tilespmem:$0xD18] =	vst v0  }
0xb0: {  	[tilespmem:$0xD28] =	vst v0  }
0xb1: {  	[tilespmem:$0xD38] =	vst v0  }
0xb2: {  	[tilespmem:$0xD48] =	vst v0  }
0xb3: {  	[tilespmem:$0xD58] =	vst v0  }
0xb4: {  	[tilespmem:$0xD68] =	vst v0  }
0xb5: {  	[tilespmem:$0xD78] =	vst v0  }
0xb6: {  	[tilespmem:$0xD88] =	vst v0  }
0xb7: {  	[tilespmem:$0xD98] =	vst v0  }
0xb8: {  	[tilespmem:$0xDA8] =	vst v0  }
0xb9: {  	[tilespmem:$0xDB8] =	vst v0  }
0xba: {  	[tilespmem:$0xDC8] =	vst v0  }
0xbb: {  	[tilespmem:$0xDD8] =	vst v0  }
0xbc: {  	[tilespmem:$0xDE8] =	vst v0  }
0xbd: {  	[tilespmem:$0xDF8] =	vst v0  }
0xbe: {  	[tilespmem:$0xE08] =	vst v0  }
0xbf: {  	[tilespmem:$0xE18] =	vst v0  }
0xc0: {  	[tilespmem:$0xE28] =	vst v0  }
0xc1: {  	[tilespmem:$0xE38] =	vst v0  }
0xc2: {  	[tilespmem:$0xE48] =	vst v0  }
0xc3: {  	[tilespmem:$0xE58] =	vst v0  }
0xc4: {  	[tilespmem:$0xE68] =	vst v0  }
0xc5: {  	[tilespmem:$0xE78] =	vst v0  }
0xc6: {  	[tilespmem:$0xE88] =	vst v0  }
0xc7: {  	[tilespmem:$0xE98] =	vst v0  }
0xc8: {  	[tilespmem:$0xEA8] =	vst v0  }
0xc9: {  	[tilespmem:$0xEB8] =	vst v0  }
0xca: {  	[tilespmem:$0xEC8] =	vst v0  }
0xcb: {  	[tilespmem:$0xED8] =	vst v0  }
0xcc: {  	[tilespmem:$0xEE8] =	vst v0  }
0xcd: {  	[tilespmem:$0xEF8] =	vst v0  }
0xce: {  	[tilespmem:$0xF08] =	vst v0  }
0xcf: {  	[tilespmem:$0xF18] =	vst v0  }
0xd0: {  	[tilespmem:$0xF28] =	vst v0  }
0xd1: {  	[tilespmem:$0xF38] =	vst v0  }
0xd2: {  	[tilespmem:$0xF48] =	vst v0  }
0xd3: {  	[tilespmem:$0xF58] =	vst v0  }
0xd4: {  	[tilespmem:$0xF68] =	vst v0  }
0xd5: {  	[tilespmem:$0xF78] =	vst v0  }
0xd6: {  	[tilespmem:$0xF88] =	vst v0  }
0xd7: {  	[tilespmem:$0xF98] =	vst v0  }
0xd8: {  	[tilespmem:$0xFA8] =	vst v0  }
0xd9: {  	[tilespmem:$0xFB8] =	vst v0  }
0xda: {  	[tilespmem:$0xFC8] =	vst v0  }
0xdb: {  	[tilespmem:$0xFD8] =	vst v0  }
0xdc: {  	[tilespmem:$0xFE8] =	vst v0  }
0xdd: {  	[tilespmem:$0xFF8] =	vst v0  }
0xde: {  	[tilespmem:$0x1008] =	vst v0  }
0xdf: {  	[tilespmem:$0x1018] =	vst v0  }
0xe0: {  	[tilespmem:$0x1028] =	vst v0  }
0xe1: {  	[tilespmem:$0x1038] =	vst v0  }
0xe2: {  	[tilespmem:$0x1048] =	vst v0  }
0xe3: {  	[tilespmem:$0x1058] =	vst v0  }
0xe4: {  	[tilespmem:$0x1068] =	vst v0  }
0xe5: {  	[tilespmem:$0x1078] =	vst v0  }
0xe6: {  	[tilespmem:$0x1088] =	vst v0  }
0xe7: {  	[tilespmem:$0x1098] =	vst v0  }
0xe8: {  	[tilespmem:$0x10A8] =	vst v0  }
0xe9: {  	[tilespmem:$0x10B8] =	vst v0  }
0xea: {  	[tilespmem:$0x10C8] =	vst v0  }
0xeb: {  	[tilespmem:$0x10D8] =	vst v0  }
0xec: {  	[tilespmem:$0x10E8] =	vst v0  }
0xed: {  	[tilespmem:$0x10F8] =	vst v0  }
0xee: {  	[tilespmem:$0x1108] =	vst v0  }
0xef: {  	[tilespmem:$0x1118] =	vst v0  }
0xf0: {  	[tilespmem:$0x1128] =	vst v0  }
0xf1: {  	[tilespmem:$0x1138] =	vst v0  }
0xf2: {  	[tilespmem:$0x1148] =	vst v0  }
0xf3: {  	[tilespmem:$0x1158] =	vst v0  }
0xf4: {  	[tilespmem:$0x1168] =	vst v0  }
0xf5: {  	[tilespmem:$0x1178] =	vst v0  }
0xf6: {  	[tilespmem:$0x1188] =	vst v0  }
0xf7: {  	[tilespmem:$0x1198] =	vst v0  }
0xf8: {  	[tilespmem:$0x11A8] =	vst v0  }
0xf9: {  	[tilespmem:$0x11B8] =	vst v0  }
0xfa: {  	[tilespmem:$0x11C8] =	vst v0  }
0xfb: {  	[tilespmem:$0x11D8] =	vst v0  }
0xfc: {  	[tilespmem:$0x11E8] =	vst v0  }
0xfd: {  	[tilespmem:$0x11F8] =	vst v0  }
0xfe: {  	[tilespmem:$0x1208] =	vst v0  }
0xff: {  	[tilespmem:$0x1218] =	vst v0  }
0x100: {  	[tilespmem:$0x1228] =	vst v0  }
0x101: {  	[tilespmem:$0x1238] =	vst v0  }
0x102: {  	[tilespmem:$0x1248] =	vst v0  }
0x103: {  	[tilespmem:$0x1258] =	vst v0  }
0x104: {  	[tilespmem:$0x1268] =	vst v0  }
0x105: {  	[tilespmem:$0x1278] =	vst v0  }
0x106: {  	[tilespmem:$0x1288] =	vst v0  }
0x107: {  	[tilespmem:$0x1298] =	vst v0  }
0x108: {  	[tilespmem:$0x12A8] =	vst v0  }
0x109: {  	[tilespmem:$0x12B8] =	vst v0  }
0x10a: {  	[tilespmem:$0x12C8] =	vst v0  }
0x10b: {  	[tilespmem:$0x12D8] =	vst v0  }
0x10c: {  	[tilespmem:$0x12E8] =	vst v0  }
0x10d: {  	[tilespmem:$0x12F8] =	vst v0  }
0x10e: {  	[tilespmem:$0x1308] =	vst v0  }
0x10f: {  	[tilespmem:$0x1318] =	vst v0  }
0x110: {  	[tilespmem:$0x1328] =	vst v0  }
0x111: {  	[tilespmem:$0x1338] =	vst v0  }
0x112: {  	[tilespmem:$0x1348] =	vst v0  }
0x113: {  	[tilespmem:$0x1358] =	vst v0  }
0x114: {  	[tilespmem:$0x1368] =	vst v0  }
0x115: {  	[tilespmem:$0x1378] =	vst v0  }
0x116: {  	[tilespmem:$0x1388] =	vst v0  }
0x117: {  	[tilespmem:$0x1398] =	vst v0  }
0x118: {  	[tilespmem:$0x13A8] =	vst v0  }
0x119: {  	[tilespmem:$0x13B8] =	vst v0  }
0x11a: {  	[tilespmem:$0x13C8] =	vst v0  }
0x11b: {  	[tilespmem:$0x13D8] =	vst v0  }
0x11c: {  	[tilespmem:$0x13E8] =	vst v0  }
0x11d: {  	[tilespmem:$0x13F8] =	vst v0  }
0x11e: {  	[tilespmem:$0x1408] =	vst v0  }
0x11f: {  	[tilespmem:$0x1418] =	vst v0  }
0x120: {  	[tilespmem:$0x1428] =	vst v0  }
0x121: {  	[tilespmem:$0x1438] =	vst v0  }
0x122: {  	[tilespmem:$0x1448] =	vst v0  }
0x123: {  	[tilespmem:$0x1458] =	vst v0  }
0x124: {  	[tilespmem:$0x1468] =	vst v0  }
0x125: {  	[tilespmem:$0x1478] =	vst v0  }
0x126: {  	[tilespmem:$0x1488] =	vst v0  }
0x127: {  	[tilespmem:$0x1498] =	vst v0  }
0x128: {  	[tilespmem:$0x14A8] =	vst v0  }
0x129: {  	[tilespmem:$0x14B8] =	vst v0  }
0x12a: {  	[tilespmem:$0x14C8] =	vst v0  }
0x12b: {  	[tilespmem:$0x14D8] =	vst v0  }
0x12c: {  	[tilespmem:$0x14E8] =	vst v0  }
0x12d: {  	[tilespmem:$0x14F8] =	vst v0  }
0x12e: {  	[tilespmem:$0x1508] =	vst v0  }
0x12f: {  	[tilespmem:$0x1518] =	vst v0  }
0x130: {  	[tilespmem:$0x2448] =	vst v0  }
0x131: {  	[tilespmem:$0x2438] =	vst v0  }
0x132: {  	[tilespmem:$0x2428] =	vst v0  }
0x133: {  	[tilespmem:$0x2478] =	vst v0  }
0x134: {  	[tilespmem:$0x2468] =	vst v0  }
0x135: {  	[tilespmem:$0x2458] =	vst v0  }
0x136: {  	[tilespmem:$0x1528] =	vst v0  }
0x137: {  	[tilespmem:$0x1538] =	vst v0  }
0x138: {  	[tilespmem:$0x1548] =	vst v0  }
0x139: {  	[tilespmem:$0x1558] =	vst v0  }
0x13a: {  	[tilespmem:$0x1568] =	vst v0  }
0x13b: {  	[tilespmem:$0x1578] =	vst v0  }
0x13c: {  	[tilespmem:$0x1588] =	vst v0  }
0x13d: {  	[tilespmem:$0x1598] =	vst v0  }
0x13e: {  	[tilespmem:$0x15A8] =	vst v0  }
0x13f: {  	[tilespmem:$0x15B8] =	vst v0  }
0x140: {  	[tilespmem:$0x15C8] =	vst v0  }
0x141: {  	[tilespmem:$0x15D8] =	vst v0  }
0x142: {  	[tilespmem:$0x15E8] =	vst v0  }
0x143: {  	[tilespmem:$0x15F8] =	vst v0  }
0x144: {  	[tilespmem:$0x1608] =	vst v0  }
0x145: {  	[tilespmem:$0x1618] =	vst v0  }
0x146: {  	[tilespmem:$0x1628] =	vst v0  }
0x147: {  	[tilespmem:$0x1638] =	vst v0  }
0x148: {  	[tilespmem:$0x1648] =	vst v0  }
0x149: {  	[tilespmem:$0x1658] =	vst v0  }
0x14a: {  	[tilespmem:$0x1668] =	vst v0  }
0x14b: {  	[tilespmem:$0x1678] =	vst v0  }
0x14c: {  	[tilespmem:$0x1688] =	vst v0  }
0x14d: {  	[tilespmem:$0x1698] =	vst v0  }
0x14e: {  	[tilespmem:$0x16A8] =	vst v0  }
0x14f: {  	[tilespmem:$0x16B8] =	vst v0  }
0x150: {  	[tilespmem:$0x16C8] =	vst v0  }
0x151: {  	[tilespmem:$0x16D8] =	vst v0  }
0x152: {  	[tilespmem:$0x16E8] =	vst v0  }
0x153: {  	[tilespmem:$0x16F8] =	vst v0  }
0x154: {  	[tilespmem:$0x1708] =	vst v0  }
0x155: {  	[tilespmem:$0x1718] =	vst v0  }
0x156: {  	[tilespmem:$0x1728] =	vst v0  }
0x157: {  	[tilespmem:$0x1738] =	vst v0  }
0x158: {  	[tilespmem:$0x1748] =	vst v0  }
0x159: {  	[tilespmem:$0x1758] =	vst v0  }
0x15a: {  	[tilespmem:$0x1768] =	vst v0  }
0x15b: {  	[tilespmem:$0x1778] =	vst v0  }
0x15c: {  	[tilespmem:$0x1788] =	vst v0  }
0x15d: {  	[tilespmem:$0x1798] =	vst v0  }
0x15e: {  	[tilespmem:$0x17A8] =	vst v0  }
0x15f: {  	[tilespmem:$0x17B8] =	vst v0  }
0x160: {  	[tilespmem:$0x17C8] =	vst v0  }
0x161: {  	[tilespmem:$0x17D8] =	vst v0  }
0x162: {  	[tilespmem:$0x17E8] =	vst v0  }
0x163: {  	[tilespmem:$0x17F8] =	vst v0  }
0x164: {  	[tilespmem:$0x1808] =	vst v0  }
0x165: {  	[tilespmem:$0x1818] =	vst v0  }
0x166: {  	[tilespmem:$0x1828] =	vst v0  }
0x167: {  	[tilespmem:$0x1838] =	vst v0  }
0x168: {  	[tilespmem:$0x1848] =	vst v0  }
0x169: {  	[tilespmem:$0x1858] =	vst v0  }
0x16a: {  	[tilespmem:$0x1868] =	vst v0  }
0x16b: {  	[tilespmem:$0x1878] =	vst v0  }
0x16c: {  	[tilespmem:$0x1888] =	vst v0  }
0x16d: {  	[tilespmem:$0x1898] =	vst v0  }
0x16e: {  	[tilespmem:$0x18A8] =	vst v0  }
0x16f: {  	[tilespmem:$0x18B8] =	vst v0  }
0x170: {  	[tilespmem:$0x18C8] =	vst v0  }
0x171: {  	[tilespmem:$0x18D8] =	vst v0  }
0x172: {  	[tilespmem:$0x18E8] =	vst v0  }
0x173: {  	[tilespmem:$0x18F8] =	vst v0  }
0x174: {  	[tilespmem:$0x1908] =	vst v0  }
0x175: {  	[tilespmem:$0x1918] =	vst v0  }
0x176: {  	[tilespmem:$0x1928] =	vst v0  }
0x177: {  	[tilespmem:$0x1938] =	vst v0  }
0x178: {  	[tilespmem:$0x1948] =	vst v0  }
0x179: {  	[tilespmem:$0x1958] =	vst v0  }
0x17a: {  	[tilespmem:$0x1968] =	vst v0  }
0x17b: {  	[tilespmem:$0x1978] =	vst v0  }
0x17c: {  	[tilespmem:$0x1988] =	vst v0  }
0x17d: {  	[tilespmem:$0x1998] =	vst v0  }
0x17e: {  	[tilespmem:$0x19A8] =	vst v0  }
0x17f: {  	[tilespmem:$0x19B8] =	vst v0  }
0x180: {  	[tilespmem:$0x19C8] =	vst v0  }
0x181: {  	[tilespmem:$0x19D8] =	vst v0  }
0x182: {  	[tilespmem:$0x19E8] =	vst v0  }
0x183: {  	[tilespmem:$0x19F8] =	vst v0  }
0x184: {  	[tilespmem:$0x1A08] =	vst v0  }
0x185: {  	[tilespmem:$0x1A18] =	vst v0  }
0x186: {  	[tilespmem:$0x1A28] =	vst v0  }
0x187: {  	[tilespmem:$0x1A38] =	vst v0  }
0x188: {  	[tilespmem:$0x1A48] =	vst v0  }
0x189: {  	[tilespmem:$0x1A58] =	vst v0  }
0x18a: {  	[tilespmem:$0x1A68] =	vst v0  }
0x18b: {  	[tilespmem:$0x1A78] =	vst v0  }
0x18c: {  	[tilespmem:$0x1A88] =	vst v0  }
0x18d: {  	[tilespmem:$0x1A98] =	vst v0  }
0x18e: {  	[tilespmem:$0x1AA8] =	vst v0  }
0x18f: {  	[tilespmem:$0x1AB8] =	vst v0  }
0x190: {  	[tilespmem:$0x1AC8] =	vst v0  }
0x191: {  	[tilespmem:$0x1AD8] =	vst v0  }
0x192: {  	[tilespmem:$0x1AE8] =	vst v0  }
0x193: {  	[tilespmem:$0x1AF8] =	vst v0  }
0x194: {  	[tilespmem:$0x1B08] =	vst v0  }
0x195: {  	[tilespmem:$0x1B18] =	vst v0  }
0x196: {  	[tilespmem:$0x1B28] =	vst v0  }
0x197: {  	[tilespmem:$0x1B38] =	vst v0  }
0x198: {  	[tilespmem:$0x1B48] =	vst v0  }
0x199: {  	[tilespmem:$0x1B58] =	vst v0  }
0x19a: {  	[tilespmem:$0x1B68] =	vst v0  }
0x19b: {  	[tilespmem:$0x1B78] =	vst v0  }
0x19c: {  	[tilespmem:$0x1B88] =	vst v0  }
0x19d: {  	[tilespmem:$0x1B98] =	vst v0  }
0x19e: {  	[tilespmem:$0x1BA8] =	vst v0  }
0x19f: {  	[tilespmem:$0x1BB8] =	vst v0  }
0x1a0: {  	[tilespmem:$0x1BC8] =	vst v0  }
0x1a1: {  	[tilespmem:$0x1BD8] =	vst v0  }
0x1a2: {  	[tilespmem:$0x1BE8] =	vst v0  }
0x1a3: {  	[tilespmem:$0x1BF8] =	vst v0  }
0x1a4: {  	[tilespmem:$0x1C08] =	vst v0  }
0x1a5: {  	[tilespmem:$0x1C18] =	vst v0  }
0x1a6: {  	[tilespmem:$0x1C28] =	vst v0  }
0x1a7: {  	[tilespmem:$0x1C38] =	vst v0  }
0x1a8: {  	[tilespmem:$0x1C48] =	vst v0  }
0x1a9: {  	[tilespmem:$0x1C58] =	vst v0  }
0x1aa: {  	[tilespmem:$0x1C68] =	vst v0  }
0x1ab: {  	[tilespmem:$0x1C78] =	vst v0  }
0x1ac: {  	[tilespmem:$0x1C88] =	vst v0  }
0x1ad: {  	[tilespmem:$0x1C98] =	vst v0  }
0x1ae: {  	[tilespmem:$0x1CA8] =	vst v0  }
0x1af: {  	[tilespmem:$0x1CB8] =	vst v0  }
0x1b0: {  	[tilespmem:$0x1CC8] =	vst v0  }
0x1b1: {  	[tilespmem:$0x1CD8] =	vst v0  }
0x1b2: {  	[tilespmem:$0x1CE8] =	vst v0  }
0x1b3: {  	[tilespmem:$0x1CF8] =	vst v0  }
0x1b4: {  	[tilespmem:$0x1D08] =	vst v0  }
0x1b5: {  	[tilespmem:$0x1D18] =	vst v0  }
0x1b6: {  	[tilespmem:$0x1D28] =	vst v0  }
0x1b7: {  	[tilespmem:$0x1D38] =	vst v0  }
0x1b8: {  	[tilespmem:$0x1D48] =	vst v0  }
0x1b9: {  	[tilespmem:$0x1D58] =	vst v0  }
0x1ba: {  	[tilespmem:$0x1D68] =	vst v0  }
0x1bb: {  	[tilespmem:$0x1D78] =	vst v0  }
0x1bc: {  	[tilespmem:$0x1D88] =	vst v0  }
0x1bd: {  	[tilespmem:$0x1D98] =	vst v0  }
0x1be: {  	[tilespmem:$0x1DA8] =	vst v0  }
0x1bf: {  	[tilespmem:$0x1DB8] =	vst v0  }
0x1c0: {  	[tilespmem:$0x1DC8] =	vst v0  }
0x1c1: {  	[tilespmem:$0x1DD8] =	vst v0  }
0x1c2: {  	[tilespmem:$0x1DE8] =	vst v0  }
0x1c3: {  	[tilespmem:$0x1DF8] =	vst v0  }
0x1c4: {  	[tilespmem:$0x1E08] =	vst v0  }
0x1c5: {  	[tilespmem:$0x1E18] =	vst v0  }
0x1c6: {  	[tilespmem:$0x1E28] =	vst v0  }
0x1c7: {  	[tilespmem:$0x1E38] =	vst v0  }
0x1c8: {  	[tilespmem:$0x1E48] =	vst v0  }
0x1c9: {  	[tilespmem:$0x1E58] =	vst v0  }
0x1ca: {  	[tilespmem:$0x1E68] =	vst v0  }
0x1cb: {  	[tilespmem:$0x1E78] =	vst v0  }
0x1cc: {  	[tilespmem:$0x1E88] =	vst v0  }
0x1cd: {  	[tilespmem:$0x1E98] =	vst v0  }
0x1ce: {  	[tilespmem:$0x1EA8] =	vst v0  }
0x1cf: {  	[tilespmem:$0x1EB8] =	vst v0  }
0x1d0: {  	[tilespmem:$0x1EC8] =	vst v0  }
0x1d1: {  	[tilespmem:$0x1ED8] =	vst v0  }
0x1d2: {  	[tilespmem:$0x1EE8] =	vst v0  }
0x1d3: {  	[tilespmem:$0x1EF8] =	vst v0  }
0x1d4: {  	[tilespmem:$0x1F08] =	vst v0  }
0x1d5: {  	[tilespmem:$0x1F18] =	vst v0  }
0x1d6: {  	[tilespmem:$0x1F28] =	vst v0  }
0x1d7: {  	[tilespmem:$0x1F38] =	vst v0  }
0x1d8: {  	[tilespmem:$0x1F48] =	vst v0  }
0x1d9: {  	[tilespmem:$0x1F58] =	vst v0  }
0x1da: {  	[tilespmem:$0x1F68] =	vst v0  }
0x1db: {  	[tilespmem:$0x1F78] =	vst v0  }
0x1dc: {  	[tilespmem:$0x1F88] =	vst v0  }
0x1dd: {  	[tilespmem:$0x1F98] =	vst v0  }
0x1de: {  	[tilespmem:$0x1FA8] =	vst v0  }
0x1df: {  	[tilespmem:$0x1FB8] =	vst v0  }
0x1e0: {  	[tilespmem:$0x1FC8] =	vst v0  }
0x1e1: {  	[tilespmem:$0x1FD8] =	vst v0  }
0x1e2: {  	[tilespmem:$0x1FE8] =	vst v0  }
0x1e3: {  	[tilespmem:$0x1FF8] =	vst v0  }
0x1e4: {  	[tilespmem:$0x2008] =	vst v0  }
0x1e5: {  	[tilespmem:$0x2018] =	vst v0  }
0x1e6: {  	[tilespmem:$0x2028] =	vst v0  }
0x1e7: {  	[tilespmem:$0x2038] =	vst v0  }
0x1e8: {  	[tilespmem:$0x2048] =	vst v0  }
0x1e9: {  	[tilespmem:$0x2058] =	vst v0  }
0x1ea: {  	[tilespmem:$0x2068] =	vst v0  }
0x1eb: {  	[tilespmem:$0x2078] =	vst v0  }
0x1ec: {  	[tilespmem:$0x2088] =	vst v0  }
0x1ed: {  	[tilespmem:$0x2098] =	vst v0  }
0x1ee: {  	[tilespmem:$0x20A8] =	vst v0  }
0x1ef: {  	[tilespmem:$0x20B8] =	vst v0  }
0x1f0: {  	[tilespmem:$0x20C8] =	vst v0  }
0x1f1: {  	[tilespmem:$0x20D8] =	vst v0  }
0x1f2: {  	[tilespmem:$0x20E8] =	vst v0  }
0x1f3: {  	[tilespmem:$0x20F8] =	vst v0  }
0x1f4: {  	[tilespmem:$0x2108] =	vst v0  }
0x1f5: {  	[tilespmem:$0x2118] =	vst v0  }
0x1f6: {  	[tilespmem:$0x2128] =	vst v0  }
0x1f7: {  	[tilespmem:$0x2138] =	vst v0  }
0x1f8: {  	[tilespmem:$0x2148] =	vst v0  }
0x1f9: {  	[tilespmem:$0x2158] =	vst v0  }
0x1fa: {  	[tilespmem:$0x2168] =	vst v0  }
0x1fb: {  	[tilespmem:$0x2178] =	vst v0  }
0x1fc: {  	[tilespmem:$0x2188] =	vst v0  }
0x1fd: {  	[tilespmem:$0x2198] =	vst v0  }
0x1fe: {  	[tilespmem:$0x21A8] =	vst v0  }
0x1ff: {  	[tilespmem:$0x21B8] =	vst v0  }
0x200: {  	[tilespmem:$0x21C8] =	vst v0  }
0x201: {  	[tilespmem:$0x21D8] =	vst v0  }
0x202: {  	[tilespmem:$0x21E8] =	vst v0  }
0x203: {  	[tilespmem:$0x21F8] =	vst v0  }
0x204: {  	[tilespmem:$0x2208] =	vst v0  }
0x205: {  	[tilespmem:$0x2218] =	vst v0  }
0x206: {  	[tilespmem:$0x2228] =	vst v0  }
0x207: {  	[tilespmem:$0x2238] =	vst v0  }
0x208: {  	[tilespmem:$0x2248] =	vst v0  }
0x209: {  	[tilespmem:$0x2258] =	vst v0  }
0x20a: {  	[tilespmem:$0x2268] =	vst v0  }
0x20b: {  	[tilespmem:$0x2278] =	vst v0  }
0x20c: {  	[tilespmem:$0x2288] =	vst v0  }
0x20d: {  	[tilespmem:$0x2298] =	vst v0  }
0x20e: {  	[tilespmem:$0x22A8] =	vst v0  }
0x20f: {  	[tilespmem:$0x22B8] =	vst v0  }
0x210: {  	[tilespmem:$0x22C8] =	vst v0  }
0x211: {  	[tilespmem:$0x22D8] =	vst v0  }
0x212: {  	[tilespmem:$0x22E8] =	vst v0  }
0x213: {  	[tilespmem:$0x22F8] =	vst v0  }
0x214: {  	[tilespmem:$0x2308] =	vst v0  }
0x215: {  	[tilespmem:$0x2318] =	vst v0  }
0x216: {  	[tilespmem:$0x2328] =	vst v0  }
0x217: {  	[tilespmem:$0x2338] =	vst v0  }
0x218: {  	[tilespmem:$0x2348] =	vst v0  }
0x219: {  	[tilespmem:$0x2358] =	vst v0  }
0x21a: {  	[tilespmem:$0x2368] =	vst v0  }
0x21b: {  	[tilespmem:$0x2378] =	vst v0  }
0x21c: {  	[tilespmem:$0x2388] =	vst v0  }
0x21d: {  	[tilespmem:$0x2398] =	vst v0  }
0x21e: {  	[tilespmem:$0x23A8] =	vst v0  }
0x21f: {  	[tilespmem:$0x23B8] =	vst v0  }
0x220: {  	[tilespmem:$0x23C8] =	vst v0  }
0x221: {  	[tilespmem:$0x23D8] =	vst v0  }
0x222: {  	[tilespmem:$0x23E8] =	vst v0  }
0x223: {  	[tilespmem:$0x23F8] =	vst v0  }
0x224: {  	[tilespmem:$0x2408] =	vst v0  }
0x225: {  	[tilespmem:$0x2418] =	vst v0  }
0x226: {  	[tilespmem:$0x2488] =	vst v0  }
0x227: {  	[tilespmem:$0x2498] =	vst v0  }
0x228: {  	[tilespmem:$0x24A8] =	vst v0  }
0x229: {  	[tilespmem:$0x24B8] =	vst v0  }
0x22a: {  	[tilespmem:$0x24C8] =	vst v0  }
0x22b: {  	[tilespmem:$0x24D8] =	vst v0  }
0x22c: {  	[tilespmem:$0x24E8] =	vst v0  }
0x22d: {  	[tilespmem:$0x24F8] =	vst v0  }
0x22e: {  	[tilespmem:$0x2508] =	vst v0  }
0x22f: {  	[tilespmem:$0x2518] =	vst v0  }
0x230: {  	[tilespmem:$0x2528] =	vst v0  }
0x231: {  	[tilespmem:$0x2538] =	vst v0  }
0x232: {  	[tilespmem:$0x2548] =	vst v0  }
0x233: {  	[tilespmem:$0x2558] =	vst v0  }
0x234: {  	[tilespmem:$0x2568] =	vst v0  }
0x235: {  	[tilespmem:$0x2578] =	vst v0  }
0x236: {  	[tilespmem:$0x2588] =	vst v0  }
0x237: {  	[tilespmem:$0x2598] =	vst v0  }
0x238: {  	[tilespmem:$0x25A8] =	vst v0  }
0x239: {  	[tilespmem:$0x25B8] =	vst v0  }
0x23a: {  	[tilespmem:$0x25C8] =	vst v0  }
0x23b: {  	[tilespmem:$0x25D8] =	vst v0  }
0x23c: {  	[tilespmem:$0x25E8] =	vst v0  }
0x23d: {  	[tilespmem:$0x25F8] =	vst v0  }
0x23e: {  	[tilespmem:$0x2608] =	vst v0  }
0x23f: {  	[tilespmem:$0x2618] =	vst v0  }
0x240: {  	[tilespmem:$0x2628] =	vst v0  }
0x241: {  	[tilespmem:$0x2638] =	vst v0  }
0x242: {  	[tilespmem:$0x2648] =	vst v0  }
0x243: {  	[tilespmem:$0x2658] =	vst v0  }
0x244: {  	[tilespmem:$0x2668] =	vst v0  }
0x245: {  	[tilespmem:$0x2678] =	vst v0  }
0x246: {  	[tilespmem:$0x2688] =	vst v0  }
0x247: {  	[tilespmem:$0x2698] =	vst v0  }
0x248: {  	[tilespmem:$0x26A8] =	vst v0  }
0x249: {  	[tilespmem:$0x26B8] =	vst v0  }
0x24a: {  	[tilespmem:$0x26C8] =	vst v0  }
0x24b: {  	[tilespmem:$0x26D8] =	vst v0  }
0x24c: {  	[tilespmem:$0x26E8] =	vst v0  }
0x24d: {  	[tilespmem:$0x26F8] =	vst v0  }
0x24e: {  	[tilespmem:$0x2708] =	vst v0  }
0x24f: {  	[tilespmem:$0x2718] =	vst v0  }
0x250: {  	[tilespmem:$0x2728] =	vst v0  }
0x251: {  	[tilespmem:$0x2738] =	vst v0  }
0x252: {  	[tilespmem:$0x2748] =	vst v0  }
0x253: {  	[tilespmem:$0x2758] =	vst v0  }
0x254: {  	[tilespmem:$0x2768] =	vst v0  }
0x255: {  	[tilespmem:$0x2778] =	vst v0  }
0x256: {  	[tilespmem:$0x2788] =	vst v0  }
0x257: {  	[tilespmem:$0x2798] =	vst v0  }
0x258: {  	[tilespmem:$0x27A8] =	vst v0  }
0x259: {  	[tilespmem:$0x27B8] =	vst v0  }
0x25a: {  	[tilespmem:$0x27C8] =	vst v0  }
0x25b: {  	[tilespmem:$0x27D8] =	vst v0  }
0x25c: {  	[tilespmem:$0x27E8] =	vst v0  }
0x25d: {  	[tilespmem:$0x27F8] =	vst v0  }
0x25e: {  	[tilespmem:$0x2808] =	vst v0  }
0x25f: {  	[tilespmem:$0x2818] =	vst v0  }
0x260: {  	[tilespmem:$0x2828] =	vst v0  }
0x261: {  	[tilespmem:$0x2838] =	vst v0  }
0x262: {  	[tilespmem:$0x2848] =	vst v0  }
0x263: {  	[tilespmem:$0x2858] =	vst v0  }
0x264: {  	[tilespmem:$0x2868] =	vst v0  }
0x265: {  	[tilespmem:$0x2878] =	vst v0  }
0x266: {  	[tilespmem:$0x2888] =	vst v0  }
0x267: {  	[tilespmem:$0x2898] =	vst v0  }
0x268: {  	[tilespmem:$0x28A8] =	vst v0  }
0x269: {  	[tilespmem:$0x28B8] =	vst v0  }
0x26a: {  	[tilespmem:$0x28C8] =	vst v0  }
0x26b: {  	[tilespmem:$0x28D8] =	vst v0  }
0x26c: {  	[tilespmem:$0x28E8] =	vst v0  }
0x26d: {  	[tilespmem:$0x28F8] =	vst v0  }
0x26e: {  	[tilespmem:$0x2908] =	vst v0  }
0x26f: {  	[tilespmem:$0x2918] =	vst v0  }
0x270: {  	[tilespmem:$0x2928] =	vst v0  }
0x271: {  	[tilespmem:$0x2938] =	vst v0  }
0x272: {  	[tilespmem:$0x2948] =	vst v0  }
0x273: {  	[tilespmem:$0x2958] =	vst v0  }
0x274: {  	[tilespmem:$0x2968] =	vst v0  }
0x275: {  	[tilespmem:$0x2978] =	vst v0  }
0x276: {  	[tilespmem:$0x2988] =	vst v0  }
0x277: {  	[tilespmem:$0x2998] =	vst v0  }
0x278: {  	[tilespmem:$0x29A8] =	vst v0  }
0x279: {  	[tilespmem:$0x29B8] =	vst v0  }
0x27a: {  	[tilespmem:$0x29C8] =	vst v0  }
0x27b: {  	[tilespmem:$0x29D8] =	vst v0  }
0x27c: {  	[tilespmem:$0x29E8] =	vst v0  }
0x27d: {  	[tilespmem:$0x29F8] =	vst v0  }
0x27e: {  	[tilespmem:$0x2A08] =	vst v0  }
0x27f: {  	[tilespmem:$0x2A18] =	vst v0  }
0x280: {  	[tilespmem:$0x2A28] =	vst v0  }
0x281: {  	[tilespmem:$0x2A38] =	vst v0  }
0x282: {  	[tilespmem:$0x2A48] =	vst v0  }
0x283: {  	[tilespmem:$0x2A58] =	vst v0  }
0x284: {  	[tilespmem:$0x2A68] =	vst v0  }
0x285: {  	[tilespmem:$0x2A78] =	vst v0  }
0x286: {  	[tilespmem:$0x2A88] =	vst v0  }
0x287: {  	[tilespmem:$0x2A98] =	vst v0  }
0x288: {  	[tilespmem:$0x2AA8] =	vst v0  }
0x289: {  	[tilespmem:$0x2AB8] =	vst v0  }
0x28a: {  	[tilespmem:$0x2AC8] =	vst v0  }
0x28b: {  	[tilespmem:$0x2AD8] =	vst v0  }
0x28c: {  	[tilespmem:$0x2AE8] =	vst v0  }
0x28d: {  	[tilespmem:$0x2AF8] =	vst v0  }
0x28e: {  	[tilespmem:$0x2B08] =	vst v0  }
0x28f: {  	[tilespmem:$0x2B18] =	vst v0  }
0x290: {  	[tilespmem:$0x2B28] =	vst v0  }
0x291: {  	[tilespmem:$0x2B38] =	vst v0  }
0x292: {  	[tilespmem:$0x2B48] =	vst v0  }
0x293: {  	[tilespmem:$0x2B58] =	vst v0  }
0x294: {  	[tilespmem:$0x2B68] =	vst v0  }
0x295: {  	[tilespmem:$0x2B78] =	vst v0  }
0x296: {  	[tilespmem:$0x2B88] =	vst v0  }
0x297: {  	[tilespmem:$0x2B98] =	vst v0  }
0x298: {  	[tilespmem:$0x2BA8] =	vst v0  }
0x299: {  	[tilespmem:$0x2BB8] =	vst v0  }
0x29a: {  	[tilespmem:$0x2BC8] =	vst v0  }
0x29b: {  	[tilespmem:$0x2BD8] =	vst v0  }
0x29c: {  	[tilespmem:$0x2BE8] =	vst v0  }
0x29d: {  	[tilespmem:$0x2BF8] =	vst v0  }
0x29e: {  	[tilespmem:$0x2C08] =	vst v0  }
0x29f: {  	[tilespmem:$0x2C18] =	vst v0  }
0x2a0: {  	[tilespmem:$0x2C28] =	vst v0  }
0x2a1: {  	[tilespmem:$0x2C38] =	vst v0  }
0x2a2: {  	[tilespmem:$0x2C48] =	vst v0  }
0x2a3: {  	[tilespmem:$0x2C58] =	vst v0  }
0x2a4: {  	[tilespmem:$0x2C68] =	vst v0  }
0x2a5: {  	[tilespmem:$0x2C78] =	vst v0  }
0x2a6: {  	[tilespmem:$0x2C88] =	vst v0  }
0x2a7: {  	[tilespmem:$0x2C98] =	vst v0  }
0x2a8: {  	[tilespmem:$0x2CA8] =	vst v0  }
0x2a9: {  	[tilespmem:$0x2CB8] =	vst v0  }
0x2aa: {  	[tilespmem:$0x2CC8] =	vst v0  }
0x2ab: {  	[tilespmem:$0x2CD8] =	vst v0  }
0x2ac: {  	[tilespmem:$0x2CE8] =	vst v0  }
0x2ad: {  	[tilespmem:$0x2CF8] =	vst v0  }
0x2ae: {  	[tilespmem:$0x2D08] =	vst v0  }
0x2af: {  	[tilespmem:$0x2D18] =	vst v0  }
0x2b0: {  	[tilespmem:$0x2D28] =	vst v0  }
0x2b1: {  	[tilespmem:$0x2D38] =	vst v0  }
0x2b2: {  	[tilespmem:$0x2D48] =	vst v0  }
0x2b3: {  	[tilespmem:$0x2D58] =	vst v0  }
0x2b4: {  	[tilespmem:$0x2D68] =	vst v0  }
0x2b5: {  	[tilespmem:$0x2D78] =	vst v0  }
0x2b6: {  	[tilespmem:$0x2D88] =	vst v0  }
0x2b7: {  	[tilespmem:$0x2D98] =	vst v0  }
0x2b8: {  	[tilespmem:$0x2DA8] =	vst v0  }
0x2b9: {  	[tilespmem:$0x2DB8] =	vst v0  }
0x2ba: {  	[tilespmem:$0x2DC8] =	vst v0  }
0x2bb: {  	[tilespmem:$0x2DD8] =	vst v0  }
0x2bc: {  	[tilespmem:$0x2DE8] =	vst v0  }
0x2bd: {  	[tilespmem:$0x2DF8] =	vst v0  }
0x2be: {  	[tilespmem:$0x2E08] =	vst v0  }
0x2bf: {  	[tilespmem:$0x2E18] =	vst v0  }
0x2c0: {  	[tilespmem:$0x2E28] =	vst v0  }
0x2c1: {  	[tilespmem:$0x2E38] =	vst v0  }
0x2c2: {  	[tilespmem:$0x2E48] =	vst v0  }
0x2c3: {  	[tilespmem:$0x2E58] =	vst v0  }
0x2c4: {  	[tilespmem:$0x2E68] =	vst v0  }
0x2c5: {  	[tilespmem:$0x2E78] =	vst v0  }
0x2c6: {  	[tilespmem:$0x2E88] =	vst v0  }
0x2c7: {  	[tilespmem:$0x2E98] =	vst v0  }
0x2c8: {  	[tilespmem:$0x2EA8] =	vst v0  }
0x2c9: {  	[tilespmem:$0x2EB8] =	vst v0  }
0x2ca: {  	[tilespmem:$0x2EC8] =	vst v0  }
0x2cb: {  	[tilespmem:$0x2ED8] =	vst v0  }
0x2cc: {  	[tilespmem:$0x2EE8] =	vst v0  }
0x2cd: {  	[tilespmem:$0x2EF8] =	vst v0  }
0x2ce: {  	[tilespmem:$0x2F08] =	vst v0  }
0x2cf: {  	[tilespmem:$0x2F18] =	vst v0  }
0x2d0: {  	[tilespmem:$0x2F28] =	vst v0  }
0x2d1: {  	[tilespmem:$0x2F38] =	vst v0  }
0x2d2: {  	[tilespmem:$0x2F48] =	vst v0  }
0x2d3: {  	[tilespmem:$0x2F58] =	vst v0  }
0x2d4: {  	[tilespmem:$0x2F68] =	vst v0  }
0x2d5: {  	[tilespmem:$0x2F78] =	vst v0  }
0x2d6: {  	[tilespmem:$0x2F88] =	vst v0  }
0x2d7: {  	[tilespmem:$0x2F98] =	vst v0  }
0x2d8: {  	[tilespmem:$0x2FA8] =	vst v0  }
0x2d9: {  	[tilespmem:$0x2FB8] =	vst v0  }
0x2da: {  	[tilespmem:$0x2FC8] =	vst v0  }
0x2db: {  	[tilespmem:$0x2FD8] =	vst v0  }
0x2dc: {  	[tilespmem:$0x2FE8] =	vst v0  }
0x2dd: {  	[tilespmem:$0x2FF8] =	vst v0  }
0x2de: {  	[tilespmem:$0x3008] =	vst v0  }
0x2df: {  	[tilespmem:$0x3018] =	vst v0  }
0x2e0: {  	[tilespmem:$0x3028] =	vst v0  }
0x2e1: {  	[tilespmem:$0x3038] =	vst v0  }
0x2e2: {  	[tilespmem:$0x3048] =	vst v0  }
0x2e3: {  	[tilespmem:$0x3058] =	vst v0  }
0x2e4: {  	[tilespmem:$0x3068] =	vst v0  }
0x2e5: {  	[tilespmem:$0x3078] =	vst v0  }
0x2e6: {  	[tilespmem:$0x3088] =	vst v0  }
0x2e7: {  	[tilespmem:$0x3098] =	vst v0  }
0x2e8: {  	[tilespmem:$0x30A8] =	vst v0  }
0x2e9: {  	[tilespmem:$0x30B8] =	vst v0  }
0x2ea: {  	[tilespmem:$0x30C8] =	vst v0  }
0x2eb: {  	[tilespmem:$0x30D8] =	vst v0  }
0x2ec: {  	[tilespmem:$0x30E8] =	vst v0  }
0x2ed: {  	[tilespmem:$0x30F8] =	vst v0  }
0x2ee: {  	[tilespmem:$0x3108] =	vst v0  }
0x2ef: {  	[tilespmem:$0x3118] =	vst v0  }
0x2f0: {  	[tilespmem:$0x3128] =	vst v0  }
0x2f1: {  	[tilespmem:$0x3138] =	vst v0  }
0x2f2: {  	[tilespmem:$0x3148] =	vst v0  }
0x2f3: {  	[tilespmem:$0x3158] =	vst v0  }
0x2f4: {  	[tilespmem:$0x3168] =	vst v0  }
0x2f5: {  	[tilespmem:$0x3178] =	vst v0  }
0x2f6: {  	[tilespmem:$0x3188] =	vst v0  }
0x2f7: {  	[tilespmem:$0x3198] =	vst v0  }
0x2f8: {  	[tilespmem:$0x31A8] =	vst v0  }
0x2f9: {  	[tilespmem:$0x31B8] =	vst v0  }
0x2fa: {  	[tilespmem:$0x31C8] =	vst v0  }
0x2fb: {  	[tilespmem:$0x31D8] =	vst v0  }
0x2fc: {  	[tilespmem:$0x31E8] =	vst v0  }
0x2fd: {  	[tilespmem:$0x31F8] =	vst v0  }
0x2fe: {  	[tilespmem:$0x3208] =	vst v0  }
0x2ff: {  	[tilespmem:$0x3218] =	vst v0  }
0x300: {  	[tilespmem:$0x3228] =	vst v0  }
0x301: {  	[tilespmem:$0x3238] =	vst v0  }
0x302: {  	[tilespmem:$0x3248] =	vst v0  }
0x303: {  	[tilespmem:$0x3258] =	vst v0  }
0x304: {  	[tilespmem:$0x3268] =	vst v0  }
0x305: {  	[tilespmem:$0x3278] =	vst v0  }
0x306: {  	[tilespmem:$0x3288] =	vst v0  }
0x307: {  	[tilespmem:$0x3298] =	vst v0  }
0x308: {  	[tilespmem:$0x32A8] =	vst v0  }
0x309: {  	[tilespmem:$0x32B8] =	vst v0  }
0x30a: {  	[tilespmem:$0x32C8] =	vst v0  }
0x30b: {  	[tilespmem:$0x32D8] =	vst v0  }
0x30c: {  	[tilespmem:$0x32E8] =	vst v0  }
0x30d: {  	[tilespmem:$0x32F8] =	vst v0  }
0x30e: {  	[tilespmem:$0x3308] =	vst v0  }
0x30f: {  	[tilespmem:$0x3318] =	vst v0  }
0x310: {  	[tilespmem:$0x3328] =	vst v0  }
0x311: {  	[tilespmem:$0x3338] =	vst v0  }
0x312: {  	[tilespmem:$0x3348] =	vst v0  }
0x313: {  	[tilespmem:$0x3358] =	vst v0  }
0x314: {  	[tilespmem:$0x3368] =	vst v0  }
0x315: {  	[tilespmem:$0x3378] =	vst v0  }
0x316: {  	[tilespmem:$0x3388] =	vst v0  }
0x317: {  	[tilespmem:$0x3398] =	vst v0  }
0x318: {  	[tilespmem:$0x33A8] =	vst v0  }
0x319: {  	[tilespmem:$0x33B8] =	vst v0  }
0x31a: {  	[tilespmem:$0x33C8] =	vst v0  }
0x31b: {  	[tilespmem:$0x33D8] =	vst v0  }
0x31c: {  	[tilespmem:$0x33E8] =	vst v0  }
0x31d: {  	[tilespmem:$0x33F8] =	vst v0  }
0x31e: {  	[tilespmem:$0x3408] =	vst v0  }
0x31f: {  	[tilespmem:$0x3418] =	vst v0  }
0x320: {  	[tilespmem:$0x3428] =	vst v0  }
0x321: {  	[tilespmem:$0x3438] =	vst v0  }
0x322: {  	[tilespmem:$0x3448] =	vst v0  }
0x323: {  	[tilespmem:$0x3458] =	vst v0  }
0x324: {  	[tilespmem:$0x4388] =	vst v0  }
0x325: {  	[tilespmem:$0x4378] =	vst v0  }
0x326: {  	[tilespmem:$0x4368] =	vst v0  }
0x327: {  	[tilespmem:$0x43B8] =	vst v0  }
0x328: {  	[tilespmem:$0x43A8] =	vst v0  }
0x329: {  	[tilespmem:$0x4398] =	vst v0  }
0x32a: {  	[tilespmem:$0x3468] =	vst v0  }
0x32b: {  	[tilespmem:$0x3478] =	vst v0  }
0x32c: {  	[tilespmem:$0x3488] =	vst v0  }
0x32d: {  	[tilespmem:$0x3498] =	vst v0  }
0x32e: {  	[tilespmem:$0x34A8] =	vst v0  }
0x32f: {  	[tilespmem:$0x34B8] =	vst v0  }
0x330: {  	[tilespmem:$0x34C8] =	vst v0  }
0x331: {  	[tilespmem:$0x34D8] =	vst v0  }
0x332: {  	[tilespmem:$0x34E8] =	vst v0  }
0x333: {  	[tilespmem:$0x34F8] =	vst v0  }
0x334: {  	[tilespmem:$0x3508] =	vst v0  }
0x335: {  	[tilespmem:$0x3518] =	vst v0  }
0x336: {  	[tilespmem:$0x3528] =	vst v0  }
0x337: {  	[tilespmem:$0x3538] =	vst v0  }
0x338: {  	[tilespmem:$0x3548] =	vst v0  }
0x339: {  	[tilespmem:$0x3558] =	vst v0  }
0x33a: {  	[tilespmem:$0x3568] =	vst v0  }
0x33b: {  	[tilespmem:$0x3578] =	vst v0  }
0x33c: {  	[tilespmem:$0x3588] =	vst v0  }
0x33d: {  	[tilespmem:$0x3598] =	vst v0  }
0x33e: {  	[tilespmem:$0x35A8] =	vst v0  }
0x33f: {  	[tilespmem:$0x35B8] =	vst v0  }
0x340: {  	[tilespmem:$0x35C8] =	vst v0  }
0x341: {  	[tilespmem:$0x35D8] =	vst v0  }
0x342: {  	[tilespmem:$0x35E8] =	vst v0  }
0x343: {  	[tilespmem:$0x35F8] =	vst v0  }
0x344: {  	[tilespmem:$0x3608] =	vst v0  }
0x345: {  	[tilespmem:$0x3618] =	vst v0  }
0x346: {  	[tilespmem:$0x3628] =	vst v0  }
0x347: {  	[tilespmem:$0x3638] =	vst v0  }
0x348: {  	[tilespmem:$0x3648] =	vst v0  }
0x349: {  	[tilespmem:$0x3658] =	vst v0  }
0x34a: {  	[tilespmem:$0x3668] =	vst v0  }
0x34b: {  	[tilespmem:$0x3678] =	vst v0  }
0x34c: {  	[tilespmem:$0x3688] =	vst v0  }
0x34d: {  	[tilespmem:$0x3698] =	vst v0  }
0x34e: {  	[tilespmem:$0x36A8] =	vst v0  }
0x34f: {  	[tilespmem:$0x36B8] =	vst v0  }
0x350: {  	[tilespmem:$0x36C8] =	vst v0  }
0x351: {  	[tilespmem:$0x36D8] =	vst v0  }
0x352: {  	[tilespmem:$0x36E8] =	vst v0  }
0x353: {  	[tilespmem:$0x36F8] =	vst v0  }
0x354: {  	[tilespmem:$0x3708] =	vst v0  }
0x355: {  	[tilespmem:$0x3718] =	vst v0  }
0x356: {  	[tilespmem:$0x3728] =	vst v0  }
0x357: {  	[tilespmem:$0x3738] =	vst v0  }
0x358: {  	[tilespmem:$0x3748] =	vst v0  }
0x359: {  	[tilespmem:$0x3758] =	vst v0  }
0x35a: {  	[tilespmem:$0x3768] =	vst v0  }
0x35b: {  	[tilespmem:$0x3778] =	vst v0  }
0x35c: {  	[tilespmem:$0x3788] =	vst v0  }
0x35d: {  	[tilespmem:$0x3798] =	vst v0  }
0x35e: {  	[tilespmem:$0x37A8] =	vst v0  }
0x35f: {  	[tilespmem:$0x37B8] =	vst v0  }
0x360: {  	[tilespmem:$0x37C8] =	vst v0  }
0x361: {  	[tilespmem:$0x37D8] =	vst v0  }
0x362: {  	[tilespmem:$0x37E8] =	vst v0  }
0x363: {  	[tilespmem:$0x37F8] =	vst v0  }
0x364: {  	[tilespmem:$0x3808] =	vst v0  }
0x365: {  	[tilespmem:$0x3818] =	vst v0  }
0x366: {  	[tilespmem:$0x3828] =	vst v0  }
0x367: {  	[tilespmem:$0x3838] =	vst v0  }
0x368: {  	[tilespmem:$0x3848] =	vst v0  }
0x369: {  	[tilespmem:$0x3858] =	vst v0  }
0x36a: {  	[tilespmem:$0x3868] =	vst v0  }
0x36b: {  	[tilespmem:$0x3878] =	vst v0  }
0x36c: {  	[tilespmem:$0x3888] =	vst v0  }
0x36d: {  	[tilespmem:$0x3898] =	vst v0  }
0x36e: {  	[tilespmem:$0x38A8] =	vst v0  }
0x36f: {  	[tilespmem:$0x38B8] =	vst v0  }
0x370: {  	[tilespmem:$0x38C8] =	vst v0  }
0x371: {  	[tilespmem:$0x38D8] =	vst v0  }
0x372: {  	[tilespmem:$0x38E8] =	vst v0  }
0x373: {  	[tilespmem:$0x38F8] =	vst v0  }
0x374: {  	[tilespmem:$0x3908] =	vst v0  }
0x375: {  	[tilespmem:$0x3918] =	vst v0  }
0x376: {  	[tilespmem:$0x3928] =	vst v0  }
0x377: {  	[tilespmem:$0x3938] =	vst v0  }
0x378: {  	[tilespmem:$0x3948] =	vst v0  }
0x379: {  	[tilespmem:$0x3958] =	vst v0  }
0x37a: {  	[tilespmem:$0x3968] =	vst v0  }
0x37b: {  	[tilespmem:$0x3978] =	vst v0  }
0x37c: {  	[tilespmem:$0x3988] =	vst v0  }
0x37d: {  	[tilespmem:$0x3998] =	vst v0  }
0x37e: {  	[tilespmem:$0x39A8] =	vst v0  }
0x37f: {  	[tilespmem:$0x39B8] =	vst v0  }
0x380: {  	[tilespmem:$0x39C8] =	vst v0  }
0x381: {  	[tilespmem:$0x39D8] =	vst v0  }
0x382: {  	[tilespmem:$0x39E8] =	vst v0  }
0x383: {  	[tilespmem:$0x39F8] =	vst v0  }
0x384: {  	[tilespmem:$0x3A08] =	vst v0  }
0x385: {  	[tilespmem:$0x3A18] =	vst v0  }
0x386: {  	[tilespmem:$0x3A28] =	vst v0  }
0x387: {  	[tilespmem:$0x3A38] =	vst v0  }
0x388: {  	[tilespmem:$0x3A48] =	vst v0  }
0x389: {  	[tilespmem:$0x3A58] =	vst v0  }
0x38a: {  	[tilespmem:$0x3A68] =	vst v0  }
0x38b: {  	[tilespmem:$0x3A78] =	vst v0  }
0x38c: {  	[tilespmem:$0x3A88] =	vst v0  }
0x38d: {  	[tilespmem:$0x3A98] =	vst v0  }
0x38e: {  	[tilespmem:$0x3AA8] =	vst v0  }
0x38f: {  	[tilespmem:$0x3AB8] =	vst v0  }
0x390: {  	[tilespmem:$0x3AC8] =	vst v0  }
0x391: {  	[tilespmem:$0x3AD8] =	vst v0  }
0x392: {  	[tilespmem:$0x3AE8] =	vst v0  }
0x393: {  	[tilespmem:$0x3AF8] =	vst v0  }
0x394: {  	[tilespmem:$0x3B08] =	vst v0  }
0x395: {  	[tilespmem:$0x3B18] =	vst v0  }
0x396: {  	[tilespmem:$0x3B28] =	vst v0  }
0x397: {  	[tilespmem:$0x3B38] =	vst v0  }
0x398: {  	[tilespmem:$0x3B48] =	vst v0  }
0x399: {  	[tilespmem:$0x3B58] =	vst v0  }
0x39a: {  	[tilespmem:$0x3B68] =	vst v0  }
0x39b: {  	[tilespmem:$0x3B78] =	vst v0  }
0x39c: {  	[tilespmem:$0x3B88] =	vst v0  }
0x39d: {  	[tilespmem:$0x3B98] =	vst v0  }
0x39e: {  	[tilespmem:$0x3BA8] =	vst v0  }
0x39f: {  	[tilespmem:$0x3BB8] =	vst v0  }
0x3a0: {  	[tilespmem:$0x3BC8] =	vst v0  }
0x3a1: {  	[tilespmem:$0x3BD8] =	vst v0  }
0x3a2: {  	[tilespmem:$0x3BE8] =	vst v0  }
0x3a3: {  	[tilespmem:$0x3BF8] =	vst v0  }
0x3a4: {  	[tilespmem:$0x3C08] =	vst v0  }
0x3a5: {  	[tilespmem:$0x3C18] =	vst v0  }
0x3a6: {  	[tilespmem:$0x3C28] =	vst v0  }
0x3a7: {  	[tilespmem:$0x3C38] =	vst v0  }
0x3a8: {  	[tilespmem:$0x3C48] =	vst v0  }
0x3a9: {  	[tilespmem:$0x3C58] =	vst v0  }
0x3aa: {  	[tilespmem:$0x3C68] =	vst v0  }
0x3ab: {  	[tilespmem:$0x3C78] =	vst v0  }
0x3ac: {  	[tilespmem:$0x3C88] =	vst v0  }
0x3ad: {  	[tilespmem:$0x3C98] =	vst v0  }
0x3ae: {  	[tilespmem:$0x3CA8] =	vst v0  }
0x3af: {  	[tilespmem:$0x3CB8] =	vst v0  }
0x3b0: {  	[tilespmem:$0x3CC8] =	vst v0  }
0x3b1: {  	[tilespmem:$0x3CD8] =	vst v0  }
0x3b2: {  	[tilespmem:$0x3CE8] =	vst v0  }
0x3b3: {  	[tilespmem:$0x3CF8] =	vst v0  }
0x3b4: {  	[tilespmem:$0x3D08] =	vst v0  }
0x3b5: {  	[tilespmem:$0x3D18] =	vst v0  }
0x3b6: {  	[tilespmem:$0x3D28] =	vst v0  }
0x3b7: {  	[tilespmem:$0x3D38] =	vst v0  }
0x3b8: {  	[tilespmem:$0x3D48] =	vst v0  }
0x3b9: {  	[tilespmem:$0x3D58] =	vst v0  }
0x3ba: {  	[tilespmem:$0x3D68] =	vst v0  }
0x3bb: {  	[tilespmem:$0x3D78] =	vst v0  }
0x3bc: {  	[tilespmem:$0x3D88] =	vst v0  }
0x3bd: {  	[tilespmem:$0x3D98] =	vst v0  }
0x3be: {  	[tilespmem:$0x3DA8] =	vst v0  }
0x3bf: {  	[tilespmem:$0x3DB8] =	vst v0  }
0x3c0: {  	[tilespmem:$0x3DC8] =	vst v0  }
0x3c1: {  	[tilespmem:$0x3DD8] =	vst v0  }
0x3c2: {  	[tilespmem:$0x3DE8] =	vst v0  }
0x3c3: {  	[tilespmem:$0x3DF8] =	vst v0  }
0x3c4: {  	[tilespmem:$0x3E08] =	vst v0  }
0x3c5: {  	[tilespmem:$0x3E18] =	vst v0  }
0x3c6: {  	[tilespmem:$0x3E28] =	vst v0  }
0x3c7: {  	[tilespmem:$0x3E38] =	vst v0  }
0x3c8: {  	[tilespmem:$0x3E48] =	vst v0  }
0x3c9: {  	[tilespmem:$0x3E58] =	vst v0  }
0x3ca: {  	[tilespmem:$0x3E68] =	vst v0  }
0x3cb: {  	[tilespmem:$0x3E78] =	vst v0  }
0x3cc: {  	[tilespmem:$0x3E88] =	vst v0  }
0x3cd: {  	[tilespmem:$0x3E98] =	vst v0  }
0x3ce: {  	[tilespmem:$0x3EA8] =	vst v0  }
0x3cf: {  	[tilespmem:$0x3EB8] =	vst v0  }
0x3d0: {  	[tilespmem:$0x3EC8] =	vst v0  }
0x3d1: {  	[tilespmem:$0x3ED8] =	vst v0  }
0x3d2: {  	[tilespmem:$0x3EE8] =	vst v0  }
0x3d3: {  	[tilespmem:$0x3EF8] =	vst v0  }
0x3d4: {  	[tilespmem:$0x3F08] =	vst v0  }
0x3d5: {  	[tilespmem:$0x3F18] =	vst v0  }
0x3d6: {  	[tilespmem:$0x3F28] =	vst v0  }
0x3d7: {  	[tilespmem:$0x3F38] =	vst v0  }
0x3d8: {  	[tilespmem:$0x3F48] =	vst v0  }
0x3d9: {  	[tilespmem:$0x3F58] =	vst v0  }
0x3da: {  	[tilespmem:$0x3F68] =	vst v0  }
0x3db: {  	[tilespmem:$0x3F78] =	vst v0  }
0x3dc: {  	[tilespmem:$0x3F88] =	vst v0  }
0x3dd: {  	[tilespmem:$0x3F98] =	vst v0  }
0x3de: {  	[tilespmem:$0x3FA8] =	vst v0  }
0x3df: {  	[tilespmem:$0x3FB8] =	vst v0  }
0x3e0: {  	[tilespmem:$0x3FC8] =	vst v0  }
0x3e1: {  	[tilespmem:$0x3FD8] =	vst v0  }
0x3e2: {  	[tilespmem:$0x3FE8] =	vst v0  }
0x3e3: {  	[tilespmem:$0x3FF8] =	vst v0  }
0x3e4: {  	[tilespmem:$0x4008] =	vst v0  }
0x3e5: {  	[tilespmem:$0x4018] =	vst v0  }
0x3e6: {  	[tilespmem:$0x4028] =	vst v0  }
0x3e7: {  	[tilespmem:$0x4038] =	vst v0  }
0x3e8: {  	[tilespmem:$0x4048] =	vst v0  }
0x3e9: {  	[tilespmem:$0x4058] =	vst v0  }
0x3ea: {  	[tilespmem:$0x4068] =	vst v0  }
0x3eb: {  	[tilespmem:$0x4078] =	vst v0  }
0x3ec: {  	[tilespmem:$0x4088] =	vst v0  }
0x3ed: {  	[tilespmem:$0x4098] =	vst v0  }
0x3ee: {  	[tilespmem:$0x40A8] =	vst v0  }
0x3ef: {  	[tilespmem:$0x40B8] =	vst v0  }
0x3f0: {  	[tilespmem:$0x40C8] =	vst v0  }
0x3f1: {  	[tilespmem:$0x40D8] =	vst v0  }
0x3f2: {  	[tilespmem:$0x40E8] =	vst v0  }
0x3f3: {  	[tilespmem:$0x40F8] =	vst v0  }
0x3f4: {  	[tilespmem:$0x4108] =	vst v0  }
0x3f5: {  	[tilespmem:$0x4118] =	vst v0  }
0x3f6: {  	[tilespmem:$0x4128] =	vst v0  }
0x3f7: {  	[tilespmem:$0x4138] =	vst v0  }
0x3f8: {  	[tilespmem:$0x4148] =	vst v0  }
0x3f9: {  	[tilespmem:$0x4158] =	vst v0  }
0x3fa: {  	[tilespmem:$0x4168] =	vst v0  }
0x3fb: {  	[tilespmem:$0x4178] =	vst v0  }
0x3fc: {  	[tilespmem:$0x4188] =	vst v0  }
0x3fd: {  	[tilespmem:$0x4198] =	vst v0  }
0x3fe: {  	[tilespmem:$0x41A8] =	vst v0  }
0x3ff: {  	[tilespmem:$0x41B8] =	vst v0  }
0x400: {  	[tilespmem:$0x41C8] =	vst v0  }
0x401: {  	[tilespmem:$0x41D8] =	vst v0  }
0x402: {  	[tilespmem:$0x41E8] =	vst v0  }
0x403: {  	[tilespmem:$0x41F8] =	vst v0  }
0x404: {  	[tilespmem:$0x4208] =	vst v0  }
0x405: {  	[tilespmem:$0x4218] =	vst v0  }
0x406: {  	[tilespmem:$0x4228] =	vst v0  }
0x407: {  	[tilespmem:$0x4238] =	vst v0  }
0x408: {  	[tilespmem:$0x4248] =	vst v0  }
0x409: {  	[tilespmem:$0x4258] =	vst v0  }
0x40a: {  	[tilespmem:$0x4268] =	vst v0  }
0x40b: {  	[tilespmem:$0x4278] =	vst v0  }
0x40c: {  	[tilespmem:$0x4288] =	vst v0  }
0x40d: {  	[tilespmem:$0x4298] =	vst v0  }
0x40e: {  	[tilespmem:$0x42A8] =	vst v0  }
0x40f: {  	[tilespmem:$0x42B8] =	vst v0  }
0x410: {  	[tilespmem:$0x42C8] =	vst v0  }
0x411: {  	[tilespmem:$0x42D8] =	vst v0  }
0x412: {  	[tilespmem:$0x42E8] =	vst v0  }
0x413: {  	[tilespmem:$0x42F8] =	vst v0  }
0x414: {  	[tilespmem:$0x4308] =	vst v0  }
0x415: {  	[tilespmem:$0x4318] =	vst v0  }
0x416: {  	[tilespmem:$0x4328] =	vst v0  }
0x417: {  	[tilespmem:$0x4338] =	vst v0  }
0x418: {  	[tilespmem:$0x4348] =	vst v0  }
0x419: {  	[tilespmem:$0x4358] =	vst v0  }
0x41a: {  	[tilespmem:$0x43C8] =	vst v0  }
0x41b: {  	[tilespmem:$0x43D8] =	vst v0  }
0x41c: {  	[tilespmem:$0x43E8] =	vst v0  }
0x41d: {  	[tilespmem:$0x43F8] =	vst v0  }
0x41e: {  	[tilespmem:$0x4408] =	vst v0  }
0x41f: {  	[tilespmem:$0x4418] =	vst v0  }
0x420: {  	[tilespmem:$0x4428] =	vst v0  }
0x421: {  	[tilespmem:$0x4438] =	vst v0  }
0x422: {  	[tilespmem:$0x4448] =	vst v0  }
0x423: {  	[tilespmem:$0x4458] =	vst v0  }
0x424: {  	[tilespmem:$0x4468] =	vst v0  }
0x425: {  	[tilespmem:$0x4478] =	vst v0  }
0x426: {  	[tilespmem:$0x4488] =	vst v0  }
0x427: {  	[tilespmem:$0x4498] =	vst v0  }
0x428: {  	[tilespmem:$0x44A8] =	vst v0  }
0x429: {  	[tilespmem:$0x44B8] =	vst v0  }
0x42a: {  	[tilespmem:$0x44C8] =	vst v0  }
0x42b: {  	[tilespmem:$0x44D8] =	vst v0  }
0x42c: {  	[tilespmem:$0x44E8] =	vst v0  }
0x42d: {  	[tilespmem:$0x44F8] =	vst v0  }
0x42e: {  	[tilespmem:$0x4508] =	vst v0  }
0x42f: {  	[tilespmem:$0x4518] =	vst v0  }
0x430: {  	[tilespmem:$0x4528] =	vst v0  }
0x431: {  	[tilespmem:$0x4538] =	vst v0  }
0x432: {  	[tilespmem:$0x4548] =	vst v0  }
0x433: {  	[tilespmem:$0x4558] =	vst v0  }
0x434: {  	[tilespmem:$0x4568] =	vst v0  }
0x435: {  	[tilespmem:$0x4578] =	vst v0  }
0x436: {  	[tilespmem:$0x4588] =	vst v0  }
0x437: {  	[tilespmem:$0x4598] =	vst v0  }
0x438: {  	[tilespmem:$0x45A8] =	vst v0  }
0x439: {  	[tilespmem:$0x45B8] =	vst v0  }
0x43a: {  	[tilespmem:$0x45C8] =	vst v0  }
0x43b: {  	[tilespmem:$0x45D8] =	vst v0  }
0x43c: {  	[tilespmem:$0x45E8] =	vst v0  }
0x43d: {  	[tilespmem:$0x45F8] =	vst v0  }
0x43e: {  	[tilespmem:$0x4608] =	vst v0  }
0x43f: {  	[tilespmem:$0x4618] =	vst v0  }
0x440: {  	[tilespmem:$0x4628] =	vst v0  }
0x441: {  	[tilespmem:$0x4638] =	vst v0  }
0x442: {  	[tilespmem:$0x4648] =	vst v0  }
0x443: {  	[tilespmem:$0x4658] =	vst v0  }
0x444: {  	[tilespmem:$0x4668] =	vst v0  }
0x445: {  	[tilespmem:$0x4678] =	vst v0  }
0x446: {  	[tilespmem:$0x4688] =	vst v0  }
0x447: {  	[tilespmem:$0x4698] =	vst v0  }
0x448: {  	[tilespmem:$0x46A8] =	vst v0  }
0x449: {  	[tilespmem:$0x46B8] =	vst v0  }
0x44a: {  	[tilespmem:$0x46C8] =	vst v0  }
0x44b: {  	[tilespmem:$0x46D8] =	vst v0  }
0x44c: {  	[tilespmem:$0x46E8] =	vst v0  }
0x44d: {  	[tilespmem:$0x46F8] =	vst v0  }
0x44e: {  	[tilespmem:$0x4708] =	vst v0  }
0x44f: {  	[tilespmem:$0x4718] =	vst v0  }
0x450: {  	[tilespmem:$0x4728] =	vst v0  }
0x451: {  	[tilespmem:$0x4738] =	vst v0  }
0x452: {  	[tilespmem:$0x4748] =	vst v0  }
0x453: {  	[tilespmem:$0x4758] =	vst v0  }
0x454: {  	[tilespmem:$0x4768] =	vst v0  }
0x455: {  	[tilespmem:$0x4778] =	vst v0  }
0x456: {  	[tilespmem:$0x4788] =	vst v0  }
0x457: {  	[tilespmem:$0x4798] =	vst v0  }
0x458: {  	[tilespmem:$0x47A8] =	vst v0  }
0x459: {  	[tilespmem:$0x47B8] =	vst v0  }
0x45a: {  	[tilespmem:$0x47C8] =	vst v0  }
0x45b: {  	[tilespmem:$0x47D8] =	vst v0  }
0x45c: {  	[tilespmem:$0x47E8] =	vst v0  }
0x45d: {  	[tilespmem:$0x47F8] =	vst v0  }
0x45e: {  	[tilespmem:$0x4808] =	vst v0  }
0x45f: {  	[tilespmem:$0x4818] =	vst v0  }
0x460: {  	[tilespmem:$0x4828] =	vst v0  }
0x461: {  	[tilespmem:$0x4838] =	vst v0  }
0x462: {  	[tilespmem:$0x4848] =	vst v0  }
0x463: {  	[tilespmem:$0x4858] =	vst v0  }
0x464: {  	[tilespmem:$0x4868] =	vst v0  }
0x465: {  	[tilespmem:$0x4878] =	vst v0  }
0x466: {  	[tilespmem:$0x4888] =	vst v0  }
0x467: {  	[tilespmem:$0x4898] =	vst v0  }
0x468: {  	[tilespmem:$0x48A8] =	vst v0  }
0x469: {  	[tilespmem:$0x48B8] =	vst v0  }
0x46a: {  	[tilespmem:$0x48C8] =	vst v0  }
0x46b: {  	[tilespmem:$0x48D8] =	vst v0  }
0x46c: {  	[tilespmem:$0x48E8] =	vst v0  }
0x46d: {  	[tilespmem:$0x48F8] =	vst v0  }
0x46e: {  	[tilespmem:$0x4908] =	vst v0  }
0x46f: {  	[tilespmem:$0x4918] =	vst v0  }
0x470: {  	[tilespmem:$0x4928] =	vst v0  }
0x471: {  	[tilespmem:$0x4938] =	vst v0  }
0x472: {  	[tilespmem:$0x4948] =	vst v0  }
0x473: {  	[tilespmem:$0x4958] =	vst v0  }
0x474: {  	[tilespmem:$0x4968] =	vst v0  }
0x475: {  	[tilespmem:$0x4978] =	vst v0  }
0x476: {  	[tilespmem:$0x4988] =	vst v0  }
0x477: {  	[tilespmem:$0x4998] =	vst v0  }
0x478: {  	[tilespmem:$0x49A8] =	vst v0  }
0x479: {  	[tilespmem:$0x49B8] =	vst v0  }
0x47a: {  	[tilespmem:$0x49C8] =	vst v0  }
0x47b: {  	[tilespmem:$0x49D8] =	vst v0  }
0x47c: {  	[tilespmem:$0x49E8] =	vst v0  }
0x47d: {  	[tilespmem:$0x49F8] =	vst v0  }
0x47e: {  	[tilespmem:$0x4A08] =	vst v0  }
0x47f: {  	[tilespmem:$0x4A18] =	vst v0  }
0x480: {  	[tilespmem:$0x4A28] =	vst v0  }
0x481: {  	[tilespmem:$0x4A38] =	vst v0  }
0x482: {  	[tilespmem:$0x4A48] =	vst v0  }
0x483: {  	[tilespmem:$0x4A58] =	vst v0  }
0x484: {  	[tilespmem:$0x4A68] =	vst v0  }
0x485: {  	[tilespmem:$0x4A78] =	vst v0  }
0x486: {  	[tilespmem:$0x4A88] =	vst v0  }
0x487: {  	[tilespmem:$0x4A98] =	vst v0  }
0x488: {  	[tilespmem:$0x4AA8] =	vst v0  }
0x489: {  	[tilespmem:$0x4AB8] =	vst v0  }
0x48a: {  	[tilespmem:$0x4AC8] =	vst v0  }
0x48b: {  	[tilespmem:$0x4AD8] =	vst v0  }
0x48c: {  	[tilespmem:$0x4AE8] =	vst v0  }
0x48d: {  	[tilespmem:$0x4AF8] =	vst v0  }
0x48e: {  	[tilespmem:$0x4B08] =	vst v0  }
0x48f: {  	[tilespmem:$0x4B18] =	vst v0  }
0x490: {  	[tilespmem:$0x4B28] =	vst v0  }
0x491: {  	[tilespmem:$0x4B38] =	vst v0  }
0x492: {  	[tilespmem:$0x4B48] =	vst v0  }
0x493: {  	[tilespmem:$0x4B58] =	vst v0  }
0x494: {  	[tilespmem:$0x4B68] =	vst v0  }
0x495: {  	[tilespmem:$0x4B78] =	vst v0  }
0x496: {  	[tilespmem:$0x4B88] =	vst v0  }
0x497: {  	[tilespmem:$0x4B98] =	vst v0  }
0x498: {  	[tilespmem:$0x4BA8] =	vst v0  }
0x499: {  	[tilespmem:$0x4BB8] =	vst v0  }
0x49a: {  	[tilespmem:$0x4BC8] =	vst v0  }
0x49b: {  	[tilespmem:$0x4BD8] =	vst v0  }
0x49c: {  	[tilespmem:$0x4BE8] =	vst v0  }
0x49d: {  	[tilespmem:$0x4BF8] =	vst v0  }
0x49e: {  	[tilespmem:$0x4C08] =	vst v0  }
0x49f: {  	[tilespmem:$0x4C18] =	vst v0  }
0x4a0: {  	[tilespmem:$0x4C28] =	vst v0  }
0x4a1: {  	[tilespmem:$0x4C38] =	vst v0  }
0x4a2: {  	[tilespmem:$0x4C48] =	vst v0  }
0x4a3: {  	[tilespmem:$0x4C58] =	vst v0  }
0x4a4: {  	[tilespmem:$0x4C68] =	vst v0  }
0x4a5: {  	[tilespmem:$0x4C78] =	vst v0  }
0x4a6: {  	[tilespmem:$0x4C88] =	vst v0  }
0x4a7: {  	[tilespmem:$0x4C98] =	vst v0  }
0x4a8: {  	[tilespmem:$0x4CA8] =	vst v0  }
0x4a9: {  	[tilespmem:$0x4CB8] =	vst v0  }
0x4aa: {  	[tilespmem:$0x4CC8] =	vst v0  }
0x4ab: {  	[tilespmem:$0x4CD8] =	vst v0  }
0x4ac: {  	[tilespmem:$0x4CE8] =	vst v0  }
0x4ad: {  	[tilespmem:$0x4CF8] =	vst v0  }
0x4ae: {  	[tilespmem:$0x4D08] =	vst v0  }
0x4af: {  	[tilespmem:$0x4D18] =	vst v0  }
0x4b0: {  	[tilespmem:$0x4D28] =	vst v0  }
0x4b1: {  	[tilespmem:$0x4D38] =	vst v0  }
0x4b2: {  	[tilespmem:$0x4D48] =	vst v0  }
0x4b3: {  	[tilespmem:$0x4D58] =	vst v0  }
0x4b4: {  	[tilespmem:$0x4D68] =	vst v0  }
0x4b5: {  	[tilespmem:$0x4D78] =	vst v0  }
0x4b6: {  	[tilespmem:$0x4D88] =	vst v0  }
0x4b7: {  	[tilespmem:$0x4D98] =	vst v0  }
0x4b8: {  	[tilespmem:$0x4DA8] =	vst v0  }
0x4b9: {  	[tilespmem:$0x4DB8] =	vst v0  }
0x4ba: {  	[tilespmem:$0x4DC8] =	vst v0  }
0x4bb: {  	[tilespmem:$0x4DD8] =	vst v0  }
0x4bc: {  	[tilespmem:$0x4DE8] =	vst v0  }
0x4bd: {  	[tilespmem:$0x4DF8] =	vst v0  }
0x4be: {  	[tilespmem:$0x4E08] =	vst v0  }
0x4bf: {  	[tilespmem:$0x4E18] =	vst v0  }
0x4c0: {  	[tilespmem:$0x4E28] =	vst v0  }
0x4c1: {  	[tilespmem:$0x4E38] =	vst v0  }
0x4c2: {  	[tilespmem:$0x4E48] =	vst v0  }
0x4c3: {  	[tilespmem:$0x4E58] =	vst v0  }
0x4c4: {  	[tilespmem:$0x4E68] =	vst v0  }
0x4c5: {  	[tilespmem:$0x4E78] =	vst v0  }
0x4c6: {  	[tilespmem:$0x4E88] =	vst v0  }
0x4c7: {  	[tilespmem:$0x4E98] =	vst v0  }
0x4c8: {  	[tilespmem:$0x4EA8] =	vst v0  }
0x4c9: {  	[tilespmem:$0x4EB8] =	vst v0  }
0x4ca: {  	[tilespmem:$0x4EC8] =	vst v0  }
0x4cb: {  	[tilespmem:$0x4ED8] =	vst v0  }
0x4cc: {  	[tilespmem:$0x4EE8] =	vst v0  }
0x4cd: {  	[tilespmem:$0x4EF8] =	vst v0  }
0x4ce: {  	[tilespmem:$0x4F08] =	vst v0  }
0x4cf: {  	[tilespmem:$0x4F18] =	vst v0  }
0x4d0: {  	[tilespmem:$0x4F28] =	vst v0  }
0x4d1: {  	[tilespmem:$0x4F38] =	vst v0  }
0x4d2: {  	[tilespmem:$0x4F48] =	vst v0  }
0x4d3: {  	[tilespmem:$0x4F58] =	vst v0  }
0x4d4: {  	[tilespmem:$0x4F68] =	vst v0  }
0x4d5: {  	[tilespmem:$0x4F78] =	vst v0  }
0x4d6: {  	[tilespmem:$0x4F88] =	vst v0  }
0x4d7: {  	[tilespmem:$0x4F98] =	vst v0  }
0x4d8: {  	[tilespmem:$0x4FA8] =	vst v0  }
0x4d9: {  	[tilespmem:$0x4FB8] =	vst v0  }
0x4da: {  	[tilespmem:$0x4FC8] =	vst v0  }
0x4db: {  	[tilespmem:$0x4FD8] =	vst v0  }
0x4dc: {  	[tilespmem:$0x4FE8] =	vst v0  }
0x4dd: {  	[tilespmem:$0x4FF8] =	vst v0  }
0x4de: {  	[tilespmem:$0x5008] =	vst v0  }
0x4df: {  	[tilespmem:$0x5018] =	vst v0  }
0x4e0: {  	[tilespmem:$0x5028] =	vst v0  }
0x4e1: {  	[tilespmem:$0x5038] =	vst v0  }
0x4e2: {  	[tilespmem:$0x5048] =	vst v0  }
0x4e3: {  	[tilespmem:$0x5058] =	vst v0  }
0x4e4: {  	[tilespmem:$0x5068] =	vst v0  }
0x4e5: {  	[tilespmem:$0x5078] =	vst v0  }
0x4e6: {  	[tilespmem:$0x5088] =	vst v0  }
0x4e7: {  	[tilespmem:$0x5098] =	vst v0  }
0x4e8: {  	[tilespmem:$0x50A8] =	vst v0  }
0x4e9: {  	[tilespmem:$0x50B8] =	vst v0  }
0x4ea: {  	[tilespmem:$0x50C8] =	vst v0  }
0x4eb: {  	[tilespmem:$0x50D8] =	vst v0  }
0x4ec: {  	[tilespmem:$0x50E8] =	vst v0  }
0x4ed: {  	[tilespmem:$0x50F8] =	vst v0  }
0x4ee: {  	[tilespmem:$0x5108] =	vst v0  }
0x4ef: {  	[tilespmem:$0x5118] =	vst v0  }
0x4f0: {  	[tilespmem:$0x5128] =	vst v0  }
0x4f1: {  	[tilespmem:$0x5138] =	vst v0  }
0x4f2: {  	[tilespmem:$0x5148] =	vst v0  }
0x4f3: {  	[tilespmem:$0x5158] =	vst v0  }
0x4f4: {  	[tilespmem:$0x5168] =	vst v0  }
0x4f5: {  	[tilespmem:$0x5178] =	vst v0  }
0x4f6: {  	[tilespmem:$0x5188] =	vst v0  }
0x4f7: {  	[tilespmem:$0x5198] =	vst v0  }
0x4f8: {  	[tilespmem:$0x51A8] =	vst v0  }
0x4f9: {  	[tilespmem:$0x51B8] =	vst v0  }
0x4fa: {  	[tilespmem:$0x51C8] =	vst v0  }
0x4fb: {  	[tilespmem:$0x51D8] =	vst v0  }
0x4fc: {  	[tilespmem:$0x51E8] =	vst v0  }
0x4fd: {  	[tilespmem:$0x51F8] =	vst v0  }
0x4fe: {  	[tilespmem:$0x5208] =	vst v0  }
0x4ff: {  	[tilespmem:$0x5218] =	vst v0  }
0x500: {  	[tilespmem:$0x5228] =	vst v0  }
0x501: {  	[tilespmem:$0x5238] =	vst v0  }
0x502: {  	[tilespmem:$0x5248] =	vst v0  }
0x503: {  	[tilespmem:$0x5258] =	vst v0  }
0x504: {  	[tilespmem:$0x5268] =	vst v0  }
0x505: {  	[tilespmem:$0x5278] =	vst v0  }
0x506: {  	[tilespmem:$0x5288] =	vst v0  }
0x507: {  	[tilespmem:$0x5298] =	vst v0  }
0x508: {  	[tilespmem:$0x52A8] =	vst v0  }
0x509: {  	[tilespmem:$0x52B8] =	vst v0  }
0x50a: {  	[tilespmem:$0x52C8] =	vst v0  }
0x50b: {  	[tilespmem:$0x52D8] =	vst v0  }
0x50c: {  	[tilespmem:$0x52E8] =	vst v0  }
0x50d: {  	[tilespmem:$0x52F8] =	vst v0  }
0x50e: {  	[tilespmem:$0x5308] =	vst v0  }
0x50f: {  	[tilespmem:$0x5318] =	vst v0  }
0x510: {  	[tilespmem:$0x5328] =	vst v0  }
0x511: {  	[tilespmem:$0x5338] =	vst v0  }
0x512: {  	[tilespmem:$0x5348] =	vst v0  }
0x513: {  	[tilespmem:$0x5358] =	vst v0  }
0x514: {  	[tilespmem:$0x5368] =	vst v0  }
0x515: {  	[tilespmem:$0x5378] =	vst v0  }
0x516: {  	[tilespmem:$0x5388] =	vst v0  }
0x517: {  	[tilespmem:$0x53A8] =	vst v0  }
0x518: {  	[tilespmem:$0x5458] =	vst v0  }
0x519: {  	[tilespmem:$0x6288] =	vst v0  }
0x51a: {  	[tilespmem:$0x6278] =	vst v0  }
0x51b: {  	[tilespmem:$0x6268] =	vst v0  }
0x51c: {  	[tilespmem:$0x6258] =	vst v0  }
0x51d: {  	[tilespmem:$0x53D8] =	vst v0  }
0x51e: {  	[tilespmem:$0x6248] =	vst v0  }
0x51f: {  	[tilespmem:$0x6238] =	vst v0  }
0x520: {  	[tilespmem:$0x6228] =	vst v0  }
0x521: {  	[tilespmem:$0x6218] =	vst v0  }
0x522: {  	[tilespmem:$0x6208] =	vst v0  }
0x523: {  	[tilespmem:$0x61F8] =	vst v0  }
0x524: {  	[tilespmem:$0x61E8] =	vst v0  }
0x525: {  	[tilespmem:$0x61D8] =	vst v0  }
0x526: {  	[tilespmem:$0x61C8] =	vst v0  }
0x527: {  	[tilespmem:$0x61B8] =	vst v0  }
0x528: {  	[tilespmem:$0x61A8] =	vst v0  }
0x529: {  	[tilespmem:$0x6198] =	vst v0  }
0x52a: {  	[tilespmem:$0x6188] =	vst v0  }
0x52b: {  	[tilespmem:$0x6178] =	vst v0  }
0x52c: {  	[tilespmem:$0x6168] =	vst v0  }
0x52d: {  	[tilespmem:$0x6158] =	vst v0  }
0x52e: {  	[tilespmem:$0x6148] =	vst v0  }
0x52f: {  	[tilespmem:$0x6138] =	vst v0  }
0x530: {  	[tilespmem:$0x6128] =	vst v0  }
0x531: {  	[tilespmem:$0x6118] =	vst v0  }
0x532: {  	[tilespmem:$0x6108] =	vst v0  }
0x533: {  	[tilespmem:$0x60F8] =	vst v0  }
0x534: {  	[tilespmem:$0x60E8] =	vst v0  }
0x535: {  	[tilespmem:$0x60D8] =	vst v0  }
0x536: {  	[tilespmem:$0x60C8] =	vst v0  }
0x537: {  	[tilespmem:$0x60B8] =	vst v0  }
0x538: {  	[tilespmem:$0x60A8] =	vst v0  }
0x539: {  	[tilespmem:$0x6098] =	vst v0  }
0x53a: {  	[tilespmem:$0x6088] =	vst v0  }
0x53b: {  	[tilespmem:$0x6078] =	vst v0  }
0x53c: {  	[tilespmem:$0x6068] =	vst v0  }
0x53d: {  	[tilespmem:$0x6058] =	vst v0  }
0x53e: {  	[tilespmem:$0x6048] =	vst v0  }
0x53f: {  	[tilespmem:$0x6038] =	vst v0  }
0x540: {  	[tilespmem:$0x6028] =	vst v0  }
0x541: {  	[tilespmem:$0x6018] =	vst v0  }
0x542: {  	[tilespmem:$0x6008] =	vst v0  }
0x543: {  	[tilespmem:$0x5FF8] =	vst v0  }
0x544: {  	[tilespmem:$0x5FE8] =	vst v0  }
0x545: {  	[tilespmem:$0x5FD8] =	vst v0  }
0x546: {  	[tilespmem:$0x5FC8] =	vst v0  }
0x547: {  	[tilespmem:$0x5FB8] =	vst v0  }
0x548: {  	[tilespmem:$0x5FA8] =	vst v0  }
0x549: {  	[tilespmem:$0x5F98] =	vst v0  }
0x54a: {  	[tilespmem:$0x5F88] =	vst v0  }
0x54b: {  	[tilespmem:$0x5F78] =	vst v0  }
0x54c: {  	[tilespmem:$0x5F68] =	vst v0  }
0x54d: {  	[tilespmem:$0x5F58] =	vst v0  }
0x54e: {  	[tilespmem:$0x5F48] =	vst v0  }
0x54f: {  	[tilespmem:$0x5F38] =	vst v0  }
0x550: {  	[tilespmem:$0x5F28] =	vst v0  }
0x551: {  	[tilespmem:$0x5F18] =	vst v0  }
0x552: {  	[tilespmem:$0x5F08] =	vst v0  }
0x553: {  	[tilespmem:$0x5EF8] =	vst v0  }
0x554: {  	[tilespmem:$0x5EE8] =	vst v0  }
0x555: {  	[tilespmem:$0x5ED8] =	vst v0  }
0x556: {  	[tilespmem:$0x5EC8] =	vst v0  }
0x557: {  	[tilespmem:$0x5EB8] =	vst v0  }
0x558: {  	[tilespmem:$0x5EA8] =	vst v0  }
0x559: {  	[tilespmem:$0x5E98] =	vst v0  }
0x55a: {  	[tilespmem:$0x5E88] =	vst v0  }
0x55b: {  	[tilespmem:$0x5E78] =	vst v0  }
0x55c: {  	[tilespmem:$0x5E68] =	vst v0  }
0x55d: {  	[tilespmem:$0x5E58] =	vst v0  }
0x55e: {  	[tilespmem:$0x5E48] =	vst v0  }
0x55f: {  	[tilespmem:$0x5E38] =	vst v0  }
0x560: {  	[tilespmem:$0x5E28] =	vst v0  }
0x561: {  	[tilespmem:$0x5E18] =	vst v0  }
0x562: {  	[tilespmem:$0x5E08] =	vst v0  }
0x563: {  	[tilespmem:$0x5DF8] =	vst v0  }
0x564: {  	[tilespmem:$0x5DE8] =	vst v0  }
0x565: {  	[tilespmem:$0x5DD8] =	vst v0  }
0x566: {  	[tilespmem:$0x5DC8] =	vst v0  }
0x567: {  	[tilespmem:$0x5DB8] =	vst v0  }
0x568: {  	[tilespmem:$0x5DA8] =	vst v0  }
0x569: {  	[tilespmem:$0x5D98] =	vst v0  }
0x56a: {  	[tilespmem:$0x5D88] =	vst v0  }
0x56b: {  	[tilespmem:$0x5D78] =	vst v0  }
0x56c: {  	[tilespmem:$0x5D68] =	vst v0  }
0x56d: {  	[tilespmem:$0x5D58] =	vst v0  }
0x56e: {  	[tilespmem:$0x5D48] =	vst v0  }
0x56f: {  	[tilespmem:$0x5D38] =	vst v0  }
0x570: {  	[tilespmem:$0x5D28] =	vst v0  }
0x571: {  	[tilespmem:$0x5D18] =	vst v0  }
0x572: {  	[tilespmem:$0x5D08] =	vst v0  }
0x573: {  	[tilespmem:$0x5CF8] =	vst v0  }
0x574: {  	[tilespmem:$0x5CE8] =	vst v0  }
0x575: {  	[tilespmem:$0x5CD8] =	vst v0  }
0x576: {  	[tilespmem:$0x5CC8] =	vst v0  }
0x577: {  	[tilespmem:$0x5CB8] =	vst v0  }
0x578: {  	[tilespmem:$0x5CA8] =	vst v0  }
0x579: {  	[tilespmem:$0x5C98] =	vst v0  }
0x57a: {  	[tilespmem:$0x5C88] =	vst v0  }
0x57b: {  	[tilespmem:$0x5C78] =	vst v0  }
0x57c: {  	[tilespmem:$0x5C68] =	vst v0  }
0x57d: {  	[tilespmem:$0x5C58] =	vst v0  }
0x57e: {  	[tilespmem:$0x5C48] =	vst v0  }
0x57f: {  	[tilespmem:$0x5C38] =	vst v0  }
0x580: {  	[tilespmem:$0x5C28] =	vst v0  }
0x581: {  	[tilespmem:$0x5C18] =	vst v0  }
0x582: {  	[tilespmem:$0x5C08] =	vst v0  }
0x583: {  	[tilespmem:$0x5BF8] =	vst v0  }
0x584: {  	[tilespmem:$0x5BE8] =	vst v0  }
0x585: {  	[tilespmem:$0x5BD8] =	vst v0  }
0x586: {  	[tilespmem:$0x5BC8] =	vst v0  }
0x587: {  	[tilespmem:$0x5BB8] =	vst v0  }
0x588: {  	[tilespmem:$0x5BA8] =	vst v0  }
0x589: {  	[tilespmem:$0x5B98] =	vst v0  }
0x58a: {  	[tilespmem:$0x5B88] =	vst v0  }
0x58b: {  	[tilespmem:$0x5B78] =	vst v0  }
0x58c: {  	[tilespmem:$0x5B68] =	vst v0  }
0x58d: {  	[tilespmem:$0x5B58] =	vst v0  }
0x58e: {  	[tilespmem:$0x5B48] =	vst v0  }
0x58f: {  	[tilespmem:$0x5B38] =	vst v0  }
0x590: {  	[tilespmem:$0x5B28] =	vst v0  }
0x591: {  	[tilespmem:$0x5B18] =	vst v0  }
0x592: {  	[tilespmem:$0x5B08] =	vst v0  }
0x593: {  	[tilespmem:$0x5AF8] =	vst v0  }
0x594: {  	[tilespmem:$0x5AE8] =	vst v0  }
0x595: {  	[tilespmem:$0x5AD8] =	vst v0  }
0x596: {  	[tilespmem:$0x5AC8] =	vst v0  }
0x597: {  	[tilespmem:$0x5AB8] =	vst v0  }
0x598: {  	[tilespmem:$0x5AA8] =	vst v0  }
0x599: {  	[tilespmem:$0x5A98] =	vst v0  }
0x59a: {  	[tilespmem:$0x5A88] =	vst v0  }
0x59b: {  	[tilespmem:$0x5A78] =	vst v0  }
0x59c: {  	[tilespmem:$0x5A68] =	vst v0  }
0x59d: {  	[tilespmem:$0x5A58] =	vst v0  }
0x59e: {  	[tilespmem:$0x5A48] =	vst v0  }
0x59f: {  	[tilespmem:$0x5A38] =	vst v0  }
0x5a0: {  	[tilespmem:$0x5A28] =	vst v0  }
0x5a1: {  	[tilespmem:$0x5A18] =	vst v0  }
0x5a2: {  	[tilespmem:$0x5A08] =	vst v0  }
0x5a3: {  	[tilespmem:$0x59F8] =	vst v0  }
0x5a4: {  	[tilespmem:$0x59E8] =	vst v0  }
0x5a5: {  	[tilespmem:$0x59D8] =	vst v0  }
0x5a6: {  	[tilespmem:$0x59C8] =	vst v0  }
0x5a7: {  	[tilespmem:$0x59B8] =	vst v0  }
0x5a8: {  	[tilespmem:$0x59A8] =	vst v0  }
0x5a9: {  	[tilespmem:$0x5998] =	vst v0  }
0x5aa: {  	[tilespmem:$0x5988] =	vst v0  }
0x5ab: {  	[tilespmem:$0x5978] =	vst v0  }
0x5ac: {  	[tilespmem:$0x5968] =	vst v0  }
0x5ad: {  	[tilespmem:$0x5958] =	vst v0  }
0x5ae: {  	[tilespmem:$0x5948] =	vst v0  }
0x5af: {  	[tilespmem:$0x5938] =	vst v0  }
0x5b0: {  	[tilespmem:$0x5928] =	vst v0  }
0x5b1: {  	[tilespmem:$0x5918] =	vst v0  }
0x5b2: {  	[tilespmem:$0x5908] =	vst v0  }
0x5b3: {  	[tilespmem:$0x58F8] =	vst v0  }
0x5b4: {  	[tilespmem:$0x58E8] =	vst v0  }
0x5b5: {  	[tilespmem:$0x58D8] =	vst v0  }
0x5b6: {  	[tilespmem:$0x58C8] =	vst v0  }
0x5b7: {  	[tilespmem:$0x58B8] =	vst v0  }
0x5b8: {  	[tilespmem:$0x58A8] =	vst v0  }
0x5b9: {  	[tilespmem:$0x5898] =	vst v0  }
0x5ba: {  	[tilespmem:$0x5888] =	vst v0  }
0x5bb: {  	[tilespmem:$0x5878] =	vst v0  }
0x5bc: {  	[tilespmem:$0x5868] =	vst v0  }
0x5bd: {  	[tilespmem:$0x5858] =	vst v0  }
0x5be: {  	[tilespmem:$0x5848] =	vst v0  }
0x5bf: {  	[tilespmem:$0x5838] =	vst v0  }
0x5c0: {  	[tilespmem:$0x5828] =	vst v0  }
0x5c1: {  	[tilespmem:$0x5818] =	vst v0  }
0x5c2: {  	[tilespmem:$0x5808] =	vst v0  }
0x5c3: {  	[tilespmem:$0x57F8] =	vst v0  }
0x5c4: {  	[tilespmem:$0x57E8] =	vst v0  }
0x5c5: {  	[tilespmem:$0x57D8] =	vst v0  }
0x5c6: {  	[tilespmem:$0x57C8] =	vst v0  }
0x5c7: {  	[tilespmem:$0x57B8] =	vst v0  }
0x5c8: {  	[tilespmem:$0x57A8] =	vst v0  }
0x5c9: {  	[tilespmem:$0x5798] =	vst v0  }
0x5ca: {  	[tilespmem:$0x5788] =	vst v0  }
0x5cb: {  	[tilespmem:$0x5778] =	vst v0  }
0x5cc: {  	[tilespmem:$0x5768] =	vst v0  }
0x5cd: {  	[tilespmem:$0x5758] =	vst v0  }
0x5ce: {  	[tilespmem:$0x5748] =	vst v0  }
0x5cf: {  	[tilespmem:$0x5738] =	vst v0  }
0x5d0: {  	[tilespmem:$0x5728] =	vst v0  }
0x5d1: {  	[tilespmem:$0x5718] =	vst v0  }
0x5d2: {  	[tilespmem:$0x5708] =	vst v0  }
0x5d3: {  	[tilespmem:$0x56F8] =	vst v0  }
0x5d4: {  	[tilespmem:$0x56E8] =	vst v0  }
0x5d5: {  	[tilespmem:$0x56D8] =	vst v0  }
0x5d6: {  	[tilespmem:$0x56C8] =	vst v0  }
0x5d7: {  	[tilespmem:$0x56B8] =	vst v0  }
0x5d8: {  	[tilespmem:$0x56A8] =	vst v0  }
0x5d9: {  	[tilespmem:$0x5698] =	vst v0  }
0x5da: {  	[tilespmem:$0x5688] =	vst v0  }
0x5db: {  	[tilespmem:$0x5678] =	vst v0  }
0x5dc: {  	[tilespmem:$0x5668] =	vst v0  }
0x5dd: {  	[tilespmem:$0x5658] =	vst v0  }
0x5de: {  	[tilespmem:$0x5648] =	vst v0  }
0x5df: {  	[tilespmem:$0x5638] =	vst v0  }
0x5e0: {  	[tilespmem:$0x5628] =	vst v0  }
0x5e1: {  	[tilespmem:$0x5618] =	vst v0  }
0x5e2: {  	[tilespmem:$0x5608] =	vst v0  }
0x5e3: {  	[tilespmem:$0x55F8] =	vst v0  }
0x5e4: {  	[tilespmem:$0x55E8] =	vst v0  }
0x5e5: {  	[tilespmem:$0x55D8] =	vst v0  }
0x5e6: {  	[tilespmem:$0x55C8] =	vst v0  }
0x5e7: {  	[tilespmem:$0x55B8] =	vst v0  }
0x5e8: {  	[tilespmem:$0x55A8] =	vst v0  }
0x5e9: {  	[tilespmem:$0x5598] =	vst v0  }
0x5ea: {  	[tilespmem:$0x5588] =	vst v0  }
0x5eb: {  	[tilespmem:$0x5578] =	vst v0  }
0x5ec: {  	[tilespmem:$0x5568] =	vst v0  }
0x5ed: {  	[tilespmem:$0x5558] =	vst v0  }
0x5ee: {  	[tilespmem:$0x5548] =	vst v0  }
0x5ef: {  	[tilespmem:$0x5538] =	vst v0  }
0x5f0: {  	[tilespmem:$0x5528] =	vst v0  }
0x5f1: {  	[tilespmem:$0x5518] =	vst v0  }
0x5f2: {  	[tilespmem:$0x5508] =	vst v0  }
0x5f3: {  	[tilespmem:$0x54F8] =	vst v0  }
0x5f4: {  	[tilespmem:$0x54E8] =	vst v0  }
0x5f5: {  	[tilespmem:$0x54D8] =	vst v0  }
0x5f6: {  	[tilespmem:$0x54C8] =	vst v0  }
0x5f7: {  	[tilespmem:$0x54B8] =	vst v0  }
0x5f8: {  	[tilespmem:$0x54A8] =	vst v0  }
0x5f9: {  	[tilespmem:$0x5498] =	vst v0  }
0x5fa: {  	s6 =	stileid.u32;
	[tilespmem:$0x5488] =	vst v0  }
0x5fb: {  	s25 =	smul.u32 $0x138, s6;
	[tilespmem:$0x5478] =	vst v0  }
0x5fc: {  	s1 =	smin.u32 s6, $0x8;
	[tilespmem:$0x5468] =	vst v0  }
0x5fd: {  	[tilespmem:$0x5438] =	vst v0;
	s0 =	sadd.s32 s1, s25  }
0x5fe: {  	p0 =	slt.u32 s6, $0x8;
	[tilespmem:$0x5448] =	vst v0;
	s1 =	simm.s32 $0x61D0;
	s21 =	smul.u32 $0x50, s0  }
0x5ff: {  	s4 =	simm.s32 $0x2;
	[tilespmem:$0x5428] =	vst v0;
	s1 =	simm.s32 @!p0 $0x6180  }
0x600: {  	s8 =	simm.s32 $0x9;
	s28 =	simm.s32 $0xA;
	[tilespmem:$0x53B8] =	vst v0;
	s0 =	sadd.s32 s1, s21  }
0x601: {  	s29 =	simm.s32 $0xB;
	p1 =	por $0x0, $0x0;
	[tilespmem:$0x5418] =	vst v0;
	s9 =	smin.u32 s0, $0x61A80  }
0x602: {  	s19 =	simm.s32 $0x80;
	s20 =	simm.s32 $0x400;
	[tilespmem:$0x5408] =	vst v0;
	s0 =	ssub.s32 s9, s21  }
0x603: {  	s18 =	simm.s32 $0xC;
	s22 =	simm.s32 $0x0;
	[tilespmem:$0x53F8] =	vst v0;
	p0 =	sgt.s32 s0, $0x0  }
0x604: {  	s2 =	sand.u32 $0x1, s2;
	s30 =	smul.u32 $0x980, s6;
	s0 =	simm.s32 @!p0 $0x0;
	[tilespmem:$0x53E8] =	vst v0  }
0x605: {  	s24 =	simm.s32 $0x0;
	[dreg:$0x4] =	wrdreg s2;
	s26 =	smulhi.u32 $0x66666667, s0;
	[tilespmem:$0x53C8] =	vst v0  }
0x606: {  	[tilespmem:$0x5398] =	vst v0;
	s2 =	smul.u32 $0xC350, s2;
	[sflag:s4] =	ssyncpa.u1 $0x0;
	v0 =	vimm.s32 $0xFFFFFFFF;
	s4 =	sadd.s32 $0x41B800, s7  }
0x607: {  	[tilespmem:$0xC2C8] =	vst v0;
	[sflag:s8] =	ssyncpa.u1 $0x0;
	s17 =	sshrl.u32 s30, $0x2;
	s1 =	sshrl.u32 s26, $0x5  }
0x608: {  	s25 =	simm.s32 $0x0;
	s2 =	sadd.s32 s2, s7;
	s5 =	smul.u32 $0x50, s1  }
.Ltmp0:
0x609: {  	[sflag:s28] =	ssyncpa.u1 $0x0;
	s7 =	sadd.s32 $0xA98600, s7;
	(pc) =	sbr.rel .LBB2_1-.Ltmp0, $4  }
0x60a: {  	[dreg:$0x6] =	wrdreg s17;
	p0 =	sne.s32 s0, s5;
	s0 =	simm.s32 $0x1  }
0x60b: {  	[sflag:s29] =	ssyncpa.u1 $0x0;
	s31 =	sadd.s32 $0xA7FE00, s2;
	s0 =	simm.s32 @!p0 $0x0  }
0x60c: {  	s13 =	sadd.s32 $0x19A00, s2;
	[dreg:$0x5] =	wrdreg s31;
	s14 =	sadd.s32 s0, s1  }
0x60d: {  	v0 =	vlaneseq.u32;
	s23 =	smov.u32 s21;
	p0 =	por $0x1, $0x1;
	s15 =	sadd.s32 $0x1, s14  }
.LBB2_28:
0x60e: {  	s1 =	sshrl.u32 s1, $0x2  }
.LBB2_30:
0x60f: {  	_ =	swait.ge [sflag:s18], s1  }
0x610: {  	s0 =	ssub.s32 $0x0, s1;
	v1 =	vmov s28;
	vm0 =	veq.s32 v0, $0x0;
	[sflag:s18] =	ssyncset.done $0x0  }
0x611: {  	vm15 =	veq.s32 v0, $0x2;
	v1 =	vsel vm0, s2, v1;
	[sflag:s18] =	ssyncadd.s32 s0  }
0x612: {  	v1 =	vsel vm15, s25, v1;
	[sflag:s18] =	ssyncpa.u1 $0x1  }
0x613: {  	[tilespmem:$0xC2C8] =	vst v1  }
.LBB2_31:
0x614: {  	s0 =	sadd.s32 $0x50, s23  }
0x615: {  	s1 =	smov.u32 s21;
	p2 =	slt.s32 s0, s9  }
0x616: {  	s1 =	smov.u32 @p2 s0;
	p2 =	sne.s32 s24, s15  }
.Ltmp1:
0x617: {  	_ = 	snop;
	(pc) =	sbr.rel @!p2 .LBB2_32-.Ltmp1, $4  }
0x618: {  	_ = 	snop  }
0x619: {  	s25 =	smov.u32 s22  }
0x61a: {  	s31 =	sadd.s32 $0x1, s24;
	s22 =	smov.u32 s23;
	p0 =	por !p0, !p0  }
0x61b: {  	p1 =	por !p1, !p1;
	s24 =	smov.u32 s31;
	s23 =	smov.u32 s1  }
.LBB2_1:
0x61c: {  	p2 =	sge.u32 s24, s14  }
0x61d: {  	s0 =	smulhi.u32 @!p2 $0xAAAAAAAB, s24  }
0x61e: {  	s1 =	smov.u32 s23;
	p3 =	sgt.s32 @!p2 s23, $0x61A30  }
0x61f: {  	s2 =	sshra.s32 @!p2 s23, $0x1F;
	p3 =	por !p3, p2;
	s0 =	sshrl.u32 @!p2 s0, $0x1  }
0x620: {  	s2 =	sand.u32 @!p2 s2, s23;
	s1 =	simm.s32 @p3 $0x61A30;
	s0 =	smul.u32 @!p2 $0x3, s0  }
0x621: {  	s1 =	ssub.s32 @!p2 s1, s2  }
0x622: {  	s1 =	sadd.s32 @!p2 $0xFFF9E5D0, s1;
	s0 =	ssub.s32 @!p2 s24, s0  }
0x623: {  	s2 =	sshll.u32 @!p2 s1, $0x2;
	p3 =	sgt.s32 @!p2 s1, $0x4F;
	s0 =	smul.u32 @!p2 $0x140, s0  }
0x624: {  	s5 =	sand.u32 @!p2 $0x7, s23;
	s1 =	ssub.s32 @!p2 $0x140, s2;
	p3 =	por !p3, p2  }
0x625: {  	s2 =	sshrl.u32 @!p2 s23, $0x3;
	s1 =	sshrl.u32 @!p2 s1, $0x2;
	s0 =	sshrl.u32 @!p2 s0, $0x2  }
0x626: {  	s2 =	sadd.s32 @!p2 s2, s13;
	s1 =	simm.s32 @!p3 $0x0;
	s0 =	sor.u32 @!p2 $0xE908, s0  }
0x627: {  	[tilespmem:s0], [sflag:$0xA] =	stream.linear.gather @!p2 [hbm4b:s2+s5], s1, $0x38;
	[tilespmem:$0x1DA98] =	vst v63  }
0x628: {  	s0 =	sadd.s32 $0xFFFFFFFF, s24  }
0x629: {  	p2 =	sge.u32 s0, s14  }
.Ltmp2:
0x62a: {  	_ = 	snop;
	(pc) =	sbr.rel @p2 .LBB2_13-.Ltmp2, $1  }
0x62b: {  	_ =	sdelay $0x3  }
0x62c: {  	p2 =	sgt.s32 s22, $0x61A30;
	s1 =	smov.u32 s22;
	s2 =	sshra.s32 s22, $0x1F  }
0x62d: {  	s1 =	simm.s32 @!p2 $0x61A30;
	s2 =	sand.u32 s2, s22  }
0x62e: {  	s5 =	smulhi.u32 $0xAAAAAAAB, s0;
	s1 =	ssub.s32 s1, s2  }
0x62f: {  	s1 =	sadd.s32 $0xFFF9E5D0, s1  }
0x630: {  	s17 =	sand.u32 $0x1, s0;
	s5 =	sshrl.u32 s5, $0x1;
	s6 =	sshll.u32 s1, $0x2  }
0x631: {  	s8 =	simm.s32 $0xA;
	s5 =	smul.u32 $0x3, s5;
	s6 =	ssub.s32 $0x140, s6  }
0x632: {  	s30 =	smul.u32 $0x140, s17;
	p2 =	sgt.s32 s1, $0x4F;
	s1 =	sshrl.u32 s6, $0x2  }
0x633: {  	s10 =	sshrl.u32 s22, $0x3;
	s26 =	ssub.s32 s0, s5;
	s1 =	simm.s32 @p2 $0x0  }
0x634: {  	s5 =	sshrl.u32 s30, $0x2;
	s0 =	smul.u32 $0x140, s26;
	_ =	swait.ge [sflag:s8], s1  }
0x635: {  	s5 =	sadd.s32 $0xE9F8, s5;
	s31 =	ssub.s32 $0x0, s1;
	[sflag:s8] =	ssyncset.done $0x0  }
0x636: {  	s28 =	sshrl.u32 s0, $0x2;
	s3 =	rddreg [dreg:$0x5];
	[sflag:s8] =	ssyncadd.s32 s31  }
0x637: {  	s3 =	sadd.s32 s10, s3;
	s8 =	sand.u32 $0x7, s22;
	s10 =	sor.u32 $0xE908, s28  }
0x638: {  	[tilespmem:s5], [sflag:$0xB] =	stream.linear.gather [hbm4b:s3+s8], s1, $0x38;
	[tilespmem:$0x1DA98] =	vst v63  }
0x639: {  	v1 =	vld.msk [tilespmem:s10+$0x0], $0xffff;
	_ =	sdelay $0x3  }
0x63a: {  	s11 =	simm.s32 $0x0  }
0x63b: {  	(v2sf) =	vpush v1, s11;
	_ =	sdelay $0x5  }
0x63c: {  	s12 =	simm.s32 $0x1  }
0x63d: {  	(v2sf) =	vpush v1, s12;
	_ =	sdelay $0x4  }
0x63e: {  	s30 =	simm.s32 $0x2  }
0x63f: {  	(v2sf) =	vpush v1, s30  }
0x640: {  	s31 =	simm.s32 $0x3  }
0x641: {  	s2 =	simm.s32 $0x1;
	s16 =	spop (v2sf);
	(v2sf) =	vpush v1, s31  }
0x642: {  	s2 =	simm.s32 @!p0 $0x0  }
0x643: {  	s2 =	smul.u32 $0x1E000, s2;
	s17 =	sshrl.u32 s16, $0x3  }
0x644: {  	s5 =	sshll.u32 s16, $0x7;
	s6 =	smul.u32 $0xC00, s17  }
0x645: {  	s2 =	sshrl.u32 s2, $0x2;
	s5 =	sand.u32 $0x380, s5  }
0x646: {  	s26 =	sadd.s32 $0x14A98, s2;
	s29 =	sadd.s32 $0x13298, s2;
	s5 =	sor.u32 s5, s6  }
0x647: {  	s0 =	sadd.s32 $0x11A98, s2;
	s1 =	sor.u32 $0x10298, s2;
	s5 =	sshrl.u32 s5, $0x3  }
0x648: {  	s2 =	sadd.s32 $0xEA98, s2;
	s6 =	spop (v2sf);
	s5 =	sadd.s32 s7, s5  }
0x649: {  	[tilespmem:s2], [sflag:$0x9] =	stream.strided.gather [hbm4b:s5+s19], $0x180, s20, s19, $0x38;
	[tilespmem:$0x1DA98] =	vst v63  }
0x64a: {  	s10 =	sshrl.u32 s6, $0x3;
	s5 =	simm.s32 $0x4  }
.LBB2_3:
0x64b: {  	(v2sf) =	vpush v1, s5;
	s10 =	smul.u32 $0xC00, s10;
	s6 =	sshll.u32 s6, $0x7;
	p2 =	seq.s32 s5, $0xF  }
.Ltmp3:
0x64c: {  	s5 =	sadd.s32 $0x1, s5;
	s6 =	sand.u32 $0x380, s6;
	(pc) =	sbr.rel @!p2 .LBB2_3-.Ltmp3, $4  }
0x64d: {  	s10 =	sor.u32 s6, s10  }
0x64e: {  	s6 =	spop (v2sf);
	s11 =	sshrl.u32 s10, $0x3  }
0x64f: {  	s2 =	sadd.s32 $0x180, s2;
	s10 =	sshrl.u32 s6, $0x3;
	s11 =	sadd.s32 s7, s11  }
0x650: {  	[tilespmem:s2], [sflag:$0x9] =	stream.strided.gather [hbm4b:s11+s19], $0x180, s20, s19, $0x38;
	[tilespmem:$0x1DA98] =	vst v63  }
0x651: {  	s5 =	smul.u32 $0xC00, s10;
	s6 =	sshll.u32 s6, $0x7  }
0x652: {  	s6 =	sand.u32 $0x380, s6  }
0x653: {  	s17 =	spop (v2sf);
	s2 =	sadd.s32 $0x180, s2;
	s5 =	sor.u32 s6, s5  }
0x654: {  	s30 =	sshrl.u32 s17, $0x3;
	s6 =	sshll.u32 s17, $0x7;
	s5 =	sshrl.u32 s5, $0x3  }
0x655: {  	s31 =	smul.u32 $0xC00, s30;
	s6 =	sand.u32 $0x380, s6;
	s5 =	sadd.s32 s7, s5  }
0x656: {  	[tilespmem:s2], [sflag:$0x9] =	stream.strided.gather [hbm4b:s5+s19], $0x180, s20, s19, $0x38;
	[tilespmem:$0x1DA98] =	vst v63  }
0x657: {  	s5 =	sor.u32 s6, s31  }
0x658: {  	s5 =	sshrl.u32 s5, $0x3  }
0x659: {  	s2 =	sadd.s32 $0x180, s2;
	s5 =	sadd.s32 s7, s5  }
0x65a: {  	[tilespmem:s2], [sflag:$0x9] =	stream.strided.gather [hbm4b:s5+s19], $0x180, s20, s19, $0x38;
	[tilespmem:$0x1DA98] =	vst v63  }
0x65b: {  	s3 =	spop (v2sf)  }
0x65c: {  	s8 =	sshrl.u32 s3, $0x3  }
0x65d: {  	s6 =	sshll.u32 s3, $0x7;
	s10 =	smul.u32 $0xC00, s8  }
0x65e: {  	s6 =	sand.u32 $0x380, s6  }
0x65f: {  	s5 =	sor.u32 s6, s10  }
0x660: {  	s5 =	sshrl.u32 s5, $0x3  }
0x661: {  	s2 =	sadd.s32 $0x180, s2;
	s5 =	sadd.s32 s7, s5  }
0x662: {  	[tilespmem:s2], [sflag:$0x9] =	stream.strided.gather [hbm4b:s5+s19], $0x180, s20, s19, $0x38;
	[tilespmem:$0x1DA98] =	vst v63  }
0x663: {  	v1 =	vld.msk [tilespmem:s28+$0xE918], $0xffff;
	_ =	sdelay $0x3  }
0x664: {  	s11 =	simm.s32 $0x0  }
0x665: {  	(v2sf) =	vpush v1, s11;
	_ =	sdelay $0x7  }
0x666: {  	s12 =	simm.s32 $0x1  }
0x667: {  	(v2sf) =	vpush v1, s12;
	_ =	sdelay $0x4  }
0x668: {  	s30 =	simm.s32 $0x2  }
0x669: {  	s16 =	spop (v2sf);
	(v2sf) =	vpush v1, s30  }
0x66a: {  	s31 =	simm.s32 $0x3  }
0x66b: {  	(v2sf) =	vpush v1, s31;
	_ =	sdelay $0x1  }
0x66c: {  	s17 =	sshrl.u32 s16, $0x3  }
0x66d: {  	s2 =	sshll.u32 s16, $0x7;
	s5 =	smul.u32 $0xC00, s17  }
0x66e: {  	s2 =	sand.u32 $0x380, s2  }
0x66f: {  	s2 =	sor.u32 s2, s5  }
0x670: {  	s2 =	sshrl.u32 s2, $0x3  }
0x671: {  	s5 =	spop (v2sf);
	s2 =	sadd.s32 s7, s2  }
0x672: {  	[tilespmem:s1], [sflag:$0x9] =	stream.strided.gather [hbm4b:s2+s19], $0x180, s20, s19, $0x38;
	[tilespmem:$0x1DA98] =	vst v63  }
0x673: {  	s6 =	sshrl.u32 s5, $0x3;
	s2 =	simm.s32 $0x4  }
.LBB2_5:
0x674: {  	(v2sf) =	vpush v1, s2;
	s6 =	smul.u32 $0xC00, s6;
	s5 =	sshll.u32 s5, $0x7;
	p2 =	sne.s32 s2, $0xF  }
.Ltmp4:
0x675: {  	s2 =	sadd.s32 $0x1, s2;
	s5 =	sand.u32 $0x380, s5;
	(pc) =	sbr.rel @p2 .LBB2_5-.Ltmp4, $4  }
0x676: {  	s6 =	sor.u32 s5, s6  }
0x677: {  	s5 =	spop (v2sf);
	s10 =	sshrl.u32 s6, $0x3  }
0x678: {  	s1 =	sadd.s32 $0x180, s1;
	s6 =	sshrl.u32 s5, $0x3;
	s10 =	sadd.s32 s7, s10  }
0x679: {  	[tilespmem:s1], [sflag:$0x9] =	stream.strided.gather [hbm4b:s10+s19], $0x180, s20, s19, $0x38;
	[tilespmem:$0x1DA98] =	vst v63  }
0x67a: {  	s2 =	smul.u32 $0xC00, s6;
	s5 =	sshll.u32 s5, $0x7  }
0x67b: {  	s5 =	sand.u32 $0x380, s5  }
0x67c: {  	s17 =	spop (v2sf);
	s1 =	sadd.s32 $0x180, s1;
	s2 =	sor.u32 s5, s2  }
0x67d: {  	s30 =	sshrl.u32 s17, $0x3;
	s5 =	sshll.u32 s17, $0x7;
	s2 =	sshrl.u32 s2, $0x3  }
0x67e: {  	s31 =	smul.u32 $0xC00, s30;
	s5 =	sand.u32 $0x380, s5;
	s2 =	sadd.s32 s7, s2  }
0x67f: {  	[tilespmem:s1], [sflag:$0x9] =	stream.strided.gather [hbm4b:s2+s19], $0x180, s20, s19, $0x38;
	[tilespmem:$0x1DA98] =	vst v63  }
0x680: {  	s2 =	sor.u32 s5, s31  }
0x681: {  	s2 =	sshrl.u32 s2, $0x3  }
0x682: {  	s1 =	sadd.s32 $0x180, s1;
	s2 =	sadd.s32 s7, s2  }
0x683: {  	[tilespmem:s1], [sflag:$0x9] =	stream.strided.gather [hbm4b:s2+s19], $0x180, s20, s19, $0x38;
	[tilespmem:$0x1DA98] =	vst v63  }
0x684: {  	s3 =	spop (v2sf)  }
0x685: {  	s8 =	sshrl.u32 s3, $0x3  }
0x686: {  	s5 =	sshll.u32 s3, $0x7;
	s10 =	smul.u32 $0xC00, s8  }
0x687: {  	s5 =	sand.u32 $0x380, s5  }
0x688: {  	s2 =	sor.u32 s5, s10  }
0x689: {  	s2 =	sshrl.u32 s2, $0x3  }
0x68a: {  	s1 =	sadd.s32 $0x180, s1;
	s2 =	sadd.s32 s7, s2  }
0x68b: {  	[tilespmem:s1], [sflag:$0x9] =	stream.strided.gather [hbm4b:s2+s19], $0x180, s20, s19, $0x38;
	[tilespmem:$0x1DA98] =	vst v63  }
0x68c: {  	v1 =	vld.msk [tilespmem:s28+$0xE928], $0xffff;
	_ =	sdelay $0x3  }
0x68d: {  	s11 =	simm.s32 $0x0  }
0x68e: {  	(v2sf) =	vpush v1, s11;
	_ =	sdelay $0x7  }
0x68f: {  	s12 =	simm.s32 $0x1  }
0x690: {  	(v2sf) =	vpush v1, s12;
	_ =	sdelay $0x4  }
0x691: {  	s30 =	simm.s32 $0x2  }
0x692: {  	s16 =	spop (v2sf);
	(v2sf) =	vpush v1, s30  }
0x693: {  	s31 =	simm.s32 $0x3  }
0x694: {  	(v2sf) =	vpush v1, s31;
	_ =	sdelay $0x1  }
0x695: {  	s17 =	sshrl.u32 s16, $0x3  }
0x696: {  	s1 =	sshll.u32 s16, $0x7;
	s2 =	smul.u32 $0xC00, s17  }
0x697: {  	s1 =	sand.u32 $0x380, s1  }
0x698: {  	s1 =	sor.u32 s1, s2  }
0x699: {  	s1 =	sshrl.u32 s1, $0x3  }
0x69a: {  	s2 =	spop (v2sf);
	s1 =	sadd.s32 s7, s1  }
0x69b: {  	[tilespmem:s0], [sflag:$0x9] =	stream.strided.gather [hbm4b:s1+s19], $0x180, s20, s19, $0x38;
	[tilespmem:$0x1DA98] =	vst v63  }
0x69c: {  	s5 =	sshrl.u32 s2, $0x3;
	s1 =	simm.s32 $0x4  }
.LBB2_7:
0x69d: {  	(v2sf) =	vpush v1, s1;
	s5 =	smul.u32 $0xC00, s5;
	s2 =	sshll.u32 s2, $0x7;
	p2 =	sne.s32 s1, $0xF  }
.Ltmp5:
0x69e: {  	s1 =	sadd.s32 $0x1, s1;
	s2 =	sand.u32 $0x380, s2;
	(pc) =	sbr.rel @p2 .LBB2_7-.Ltmp5, $4  }
0x69f: {  	s5 =	sor.u32 s2, s5  }
0x6a0: {  	s2 =	spop (v2sf);
	s6 =	sshrl.u32 s5, $0x3  }
0x6a1: {  	s0 =	sadd.s32 $0x180, s0;
	s5 =	sshrl.u32 s2, $0x3;
	s6 =	sadd.s32 s7, s6  }
0x6a2: {  	[tilespmem:s0], [sflag:$0x9] =	stream.strided.gather [hbm4b:s6+s19], $0x180, s20, s19, $0x38;
	[tilespmem:$0x1DA98] =	vst v63  }
0x6a3: {  	s1 =	smul.u32 $0xC00, s5;
	s2 =	sshll.u32 s2, $0x7  }
0x6a4: {  	s2 =	sand.u32 $0x380, s2  }
0x6a5: {  	s31 =	spop (v2sf);
	s0 =	sadd.s32 $0x180, s0;
	s1 =	sor.u32 s2, s1  }
0x6a6: {  	s3 =	sshrl.u32 s31, $0x3;
	s2 =	sshll.u32 s31, $0x7;
	s1 =	sshrl.u32 s1, $0x3  }
0x6a7: {  	s5 =	smul.u32 $0xC00, s3;
	s2 =	sand.u32 $0x380, s2;
	s1 =	sadd.s32 s7, s1  }
0x6a8: {  	[tilespmem:s0], [sflag:$0x9] =	stream.strided.gather [hbm4b:s1+s19], $0x180, s20, s19, $0x38;
	[tilespmem:$0x1DA98] =	vst v63  }
0x6a9: {  	s1 =	sor.u32 s2, s5  }
0x6aa: {  	s1 =	sshrl.u32 s1, $0x3  }
0x6ab: {  	s0 =	sadd.s32 $0x180, s0;
	s1 =	sadd.s32 s7, s1  }
0x6ac: {  	[tilespmem:s0], [sflag:$0x9] =	stream.strided.gather [hbm4b:s1+s19], $0x180, s20, s19, $0x38;
	[tilespmem:$0x1DA98] =	vst v63  }
0x6ad: {  	s6 =	spop (v2sf)  }
0x6ae: {  	s8 =	sshrl.u32 s6, $0x3  }
0x6af: {  	s2 =	sshll.u32 s6, $0x7;
	s10 =	smul.u32 $0xC00, s8  }
0x6b0: {  	s2 =	sand.u32 $0x380, s2  }
0x6b1: {  	s1 =	sor.u32 s2, s10  }
0x6b2: {  	s1 =	sshrl.u32 s1, $0x3  }
0x6b3: {  	s0 =	sadd.s32 $0x180, s0;
	s1 =	sadd.s32 s7, s1  }
0x6b4: {  	[tilespmem:s0], [sflag:$0x9] =	stream.strided.gather [hbm4b:s1+s19], $0x180, s20, s19, $0x38;
	[tilespmem:$0x1DA98] =	vst v63  }
0x6b5: {  	v1 =	vld.msk [tilespmem:s28+$0xE938], $0xffff;
	_ =	sdelay $0x3  }
0x6b6: {  	s11 =	simm.s32 $0x0  }
0x6b7: {  	(v2sf) =	vpush v1, s11;
	_ =	sdelay $0x7  }
0x6b8: {  	s12 =	simm.s32 $0x1  }
0x6b9: {  	(v2sf) =	vpush v1, s12;
	_ =	sdelay $0x4  }
0x6ba: {  	s30 =	simm.s32 $0x2  }
0x6bb: {  	s16 =	spop (v2sf);
	(v2sf) =	vpush v1, s30  }
0x6bc: {  	s31 =	simm.s32 $0x3  }
0x6bd: {  	(v2sf) =	vpush v1, s31;
	_ =	sdelay $0x1  }
0x6be: {  	s17 =	sshrl.u32 s16, $0x3  }
0x6bf: {  	s0 =	sshll.u32 s16, $0x7;
	s1 =	smul.u32 $0xC00, s17  }
0x6c0: {  	s0 =	sand.u32 $0x380, s0  }
0x6c1: {  	s0 =	sor.u32 s0, s1  }
0x6c2: {  	s0 =	sshrl.u32 s0, $0x3  }
0x6c3: {  	s1 =	spop (v2sf);
	s0 =	sadd.s32 s7, s0  }
0x6c4: {  	[tilespmem:s29], [sflag:$0x9] =	stream.strided.gather [hbm4b:s0+s19], $0x180, s20, s19, $0x38;
	[tilespmem:$0x1DA98] =	vst v63  }
0x6c5: {  	s2 =	sshrl.u32 s1, $0x3;
	s0 =	simm.s32 $0x4  }
.LBB2_9:
0x6c6: {  	(v2sf) =	vpush v1, s0;
	s2 =	smul.u32 $0xC00, s2;
	s1 =	sshll.u32 s1, $0x7;
	p2 =	sne.s32 s0, $0xF  }
.Ltmp6:
0x6c7: {  	s0 =	sadd.s32 $0x1, s0;
	s1 =	sand.u32 $0x380, s1;
	(pc) =	sbr.rel @p2 .LBB2_9-.Ltmp6, $4  }
0x6c8: {  	s2 =	sor.u32 s1, s2  }
0x6c9: {  	s1 =	spop (v2sf);
	s5 =	sshrl.u32 s2, $0x3  }
0x6ca: {  	s29 =	sadd.s32 $0x180, s29;
	s2 =	sshrl.u32 s1, $0x3;
	s5 =	sadd.s32 s7, s5  }
0x6cb: {  	[tilespmem:s29], [sflag:$0x9] =	stream.strided.gather [hbm4b:s5+s19], $0x180, s20, s19, $0x38;
	[tilespmem:$0x1DA98] =	vst v63  }
0x6cc: {  	s0 =	smul.u32 $0xC00, s2;
	s1 =	sshll.u32 s1, $0x7  }
0x6cd: {  	s1 =	sand.u32 $0x380, s1  }
0x6ce: {  	s31 =	spop (v2sf);
	s5 =	sadd.s32 $0x180, s29;
	s0 =	sor.u32 s1, s0  }
0x6cf: {  	s3 =	sshrl.u32 s31, $0x3;
	s1 =	sshll.u32 s31, $0x7;
	s0 =	sshrl.u32 s0, $0x3  }
0x6d0: {  	s6 =	smul.u32 $0xC00, s3;
	s1 =	sand.u32 $0x380, s1;
	s0 =	sadd.s32 s7, s0  }
0x6d1: {  	[tilespmem:s5], [sflag:$0x9] =	stream.strided.gather [hbm4b:s0+s19], $0x180, s20, s19, $0x38;
	[tilespmem:$0x1DA98] =	vst v63  }
0x6d2: {  	s0 =	sor.u32 s1, s6  }
0x6d3: {  	s0 =	sshrl.u32 s0, $0x3  }
0x6d4: {  	s5 =	sadd.s32 $0x180, s5;
	s0 =	sadd.s32 s7, s0  }
0x6d5: {  	[tilespmem:s5], [sflag:$0x9] =	stream.strided.gather [hbm4b:s0+s19], $0x180, s20, s19, $0x38;
	[tilespmem:$0x1DA98] =	vst v63  }
0x6d6: {  	s8 =	spop (v2sf)  }
0x6d7: {  	s10 =	sshrl.u32 s8, $0x3  }
0x6d8: {  	s1 =	sshll.u32 s8, $0x7;
	s11 =	smul.u32 $0xC00, s10  }
0x6d9: {  	s1 =	sand.u32 $0x380, s1  }
0x6da: {  	s0 =	sor.u32 s1, s11  }
0x6db: {  	s0 =	sshrl.u32 s0, $0x3  }
0x6dc: {  	s12 =	sadd.s32 $0x180, s5;
	s0 =	sadd.s32 s7, s0  }
0x6dd: {  	[tilespmem:s12], [sflag:$0x9] =	stream.strided.gather [hbm4b:s0+s19], $0x180, s20, s19, $0x38;
	[tilespmem:$0x1DA98] =	vst v63  }
0x6de: {  	v1 =	vld.msk [tilespmem:s28+$0xE948], $0xffff;
	_ =	sdelay $0x3  }
0x6df: {  	s16 =	simm.s32 $0x0  }
0x6e0: {  	(v2sf) =	vpush v1, s16;
	_ =	sdelay $0x7  }
0x6e1: {  	s17 =	simm.s32 $0x1  }
0x6e2: {  	(v2sf) =	vpush v1, s17;
	_ =	sdelay $0x4  }
0x6e3: {  	s30 =	simm.s32 $0x2  }
0x6e4: {  	s28 =	spop (v2sf);
	(v2sf) =	vpush v1, s30  }
0x6e5: {  	s31 =	simm.s32 $0x3  }
0x6e6: {  	(v2sf) =	vpush v1, s31;
	_ =	sdelay $0x1  }
0x6e7: {  	s29 =	sshrl.u32 s28, $0x3  }
0x6e8: {  	s0 =	sshll.u32 s28, $0x7;
	s1 =	smul.u32 $0xC00, s29  }
0x6e9: {  	s0 =	sand.u32 $0x380, s0  }
0x6ea: {  	s0 =	sor.u32 s0, s1  }
0x6eb: {  	s0 =	sshrl.u32 s0, $0x3  }
0x6ec: {  	s1 =	spop (v2sf);
	s0 =	sadd.s32 s7, s0  }
0x6ed: {  	[tilespmem:s26], [sflag:$0x9] =	stream.strided.gather [hbm4b:s0+s19], $0x180, s20, s19, $0x38;
	[tilespmem:$0x1DA98] =	vst v63  }
0x6ee: {  	s2 =	sshrl.u32 s1, $0x3;
	s0 =	simm.s32 $0x4  }
.LBB2_11:
0x6ef: {  	(v2sf) =	vpush v1, s0;
	s2 =	smul.u32 $0xC00, s2;
	s1 =	sshll.u32 s1, $0x7;
	p2 =	seq.s32 s0, $0xF  }
.Ltmp7:
0x6f0: {  	s0 =	sadd.s32 $0x1, s0;
	s1 =	sand.u32 $0x380, s1;
	(pc) =	sbr.rel @!p2 .LBB2_11-.Ltmp7, $4  }
0x6f1: {  	s2 =	sor.u32 s1, s2  }
0x6f2: {  	s1 =	spop (v2sf);
	s5 =	sshrl.u32 s2, $0x3  }
0x6f3: {  	s26 =	sadd.s32 $0x180, s26;
	s2 =	sshrl.u32 s1, $0x3;
	s5 =	sadd.s32 s7, s5  }
0x6f4: {  	[tilespmem:s26], [sflag:$0x9] =	stream.strided.gather [hbm4b:s5+s19], $0x180, s20, s19, $0x38;
	[tilespmem:$0x1DA98] =	vst v63  }
0x6f5: {  	s0 =	smul.u32 $0xC00, s2;
	s1 =	sshll.u32 s1, $0x7  }
0x6f6: {  	s1 =	sand.u32 $0x380, s1  }
0x6f7: {  	s16 =	spop (v2sf);
	s5 =	sadd.s32 $0x180, s26;
	s0 =	sor.u32 s1, s0  }
0x6f8: {  	s17 =	sshrl.u32 s16, $0x3;
	s1 =	sshll.u32 s16, $0x7;
	s0 =	sshrl.u32 s0, $0x3  }
0x6f9: {  	s26 =	smul.u32 $0xC00, s17;
	s1 =	sand.u32 $0x380, s1;
	s0 =	sadd.s32 s7, s0  }
0x6fa: {  	[tilespmem:s5], [sflag:$0x9] =	stream.strided.gather [hbm4b:s0+s19], $0x180, s20, s19, $0x38;
	[tilespmem:$0x1DA98] =	vst v63  }
0x6fb: {  	s0 =	sor.u32 s1, s26  }
0x6fc: {  	s0 =	sshrl.u32 s0, $0x3  }
0x6fd: {  	s5 =	sadd.s32 $0x180, s5;
	s0 =	sadd.s32 s7, s0  }
0x6fe: {  	[tilespmem:s5], [sflag:$0x9] =	stream.strided.gather [hbm4b:s0+s19], $0x180, s20, s19, $0x38;
	[tilespmem:$0x1DA98] =	vst v63  }
0x6ff: {  	s28 =	spop (v2sf)  }
0x700: {  	s29 =	sshrl.u32 s28, $0x3  }
0x701: {  	s1 =	sshll.u32 s28, $0x7;
	s30 =	smul.u32 $0xC00, s29  }
0x702: {  	s1 =	sand.u32 $0x380, s1  }
0x703: {  	s0 =	sor.u32 s1, s30  }
0x704: {  	s0 =	sshrl.u32 s0, $0x3  }
0x705: {  	s31 =	sadd.s32 $0x180, s5;
	s0 =	sadd.s32 s7, s0  }
0x706: {  	[tilespmem:s31], [sflag:$0x9] =	stream.strided.gather [hbm4b:s0+s19], $0x180, s20, s19, $0x38;
	[tilespmem:$0x1DA98] =	vst v63  }
.LBB2_13:
0x707: {  	p2 =	slt.u32 s24, $0x2  }
.Ltmp8:
0x708: {  	_ = 	snop;
	(pc) =	sbr.rel @p2 .LBB2_31-.Ltmp8, $1  }
0x709: {  	_ =	sdelay $0x3  }
0x70a: {  	p2 =	sgt.s32 s25, $0x61A30;
	s0 =	smov.u32 s25;
	s1 =	sshra.s32 s25, $0x1F  }
0x70b: {  	s0 =	simm.s32 @!p2 $0x61A30;
	s1 =	sand.u32 s1, s25  }
0x70c: {  	s0 =	ssub.s32 s0, s1  }
0x70d: {  	s0 =	sadd.s32 $0xFFF9E5D0, s0  }
0x70e: {  	s2 =	simm.s32 $0x9;
	s28 =	sshll.u32 s0, $0x2  }
0x70f: {  	_ =	swait.ge [sflag:s2], $0x7800;
	s1 =	ssub.s32 $0x140, s28  }
0x710: {  	[sflag:s2] =	ssyncset.done $0x0;
	p2 =	sgt.s32 s0, $0x4F;
	s0 =	sshrl.u32 s1, $0x2  }
0x711: {  	s30 =	simm.s32 $0xB;
	[sflag:s2] =	ssyncadd.s32 $0xFFFF8800;
	s0 =	simm.s32 @p2 $0x0  }
0x712: {  	_ =	swait.ge [sflag:s30], s0  }
0x713: {  	s0 =	ssub.s32 $0x0, s0;
	[sflag:s30] =	ssyncset.done $0x0  }
0x714: {  	[sflag:s30] =	ssyncadd.s32 s0  }
0x715: {  	v1 =	vld [tilespmem:$0xC2C8];
	_ =	sdelay $0x4  }
0x716: {  	(v2sf) =	vpush v1, $0x0  }
0x717: {  	(v2sf) =	vpush v1, $0x1  }
0x718: {  	(v2sf) =	vpush v1, $0x2;
	_ =	sdelay $0x3  }
0x719: {  	s0 =	sadd.s32 $0x50, s25  }
0x71a: {  	s5 =	ssub.s32 $0xC3500, s25;
	p2 =	slt.s32 s9, s0  }
0x71b: {  	s0 =	smov.u32 @p2 s9;
	p2 =	sgt.s32 s5, $0x0  }
0x71c: {  	s1 =	ssub.s32 s0, s25;
	s5 =	simm.s32 @!p2 $0x0  }
0x71d: {  	p2 =	slt.s32 s5, s1  }
0x71e: {  	s1 =	smov.u32 @p2 s5  }
0x71f: {  	s2 =	simm.s32 $0x1;
	p2 =	slt.s32 s1, $0x1  }
.Ltmp9:
0x720: {  	s2 =	simm.s32 @!p1 $0x0;
	(pc) =	sbr.rel @p2 .LBB2_18-.Ltmp9, $4  }
0x721: {  	s31 =	smul.u32 $0x140, s2  }
0x722: {  	s6 =	spop (v2sf)  }
0x723: {  	s0 =	sshrl.u32 s31, $0x2;
	s29 =	spop (v2sf)  }
0x724: {  	s26 =	sadd.s32 $0xE9F8, s0;
	s25 =	spop (v2sf)  }
0x725: {  	s0 =	smin.u32 s1, $0x10  }
0x726: {  	v1 =	vmov s0  }
0x727: {  	vm1 =	vgt.u32 v1, v0;
	_ =	sdelay $0x1  }
0x728: {  	p3 =	sgt.s32 s1, $0x10  }
.Ltmp10:
0x729: {  	_ = 	snop;
	(pc) =	sbr.rel @!p3 .LBB2_17-.Ltmp10, $3  }
0x72a: {  	_ =	sdelay $0x1  }
0x72b: {  	v1 =	vld.msk [tilespmem:s26+$0x0 ss:$0x1], vm1  }
0x72c: {  	s5 =	simm.s32 $0x10;
	s16 =	sadd.s32 $0xFFFFFFF0, s1;
	s0 =	smov.u32 s26;
	vm0 =	vmmov vm1  }
.LBB2_16:
0x72d: {  	s10 =	smin.u32 s16, $0x10;
	s5 =	sadd.s32 $0x10, s5  }
0x72e: {  	v2 =	vmov s10;
	p3 =	slt.s32 s5, s1  }
0x72f: {  	vm1 =	vgt.u32 v2, v0  }
0x730: {  	v2 =	vshrl.u32 v1, $0x3  }
0x731: {  	v1 =	vshll.u32 v1, $0x4;
	v2 =	vmul.u32 $0x180, v2  }
0x732: {  	v1 =	vand.u32 $0x70, v1  }
.Ltmp11:
0x733: {  	v1 =	vor.u32 v1, v2;
	(pc) =	sbr.rel @p3 .LBB2_16-.Ltmp11, $3  }
0x734: {  	[tilespmem:s0+$0x0] =	vst.msk vm0, v1;
	s0 =	sadd.s32 $0x10, s0;
	vm0 =	vmmov vm1  }
0x735: {  	v1 =	vld.msk [tilespmem:s0+$0x0 ss:$0x1], vm1;
	_ =	sdelay $0x1  }
0x736: {  	s16 =	sadd.s32 $0xFFFFFFF0, s16  }
.LBB2_17:
0x737: {  	_ =	sdelay $0x2  }
0x738: {  	v2 =	vshrl.u32 v1, $0x3  }
0x739: {  	v1 =	vshll.u32 v1, $0x4;
	v2 =	vmul.u32 $0x180, v2  }
0x73a: {  	v1 =	vand.u32 $0x70, v1  }
0x73b: {  	v1 =	vor.u32 v1, v2  }
0x73c: {  	[tilespmem:s0+$0x0] =	vst.msk vm0, v1  }
.LBB2_18:
0x73d: {  	s0 =	sand.u32 $0x1, s24  }
0x73e: {  	s5 =	smul.u32 $0x7800, s0  }
0x73f: {  	p3 =	sne.s32 s29, $0xFFFFFFFF  }
0x740: {  	v1 =	vld @!p3 [tilespmem:s5+$0xEA98];
	_ =	sdelay $0x2  }
0x741: {  	s0 =	smul.u32 $0x50, s0;
	_ =	sdelay $0x1  }
0x742: {  	v2 =	vld.msk @!p3 [tilespmem:s0+$0xE9F8], $0x1;
	[tilespmem:$0x268] =	vst @!p3 v1  }
0x743: {  	v1 =	vld @!p3 [tilespmem:s5+$0xEAA8];
	_ =	sdelay $0x4  }
0x744: {  	[tilespmem:$0x278] =	vst @!p3 v1  }
0x745: {  	v1 =	vld @!p3 [tilespmem:s5+$0xEAB8];
	_ =	sdelay $0x4  }
0x746: {  	[tilespmem:$0x288] =	vst @!p3 v1  }
0x747: {  	v1 =	vld @!p3 [tilespmem:s5+$0xEAC8];
	_ =	sdelay $0x4  }
0x748: {  	[tilespmem:$0x298] =	vst @!p3 v1  }
0x749: {  	v1 =	vld @!p3 [tilespmem:s5+$0xEAD8];
	_ =	sdelay $0x4  }
0x74a: {  	[tilespmem:$0x2A8] =	vst @!p3 v1  }
0x74b: {  	v1 =	vld @!p3 [tilespmem:s5+$0xEAE8];
	_ =	sdelay $0x4  }
0x74c: {  	[tilespmem:$0x2B8] =	vst @!p3 v1  }
0x74d: {  	v1 =	vld @!p3 [tilespmem:s5+$0xEAF8];
	_ =	sdelay $0x4  }
0x74e: {  	[tilespmem:$0x2C8] =	vst @!p3 v1  }
0x74f: {  	v1 =	vld @!p3 [tilespmem:s5+$0xEB08];
	_ =	sdelay $0x4  }
0x750: {  	[tilespmem:$0x2D8] =	vst @!p3 v1  }
0x751: {  	v1 =	vld @!p3 [tilespmem:s5+$0xEB18];
	_ =	sdelay $0x4  }
0x752: {  	[tilespmem:$0x2E8] =	vst @!p3 v1  }
0x753: {  	v1 =	vld @!p3 [tilespmem:s5+$0xEB28];
	_ =	sdelay $0x4  }
0x754: {  	[tilespmem:$0x2F8] =	vst @!p3 v1  }
0x755: {  	v1 =	vld @!p3 [tilespmem:s5+$0xEB38];
	_ =	sdelay $0x4  }
0x756: {  	[tilespmem:$0x308] =	vst @!p3 v1  }
0x757: {  	v1 =	vld @!p3 [tilespmem:s5+$0xEB48];
	_ =	sdelay $0x4  }
0x758: {  	[tilespmem:$0x318] =	vst @!p3 v1  }
0x759: {  	v1 =	vld @!p3 [tilespmem:s5+$0xEB58];
	_ =	sdelay $0x4  }
0x75a: {  	[tilespmem:$0x328] =	vst @!p3 v1  }
0x75b: {  	v1 =	vld @!p3 [tilespmem:s5+$0xEB68];
	_ =	sdelay $0x4  }
0x75c: {  	[tilespmem:$0x338] =	vst @!p3 v1  }
0x75d: {  	v1 =	vld @!p3 [tilespmem:s5+$0xEB78];
	_ =	sdelay $0x4  }
0x75e: {  	[tilespmem:$0x348] =	vst @!p3 v1  }
0x75f: {  	v1 =	vld @!p3 [tilespmem:s5+$0xEB88];
	_ =	sdelay $0x4  }
0x760: {  	[tilespmem:$0x358] =	vst @!p3 v1  }
0x761: {  	(v2sf) =	vpush @!p3 v2, $0x0;
	v1 =	vld @!p3 [tilespmem:s5+$0xEB98];
	_ =	sdelay $0x4  }
0x762: {  	[tilespmem:$0x368] =	vst @!p3 v1  }
0x763: {  	v1 =	vld @!p3 [tilespmem:s5+$0xEBA8];
	_ =	sdelay $0x4  }
0x764: {  	[tilespmem:$0x378] =	vst @!p3 v1  }
0x765: {  	v1 =	vld.msk @!p3 [tilespmem:s5+$0xEBB8], $0xfff  }
.Ltmp12:
0x766: {  	_ = 	snop;
	(pc) =	sbr.rel @p2 .LBB2_29-.Ltmp12, $4  }
0x767: {  	_ = 	snop  }
0x768: {  	s0 =	spop @!p3 (v2sf)  }
0x769: {  	s25 =	simm.s32 @!p3 $0x0;
	s28 =	smov.u32 s0;
	s5 =	simm.s32 @!p3 $0x388  }
0x76a: {  	s0 =	smov.u32 @p3 s6;
	s28 =	smov.u32 @p3 s29;
	[tilespmem:s5+$0x0] =	vst.msk @!p3 $0xfff, v1;
	[sflag:s18] =	ssyncpa.u1 $0x0  }
0x76b: {  	v1 =	vld.msk [tilespmem:s26+$0x0], $0x1;
	_ =	sdelay $0x4  }
0x76c: {  	(v2sf) =	vpush v1, $0x0;
	_ =	sdelay $0xe  }
0x76d: {  	s17 =	smov.u32 s14;
	s5 =	smul.u32 $0x1E000, s2;
	s2 =	spop (v2sf)  }
0x76e: {  	s14 =	smov.u32 s9;
	s3 =	smov.u32 s13;
	p2 =	seq.s32 s0, s2  }
0x76f: {  	s29 =	simm.s32 $0x0;
	s30 =	ssub.s32 $0x0, s1;
	p3 =	sgt.s32 @!p2 s0, $0x0  }
0x770: {  	s11 =	smov.u32 s0;
	s10 =	smul.u32 @!p2 $0x4C0, s29;
	p3 =	por !p3, p2  }
0x771: {  	s1 =	sadd.s32 $0x1, s30;
	s5 =	sshrl.u32 s5, $0x2;
	s11 =	simm.s32 @p3 $0x0  }
0x772: {  	s31 =	sadd.s32 $0xEB28, s5;
	s5 =	sshra.s32 @!p2 s10, $0x2;
	s10 =	smin.u32 @!p2 s11, $0x249DFA  }
0x773: {  	p3 =	seq.s32 s1, $0x0;
	s11 =	sadd.s32 @!p2 $0x6298, s5;
	s16 =	sand.u32 @!p2 $0x3FFFF8, s10  }
0x774: {  	s12 =	sadd.s32 @!p2 $0x80, s10;
	s13 =	sadd.s32 @!p2 s4, s16;
	s16 =	sand.u32 @!p2 $0x7, s10  }
0x775: {  	[tilespmem:s11], [sflag:$0x2] =	stream.linear.gather @!p2 [hbm4b:s13+s16], $0x80, $0x38;
	[tilespmem:$0x1DA98] =	vst v63  }
.Ltmp13:
0x776: {  	s6 =	simm.s32 @!p2 $0x1;
	s12 =	sand.u32 @!p2 $0x7FFFF8, s12;
	(pc) =	sbr.rel @p3 .LBB2_21-.Ltmp13, $4  }
0x777: {  	s10 =	sadd.s32 @!p2 $0x100, s10;
	s11 =	sadd.s32 @!p2 $0x6318, s5;
	s12 =	sadd.s32 @!p2 s4, s12  }
0x778: {  	[tilespmem:s11], [sflag:$0x2] =	stream.linear.gather @!p2 [hbm4b:s12+s16], $0x80, $0x38;
	[tilespmem:$0x1DA98] =	vst v63  }
0x779: {  	s9 =	smov.u32 s15;
	s6 =	smov.u32 @p2 s29;
	s11 =	sand.u32 @!p2 $0x7FFFF8, s10  }
0x77a: {  	s10 =	sadd.s32 @!p2 $0x6398, s5;
	s5 =	sadd.s32 $0x1, s26;
	s11 =	sadd.s32 @!p2 s4, s11  }
.LBB2_20:
0x77b: {  	s12 =	smov.u32 s6  }
0x77c: {  	[tilespmem:s10], [sflag:$0x2] =	stream.linear.gather @!p2 [hbm4b:s11+s16], $0x2C, $0x38;
	[tilespmem:$0x1DA98] =	vst v63  }
0x77d: {  	s1 =	sadd.s32 $0x1, s1;
	s10 =	smov.u32 s2  }
0x77e: {  	p3 =	seq.s32 s1, $0x0;
	v1 =	vld.msk [tilespmem:s5+$0x0], $0x1;
	_ =	sdelay $0x4  }
0x77f: {  	(v2sf) =	vpush v1, $0x0;
	_ =	sdelay $0xe  }
0x780: {  	s2 =	spop (v2sf)  }
0x781: {  	p2 =	seq.s32 s10, s2  }
0x782: {  	p4 =	sgt.s32 @!p2 s10, $0x0  }
0x783: {  	s11 =	smul.u32 @!p2 $0x4C0, s6;
	s6 =	sadd.s32 @!p2 $0x1, s6;
	p4 =	por !p4, p2  }
0x784: {  	s6 =	smov.u32 @p2 s12;
	s10 =	simm.s32 @p4 $0x0  }
0x785: {  	s11 =	sshra.s32 @!p2 s11, $0x2;
	s10 =	smin.u32 @!p2 s10, $0x249DFA  }
0x786: {  	s12 =	sadd.s32 @!p2 $0x6298, s11;
	s13 =	sadd.s32 @!p2 $0x6318, s11;
	s16 =	sand.u32 @!p2 $0x3FFFF8, s10  }
0x787: {  	s15 =	sadd.s32 @!p2 $0x80, s10;
	s18 =	sadd.s32 @!p2 $0x100, s10;
	s8 =	sadd.s32 @!p2 s4, s16  }
.Ltmp14:
0x788: {  	s16 =	sand.u32 @!p2 $0x7, s10;
	s10 =	sand.u32 @!p2 $0x7FFFF8, s15;
	(pc) =	sbr.rel @!p3 .LBB2_20-.Ltmp14, $4  }
0x789: {  	[tilespmem:s12], [sflag:$0x2] =	stream.linear.gather @!p2 [hbm4b:s8+s16], $0x80, $0x38;
	[tilespmem:$0x1DA98] =	vst v63  }
0x78a: {  	s8 =	sadd.s32 @!p2 s4, s10;
	s12 =	sand.u32 @!p2 $0x7FFFF8, s18;
	s10 =	sadd.s32 @!p2 $0x6398, s11  }
0x78b: {  	[tilespmem:s13], [sflag:$0x2] =	stream.linear.gather @!p2 [hbm4b:s8+s16], $0x80, $0x38;
	[tilespmem:$0x1DA98] =	vst v63  }
0x78c: {  	s5 =	sadd.s32 $0x1, s5;
	s11 =	sadd.s32 @!p2 s4, s12  }
.LBB2_21:
0x78d: {  	s1 =	smul.u32 $0x4B0, s6  }
0x78e: {  	[tilespmem:s10], [sflag:$0x2] =	stream.linear.gather @!p2 [hbm4b:s11+s16], $0x2C, $0x38;
	[tilespmem:$0x1DA98] =	vst v63  }
.Ltmp15:
0x78f: {  	s2 =	simm.s32 $0x2;
	s13 =	smov.u32 s3;
	(pc) =	sbr.rel .LBB2_22-.Ltmp15, $4  }
0x790: {  	s3 =	simm.s32 $0x1;
	s15 =	smov.u32 s9;
	s1 =	sshrl.u32 s1, $0x2  }
0x791: {  	s9 =	smov.u32 s14;
	s14 =	smov.u32 s17;
	_ =	swait.ge [sflag:s2], s1  }
0x792: {  	s18 =	simm.s32 $0xC;
	s1 =	ssub.s32 $0x0, s1;
	[sflag:s2] =	ssyncset.done $0x0  }
0x793: {  	s17 =	rddreg [dreg:$0x6];
	[sflag:s2] =	ssyncadd.s32 s1;
	s1 =	simm.s32 $0x0  }
.LBB2_23:
0x794: {  	v1 =	vld [tilespmem:s31+$0xFFFFFF70]  }
0x795: {  	v2 =	vld [tilespmem:s6+$0x268];
	_ =	sdelay $0x4  }
0x796: {  	v1 =	vmax.f32 v1, v2  }
0x797: {  	v2 =	vld [tilespmem:s6+$0x278];
	[tilespmem:s6+$0x268] =	vst v1  }
0x798: {  	v1 =	vld [tilespmem:s31+$0xFFFFFF80];
	_ =	sdelay $0x4  }
0x799: {  	v1 =	vmax.f32 v1, v2  }
0x79a: {  	v2 =	vld [tilespmem:s6+$0x288];
	[tilespmem:s6+$0x278] =	vst v1  }
0x79b: {  	v1 =	vld [tilespmem:s31+$0xFFFFFF90];
	_ =	sdelay $0x4  }
0x79c: {  	v1 =	vmax.f32 v1, v2  }
0x79d: {  	v2 =	vld [tilespmem:s6+$0x298];
	[tilespmem:s6+$0x288] =	vst v1  }
0x79e: {  	v1 =	vld [tilespmem:s31+$0xFFFFFFA0];
	_ =	sdelay $0x4  }
0x79f: {  	v1 =	vmax.f32 v1, v2  }
0x7a0: {  	v2 =	vld [tilespmem:s6+$0x2A8];
	[tilespmem:s6+$0x298] =	vst v1  }
0x7a1: {  	v1 =	vld [tilespmem:s31+$0xFFFFFFB0];
	_ =	sdelay $0x4  }
0x7a2: {  	v1 =	vmax.f32 v1, v2  }
0x7a3: {  	v2 =	vld [tilespmem:s6+$0x2B8];
	[tilespmem:s6+$0x2A8] =	vst v1  }
0x7a4: {  	v1 =	vld [tilespmem:s31+$0xFFFFFFC0];
	_ =	sdelay $0x4  }
0x7a5: {  	v1 =	vmax.f32 v1, v2  }
0x7a6: {  	v2 =	vld [tilespmem:s6+$0x2C8];
	[tilespmem:s6+$0x2B8] =	vst v1  }
0x7a7: {  	v1 =	vld [tilespmem:s31+$0xFFFFFFD0];
	_ =	sdelay $0x4  }
0x7a8: {  	v1 =	vmax.f32 v1, v2  }
0x7a9: {  	v2 =	vld [tilespmem:s6+$0x2D8];
	[tilespmem:s6+$0x2C8] =	vst v1  }
0x7aa: {  	v1 =	vld [tilespmem:s31+$0xFFFFFFE0];
	_ =	sdelay $0x4  }
0x7ab: {  	v1 =	vmax.f32 v1, v2  }
0x7ac: {  	v2 =	vld [tilespmem:s6+$0x2E8];
	[tilespmem:s6+$0x2D8] =	vst v1  }
0x7ad: {  	v1 =	vld [tilespmem:s31+$0xFFFFFFF0];
	_ =	sdelay $0x4  }
0x7ae: {  	v1 =	vmax.f32 v1, v2  }
0x7af: {  	v2 =	vld [tilespmem:s6+$0x2F8];
	[tilespmem:s6+$0x2E8] =	vst v1  }
0x7b0: {  	v1 =	vld [tilespmem:s31+$0x0];
	_ =	sdelay $0x4  }
0x7b1: {  	v1 =	vmax.f32 v1, v2  }
0x7b2: {  	v2 =	vld [tilespmem:s6+$0x308];
	[tilespmem:s6+$0x2F8] =	vst v1  }
0x7b3: {  	v1 =	vld [tilespmem:s31+$0x10];
	_ =	sdelay $0x4  }
0x7b4: {  	v1 =	vmax.f32 v1, v2  }
0x7b5: {  	v2 =	vld [tilespmem:s6+$0x318];
	[tilespmem:s6+$0x308] =	vst v1  }
0x7b6: {  	v1 =	vld [tilespmem:s31+$0x20];
	_ =	sdelay $0x4  }
0x7b7: {  	v1 =	vmax.f32 v1, v2  }
0x7b8: {  	v2 =	vld [tilespmem:s6+$0x328];
	[tilespmem:s6+$0x318] =	vst v1  }
0x7b9: {  	v1 =	vld [tilespmem:s31+$0x30];
	_ =	sdelay $0x4  }
0x7ba: {  	v1 =	vmax.f32 v1, v2  }
0x7bb: {  	v2 =	vld [tilespmem:s6+$0x338];
	[tilespmem:s6+$0x328] =	vst v1  }
0x7bc: {  	v1 =	vld [tilespmem:s31+$0x40];
	_ =	sdelay $0x4  }
0x7bd: {  	v1 =	vmax.f32 v1, v2  }
0x7be: {  	v2 =	vld [tilespmem:s6+$0x348];
	[tilespmem:s6+$0x338] =	vst v1  }
0x7bf: {  	v1 =	vld [tilespmem:s31+$0x50];
	_ =	sdelay $0x4  }
0x7c0: {  	v1 =	vmax.f32 v1, v2  }
0x7c1: {  	v2 =	vld [tilespmem:s6+$0x358];
	[tilespmem:s6+$0x348] =	vst v1  }
0x7c2: {  	v1 =	vld [tilespmem:s31+$0x60];
	_ =	sdelay $0x4  }
0x7c3: {  	v1 =	vmax.f32 v1, v2  }
0x7c4: {  	v2 =	vld [tilespmem:s6+$0x368];
	[tilespmem:s6+$0x358] =	vst v1  }
0x7c5: {  	v1 =	vld [tilespmem:s31+$0x70];
	_ =	sdelay $0x4  }
0x7c6: {  	v1 =	vmax.f32 v1, v2  }
0x7c7: {  	v2 =	vld [tilespmem:s6+$0x378];
	[tilespmem:s6+$0x368] =	vst v1  }
0x7c8: {  	v1 =	vld [tilespmem:s31+$0x80];
	_ =	sdelay $0x4  }
0x7c9: {  	v1 =	vmax.f32 v1, v2  }
0x7ca: {  	v2 =	vld.msk [tilespmem:s6+$0x388], $0xfff;
	[tilespmem:s6+$0x378] =	vst v1  }
0x7cb: {  	v1 =	vld.msk [tilespmem:s31+$0x90], $0xfff;
	_ =	sdelay $0x4  }
0x7cc: {  	v1 =	vmax.f32 v1, v2  }
0x7cd: {  	[tilespmem:s6+$0x388] =	vst.msk $0xfff, v1  }
.LBB2_27:
0x7ce: {  	s30 =	sadd.s32 $0x1, s30  }
0x7cf: {  	p2 =	seq.s32 s30, $0x0  }
.Ltmp16:
0x7d0: {  	_ = 	snop;
	(pc) =	sbr.rel @p2 .LBB2_28-.Ltmp16, $2  }
0x7d1: {  	_ =	sdelay $0x2  }
0x7d2: {  	s26 =	sadd.s32 $0x1, s26;
	s31 =	sadd.s32 $0x180, s31;
	s0 =	smov.u32 s2  }
.LBB2_22:
0x7d3: {  	v1 =	vld.msk [tilespmem:s26+$0x0], $0x1;
	_ =	sdelay $0x4  }
0x7d4: {  	(v2sf) =	vpush v1, $0x0;
	_ =	sdelay $0xe  }
0x7d5: {  	s2 =	spop (v2sf)  }
0x7d6: {  	p2 =	sne.s32 s0, s2  }
.Ltmp17:
0x7d7: {  	_ = 	snop;
	(pc) =	sbr.rel @!p2 .LBB2_23-.Ltmp17, $3  }
0x7d8: {  	_ = 	snop  }
0x7d9: {  	s5 =	smul.u32 $0x4C0, s25;
	_ =	sdelay $0x1  }
0x7da: {  	s6 =	sshra.s32 s5, $0x2  }
0x7db: {  	p2 =	seq.s32 s0, s28  }
.Ltmp18:
0x7dc: {  	_ = 	snop;
	(pc) =	sbr.rel @!p2 .LBB2_25-.Ltmp18, $1  }
0x7dd: {  	_ =	sdelay $0x3  }
.Ltmp19:
0x7de: {  	s0 =	sadd.s32 $0x268, s6;
	(pc) =	sbr.rel .LBB2_26-.Ltmp19, $4  }
0x7df: {  	[spmem:s17] =	stream.linear.scatter [tilespmem:s0], [sflag:$0x1], $0x12C, $0x38;
	[tilespmem:$0x1DA98] =	vst v63  }
0x7e0: {  	_ =	swait.ge [sflag:s3], $0x12C  }
0x7e1: {  	[sflag:s3] =	ssyncset.done $0x0  }
0x7e2: {  	[sflag:s3] =	ssyncadd.s32 $0xFFFFFED4  }
.LBB2_25:
0x7e3: {  	s5 =	smul.u32 $0x4C0, s29;
	_ =	sdelay $0x1  }
0x7e4: {  	v2 =	vld [tilespmem:s6+$0x268];
	s5 =	sshra.s32 s5, $0x2  }
0x7e5: {  	v1 =	vld [tilespmem:s5+$0x6298];
	_ =	sdelay $0x4  }
0x7e6: {  	v1 =	vmax.f32 v1, v2  }
0x7e7: {  	v2 =	vld [tilespmem:s6+$0x278];
	[tilespmem:s6+$0x268] =	vst v1  }
0x7e8: {  	v1 =	vld [tilespmem:s5+$0x62A8];
	_ =	sdelay $0x4  }
0x7e9: {  	v1 =	vmax.f32 v1, v2  }
0x7ea: {  	v2 =	vld [tilespmem:s6+$0x288];
	[tilespmem:s6+$0x278] =	vst v1  }
0x7eb: {  	v1 =	vld [tilespmem:s5+$0x62B8];
	_ =	sdelay $0x4  }
0x7ec: {  	v1 =	vmax.f32 v1, v2  }
0x7ed: {  	v2 =	vld [tilespmem:s6+$0x298];
	[tilespmem:s6+$0x288] =	vst v1  }
0x7ee: {  	v1 =	vld [tilespmem:s5+$0x62C8];
	_ =	sdelay $0x4  }
0x7ef: {  	v1 =	vmax.f32 v1, v2  }
0x7f0: {  	v2 =	vld [tilespmem:s6+$0x2A8];
	[tilespmem:s6+$0x298] =	vst v1  }
0x7f1: {  	v1 =	vld [tilespmem:s5+$0x62D8];
	_ =	sdelay $0x4  }
0x7f2: {  	v1 =	vmax.f32 v1, v2  }
0x7f3: {  	v2 =	vld [tilespmem:s6+$0x2B8];
	[tilespmem:s6+$0x2A8] =	vst v1  }
0x7f4: {  	v1 =	vld [tilespmem:s5+$0x62E8];
	_ =	sdelay $0x4  }
0x7f5: {  	v1 =	vmax.f32 v1, v2  }
0x7f6: {  	v2 =	vld [tilespmem:s6+$0x2C8];
	[tilespmem:s6+$0x2B8] =	vst v1  }
0x7f7: {  	v1 =	vld [tilespmem:s5+$0x62F8];
	_ =	sdelay $0x4  }
0x7f8: {  	v1 =	vmax.f32 v1, v2  }
0x7f9: {  	v2 =	vld [tilespmem:s6+$0x2D8];
	[tilespmem:s6+$0x2C8] =	vst v1  }
0x7fa: {  	v1 =	vld [tilespmem:s5+$0x6308];
	_ =	sdelay $0x4  }
0x7fb: {  	v1 =	vmax.f32 v1, v2  }
0x7fc: {  	v2 =	vld [tilespmem:s6+$0x2E8];
	[tilespmem:s6+$0x2D8] =	vst v1  }
0x7fd: {  	v1 =	vld [tilespmem:s5+$0x6318];
	_ =	sdelay $0x4  }
0x7fe: {  	v1 =	vmax.f32 v1, v2  }
0x7ff: {  	v2 =	vld [tilespmem:s6+$0x2F8];
	[tilespmem:s6+$0x2E8] =	vst v1  }
0x800: {  	v1 =	vld [tilespmem:s5+$0x6328];
	_ =	sdelay $0x4  }
0x801: {  	v1 =	vmax.f32 v1, v2  }
0x802: {  	v2 =	vld [tilespmem:s6+$0x308];
	[tilespmem:s6+$0x2F8] =	vst v1  }
0x803: {  	v1 =	vld [tilespmem:s5+$0x6338];
	_ =	sdelay $0x4  }
0x804: {  	v1 =	vmax.f32 v1, v2  }
0x805: {  	v2 =	vld [tilespmem:s6+$0x318];
	[tilespmem:s6+$0x308] =	vst v1  }
0x806: {  	v1 =	vld [tilespmem:s5+$0x6348];
	_ =	sdelay $0x4  }
0x807: {  	v1 =	vmax.f32 v1, v2  }
0x808: {  	v2 =	vld [tilespmem:s6+$0x328];
	[tilespmem:s6+$0x318] =	vst v1  }
0x809: {  	v1 =	vld [tilespmem:s5+$0x6358];
	_ =	sdelay $0x4  }
0x80a: {  	v1 =	vmax.f32 v1, v2  }
0x80b: {  	v2 =	vld [tilespmem:s6+$0x338];
	[tilespmem:s6+$0x328] =	vst v1  }
0x80c: {  	v1 =	vld [tilespmem:s5+$0x6368];
	_ =	sdelay $0x4  }
0x80d: {  	v1 =	vmax.f32 v1, v2  }
0x80e: {  	v2 =	vld [tilespmem:s6+$0x348];
	[tilespmem:s6+$0x338] =	vst v1  }
0x80f: {  	v1 =	vld [tilespmem:s5+$0x6378];
	_ =	sdelay $0x4  }
0x810: {  	v1 =	vmax.f32 v1, v2  }
0x811: {  	v2 =	vld [tilespmem:s6+$0x358];
	[tilespmem:s6+$0x348] =	vst v1  }
0x812: {  	v1 =	vld [tilespmem:s5+$0x6388];
	_ =	sdelay $0x4  }
0x813: {  	v1 =	vmax.f32 v1, v2  }
0x814: {  	v2 =	vld [tilespmem:s6+$0x368];
	[tilespmem:s6+$0x358] =	vst v1  }
0x815: {  	v1 =	vld [tilespmem:s5+$0x6398];
	_ =	sdelay $0x4  }
0x816: {  	v1 =	vmax.f32 v1, v2  }
0x817: {  	v2 =	vld [tilespmem:s6+$0x378];
	[tilespmem:s6+$0x368] =	vst v1  }
0x818: {  	v1 =	vld [tilespmem:s5+$0x63A8];
	_ =	sdelay $0x4  }
0x819: {  	v1 =	vmax.f32 v1, v2  }
0x81a: {  	v2 =	vld.msk [tilespmem:s6+$0x388], $0xfff;
	[tilespmem:s6+$0x378] =	vst v1  }
0x81b: {  	v1 =	vld.msk [tilespmem:s5+$0x63B8], $0xfff;
	_ =	sdelay $0x3  }
0x81c: {  	p2 =	sgt.u32 s0, $0x249DFA  }
0x81d: {  	s5 =	sand.u32 @!p2 $0x3FFFF8, s0;
	v1 =	vmax.f32 v1, v2  }
0x81e: {  	s8 =	sadd.s32 $0x268, s6;
	s10 =	sand.u32 @!p2 $0x7, s0;
	s5 =	sadd.s32 @!p2 s4, s5;
	[tilespmem:s6+$0x388] =	vst.msk $0xfff, v1  }
0x81f: {  	[hbm4b:s5+s10] =	stream.linear.scatter @!p2 [tilespmem:s8], [sflag:$0xC], $0x80, $0x38;
	[tilespmem:$0x1DA98] =	vst v63  }
0x820: {  	s5 =	sadd.s32 @!p2 $0x80, s0  }
0x821: {  	s0 =	sadd.s32 @!p2 $0x100, s0;
	s5 =	sand.u32 @!p2 $0x7FFFF8, s5  }
0x822: {  	s8 =	sadd.s32 $0x2E8, s6;
	s0 =	sand.u32 @!p2 $0x7FFFF8, s0;
	s5 =	sadd.s32 @!p2 s4, s5  }
0x823: {  	[hbm4b:s5+s10] =	stream.linear.scatter @!p2 [tilespmem:s8], [sflag:$0xC], $0x80, $0x38;
	[tilespmem:$0x1DA98] =	vst v63  }
0x824: {  	s0 =	sadd.s32 @!p2 s4, s0;
	s5 =	sadd.s32 $0x368, s6  }
0x825: {  	[hbm4b:s0+s10] =	stream.linear.scatter @!p2 [tilespmem:s5], [sflag:$0xC], $0x2C, $0x38;
	[tilespmem:$0x1DA98] =	vst v63  }
0x826: {  	s0 =	simm.s32 $0x0  }
0x827: {  	s0 =	simm.s32 @!p2 $0x4B0  }
0x828: {  	s1 =	sadd.s32 s0, s1  }
.LBB2_26:
0x829: {  	s0 =	sadd.s32 $0x1, s25  }
0x82a: {  	s5 =	smulhi.u32 $0xCCCCCCCD, s0;
	_ =	sdelay $0x1  }
0x82b: {  	s5 =	sshrl.u32 s5, $0x6  }
0x82c: {  	s5 =	smul.u32 $0x50, s5  }
0x82d: {  	v1 =	vld [tilespmem:s31+$0xFFFFFF70]  }
0x82e: {  	s25 =	ssub.s32 s0, s5  }
0x82f: {  	s0 =	smul.u32 $0x4C0, s25;
	_ =	sdelay $0x1  }
0x830: {  	s0 =	sshrl.u32 s0, $0x2  }
0x831: {  	[tilespmem:s0+$0x268] =	vst v1  }
0x832: {  	v1 =	vld [tilespmem:s31+$0xFFFFFF80];
	_ =	sdelay $0x4  }
0x833: {  	[tilespmem:s0+$0x278] =	vst v1  }
0x834: {  	v1 =	vld [tilespmem:s31+$0xFFFFFF90];
	_ =	sdelay $0x4  }
0x835: {  	[tilespmem:s0+$0x288] =	vst v1  }
0x836: {  	v1 =	vld [tilespmem:s31+$0xFFFFFFA0];
	_ =	sdelay $0x4  }
0x837: {  	[tilespmem:s0+$0x298] =	vst v1  }
0x838: {  	v1 =	vld [tilespmem:s31+$0xFFFFFFB0];
	_ =	sdelay $0x4  }
0x839: {  	[tilespmem:s0+$0x2A8] =	vst v1  }
0x83a: {  	v1 =	vld [tilespmem:s31+$0xFFFFFFC0];
	_ =	sdelay $0x4  }
0x83b: {  	[tilespmem:s0+$0x2B8] =	vst v1  }
0x83c: {  	v1 =	vld [tilespmem:s31+$0xFFFFFFD0];
	_ =	sdelay $0x4  }
0x83d: {  	[tilespmem:s0+$0x2C8] =	vst v1  }
0x83e: {  	v1 =	vld [tilespmem:s31+$0xFFFFFFE0];
	_ =	sdelay $0x4  }
0x83f: {  	[tilespmem:s0+$0x2D8] =	vst v1  }
0x840: {  	v1 =	vld [tilespmem:s31+$0xFFFFFFF0];
	_ =	sdelay $0x4  }
0x841: {  	[tilespmem:s0+$0x2E8] =	vst v1  }
0x842: {  	v1 =	vld [tilespmem:s31+$0x0];
	_ =	sdelay $0x4  }
0x843: {  	[tilespmem:s0+$0x2F8] =	vst v1  }
0x844: {  	v1 =	vld [tilespmem:s31+$0x10];
	_ =	sdelay $0x4  }
0x845: {  	[tilespmem:s0+$0x308] =	vst v1  }
0x846: {  	v1 =	vld [tilespmem:s31+$0x20];
	_ =	sdelay $0x4  }
0x847: {  	[tilespmem:s0+$0x318] =	vst v1  }
0x848: {  	v1 =	vld [tilespmem:s31+$0x30];
	_ =	sdelay $0x4  }
0x849: {  	[tilespmem:s0+$0x328] =	vst v1  }
0x84a: {  	v1 =	vld [tilespmem:s31+$0x40];
	_ =	sdelay $0x4  }
0x84b: {  	[tilespmem:s0+$0x338] =	vst v1  }
0x84c: {  	v1 =	vld [tilespmem:s31+$0x50];
	_ =	sdelay $0x4  }
0x84d: {  	[tilespmem:s0+$0x348] =	vst v1  }
0x84e: {  	v1 =	vld [tilespmem:s31+$0x60];
	_ =	sdelay $0x4  }
0x84f: {  	[tilespmem:s0+$0x358] =	vst v1  }
0x850: {  	v1 =	vld [tilespmem:s31+$0x70];
	_ =	sdelay $0x4  }
0x851: {  	[tilespmem:s0+$0x368] =	vst v1  }
0x852: {  	v1 =	vld [tilespmem:s31+$0x80];
	_ =	sdelay $0x4  }
0x853: {  	[tilespmem:s0+$0x378] =	vst v1  }
0x854: {  	v1 =	vld.msk [tilespmem:s31+$0x90], $0xfff  }
.Ltmp20:
0x855: {  	_ = 	snop;
	(pc) =	sbr.rel .LBB2_27-.Ltmp20, $2  }
0x856: {  	_ =	sdelay $0x2  }
0x857: {  	s29 =	sadd.s32 $0x1, s29;
	[tilespmem:s0+$0x388] =	vst.msk $0xfff, v1  }
.LBB2_29:
.Ltmp21:
0x858: {  	(pc) =	sbr.rel .LBB2_30-.Ltmp21, $4  }
0x859: {  	_ = 	snop  }
0x85a: {  	s1 =	simm.s32 $0x2  }
0x85b: {  	_ =	swait.ge [sflag:s1], $0x0  }
0x85c: {  	s2 =	smov.u32 s0;
	[sflag:s1] =	ssyncset.done $0x0;
	s1 =	simm.s32 $0x0  }
.LBB2_32:
0x85d: {  	_ =	sfence.sel $0x180000  }
0x85e: {  	s0 =	simm.s32 $0x9;
	[bflag:$0x0] =	sbarrier.arrive $0xFFFF  }
0x85f: {  	s24 =	simm.s32 $0xA;
	[sflag:s0] =	ssyncpa.u1 $0x1  }
0x860: {  	s25 =	simm.s32 $0xB;
	[sflag:s24] =	ssyncpa.u1 $0x1  }
0x861: {  	s26 =	simm.s32 $0x2;
	[sflag:s25] =	ssyncpa.u1 $0x1  }
0x862: {  	[sflag:s26] =	ssyncpa.u1 $0x1  }
0x863: {  	v0 =	vld [tilespmem:$0xC2C8];
	_ =	sdelay $0x4  }
0x864: {  	(v2sf) =	vpush v0, $0x0  }
0x865: {  	(v2sf) =	vpush v0, $0x1  }
0x866: {  	(v2sf) =	vpush v0, $0x2;
	_ =	sdelay $0xc  }
0x867: {  	s0 =	spop (v2sf)  }
0x868: {  	s1 =	spop (v2sf)  }
0x869: {  	s2 =	smov.u32 s0;
	p0 =	sne.s32 s0, s1;
	s3 =	spop (v2sf)  }
0x86a: {  	s2 =	simm.s32 @!p0 $0xFFFFFFFF;
	p0 =	seq.s32 s3, $0xFFFFFFFF  }
0x86b: {  	v2 =	vimm.s32 $0x1;
	v3 =	vlaneseq.u32;
	v1 =	vmov s2;
	p1 =	sne.s32 @!p0 s0, s1  }
0x86c: {  	s15 =	stileid.u32;
	v0 =	vperm.xlane v0, v2;
	s0 =	simm.s32 @!p0 $0x1;
	v1 =	vperm.xlane v1, v3;
	p1 =	por !p1, p0  }
0x86d: {  	vm0 =	vcmask $0x3F04;
	s2 =	sshll.u32 s15, $0x1;
	s1 =	smul.u32 @!p0 $0x4C0, s3;
	s0 =	simm.s32 @p1 $0x0  }
0x86e: {  	s6 =	simm.s32 $0xC2C8;
	v0 =	vsel vm0, v1, v0;
	s0 =	sor.u32 @!p0 s0, s2  }
0x86f: {  	s5 =	sor.u32 $0x2600, s2;
	s1 =	sshra.s32 @!p0 s1, $0x2;
	[tilespmem:$0xC2C8] =	vst v0;
	s0 =	smul.u32 @!p0 $0x4C0, s0  }
0x870: {  	[spmem:s5] =	stream.linear.scatter [tilespmem:s6], [sflag:$0x1], $0x2, $0x38;
	[tilespmem:$0x1DA98] =	vst v63  }
0x871: {  	s1 =	sadd.s32 @!p0 $0x268, s1;
	s0 =	sshrl.u32 @!p0 s0, $0x2  }
0x872: {  	[spmem:s0] =	stream.linear.scatter @!p0 [tilespmem:s1], [sflag:$0x1], $0x130, $0x38;
	[tilespmem:$0x1DA98] =	vst v63  }
0x873: {  	s0 =	simm.s32 @!p0 $0x132  }
0x874: {  	s28 =	simm.s32 $0x1;
	s0 =	simm.s32 @p0 $0x2  }
0x875: {  	_ =	swait.ge [sflag:s28], s0  }
0x876: {  	s0 =	ssub.s32 $0x0, s0;
	[sflag:s28] =	ssyncset.done $0x0  }
0x877: {  	p0 =	sne.s32 s15, $0x0;
	[sflag:s28] =	ssyncadd.s32 s0  }
.Ltmp22:
0x878: {  	_ =	sfence.stream.spmem;
	(pc) =	sbr.rel @p0 .LBB2_52-.Ltmp22, $4  }
0x879: {  	s29 =	simm.s32 $0x3;
	[bflag:$0x0] =	sbarrier.arrive $0xFFFF  }
0x87a: {  	s30 =	simm.s32 $0x4;
	[sflag:s29] =	ssyncpa.u1 $0x1  }
0x87b: {  	s31 =	simm.s32 $0x3C;
	[sflag:s30] =	ssyncpa.u1 $0x1  }
0x87c: {  	s16 =	rddreg [dreg:$0x4];
	[sflag:s31] =	ssyncpa.u1 $0x1  }
0x87d: {  	_ =	sfence.stream.spmem;
	s0 =	simm.s32 $0x5  }
0x87e: {  	s1 =	simm.s32 $0x2600;
	s2 =	simm.s32 $0xC2D8;
	[sflag:s0] =	ssyncpa.u1 $0x0  }
0x87f: {  	[tilespmem:s2], [sflag:$0x5] =	stream.linear.gather [spmem:s1], $0x20, $0x38;
	[tilespmem:$0x1DA98] =	vst v63  }
0x880: {  	s26 =	simm.s32 $0x0;
	s28 =	simm.s32 $0xC2F8  }
0x881: {  	[tilespmem:s28], [sflag:$0x5] =	stream.linear.gather [spmem:s26], $0x2600, $0x38;
	[tilespmem:$0x1DA98] =	vst v63  }
0x882: {  	_ =	swait.ge [sflag:s0], $0x2620  }
0x883: {  	[sflag:s0] =	ssyncset.done $0x0  }
0x884: {  	s29 =	simm.s32 $0x0;
	[sflag:s0] =	ssyncadd.s32 $0xFFFFD9E0  }
0x885: {  	v0 =	vld.msk [tilespmem:s29+$0xC2D8], $0x1;
	_ =	sdelay $0x1  }
0x886: {  	s30 =	simm.s32 $0x1  }
0x887: {  	v1 =	vld.msk [tilespmem:s30+$0xC2D8], $0x1;
	_ =	sdelay $0x1  }
0x888: {  	(v2sf) =	vpush v0, $0x0;
	_ =	sdelay $0x2  }
0x889: {  	(v2sf) =	vpush v1, $0x0;
	_ =	sdelay $0x2  }
0x88a: {  	s31 =	simm.s32 $0x2  }
0x88b: {  	v0 =	vld.msk [tilespmem:s31+$0xC2D8], $0x1;
	_ =	sdelay $0x2  }
0x88c: {  	s2 =	simm.s32 $0xFFFFFFFF;
	s1 =	simm.s32 $0xFFFFFFFF;
	s0 =	simm.s32 $0xC  }
.LBB2_34:
0x88d: {  	s3 =	smov.u32 s1;
	s5 =	smov.u32 s2  }
0x88e: {  	s1 =	sshra.s32 s0, $0x2;
	p1 =	sne.s32 s0, $0x7C;
	s0 =	sadd.s32 $0x4, s0;
	(v2sf) =	vpush v0, $0x0  }
0x88f: {  	v0 =	vld.msk [tilespmem:s1+$0xC2D8], $0x1  }
.Ltmp23:
0x890: {  	(pc) =	sbr.rel @p1 .LBB2_34-.Ltmp23, $4  }
0x891: {  	s1 =	spop (v2sf)  }
0x892: {  	p2 =	sne.s32 s2, $0xFFFFFFFF;
	s2 =	smov.u32 s1  }
0x893: {  	p3 =	seq.s32 s1, $0xFFFFFFFF;
	s2 =	smov.u32 @p2 s5  }
0x894: {  	s1 =	smov.u32 @p3 s3;
	s2 =	smov.u32 @p3 s5  }
0x895: {  	(v2sf) =	vpush v0, $0x0;
	_ =	sdelay $0x8  }
0x896: {  	s0 =	spop (v2sf);
	p1 =	sne.s32 s2, $0xFFFFFFFF  }
0x897: {  	s9 =	simm.s32 $0x6;
	s10 =	simm.s32 $0xC198;
	s3 =	smov.u32 s0  }
0x898: {  	s11 =	simm.s32 $0xC218;
	p2 =	seq.s32 s0, $0xFFFFFFFF;
	s3 =	smov.u32 @p1 s2  }
0x899: {  	s12 =	simm.s32 $0xC298;
	s3 =	smov.u32 @p2 s2;
	s2 =	spop (v2sf)  }
0x89a: {  	s13 =	simm.s32 $0x0;
	p1 =	sne.s32 s3, $0xFFFFFFFF;
	s5 =	smov.u32 s2  }
.Ltmp24:
0x89b: {  	s5 =	smov.u32 @p1 s3;
	p1 =	seq.s32 s2, $0xFFFFFFFF;
	(pc) =	sbr.rel .LBB2_36-.Ltmp24, $4  }
0x89c: {  	[sflag:s9] =	ssyncpa.u1 $0x0;
	s5 =	smov.u32 @p1 s3;
	s7 =	spop (v2sf)  }
0x89d: {  	s0 =	smov.u32 @p2 s1;
	p2 =	sne.s32 s5, $0xFFFFFFFF;
	s8 =	smov.u32 s7  }
0x89e: {  	s2 =	smov.u32 @p1 s0;
	p1 =	seq.s32 s7, $0xFFFFFFFF;
	s8 =	smov.u32 @p2 s5  }
0x89f: {  	s3 =	simm.s32 $0x0;
	s7 =	smov.u32 @p1 s2;
	s8 =	smov.u32 @p1 s5  }
.LBB2_41:
0x8a0: {  	s0 =	smul.u32 $0x4C0, s13  }
0x8a1: {  	s2 =	smul.u32 $0x4C0, s2  }
0x8a2: {  	s1 =	sshra.s32 s0, $0x2  }
0x8a3: {  	s31 =	sshra.s32 s2, $0x2;
	v0 =	vld [tilespmem:s1+$0xC2F8]  }
0x8a4: {  	v1 =	vld [tilespmem:s31+$0xC2F8];
	_ =	sdelay $0x4  }
0x8a5: {  	v0 =	vmax.f32 v0, v1  }
0x8a6: {  	v46 =	vld [tilespmem:s31+$0xC308];
	[tilespmem:s31+$0xC2F8] =	vst v0  }
0x8a7: {  	v0 =	vld [tilespmem:s1+$0xC308];
	_ =	sdelay $0x4  }
0x8a8: {  	v0 =	vmax.f32 v0, v46  }
0x8a9: {  	v47 =	vld [tilespmem:s31+$0xC318];
	[tilespmem:s31+$0xC308] =	vst v0  }
0x8aa: {  	v0 =	vld [tilespmem:s1+$0xC318];
	_ =	sdelay $0x4  }
0x8ab: {  	v0 =	vmax.f32 v0, v47  }
0x8ac: {  	v48 =	vld [tilespmem:s31+$0xC328];
	[tilespmem:s31+$0xC318] =	vst v0  }
0x8ad: {  	v0 =	vld [tilespmem:s1+$0xC328];
	_ =	sdelay $0x4  }
0x8ae: {  	v0 =	vmax.f32 v0, v48  }
0x8af: {  	v49 =	vld [tilespmem:s31+$0xC338];
	[tilespmem:s31+$0xC328] =	vst v0  }
0x8b0: {  	v0 =	vld [tilespmem:s1+$0xC338];
	_ =	sdelay $0x4  }
0x8b1: {  	v0 =	vmax.f32 v0, v49  }
0x8b2: {  	v50 =	vld [tilespmem:s31+$0xC348];
	[tilespmem:s31+$0xC338] =	vst v0  }
0x8b3: {  	v0 =	vld [tilespmem:s1+$0xC348];
	_ =	sdelay $0x4  }
0x8b4: {  	v0 =	vmax.f32 v0, v50  }
0x8b5: {  	v51 =	vld [tilespmem:s31+$0xC358];
	[tilespmem:s31+$0xC348] =	vst v0  }
0x8b6: {  	v0 =	vld [tilespmem:s1+$0xC358];
	_ =	sdelay $0x4  }
0x8b7: {  	v0 =	vmax.f32 v0, v51  }
0x8b8: {  	v52 =	vld [tilespmem:s31+$0xC368];
	[tilespmem:s31+$0xC358] =	vst v0  }
0x8b9: {  	v0 =	vld [tilespmem:s1+$0xC368];
	_ =	sdelay $0x4  }
0x8ba: {  	v0 =	vmax.f32 v0, v52  }
0x8bb: {  	v53 =	vld [tilespmem:s31+$0xC378];
	[tilespmem:s31+$0xC368] =	vst v0  }
0x8bc: {  	v0 =	vld [tilespmem:s1+$0xC378];
	_ =	sdelay $0x4  }
0x8bd: {  	v0 =	vmax.f32 v0, v53  }
0x8be: {  	v54 =	vld [tilespmem:s31+$0xC388];
	[tilespmem:s31+$0xC378] =	vst v0  }
0x8bf: {  	v0 =	vld [tilespmem:s1+$0xC388];
	_ =	sdelay $0x4  }
0x8c0: {  	v0 =	vmax.f32 v0, v54  }
0x8c1: {  	v55 =	vld [tilespmem:s31+$0xC398];
	[tilespmem:s31+$0xC388] =	vst v0  }
0x8c2: {  	v0 =	vld [tilespmem:s1+$0xC398];
	_ =	sdelay $0x4  }
0x8c3: {  	v0 =	vmax.f32 v0, v55  }
0x8c4: {  	v56 =	vld [tilespmem:s31+$0xC3A8];
	[tilespmem:s31+$0xC398] =	vst v0  }
0x8c5: {  	v0 =	vld [tilespmem:s1+$0xC3A8];
	_ =	sdelay $0x4  }
0x8c6: {  	v0 =	vmax.f32 v0, v56  }
0x8c7: {  	v57 =	vld [tilespmem:s31+$0xC3B8];
	[tilespmem:s31+$0xC3A8] =	vst v0  }
0x8c8: {  	v0 =	vld [tilespmem:s1+$0xC3B8];
	_ =	sdelay $0x4  }
0x8c9: {  	v0 =	vmax.f32 v0, v57  }
0x8ca: {  	v58 =	vld [tilespmem:s31+$0xC3C8];
	[tilespmem:s31+$0xC3B8] =	vst v0  }
0x8cb: {  	v0 =	vld [tilespmem:s1+$0xC3C8];
	_ =	sdelay $0x4  }
0x8cc: {  	v0 =	vmax.f32 v0, v58  }
0x8cd: {  	v59 =	vld [tilespmem:s31+$0xC3D8];
	[tilespmem:s31+$0xC3C8] =	vst v0  }
0x8ce: {  	v0 =	vld [tilespmem:s1+$0xC3D8];
	_ =	sdelay $0x4  }
0x8cf: {  	v0 =	vmax.f32 v0, v59  }
0x8d0: {  	v60 =	vld [tilespmem:s31+$0xC3E8];
	[tilespmem:s31+$0xC3D8] =	vst v0  }
0x8d1: {  	v0 =	vld [tilespmem:s1+$0xC3E8];
	_ =	sdelay $0x4  }
0x8d2: {  	v0 =	vmax.f32 v0, v60  }
0x8d3: {  	v61 =	vld [tilespmem:s31+$0xC3F8];
	[tilespmem:s31+$0xC3E8] =	vst v0  }
0x8d4: {  	v0 =	vld [tilespmem:s1+$0xC3F8];
	_ =	sdelay $0x4  }
0x8d5: {  	v0 =	vmax.f32 v0, v61  }
0x8d6: {  	v62 =	vld [tilespmem:s31+$0xC408];
	[tilespmem:s31+$0xC3F8] =	vst v0  }
0x8d7: {  	v0 =	vld [tilespmem:s1+$0xC408];
	_ =	sdelay $0x4  }
0x8d8: {  	v0 =	vmax.f32 v0, v62  }
0x8d9: {  	v63 =	vld [tilespmem:s31+$0xC418];
	[tilespmem:s31+$0xC408] =	vst v0  }
0x8da: {  	v0 =	vld [tilespmem:s1+$0xC418];
	_ =	sdelay $0x4  }
0x8db: {  	v0 =	vmax.f32 v0, v63  }
0x8dc: {  	[tilespmem:s31+$0xC418] =	vst v0  }
.LBB2_46:
0x8dd: {  	s13 =	sadd.s32 $0x1, s13  }
0x8de: {  	p1 =	sne.s32 s13, $0x20  }
.Ltmp25:
0x8df: {  	_ = 	snop;
	(pc) =	sbr.rel @!p1 .LBB2_47-.Ltmp25, $1  }
0x8e0: {  	_ =	sdelay $0x3  }
.LBB2_36:
0x8e1: {  	v0 =	vld.msk [tilespmem:s13+$0xC2D8], $0x1;
	_ =	sdelay $0x4  }
0x8e2: {  	(v2sf) =	vpush v0, $0x0;
	_ =	sdelay $0xe  }
0x8e3: {  	s0 =	spop (v2sf)  }
0x8e4: {  	p1 =	seq.s32 s0, $0xFFFFFFFF  }
.Ltmp26:
0x8e5: {  	_ = 	snop;
	(pc) =	sbr.rel @p1 .LBB2_46-.Ltmp26, $1  }
0x8e6: {  	_ =	sdelay $0x3  }
0x8e7: {  	p1 =	slt.s32 s3, $0x1  }
.Ltmp27:
0x8e8: {  	_ = 	snop;
	(pc) =	sbr.rel @p1 .LBB2_42-.Ltmp27, $1  }
0x8e9: {  	_ =	sdelay $0x3  }
0x8ea: {  	s1 =	simm.s32 $0xC2D8;
	p1 =	por $0x0, $0x0  }
0x8eb: {  	v1 =	vld.msk @!p1 [tilespmem:s1+$0x0], $0x1;
	_ =	sdelay $0x4  }
0x8ec: {  	(v2sf) =	vpush @!p1 v1, $0x0;
	_ =	sdelay $0xd  }
0x8ed: {  	p3 =	sne.s32 s3, $0x1  }
.Ltmp28:
0x8ee: {  	s2 =	spop @!p1 (v2sf);
	(pc) =	sbr.rel @!p3 .LBB2_40-.Ltmp28, $4  }
0x8ef: {  	p2 =	seq.s32 @!p1 s0, s2  }
0x8f0: {  	s2 =	simm.s32 $0x0;
	p2 =	por !p2, p1  }
0x8f1: {  	s6 =	simm.s32 $0xFFFFFFFF;
	s2 =	simm.s32 @p2 $0xFFFFFFFF  }
0x8f2: {  	s5 =	simm.s32 $0x1;
	s2 =	smov.u32 @p1 s6  }
.LBB2_39:
0x8f3: {  	s6 =	smov.u32 s2;
	p1 =	sne.s32 s2, $0xFFFFFFFF  }
0x8f4: {  	s1 =	sadd.s32 $0x1, s1;
	s2 =	smov.u32 s5;
	s5 =	sadd.s32 $0x1, s5  }
0x8f5: {  	p2 =	sne.s32 s3, s5;
	v1 =	vld.msk @!p1 [tilespmem:s1+$0x0], $0x1;
	_ =	sdelay $0x4  }
0x8f6: {  	(v2sf) =	vpush @!p1 v1, $0x0;
	_ =	sdelay $0xe  }
.Ltmp29:
0x8f7: {  	s14 =	spop @!p1 (v2sf);
	(pc) =	sbr.rel @p2 .LBB2_39-.Ltmp29, $4  }
0x8f8: {  	p3 =	seq.s32 @!p1 s0, s14  }
0x8f9: {  	p3 =	por !p3, p1  }
0x8fa: {  	s2 =	simm.s32 @p3 $0xFFFFFFFF  }
0x8fb: {  	s2 =	smov.u32 @p1 s6  }
.LBB2_40:
0x8fc: {  	p1 =	seq.s32 s2, $0xFFFFFFFF  }
.Ltmp30:
0x8fd: {  	_ = 	snop;
	(pc) =	sbr.rel @!p1 .LBB2_41-.Ltmp30, $1  }
0x8fe: {  	_ =	sdelay $0x3  }
.LBB2_42:
0x8ff: {  	p1 =	sgt.u32 s0, $0x249DFA  }
0x900: {  	p2 =	seq.s32 @!p1 s0, s8  }
0x901: {  	p1 =	por p1, p2  }
0x902: {  	p2 =	sne.s32 @!p1 s0, s7  }
0x903: {  	p1 =	por p1, !p2  }
.Ltmp31:
0x904: {  	_ = 	snop;
	(pc) =	sbr.rel @p1 .LBB2_43-.Ltmp31, $1  }
0x905: {  	_ =	sdelay $0x3  }
0x906: {  	s1 =	sand.u32 $0x3FFFF8, s0  }
0x907: {  	s2 =	sand.u32 $0x7, s0;
	s29 =	sadd.s32 $0x80, s0;
	s1 =	sadd.s32 s4, s1  }
0x908: {  	[tilespmem:s10], [sflag:$0x6] =	stream.linear.gather [hbm4b:s1+s2], $0x80, $0x38;
	[tilespmem:$0x1DA98] =	vst v63  }
0x909: {  	s30 =	sadd.s32 $0x100, s0;
	s1 =	sand.u32 $0x7FFFF8, s29  }
0x90a: {  	s0 =	sand.u32 $0x7FFFF8, s30;
	s1 =	sadd.s32 s4, s1  }
0x90b: {  	[tilespmem:s11], [sflag:$0x6] =	stream.linear.gather [hbm4b:s1+s2], $0x80, $0x38;
	[tilespmem:$0x1DA98] =	vst v63  }
0x90c: {  	s0 =	sadd.s32 s4, s0  }
0x90d: {  	[tilespmem:s12], [sflag:$0x6] =	stream.linear.gather [hbm4b:s0+s2], $0x2C, $0x38;
	[tilespmem:$0x1DA98] =	vst v63  }
0x90e: {  	_ =	swait.ge [sflag:s9], $0x12C  }
0x90f: {  	s0 =	smul.u32 $0x4C0, s13;
	[sflag:s9] =	ssyncset.done $0x0  }
0x910: {  	[sflag:s9] =	ssyncadd.s32 $0xFFFFFED4  }
0x911: {  	s31 =	sshra.s32 s0, $0x2;
	v1 =	vld [tilespmem:$0xC198]  }
0x912: {  	v2 =	vld [tilespmem:s31+$0xC2F8];
	_ =	sdelay $0x4  }
0x913: {  	v1 =	vmax.f32 v1, v2  }
0x914: {  	v2 =	vld [tilespmem:s31+$0xC308];
	[tilespmem:s31+$0xC2F8] =	vst v1  }
0x915: {  	v1 =	vld [tilespmem:$0xC1A8];
	_ =	sdelay $0x4  }
0x916: {  	v1 =	vmax.f32 v1, v2  }
0x917: {  	v2 =	vld [tilespmem:s31+$0xC318];
	[tilespmem:s31+$0xC308] =	vst v1  }
0x918: {  	v1 =	vld [tilespmem:$0xC1B8];
	_ =	sdelay $0x4  }
0x919: {  	v1 =	vmax.f32 v1, v2  }
0x91a: {  	v2 =	vld [tilespmem:s31+$0xC328];
	[tilespmem:s31+$0xC318] =	vst v1  }
0x91b: {  	v1 =	vld [tilespmem:$0xC1C8];
	_ =	sdelay $0x4  }
0x91c: {  	v1 =	vmax.f32 v1, v2  }
0x91d: {  	v2 =	vld [tilespmem:s31+$0xC338];
	[tilespmem:s31+$0xC328] =	vst v1  }
0x91e: {  	v1 =	vld [tilespmem:$0xC1D8];
	_ =	sdelay $0x4  }
0x91f: {  	v1 =	vmax.f32 v1, v2  }
0x920: {  	v2 =	vld [tilespmem:s31+$0xC348];
	[tilespmem:s31+$0xC338] =	vst v1  }
0x921: {  	v1 =	vld [tilespmem:$0xC1E8];
	_ =	sdelay $0x4  }
0x922: {  	v1 =	vmax.f32 v1, v2  }
0x923: {  	v2 =	vld [tilespmem:s31+$0xC358];
	[tilespmem:s31+$0xC348] =	vst v1  }
0x924: {  	v1 =	vld [tilespmem:$0xC1F8];
	_ =	sdelay $0x4  }
0x925: {  	v1 =	vmax.f32 v1, v2  }
0x926: {  	v2 =	vld [tilespmem:s31+$0xC368];
	[tilespmem:s31+$0xC358] =	vst v1  }
0x927: {  	v1 =	vld [tilespmem:$0xC208];
	_ =	sdelay $0x4  }
0x928: {  	v1 =	vmax.f32 v1, v2  }
0x929: {  	v2 =	vld [tilespmem:s31+$0xC378];
	[tilespmem:s31+$0xC368] =	vst v1  }
0x92a: {  	v1 =	vld [tilespmem:$0xC218];
	_ =	sdelay $0x4  }
0x92b: {  	v1 =	vmax.f32 v1, v2  }
0x92c: {  	v2 =	vld [tilespmem:s31+$0xC388];
	[tilespmem:s31+$0xC378] =	vst v1  }
0x92d: {  	v1 =	vld [tilespmem:$0xC228];
	_ =	sdelay $0x4  }
0x92e: {  	v1 =	vmax.f32 v1, v2  }
0x92f: {  	v2 =	vld [tilespmem:s31+$0xC398];
	[tilespmem:s31+$0xC388] =	vst v1  }
0x930: {  	v1 =	vld [tilespmem:$0xC238];
	_ =	sdelay $0x4  }
0x931: {  	v1 =	vmax.f32 v1, v2  }
0x932: {  	v2 =	vld [tilespmem:s31+$0xC3A8];
	[tilespmem:s31+$0xC398] =	vst v1  }
0x933: {  	v1 =	vld [tilespmem:$0xC248];
	_ =	sdelay $0x4  }
0x934: {  	v1 =	vmax.f32 v1, v2  }
0x935: {  	v2 =	vld [tilespmem:s31+$0xC3B8];
	[tilespmem:s31+$0xC3A8] =	vst v1  }
0x936: {  	v1 =	vld [tilespmem:$0xC258];
	_ =	sdelay $0x4  }
0x937: {  	v1 =	vmax.f32 v1, v2  }
0x938: {  	v2 =	vld [tilespmem:s31+$0xC3C8];
	[tilespmem:s31+$0xC3B8] =	vst v1  }
0x939: {  	v1 =	vld [tilespmem:$0xC268];
	_ =	sdelay $0x4  }
0x93a: {  	v1 =	vmax.f32 v1, v2  }
0x93b: {  	v2 =	vld [tilespmem:s31+$0xC3D8];
	[tilespmem:s31+$0xC3C8] =	vst v1  }
0x93c: {  	v1 =	vld [tilespmem:$0xC278];
	_ =	sdelay $0x4  }
0x93d: {  	v1 =	vmax.f32 v1, v2  }
0x93e: {  	v2 =	vld [tilespmem:s31+$0xC3E8];
	[tilespmem:s31+$0xC3D8] =	vst v1  }
0x93f: {  	v1 =	vld [tilespmem:$0xC288];
	_ =	sdelay $0x4  }
0x940: {  	v1 =	vmax.f32 v1, v2  }
0x941: {  	v2 =	vld [tilespmem:s31+$0xC3F8];
	[tilespmem:s31+$0xC3E8] =	vst v1  }
0x942: {  	v1 =	vld [tilespmem:$0xC298];
	_ =	sdelay $0x4  }
0x943: {  	v1 =	vmax.f32 v1, v2  }
0x944: {  	v2 =	vld [tilespmem:s31+$0xC408];
	[tilespmem:s31+$0xC3F8] =	vst v1  }
0x945: {  	v1 =	vld [tilespmem:$0xC2A8];
	_ =	sdelay $0x4  }
0x946: {  	v1 =	vmax.f32 v1, v2  }
0x947: {  	v2 =	vld [tilespmem:s31+$0xC418];
	[tilespmem:s31+$0xC408] =	vst v1  }
0x948: {  	v1 =	vld [tilespmem:$0xC2B8];
	_ =	sdelay $0x4  }
0x949: {  	v1 =	vmax.f32 v1, v2  }
0x94a: {  	[tilespmem:s31+$0xC418] =	vst v1  }
.LBB2_45:
0x94b: {  	[tilespmem:s3+$0xC2D8] =	vst.msk $0x1, v0;
	s0 =	sshra.s32 s0, $0x2  }
0x94c: {  	v0 =	vld [tilespmem:s0+$0xC2F8];
	_ =	sdelay $0x1  }
0x94d: {  	s1 =	smul.u32 $0x4C0, s3;
	_ =	sdelay $0x1  }
0x94e: {  	s1 =	sshra.s32 s1, $0x2  }
0x94f: {  	[tilespmem:s1+$0xC2F8] =	vst v0  }
0x950: {  	v0 =	vld [tilespmem:s0+$0xC308];
	_ =	sdelay $0x4  }
0x951: {  	[tilespmem:s1+$0xC308] =	vst v0  }
0x952: {  	v0 =	vld [tilespmem:s0+$0xC318];
	_ =	sdelay $0x4  }
0x953: {  	[tilespmem:s1+$0xC318] =	vst v0  }
0x954: {  	v0 =	vld [tilespmem:s0+$0xC328];
	_ =	sdelay $0x4  }
0x955: {  	[tilespmem:s1+$0xC328] =	vst v0  }
0x956: {  	v0 =	vld [tilespmem:s0+$0xC338];
	_ =	sdelay $0x4  }
0x957: {  	[tilespmem:s1+$0xC338] =	vst v0  }
0x958: {  	v0 =	vld [tilespmem:s0+$0xC348];
	_ =	sdelay $0x4  }
0x959: {  	[tilespmem:s1+$0xC348] =	vst v0  }
0x95a: {  	v0 =	vld [tilespmem:s0+$0xC358];
	_ =	sdelay $0x4  }
0x95b: {  	[tilespmem:s1+$0xC358] =	vst v0  }
0x95c: {  	v0 =	vld [tilespmem:s0+$0xC368];
	_ =	sdelay $0x4  }
0x95d: {  	[tilespmem:s1+$0xC368] =	vst v0  }
0x95e: {  	v0 =	vld [tilespmem:s0+$0xC378];
	_ =	sdelay $0x4  }
0x95f: {  	[tilespmem:s1+$0xC378] =	vst v0  }
0x960: {  	v0 =	vld [tilespmem:s0+$0xC388];
	_ =	sdelay $0x4  }
0x961: {  	[tilespmem:s1+$0xC388] =	vst v0  }
0x962: {  	v0 =	vld [tilespmem:s0+$0xC398];
	_ =	sdelay $0x4  }
0x963: {  	[tilespmem:s1+$0xC398] =	vst v0  }
0x964: {  	v0 =	vld [tilespmem:s0+$0xC3A8];
	_ =	sdelay $0x4  }
0x965: {  	[tilespmem:s1+$0xC3A8] =	vst v0  }
0x966: {  	v0 =	vld [tilespmem:s0+$0xC3B8];
	_ =	sdelay $0x4  }
0x967: {  	[tilespmem:s1+$0xC3B8] =	vst v0  }
0x968: {  	v0 =	vld [tilespmem:s0+$0xC3C8];
	_ =	sdelay $0x4  }
0x969: {  	[tilespmem:s1+$0xC3C8] =	vst v0  }
0x96a: {  	v0 =	vld [tilespmem:s0+$0xC3D8];
	_ =	sdelay $0x4  }
0x96b: {  	[tilespmem:s1+$0xC3D8] =	vst v0  }
0x96c: {  	v0 =	vld [tilespmem:s0+$0xC3E8];
	_ =	sdelay $0x4  }
0x96d: {  	[tilespmem:s1+$0xC3E8] =	vst v0  }
0x96e: {  	v0 =	vld [tilespmem:s0+$0xC3F8];
	_ =	sdelay $0x4  }
0x96f: {  	[tilespmem:s1+$0xC3F8] =	vst v0  }
0x970: {  	v0 =	vld [tilespmem:s0+$0xC408];
	_ =	sdelay $0x4  }
0x971: {  	[tilespmem:s1+$0xC408] =	vst v0  }
0x972: {  	v0 =	vld [tilespmem:s0+$0xC418]  }
.Ltmp32:
0x973: {  	_ = 	snop;
	(pc) =	sbr.rel .LBB2_46-.Ltmp32, $2  }
0x974: {  	_ =	sdelay $0x2  }
0x975: {  	s3 =	sadd.s32 $0x1, s3;
	[tilespmem:s1+$0xC418] =	vst v0  }
.LBB2_43:
.Ltmp33:
0x976: {  	(pc) =	sbr.rel .LBB2_45-.Ltmp33, $2  }
0x977: {  	_ =	sdelay $0x1  }
0x978: {  	s0 =	smul.u32 $0x4C0, s13;
	_ =	sdelay $0x1  }
.LBB2_47:
0x979: {  	s0 =	simm.s32 $0x6;
	p1 =	seq.s32 s3, $0x0  }
0x97a: {  	[sflag:s0] =	ssyncpa.u1 $0x1;
	v0 =	vimm.s32 @p1 $0xFFFFFFFF  }
0x97b: {  	s0 =	sadd.s32 $0xFFFFFFFF, s3;
	[tilespmem:$0xE8F8] =	vst @p1 v0  }
0x97c: {  	v0 =	vld.msk @!p1 [tilespmem:s0+$0xC2D8], $0x1;
	_ =	sdelay $0x1  }
0x97d: {  	v1 =	vld.msk @!p1 [tilespmem:$0xC2D8], $0x1;
	_ =	sdelay $0x2  }
0x97e: {  	p2 =	seq.s32 @!p1 s0, $0x0;
	v0 =	vbroadcast @!p1 v0, $0x0  }
0x97f: {  	vm0 =	vmmov @!p1 $0x1;
	p3 =	por !p2, p1  }
0x980: {  	p2 =	sne.s32 @!p1 s8, s7;
	v1 =	vnsel @!p1 vm0, $0xFFFFFFFF, v1;
	vm0 =	vcmask @!p1 $0x308;
	v0 =	vpsel !p3, $0xFFFFFFFF, v0  }
0x981: {  	p3 =	por !p2, p1;
	v0 =	vsel @!p1 vm0, v1, v0  }
0x982: {  	s1 =	simm.s32 @!p1 $0xC2F8;
	s2 =	simm.s32 @!p1 $0x0;
	s5 =	smul.u32 @!p3 $0x4C0, s0;
	[tilespmem:$0xE8F8] =	vst @!p1 v0  }
0x983: {  	[spmem:s2] =	stream.linear.scatter @!p1 [tilespmem:s1], [sflag:$0x1], $0x130, $0x38;
	[tilespmem:$0x1DA98] =	vst v63  }
0x984: {  	s1 =	sshra.s32 @!p3 s5, $0x2  }
0x985: {  	s2 =	simm.s32 @!p3 $0x130;
	s1 =	sadd.s32 @!p3 $0xC2F8, s1  }
0x986: {  	[spmem:s2] =	stream.linear.scatter @!p3 [tilespmem:s1], [sflag:$0x1], $0x130, $0x38;
	[tilespmem:$0x1DA98] =	vst v63  }
0x987: {  	s1 =	simm.s32 @!p3 $0x1  }
0x988: {  	_ =	swait.ge @!p3 [sflag:s1], $0x260  }
0x989: {  	p1 =	por p2, p1;
	[sflag:s1] =	ssyncset.done @!p3 $0x0  }
0x98a: {  	[sflag:s1] =	ssyncadd.s32 @!p3 $0xFFFFFDA0;
	s1 =	simm.s32 @!p1 $0x1  }
0x98b: {  	_ =	swait.ge @!p1 [sflag:s1], $0x130  }
0x98c: {  	s29 =	simm.s32 $0xE8F8;
	[sflag:s1] =	ssyncset.done @!p1 $0x0  }
0x98d: {  	s30 =	simm.s32 $0x2600;
	s31 =	simm.s32 $0x1;
	[sflag:s1] =	ssyncadd.s32 @!p1 $0xFFFFFED0  }
0x98e: {  	[spmem:s30] =	stream.linear.scatter [tilespmem:s29], [sflag:$0x1], $0x10, $0x38;
	[tilespmem:$0x1DA98] =	vst v63  }
0x98f: {  	_ =	swait.ge [sflag:s31], $0x10  }
0x990: {  	[sflag:s31] =	ssyncset.done $0x0  }
0x991: {  	p1 =	seq.s32 s16, $0x0;
	s9 =	rddreg [dreg:$0x1];
	[sflag:s31] =	ssyncadd.s32 $0xFFFFFFF0  }
0x992: {  	s2 =	sshll.u32 @p1 s9, $0xE;
	s8 =	rddreg [dreg:$0x2]  }
0x993: {  	s1 =	sadd.s32 @p1 $0x15C3C, s2;
	s2 =	sshll.u32 @p1 s8, $0x11  }
0x994: {  	_ =	sfence.stream.spmem;
	s1 =	sor.u32 @p1 s2, s1  }
0x995: {  	[sflag:s1] =	ssyncadd.remote.s32 @p1 $0x1;
	s1 =	simm.s32 @p1 $0x4  }
0x996: {  	s5 =	simm.s32 @!p1 $0x3C;
	s2 =	sand.u32 $0xFFFFFFFE, s9;
	_ =	swait.ge @p1 [sflag:s1], $0x4E  }
0x997: {  	s6 =	simm.s32 @!p1 $0x0;
	s2 =	sadd.s32 @!p1 $0x4, s2;
	[sflag:s1] =	ssyncset.done @p1 $0x0  }
0x998: {  	s7 =	simm.s32 @!p1 $0x260;
	[sflag:s1] =	ssyncadd.s32 @p1 $0xFFFFFFB2;
	s1 =	sshll.u32 @!p1 s2, $0x1A  }
0x999: {  	s2 =	sshll.u32 @!p1 s2, $0xD;
	s1 =	sor.u32 @!p1 s1, s8;
	_ =	swait.eq @!p1 [sflag:s5], $0x1  }
0x99a: {  	s2 =	sor.u32 @!p1 $0x1C04, s2;
	s5 =	simm.s32 @!p1 $0x1C03;
	s1 =	sor.u32 @!p1 $0x80004000, s1  }
0x99b: {  	[spmem:s7], [sflag:s2] =	dma.general @!p1 [spmem:s6], [sflag:s5], length:$0x4C, [dreg:$0x0], stride_count:$0x0, ici_dest:s1, dma_misc:DstOpCode:WRITE  }
0x99c: {  	p2 =	slt.s32 s0, $0x2;
	s6 =	simm.s32 @!p1 $0x4C0;
	s7 =	simm.s32 @!p1 $0x4C2  }
0x99d: {  	[spmem:s7], [sflag:s2] =	dma.general @!p1 [spmem:s6], [sflag:s5], length:$0x2, [dreg:$0x0], stride_count:$0x0, ici_dest:s1, dma_misc:DstOpCode:WRITE  }
.Ltmp34:
0x99e: {  	s1 =	simm.s32 @!p1 $0x3;
	(pc) =	sbr.rel @p2 .LBB2_51-.Ltmp34, $4  }
0x99f: {  	s2 =	sshll.u32 @!p1 s9, $0xE;
	_ =	swait.ge @!p1 [sflag:s1], $0x4E  }
0x9a0: {  	s5 =	sshll.u32 @!p1 s8, $0x11;
	s2 =	sadd.s32 @!p1 $0x11C3C, s2;
	[sflag:s1] =	ssyncset.done @!p1 $0x0  }
0x9a1: {  	[sflag:s1] =	ssyncadd.s32 @!p1 $0xFFFFFFB2;
	s1 =	sor.u32 @!p1 s5, s2  }
0x9a2: {  	s0 =	simm.s32 $0x0;
	[sflag:s1] =	ssyncadd.remote.s32 @!p1 $0xFFFFFFFF  }
0x9a3: {  	s0 =	simm.s32 $0xC2D9  }
0x9a4: {  	v0 =	vld.msk [tilespmem:s0+$0x0], $0x1;
	_ =	sdelay $0x4  }
0x9a5: {  	(v2sf) =	vpush v0, $0x0;
	_ =	sdelay $0xe  }
0x9a6: {  	s1 =	spop (v2sf)  }
0x9a7: {  	s2 =	sadd.s32 $0xFFFFFFFE, s3;
	s0 =	simm.s32 $0xC428;
	p1 =	sgt.u32 s1, $0x249DFA  }
0x9a8: {  	s3 =	sand.u32 @!p1 $0x3FFFF8, s1;
	s5 =	sadd.s32 @!p1 $0x80, s1;
	s6 =	sadd.s32 @!p1 $0x100, s1  }
0x9a9: {  	s7 =	sand.u32 @!p1 $0x7, s1;
	s3 =	sadd.s32 @!p1 s4, s3;
	s1 =	sand.u32 @!p1 $0x7FFFF8, s5  }
0x9aa: {  	[hbm4b:s3+s7] =	stream.linear.scatter @!p1 [tilespmem:s0], [sflag:$0x5], $0x80, $0x38;
	[tilespmem:$0x1DA98] =	vst v63  }
0x9ab: {  	s3 =	simm.s32 @!p1 $0xC4A8;
	s1 =	sadd.s32 @!p1 s4, s1  }
0x9ac: {  	[hbm4b:s1+s7] =	stream.linear.scatter @!p1 [tilespmem:s3], [sflag:$0x5], $0x80, $0x38;
	[tilespmem:$0x1DA98] =	vst v63  }
0x9ad: {  	s1 =	sadd.s32 $0xFFFFFFFF, s2  }
0x9ae: {  	p2 =	sne.s32 s1, $0x0  }
.Ltmp35:
0x9af: {  	_ = 	snop;
	(pc) =	sbr.rel @!p2 .LBB2_50-.Ltmp35, $4  }
0x9b0: {  	s5 =	sand.u32 @!p1 $0x7FFFF8, s6  }
0x9b1: {  	s2 =	simm.s32 @!p1 $0xC528;
	s3 =	sadd.s32 @!p1 s4, s5  }
0x9b2: {  	[hbm4b:s3+s7] =	stream.linear.scatter @!p1 [tilespmem:s2], [sflag:$0x5], $0x2C, $0x38;
	[tilespmem:$0x1DA98] =	vst v63  }
0x9b3: {  	s5 =	simm.s32 $0xC2DA;
	s2 =	simm.s32 $0x0;
	s3 =	simm.s32 $0x0  }
.LBB2_49:
0x9b4: {  	s6 =	simm.s32 $0x0  }
0x9b5: {  	v0 =	vld.msk [tilespmem:s5+$0x0], $0x1;
	s1 =	sadd.s32 $0xFFFFFFFF, s1;
	s6 =	simm.s32 @!p1 $0x4B0  }
0x9b6: {  	p2 =	sne.s32 s1, $0x0;
	s3 =	sadd.s32 s3, s6;
	_ =	sdelay $0x3  }
0x9b7: {  	(v2sf) =	vpush v0, $0x0;
	_ =	sdelay $0xe  }
0x9b8: {  	s6 =	spop (v2sf)  }
0x9b9: {  	s0 =	sadd.s32 $0x130, s0;
	p1 =	sgt.u32 s6, $0x249DFA  }
0x9ba: {  	s7 =	sand.u32 @!p1 $0x3FFFF8, s6;
	s8 =	sadd.s32 @!p1 $0x80, s6;
	s9 =	sadd.s32 @!p1 $0x100, s6  }
0x9bb: {  	s6 =	sand.u32 @!p1 $0x7, s6;
	s7 =	sadd.s32 @!p1 s4, s7;
	s8 =	sand.u32 @!p1 $0x7FFFF8, s8  }
0x9bc: {  	[hbm4b:s7+s6] =	stream.linear.scatter @!p1 [tilespmem:s0], [sflag:$0x5], $0x80, $0x38;
	[tilespmem:$0x1DA98] =	vst v63  }
.Ltmp36:
0x9bd: {  	_ = 	snop;
	(pc) =	sbr.rel @p2 .LBB2_49-.Ltmp36, $4  }
0x9be: {  	s9 =	sand.u32 @!p1 $0x7FFFF8, s9;
	s7 =	sadd.s32 @!p1 $0x80, s0;
	s8 =	sadd.s32 @!p1 s4, s8  }
0x9bf: {  	[hbm4b:s8+s6] =	stream.linear.scatter @!p1 [tilespmem:s7], [sflag:$0x5], $0x80, $0x38;
	[tilespmem:$0x1DA98] =	vst v63  }
0x9c0: {  	s5 =	sadd.s32 $0x1, s5;
	s7 =	sadd.s32 @!p1 $0x100, s0;
	s8 =	sadd.s32 @!p1 s4, s9  }
0x9c1: {  	[hbm4b:s8+s6] =	stream.linear.scatter @!p1 [tilespmem:s7], [sflag:$0x5], $0x2C, $0x38;
	[tilespmem:$0x1DA98] =	vst v63  }
.LBB2_50:
0x9c2: {  	s2 =	simm.s32 @!p1 $0x4B0  }
0x9c3: {  	s0 =	sadd.s32 s3, s2  }
0x9c4: {  	s0 =	sshrl.u32 s0, $0x2  }
.LBB2_51:
0x9c5: {  	s1 =	simm.s32 $0x5  }
0x9c6: {  	_ =	swait.ge [sflag:s1], s0  }
0x9c7: {  	s31 =	ssub.s32 $0x0, s0;
	[sflag:s1] =	ssyncset.done $0x0  }
0x9c8: {  	[sflag:s1] =	ssyncadd.s32 s31  }
0x9c9: {  	[sflag:s1] =	ssyncpa.u1 $0x1  }
.LBB2_52:
0x9ca: {  	s0 =	sor.u32 s16, s15  }
0x9cb: {  	p1 =	sne.s32 s0, $0x0  }
.Ltmp37:
0x9cc: {  	_ = 	snop;
	(pc) =	sbr.rel @p1 .LBB2_70-.Ltmp37, $3  }
0x9cd: {  	_ =	sdelay $0x1  }
0x9ce: {  	[bflag:$0x0] =	sbarrier.arrive $0xFFFF  }
0x9cf: {  	_ =	sfence  }
0x9d0: {  	s0 =	simm.s32 $0x7  }
0x9d1: {  	s1 =	simm.s32 $0x2600;
	s2 =	simm.s32 $0xC2D8;
	[sflag:s0] =	ssyncpa.u1 $0x0  }
0x9d2: {  	[tilespmem:s2], [sflag:$0x7] =	stream.linear.gather [spmem:s1], $0x20, $0x38;
	[tilespmem:$0x1DA98] =	vst v63  }
0x9d3: {  	s31 =	simm.s32 $0xC2F8;
	s1 =	simm.s32 $0x0  }
0x9d4: {  	[tilespmem:s31], [sflag:$0x7] =	stream.linear.gather [spmem:s1], $0x2600, $0x38;
	[tilespmem:$0x1DA98] =	vst v63  }
.Ltmp38:
0x9d5: {  	_ = 	snop;
	(pc) =	sbr.rel .LBB2_54-.Ltmp38, $4  }
0x9d6: {  	_ =	swait.ge [sflag:s0], $0x2620  }
0x9d7: {  	s3 =	simm.s32 $0xC198;
	[sflag:s0] =	ssyncset.done $0x0  }
0x9d8: {  	s5 =	simm.s32 $0xC218;
	s2 =	simm.s32 $0x8;
	[sflag:s0] =	ssyncadd.s32 $0xFFFFD9E0  }
0x9d9: {  	s6 =	simm.s32 $0xC298;
	s7 =	simm.s32 $0x0;
	[sflag:s2] =	ssyncpa.u1 $0x0  }
.LBB2_62:
0x9da: {  	s8 =	sand.u32 $0x3FFFF8, s0  }
0x9db: {  	s9 =	sand.u32 $0x7, s0;
	s29 =	sadd.s32 $0x80, s0;
	s8 =	sadd.s32 s4, s8  }
0x9dc: {  	[tilespmem:s3], [sflag:$0x8] =	stream.linear.gather [hbm4b:s8+s9], $0x80, $0x38;
	[tilespmem:$0x1DA98] =	vst v63  }
0x9dd: {  	s30 =	sadd.s32 $0x100, s0;
	s8 =	sand.u32 $0x7FFFF8, s29  }
0x9de: {  	s0 =	sand.u32 $0x7FFFF8, s30;
	s8 =	sadd.s32 s4, s8  }
0x9df: {  	[tilespmem:s5], [sflag:$0x8] =	stream.linear.gather [hbm4b:s8+s9], $0x80, $0x38;
	[tilespmem:$0x1DA98] =	vst v63  }
0x9e0: {  	s0 =	sadd.s32 s4, s0  }
0x9e1: {  	[tilespmem:s6], [sflag:$0x8] =	stream.linear.gather [hbm4b:s0+s9], $0x2C, $0x38;
	[tilespmem:$0x1DA98] =	vst v63  }
0x9e2: {  	_ =	swait.ge [sflag:s2], $0x12C  }
0x9e3: {  	s0 =	smul.u32 $0x4C0, s7;
	[sflag:s2] =	ssyncset.done $0x0  }
0x9e4: {  	[sflag:s2] =	ssyncadd.s32 $0xFFFFFED4  }
0x9e5: {  	s31 =	sshra.s32 s0, $0x2;
	v1 =	vld [tilespmem:$0xC198]  }
0x9e6: {  	v2 =	vld [tilespmem:s31+$0xC2F8];
	_ =	sdelay $0x4  }
0x9e7: {  	v1 =	vmax.f32 v1, v2  }
0x9e8: {  	v2 =	vld [tilespmem:s31+$0xC308];
	[tilespmem:s31+$0xC2F8] =	vst v1  }
0x9e9: {  	v1 =	vld [tilespmem:$0xC1A8];
	_ =	sdelay $0x4  }
0x9ea: {  	v1 =	vmax.f32 v1, v2  }
0x9eb: {  	v2 =	vld [tilespmem:s31+$0xC318];
	[tilespmem:s31+$0xC308] =	vst v1  }
0x9ec: {  	v1 =	vld [tilespmem:$0xC1B8];
	_ =	sdelay $0x4  }
0x9ed: {  	v1 =	vmax.f32 v1, v2  }
0x9ee: {  	v2 =	vld [tilespmem:s31+$0xC328];
	[tilespmem:s31+$0xC318] =	vst v1  }
0x9ef: {  	v1 =	vld [tilespmem:$0xC1C8];
	_ =	sdelay $0x4  }
0x9f0: {  	v1 =	vmax.f32 v1, v2  }
0x9f1: {  	v2 =	vld [tilespmem:s31+$0xC338];
	[tilespmem:s31+$0xC328] =	vst v1  }
0x9f2: {  	v1 =	vld [tilespmem:$0xC1D8];
	_ =	sdelay $0x4  }
0x9f3: {  	v1 =	vmax.f32 v1, v2  }
0x9f4: {  	v2 =	vld [tilespmem:s31+$0xC348];
	[tilespmem:s31+$0xC338] =	vst v1  }
0x9f5: {  	v1 =	vld [tilespmem:$0xC1E8];
	_ =	sdelay $0x4  }
0x9f6: {  	v1 =	vmax.f32 v1, v2  }
0x9f7: {  	v2 =	vld [tilespmem:s31+$0xC358];
	[tilespmem:s31+$0xC348] =	vst v1  }
0x9f8: {  	v1 =	vld [tilespmem:$0xC1F8];
	_ =	sdelay $0x4  }
0x9f9: {  	v1 =	vmax.f32 v1, v2  }
0x9fa: {  	v2 =	vld [tilespmem:s31+$0xC368];
	[tilespmem:s31+$0xC358] =	vst v1  }
0x9fb: {  	v1 =	vld [tilespmem:$0xC208];
	_ =	sdelay $0x4  }
0x9fc: {  	v1 =	vmax.f32 v1, v2  }
0x9fd: {  	v2 =	vld [tilespmem:s31+$0xC378];
	[tilespmem:s31+$0xC368] =	vst v1  }
0x9fe: {  	v1 =	vld [tilespmem:$0xC218];
	_ =	sdelay $0x4  }
0x9ff: {  	v1 =	vmax.f32 v1, v2  }
0xa00: {  	v2 =	vld [tilespmem:s31+$0xC388];
	[tilespmem:s31+$0xC378] =	vst v1  }
0xa01: {  	v1 =	vld [tilespmem:$0xC228];
	_ =	sdelay $0x4  }
0xa02: {  	v1 =	vmax.f32 v1, v2  }
0xa03: {  	v2 =	vld [tilespmem:s31+$0xC398];
	[tilespmem:s31+$0xC388] =	vst v1  }
0xa04: {  	v1 =	vld [tilespmem:$0xC238];
	_ =	sdelay $0x4  }
0xa05: {  	v1 =	vmax.f32 v1, v2  }
0xa06: {  	v2 =	vld [tilespmem:s31+$0xC3A8];
	[tilespmem:s31+$0xC398] =	vst v1  }
0xa07: {  	v1 =	vld [tilespmem:$0xC248];
	_ =	sdelay $0x4  }
0xa08: {  	v1 =	vmax.f32 v1, v2  }
0xa09: {  	v2 =	vld [tilespmem:s31+$0xC3B8];
	[tilespmem:s31+$0xC3A8] =	vst v1  }
0xa0a: {  	v1 =	vld [tilespmem:$0xC258];
	_ =	sdelay $0x4  }
0xa0b: {  	v1 =	vmax.f32 v1, v2  }
0xa0c: {  	v2 =	vld [tilespmem:s31+$0xC3C8];
	[tilespmem:s31+$0xC3B8] =	vst v1  }
0xa0d: {  	v1 =	vld [tilespmem:$0xC268];
	_ =	sdelay $0x4  }
0xa0e: {  	v1 =	vmax.f32 v1, v2  }
0xa0f: {  	v2 =	vld [tilespmem:s31+$0xC3D8];
	[tilespmem:s31+$0xC3C8] =	vst v1  }
0xa10: {  	v1 =	vld [tilespmem:$0xC278];
	_ =	sdelay $0x4  }
0xa11: {  	v1 =	vmax.f32 v1, v2  }
0xa12: {  	v2 =	vld [tilespmem:s31+$0xC3E8];
	[tilespmem:s31+$0xC3D8] =	vst v1  }
0xa13: {  	v1 =	vld [tilespmem:$0xC288];
	_ =	sdelay $0x4  }
0xa14: {  	v1 =	vmax.f32 v1, v2  }
0xa15: {  	v2 =	vld [tilespmem:s31+$0xC3F8];
	[tilespmem:s31+$0xC3E8] =	vst v1  }
0xa16: {  	v1 =	vld [tilespmem:$0xC298];
	_ =	sdelay $0x4  }
0xa17: {  	v1 =	vmax.f32 v1, v2  }
0xa18: {  	v2 =	vld [tilespmem:s31+$0xC408];
	[tilespmem:s31+$0xC3F8] =	vst v1  }
0xa19: {  	v1 =	vld [tilespmem:$0xC2A8];
	_ =	sdelay $0x4  }
0xa1a: {  	v1 =	vmax.f32 v1, v2  }
0xa1b: {  	v2 =	vld [tilespmem:s31+$0xC418];
	[tilespmem:s31+$0xC408] =	vst v1  }
0xa1c: {  	v1 =	vld [tilespmem:$0xC2B8];
	_ =	sdelay $0x4  }
0xa1d: {  	v1 =	vmax.f32 v1, v2  }
0xa1e: {  	[tilespmem:s31+$0xC418] =	vst v1  }
.LBB2_63:
0xa1f: {  	[tilespmem:s1+$0xC2D8] =	vst.msk $0x1, v0;
	s0 =	sshra.s32 s0, $0x2  }
0xa20: {  	v0 =	vld [tilespmem:s0+$0xC2F8];
	_ =	sdelay $0x1  }
0xa21: {  	s8 =	smul.u32 $0x4C0, s1;
	_ =	sdelay $0x1  }
0xa22: {  	s8 =	sshra.s32 s8, $0x2  }
0xa23: {  	[tilespmem:s8+$0xC2F8] =	vst v0  }
0xa24: {  	v0 =	vld [tilespmem:s0+$0xC308];
	_ =	sdelay $0x4  }
0xa25: {  	[tilespmem:s8+$0xC308] =	vst v0  }
0xa26: {  	v0 =	vld [tilespmem:s0+$0xC318];
	_ =	sdelay $0x4  }
0xa27: {  	[tilespmem:s8+$0xC318] =	vst v0  }
0xa28: {  	v0 =	vld [tilespmem:s0+$0xC328];
	_ =	sdelay $0x4  }
0xa29: {  	[tilespmem:s8+$0xC328] =	vst v0  }
0xa2a: {  	v0 =	vld [tilespmem:s0+$0xC338];
	_ =	sdelay $0x4  }
0xa2b: {  	[tilespmem:s8+$0xC338] =	vst v0  }
0xa2c: {  	v0 =	vld [tilespmem:s0+$0xC348];
	_ =	sdelay $0x4  }
0xa2d: {  	[tilespmem:s8+$0xC348] =	vst v0  }
0xa2e: {  	v0 =	vld [tilespmem:s0+$0xC358];
	_ =	sdelay $0x4  }
0xa2f: {  	[tilespmem:s8+$0xC358] =	vst v0  }
0xa30: {  	v0 =	vld [tilespmem:s0+$0xC368];
	_ =	sdelay $0x4  }
0xa31: {  	[tilespmem:s8+$0xC368] =	vst v0  }
0xa32: {  	v0 =	vld [tilespmem:s0+$0xC378];
	_ =	sdelay $0x4  }
0xa33: {  	[tilespmem:s8+$0xC378] =	vst v0  }
0xa34: {  	v0 =	vld [tilespmem:s0+$0xC388];
	_ =	sdelay $0x4  }
0xa35: {  	[tilespmem:s8+$0xC388] =	vst v0  }
0xa36: {  	v0 =	vld [tilespmem:s0+$0xC398];
	_ =	sdelay $0x4  }
0xa37: {  	[tilespmem:s8+$0xC398] =	vst v0  }
0xa38: {  	v0 =	vld [tilespmem:s0+$0xC3A8];
	_ =	sdelay $0x4  }
0xa39: {  	[tilespmem:s8+$0xC3A8] =	vst v0  }
0xa3a: {  	v0 =	vld [tilespmem:s0+$0xC3B8];
	_ =	sdelay $0x4  }
0xa3b: {  	[tilespmem:s8+$0xC3B8] =	vst v0  }
0xa3c: {  	v0 =	vld [tilespmem:s0+$0xC3C8];
	_ =	sdelay $0x4  }
0xa3d: {  	[tilespmem:s8+$0xC3C8] =	vst v0  }
0xa3e: {  	v0 =	vld [tilespmem:s0+$0xC3D8];
	_ =	sdelay $0x4  }
0xa3f: {  	[tilespmem:s8+$0xC3D8] =	vst v0  }
0xa40: {  	v0 =	vld [tilespmem:s0+$0xC3E8];
	_ =	sdelay $0x4  }
0xa41: {  	[tilespmem:s8+$0xC3E8] =	vst v0  }
0xa42: {  	v0 =	vld [tilespmem:s0+$0xC3F8];
	_ =	sdelay $0x4  }
0xa43: {  	[tilespmem:s8+$0xC3F8] =	vst v0  }
0xa44: {  	v0 =	vld [tilespmem:s0+$0xC408];
	_ =	sdelay $0x4  }
0xa45: {  	[tilespmem:s8+$0xC408] =	vst v0  }
0xa46: {  	v0 =	vld [tilespmem:s0+$0xC418];
	_ =	sdelay $0x4  }
0xa47: {  	s1 =	sadd.s32 $0x1, s1;
	[tilespmem:s8+$0xC418] =	vst v0  }
.LBB2_64:
0xa48: {  	s7 =	sadd.s32 $0x1, s7  }
0xa49: {  	p1 =	sne.s32 s7, $0x20  }
.Ltmp39:
0xa4a: {  	_ = 	snop;
	(pc) =	sbr.rel @!p1 .LBB2_65-.Ltmp39, $1  }
0xa4b: {  	_ =	sdelay $0x3  }
.LBB2_54:
0xa4c: {  	v0 =	vld.msk [tilespmem:s7+$0xC2D8], $0x1;
	_ =	sdelay $0x4  }
0xa4d: {  	(v2sf) =	vpush v0, $0x0;
	_ =	sdelay $0xe  }
0xa4e: {  	s0 =	spop (v2sf)  }
0xa4f: {  	p1 =	seq.s32 s0, $0xFFFFFFFF  }
.Ltmp40:
0xa50: {  	_ = 	snop;
	(pc) =	sbr.rel @p1 .LBB2_64-.Ltmp40, $1  }
0xa51: {  	_ =	sdelay $0x3  }
0xa52: {  	p1 =	slt.s32 s1, $0x1  }
.Ltmp41:
0xa53: {  	_ = 	snop;
	(pc) =	sbr.rel @p1 .LBB2_60-.Ltmp41, $1  }
0xa54: {  	_ =	sdelay $0x3  }
0xa55: {  	s8 =	simm.s32 $0xC2D8;
	p1 =	por $0x0, $0x0  }
0xa56: {  	v1 =	vld.msk @!p1 [tilespmem:s8+$0x0], $0x1;
	_ =	sdelay $0x4  }
0xa57: {  	(v2sf) =	vpush @!p1 v1, $0x0;
	_ =	sdelay $0xd  }
0xa58: {  	p3 =	sne.s32 s1, $0x1  }
.Ltmp42:
0xa59: {  	s9 =	spop @!p1 (v2sf);
	(pc) =	sbr.rel @!p3 .LBB2_58-.Ltmp42, $4  }
0xa5a: {  	p2 =	seq.s32 @!p1 s0, s9  }
0xa5b: {  	s9 =	simm.s32 $0x0;
	p2 =	por !p2, p1  }
0xa5c: {  	s11 =	simm.s32 $0xFFFFFFFF;
	s9 =	simm.s32 @p2 $0xFFFFFFFF  }
0xa5d: {  	s10 =	simm.s32 $0x1;
	s9 =	smov.u32 @p1 s11  }
.LBB2_57:
0xa5e: {  	s11 =	smov.u32 s9;
	p1 =	sne.s32 s9, $0xFFFFFFFF  }
0xa5f: {  	s8 =	sadd.s32 $0x1, s8;
	s9 =	smov.u32 s10;
	s10 =	sadd.s32 $0x1, s10  }
0xa60: {  	p2 =	sne.s32 s1, s10;
	v1 =	vld.msk @!p1 [tilespmem:s8+$0x0], $0x1;
	_ =	sdelay $0x4  }
0xa61: {  	(v2sf) =	vpush @!p1 v1, $0x0;
	_ =	sdelay $0xe  }
.Ltmp43:
0xa62: {  	s12 =	spop @!p1 (v2sf);
	(pc) =	sbr.rel @p2 .LBB2_57-.Ltmp43, $4  }
0xa63: {  	p3 =	seq.s32 @!p1 s0, s12  }
0xa64: {  	p3 =	por !p3, p1  }
0xa65: {  	s9 =	simm.s32 @p3 $0xFFFFFFFF  }
0xa66: {  	s9 =	smov.u32 @p1 s11  }
.LBB2_58:
0xa67: {  	p1 =	seq.s32 s9, $0xFFFFFFFF  }
.Ltmp44:
0xa68: {  	_ = 	snop;
	(pc) =	sbr.rel @p1 .LBB2_60-.Ltmp44, $1  }
0xa69: {  	_ =	sdelay $0x3  }
0xa6a: {  	s0 =	smul.u32 $0x4C0, s7  }
0xa6b: {  	s9 =	smul.u32 $0x4C0, s9  }
0xa6c: {  	s8 =	sshra.s32 s0, $0x2  }
0xa6d: {  	s31 =	sshra.s32 s9, $0x2;
	v0 =	vld [tilespmem:s8+$0xC2F8]  }
0xa6e: {  	v1 =	vld [tilespmem:s31+$0xC2F8];
	_ =	sdelay $0x4  }
0xa6f: {  	v0 =	vmax.f32 v0, v1  }
0xa70: {  	v46 =	vld [tilespmem:s31+$0xC308];
	[tilespmem:s31+$0xC2F8] =	vst v0  }
0xa71: {  	v0 =	vld [tilespmem:s8+$0xC308];
	_ =	sdelay $0x4  }
0xa72: {  	v0 =	vmax.f32 v0, v46  }
0xa73: {  	v47 =	vld [tilespmem:s31+$0xC318];
	[tilespmem:s31+$0xC308] =	vst v0  }
0xa74: {  	v0 =	vld [tilespmem:s8+$0xC318];
	_ =	sdelay $0x4  }
0xa75: {  	v0 =	vmax.f32 v0, v47  }
0xa76: {  	v48 =	vld [tilespmem:s31+$0xC328];
	[tilespmem:s31+$0xC318] =	vst v0  }
0xa77: {  	v0 =	vld [tilespmem:s8+$0xC328];
	_ =	sdelay $0x4  }
0xa78: {  	v0 =	vmax.f32 v0, v48  }
0xa79: {  	v49 =	vld [tilespmem:s31+$0xC338];
	[tilespmem:s31+$0xC328] =	vst v0  }
0xa7a: {  	v0 =	vld [tilespmem:s8+$0xC338];
	_ =	sdelay $0x4  }
0xa7b: {  	v0 =	vmax.f32 v0, v49  }
0xa7c: {  	v50 =	vld [tilespmem:s31+$0xC348];
	[tilespmem:s31+$0xC338] =	vst v0  }
0xa7d: {  	v0 =	vld [tilespmem:s8+$0xC348];
	_ =	sdelay $0x4  }
0xa7e: {  	v0 =	vmax.f32 v0, v50  }
0xa7f: {  	v51 =	vld [tilespmem:s31+$0xC358];
	[tilespmem:s31+$0xC348] =	vst v0  }
0xa80: {  	v0 =	vld [tilespmem:s8+$0xC358];
	_ =	sdelay $0x4  }
0xa81: {  	v0 =	vmax.f32 v0, v51  }
0xa82: {  	v52 =	vld [tilespmem:s31+$0xC368];
	[tilespmem:s31+$0xC358] =	vst v0  }
0xa83: {  	v0 =	vld [tilespmem:s8+$0xC368];
	_ =	sdelay $0x4  }
0xa84: {  	v0 =	vmax.f32 v0, v52  }
0xa85: {  	v53 =	vld [tilespmem:s31+$0xC378];
	[tilespmem:s31+$0xC368] =	vst v0  }
0xa86: {  	v0 =	vld [tilespmem:s8+$0xC378];
	_ =	sdelay $0x4  }
0xa87: {  	v0 =	vmax.f32 v0, v53  }
0xa88: {  	v54 =	vld [tilespmem:s31+$0xC388];
	[tilespmem:s31+$0xC378] =	vst v0  }
0xa89: {  	v0 =	vld [tilespmem:s8+$0xC388];
	_ =	sdelay $0x4  }
0xa8a: {  	v0 =	vmax.f32 v0, v54  }
0xa8b: {  	v55 =	vld [tilespmem:s31+$0xC398];
	[tilespmem:s31+$0xC388] =	vst v0  }
0xa8c: {  	v0 =	vld [tilespmem:s8+$0xC398];
	_ =	sdelay $0x4  }
0xa8d: {  	v0 =	vmax.f32 v0, v55  }
0xa8e: {  	v56 =	vld [tilespmem:s31+$0xC3A8];
	[tilespmem:s31+$0xC398] =	vst v0  }
0xa8f: {  	v0 =	vld [tilespmem:s8+$0xC3A8];
	_ =	sdelay $0x4  }
0xa90: {  	v0 =	vmax.f32 v0, v56  }
0xa91: {  	v57 =	vld [tilespmem:s31+$0xC3B8];
	[tilespmem:s31+$0xC3A8] =	vst v0  }
0xa92: {  	v0 =	vld [tilespmem:s8+$0xC3B8];
	_ =	sdelay $0x4  }
0xa93: {  	v0 =	vmax.f32 v0, v57  }
0xa94: {  	v58 =	vld [tilespmem:s31+$0xC3C8];
	[tilespmem:s31+$0xC3B8] =	vst v0  }
0xa95: {  	v0 =	vld [tilespmem:s8+$0xC3C8];
	_ =	sdelay $0x4  }
0xa96: {  	v0 =	vmax.f32 v0, v58  }
0xa97: {  	v59 =	vld [tilespmem:s31+$0xC3D8];
	[tilespmem:s31+$0xC3C8] =	vst v0  }
0xa98: {  	v0 =	vld [tilespmem:s8+$0xC3D8];
	_ =	sdelay $0x4  }
0xa99: {  	v0 =	vmax.f32 v0, v59  }
0xa9a: {  	v60 =	vld [tilespmem:s31+$0xC3E8];
	[tilespmem:s31+$0xC3D8] =	vst v0  }
0xa9b: {  	v0 =	vld [tilespmem:s8+$0xC3E8];
	_ =	sdelay $0x4  }
0xa9c: {  	v0 =	vmax.f32 v0, v60  }
0xa9d: {  	v61 =	vld [tilespmem:s31+$0xC3F8];
	[tilespmem:s31+$0xC3E8] =	vst v0  }
0xa9e: {  	v0 =	vld [tilespmem:s8+$0xC3F8];
	_ =	sdelay $0x4  }
0xa9f: {  	v0 =	vmax.f32 v0, v61  }
0xaa0: {  	v62 =	vld [tilespmem:s31+$0xC408];
	[tilespmem:s31+$0xC3F8] =	vst v0  }
0xaa1: {  	v0 =	vld [tilespmem:s8+$0xC408];
	_ =	sdelay $0x4  }
0xaa2: {  	v0 =	vmax.f32 v0, v62  }
0xaa3: {  	v63 =	vld [tilespmem:s31+$0xC418];
	[tilespmem:s31+$0xC408] =	vst v0  }
0xaa4: {  	v0 =	vld [tilespmem:s8+$0xC418];
	_ =	sdelay $0x1  }
.Ltmp45:
0xaa5: {  	_ = 	snop;
	(pc) =	sbr.rel .LBB2_64-.Ltmp45, $3  }
0xaa6: {  	_ =	sdelay $0x1  }
0xaa7: {  	v0 =	vmax.f32 v0, v63  }
0xaa8: {  	[tilespmem:s31+$0xC418] =	vst v0  }
.LBB2_60:
0xaa9: {  	p1 =	slt.u32 s0, $0x249DFB  }
.Ltmp46:
0xaaa: {  	_ = 	snop;
	(pc) =	sbr.rel @p1 .LBB2_62-.Ltmp46, $1  }
0xaab: {  	_ =	sdelay $0x3  }
.Ltmp47:
0xaac: {  	(pc) =	sbr.rel .LBB2_63-.Ltmp47, $2  }
0xaad: {  	_ =	sdelay $0x1  }
0xaae: {  	s0 =	smul.u32 $0x4C0, s7;
	_ =	sdelay $0x1  }
.LBB2_65:
0xaaf: {  	p1 =	slt.s32 s1, $0x1  }
.Ltmp48:
0xab0: {  	_ = 	snop;
	(pc) =	sbr.rel @p1 .LBB2_69-.Ltmp48, $3  }
0xab1: {  	_ =	sdelay $0x1  }
0xab2: {  	s0 =	simm.s32 $0x8  }
0xab3: {  	[sflag:s0] =	ssyncpa.u1 $0x1;
	s0 =	simm.s32 $0x0  }
0xab4: {  	s2 =	simm.s32 $0xC2D8  }
0xab5: {  	v0 =	vld.msk [tilespmem:s2+$0x0], $0x1;
	_ =	sdelay $0x4  }
0xab6: {  	(v2sf) =	vpush v0, $0x0;
	_ =	sdelay $0xe  }
0xab7: {  	s3 =	spop (v2sf)  }
0xab8: {  	s1 =	sadd.s32 $0xFFFFFFFF, s1;
	p1 =	sgt.u32 s3, $0x249DFA  }
0xab9: {  	s2 =	simm.s32 $0xC2F8;
	p2 =	sne.s32 s1, $0x0;
	s5 =	sand.u32 @!p1 $0x3FFFF8, s3  }
0xaba: {  	s6 =	sadd.s32 @!p1 $0x80, s3;
	s7 =	sadd.s32 @!p1 $0x100, s3;
	s3 =	sand.u32 @!p1 $0x7, s3  }
0xabb: {  	s5 =	sadd.s32 @!p1 s4, s5;
	s6 =	sand.u32 @!p1 $0x7FFFF8, s6;
	s7 =	sand.u32 @!p1 $0x7FFFF8, s7  }
0xabc: {  	[hbm4b:s5+s3] =	stream.linear.scatter @!p1 [tilespmem:s2], [sflag:$0x7], $0x80, $0x38;
	[tilespmem:$0x1DA98] =	vst v63  }
.Ltmp49:
0xabd: {  	s5 =	simm.s32 @!p1 $0xC378;
	s6 =	sadd.s32 @!p1 s4, s6;
	(pc) =	sbr.rel @!p2 .LBB2_68-.Ltmp49, $4  }
0xabe: {  	[hbm4b:s6+s3] =	stream.linear.scatter @!p1 [tilespmem:s5], [sflag:$0x7], $0x80, $0x38;
	[tilespmem:$0x1DA98] =	vst v63  }
0xabf: {  	s5 =	simm.s32 @!p1 $0xC3F8;
	s6 =	sadd.s32 @!p1 s4, s7  }
0xac0: {  	[hbm4b:s6+s3] =	stream.linear.scatter @!p1 [tilespmem:s5], [sflag:$0x7], $0x2C, $0x38;
	[tilespmem:$0x1DA98] =	vst v63  }
0xac1: {  	s3 =	simm.s32 $0x0;
	s5 =	simm.s32 $0xC2D9  }
.LBB2_67:
0xac2: {  	s6 =	simm.s32 $0x0  }
0xac3: {  	v0 =	vld.msk [tilespmem:s5+$0x0], $0x1;
	s1 =	sadd.s32 $0xFFFFFFFF, s1;
	s6 =	simm.s32 @!p1 $0x4B0  }
0xac4: {  	p2 =	sne.s32 s1, $0x0;
	s0 =	sadd.s32 s0, s6;
	_ =	sdelay $0x3  }
0xac5: {  	(v2sf) =	vpush v0, $0x0;
	_ =	sdelay $0xe  }
0xac6: {  	s6 =	spop (v2sf)  }
0xac7: {  	s2 =	sadd.s32 $0x130, s2;
	p1 =	sgt.u32 s6, $0x249DFA  }
0xac8: {  	s7 =	sand.u32 @!p1 $0x3FFFF8, s6;
	s8 =	sadd.s32 @!p1 $0x80, s6;
	s9 =	sadd.s32 @!p1 $0x100, s6  }
0xac9: {  	s6 =	sand.u32 @!p1 $0x7, s6;
	s7 =	sadd.s32 @!p1 s4, s7;
	s8 =	sand.u32 @!p1 $0x7FFFF8, s8  }
0xaca: {  	[hbm4b:s7+s6] =	stream.linear.scatter @!p1 [tilespmem:s2], [sflag:$0x7], $0x80, $0x38;
	[tilespmem:$0x1DA98] =	vst v63  }
.Ltmp50:
0xacb: {  	_ = 	snop;
	(pc) =	sbr.rel @p2 .LBB2_67-.Ltmp50, $4  }
0xacc: {  	s9 =	sand.u32 @!p1 $0x7FFFF8, s9;
	s7 =	sadd.s32 @!p1 $0x80, s2;
	s8 =	sadd.s32 @!p1 s4, s8  }
0xacd: {  	[hbm4b:s8+s6] =	stream.linear.scatter @!p1 [tilespmem:s7], [sflag:$0x7], $0x80, $0x38;
	[tilespmem:$0x1DA98] =	vst v63  }
0xace: {  	s5 =	sadd.s32 $0x1, s5;
	s7 =	sadd.s32 @!p1 $0x100, s2;
	s8 =	sadd.s32 @!p1 s4, s9  }
0xacf: {  	[hbm4b:s8+s6] =	stream.linear.scatter @!p1 [tilespmem:s7], [sflag:$0x7], $0x2C, $0x38;
	[tilespmem:$0x1DA98] =	vst v63  }
.LBB2_68:
0xad0: {  	s3 =	simm.s32 @!p1 $0x4B0  }
0xad1: {  	s0 =	sadd.s32 s0, s3  }
0xad2: {  	s0 =	sshrl.u32 s0, $0x2  }
.LBB2_69:
0xad3: {  	s1 =	simm.s32 $0x7  }
0xad4: {  	_ =	swait.ge [sflag:s1], s0  }
0xad5: {  	s31 =	ssub.s32 $0x0, s0;
	[sflag:s1] =	ssyncset.done $0x0  }
0xad6: {  	[sflag:s1] =	ssyncadd.s32 s31  }
0xad7: {  	[sflag:s1] =	ssyncpa.u1 $0x1  }
.LBB2_70:
0xad8: {  	_ =	sfence;
	s0 =	simm.s32 $0x1  }
0xad9: {  	[sflag:s0] =	ssyncpa.u1 $0x1  }
0xada: {  	_ =	strace $0x90000053  }
0xadb: {  	[bflag:$0x2] =	sbarrier.arrive $0xFFFF  }
0xadc: {  	s0 =	rddreg [dreg:$0x3]  }
0xadd: {  	s0 =	sadd.s32 @!p0 $0x100000, s0  }
0xade: {  	[sflag:s0] =	ssyncadd.tile.s32 @!p0 $0x1;
	_ =	shalt  }
.Lfunc_end2:
_tile_overlayer_lowered:
.L_overlay_start_2:
0xadf: {  	(tag) =	ssettag $0x2  }
0xae0: {  	s0 =	rddreg [dreg:$0x0];
	s2 =	stileid.u32  }
0xae1: {  	s1 =	rddreg [dreg:$0x1];
	p0 =	sne.s32 s2, $0x0  }
0xae2: {  	s3 =	rddreg [dreg:$0x2];
	[bflag:$0x3] =	sbarrier.arrive $0xFFFF;
	s2 =	simm.s32 @!p0 $0x1C01  }
0xae3: {  	[timem:s3], [sflag:s2] =	dma.local @!p0 [hbm:s0], s1  }
0xae4: {  	s0 =	simm.s32 @!p0 $0x1  }
0xae5: {  	_ =	swait.ge @!p0 [sflag:s0], s1  }
0xae6: {  	s1 =	ssub.s32 @!p0 $0x0, s1;
	[sflag:s0] =	ssyncset.done @!p0 $0x0  }
0xae7: {  	[sflag:s0] =	ssyncadd.s32 @!p0 s1  }
0xae8: {  	[bflag:$0x3] =	sbarrier.arrive $0xFFFF  }
0xae9: {  	_ =	shalt  }

// kernel: sparse-core-data-format-call.1.cloned.1.call-start
scs
called_computation.2_lowered:
.L_overlay_start_0:
0x0: {  	s1 =	sld [smem:$0x3FD9]  }
0x1: {  	s2 =	sld [smem:$0x3FFE];
	_ =	sdelay $0x1  }
0x2: {  	s3 =	srdreg.scid  }
0x3: {  	s0 =	sand.u32 $0x1, s3  }
0x4: {  	s17 =	sshll.u32 s0, $0xA;
	s1 =	sadd.s32 s2, s1  }
0x5: {  	s1 =	sadd.s32 s1, s17  }
0x6: {  	[smem:$0x3FAD] =	sst s1  }
0x7: {  	_ = 	snop  }
0x8: {  	(tm) =	ssettm $0x1  }
0x9: {  	s18 =	sld [smem:$0x3FFB];
	_ =	sdelay $0x3  }
0xa: {  	_ =	strace s18  }
0xb: {  	s1 =	sld [smem:$0x3FFC];
	_ =	sdelay $0x3  }
0xc: {  	_ =	strace s1  }
0xd: {  	s1 =	sld [smem:$0x3FFD];
	_ =	sdelay $0x3  }
0xe: {  	_ =	strace s1  }
0xf: {  	_ =	strace $0x8FFFFFFF  }
0x10: {  	s19 =	sld [smem:$0x3FDB];
	_ =	sdelay $0x1  }
0x11: {  	s20 =	simm.s32 $_scs_section_size  }
0x12: {  	s4 =	simm.s32 $_size__tile_overlayer_lowered;
	s5 =	simm.s32 $_tile_overlayer_lowered  }
0x13: {  	s23 =	simm.s32 $0x1BFF;
	s22 =	sshll.u32 s5, $0x1;
	s1 =	sadd.s32 s20, s19  }
0x14: {  	s6 =	simm.s32 $0x0;
	s21 =	sshll.u32 s4, $0x1;
	s4 =	sadd.s32 s22, s1  }
0x15: {  	[timem:s6], [sflag:s23] =	dma.local [hbm:s4], s21  }
0x16: {  	_ =	swait.ge [sflag:s23], s21  }
0x17: {  	s2 =	ssub.s32 $0x0, s21;
	[sflag:s23] =	ssyncset.done $0x0  }
0x18: {  	[sflag:s23] =	ssyncadd.s32 s2;
	_ =	sdelay $0x1  }
0x19: {  	s24 =	simm.s32 $0x1B8B  }
0x1a: {  	_ =	swait.ge [sflag:s24], $0x1  }
0x1b: {  	[sflag:s24] =	ssyncset.done $0x0  }
0x1c: {  	s26 =	simm.s32 $0x1B8E;
	s25 =	sld [smem:$0x3FFE];
	[sflag:s24] =	ssyncadd.s32 $0xFFFFFFFF  }
0x1d: {  	s27 =	simm.s32 $execute0_lowered;
	[smem:$0x3FD2] =	sst s26  }
0x1e: {  	s4 =	sshll.u32 s27, $0x1;
	_ =	strace $0x80000046;
	[dreg:$0x1] =	wrdreg $0xFFFFFFFF  }
0x1f: {  	s28 =	simm.s32 $_size_execute0_lowered;
	s1 =	sadd.s32 s1, s4;
	[dreg:$0x0] =	wrdreg $0x0  }
0x20: {  	s4 =	sshll.u32 s28, $0x1;
	[dreg:$0x2] =	wrdreg s1  }
0x21: {  	[dreg:$0x3] =	wrdreg s4  }
0x22: {  	[dreg:$0x4] =	wrdreg $0xC0  }
0x23: {  	_ =	task [dreg:s6], $0x5FFFF  }
0x24: {  	[dreg:$0x1] =	wrdreg $0xFFFFFFFF  }
0x25: {  	[dreg:$0x0] =	wrdreg $0x60  }
0x26: {  	[dreg:$0x2] =	wrdreg s25  }
0x27: {  	[dreg:$0x3] =	wrdreg $0xA  }
0x28: {  	_ =	task.clear_ibuf [dreg:s6], $0x4FFFF;
	_ =	strace $0x90000046  }
0x29: {  	s29 =	simm.s32 $0xA;
	_ =	strace $0x80000048  }
0x2a: {  	_ =	swait.ge [sflag:s29], $0x1  }
0x2b: {  	[sflag:s29] =	ssyncadd.s32 $0xFFFFFFFF  }
0x2c: {  	_ =	strace $0x90000048  }
0x2d: {  	_ =	sfence  }
0x2e: {  	s30 =	sld [smem:$0x0];
	_ =	sdelay $0x2  }
0x2f: {  	s31 =	sshll.u32 s3, $0xD;
	s3 =	sshrl.u32 s3, $0x2  }
0x30: {  	s2 =	sand.u32 $0x4000, s31;
	s1 =	sadd.s32 s3, s30  }
0x31: {  	s0 =	sor.u32 s2, s0;
	s1 =	sshll.u32 s1, $0x11  }
0x32: {  	s0 =	sor.u32 s1, s0  }
0x33: {  	s0 =	sadd.s32 $0x8F2B, s0  }
0x34: {  	[sflag:s0] =	ssyncadd.remote.s32 $0x1  }
0x35: {  	_ =	sfence.sel $0xFFFF  }
0x36: {  	[dreg:$0x0] =	wrdreg $0xFFFFFFFF;
	(pc) =	sbr.abs _section_cstart, $3  }
0x37: {  	[dreg:$0x1] =	wrdreg $0xFFFFFFFF  }
0x38: {  	_ =	task.clear_ibuf [dreg:s6], $0x2FFFF;
	_ =	strace $0x9FFFFFFF  }
0x39: {  	(tm) =	ssettm $0x7FFFFFFF  }
tec
execute0_lowered:
.L_overlay_start_1:
0x0: {  	(tag) =	ssettag $0x1  }
0x1: {  	s0 =	srdreg.scid  }
0x2: {  	s0 =	sshll.u32 s0, $0x4  }
0x3: {  	s1 =	stileid.u32;
	s0 =	sand.u32 $0x10, s0  }
0x4: {  	s0 =	sor.u32 s1, s0  }
0x5: {  	s29 =	rddreg [dreg:$0x0];
	s10 =	sshll.u32 s0, $0x7  }
0x6: {  	_ =	strace $0x80000047;
	s2 =	simm.s32 $0x1;
	s0 =	ssub.s32 $0xC300, s10  }
0x7: {  	s30 =	simm.s32 $0x2;
	s15 =	simm.s32 $0x0;
	s0 =	sshrl.u32 s0, $0xC  }
0x8: {  	s14 =	simm.s32 $0x0;
	s3 =	sadd.s32 $0x1200, s29;
	s0 =	smul.u32 $0x3, s0  }
.Ltmp0:
0x9: {  	[dreg:$0x3] =	wrdreg s3;
	s1 =	sadd.s32 $0x41B800, s29;
	(pc) =	sbr.rel .LBB1_1-.Ltmp0, $4  }
0xa: {  	s9 =	simm.s32 $0x0;
	s11 =	simm.s32 $0x0;
	[dreg:$0x4] =	wrdreg s1  }
0xb: {  	s12 =	simm.s32 $0x0;
	[dreg:$0x2] =	wrdreg s10;
	s31 =	sadd.s32 $0x3, s0  }
0xc: {  	[sflag:s2] =	ssyncpa.u1 $0x0;
	s8 =	sadd.s32 $0x4, s0;
	[dreg:$0x5] =	wrdreg s31  }
0xd: {  	s13 =	simm.s32 $0x0;
	[sflag:s30] =	ssyncpa.u1 $0x0;
	[dreg:$0x6] =	wrdreg s8  }
.LBB1_12:
0xe: {  	s9 =	rddreg [dreg:$0x7];
	s1 =	sshll.u32 s11, $0x3  }
0xf: {  	s26 =	sand.u32 $0x7F, s11;
	s5 =	rddreg [dreg:$0xb];
	s0 =	sshrl.u32 s9, $0x3  }
0x10: {  	s4 =	smov.u32 s11;
	s6 =	rddreg [dreg:$0xa];
	s0 =	smul.u32 $0xC00, s0  }
0x11: {  	s30 =	rddreg [dreg:$0x4];
	s1 =	sand.u32 $0xFFFFFC00, s1;
	s2 =	sshll.u32 s9, $0x7  }
0x12: {  	s31 =	simm.s32 $0xC00;
	s25 =	sand.u32 $0x380, s2;
	s0 =	sadd.s32 s1, s0  }
0x13: {  	p0 =	sgt.s32 s9, $0xC2D0;
	s2 =	smov.u32 s9;
	s0 =	sor.u32 s25, s0  }
0x14: {  	s2 =	simm.s32 @!p0 $0xC2D0;
	s1 =	sor.u32 s26, s0;
	s0 =	smulhi.u32 $0xAAAAAAAB, s0  }
0x15: {  	s8 =	rddreg [dreg:$0x6];
	p0 =	sgt.s32 s11, $0x100;
	s2 =	sadd.s32 s5, s2  }
0x16: {  	s4 =	simm.s32 @!p0 $0x100;
	s3 =	smulhi.u32 $0xAAAAAAAB, s1;
	s0 =	sshrl.u32 s0, $0x8  }
0x17: {  	s4 =	sadd.s32 s6, s4;
	s28 =	sadd.s32 $0xFFFF3D30, s2;
	s27 =	smulhi.u32 $0x14F8B59, s0  }
0x18: {  	s2 =	ssub.s32 $0xC350, s2;
	p0 =	sgt.s32 s28, $0x7F;
	s3 =	sshrl.u32 s3, $0x8  }
0x19: {  	s29 =	sadd.s32 $0xFFFFFF00, s4;
	s3 =	smul.u32 $0x180, s3;
	s5 =	sshrl.u32 s27, $0x8  }
0x1a: {  	s4 =	ssub.s32 $0x180, s4;
	p1 =	sgt.s32 s29, $0x7F;
	s5 =	smul.u32 $0xC350, s5  }
0x1b: {  	s14 =	rddreg [dreg:$0x8];
	s2 =	simm.s32 @p0 $0x0;
	s4 =	simm.s32 @p1 $0x0  }
0x1c: {  	s2 =	smul.u32 s4, s2;
	s1 =	ssub.s32 s1, s3;
	s0 =	ssub.s32 s0, s5  }
0x1d: {  	s3 =	sshrl.u32 s1, $0x3;
	s1 =	sand.u32 $0x7, s1;
	s0 =	smul.u32 $0x30, s0  }
0x1e: {  	s15 =	rddreg [dreg:$0x9];
	s3 =	sadd.s32 s30, s3;
	s1 =	sshll.u32 s1, $0x12  }
0x1f: {  	s2 =	sand.u32 $0x3FFFFFFF, s2;
	s1 =	sor.u32 $0x400, s1;
	s0 =	sadd.s32 s0, s3  }
0x20: {  	[hbm4b:s0+s1] =	stream.strided.scatter [tilespmem:s17], [sflag:$0x2], s2, s31, s1, $0x20;
	[tilespmem:$0x10100] =	vst v63  }
.LBB1_13:
0x21: {  	p0 =	slt.u32 s13, $0x2  }
0x22: {  	s1 =	smov.u32 s15;
	s2 =	smov.u32 s14;
	p1 =	sgt.s32 @!p0 s15, $0xC2D0  }
0x23: {  	s0 =	sshra.s32 @!p0 s15, $0x1F;
	p2 =	sgt.s32 @!p0 s14, $0x100;
	s3 =	sshra.s32 @!p0 s14, $0x1F  }
0x24: {  	p1 =	por !p1, p0;
	s0 =	sand.u32 @!p0 s0, s15;
	p2 =	por !p2, p0  }
0x25: {  	s3 =	sand.u32 @!p0 s3, s14;
	s1 =	simm.s32 @p1 $0xC2D0;
	s2 =	simm.s32 @p2 $0x100  }
0x26: {  	s0 =	ssub.s32 @!p0 s1, s0;
	s1 =	ssub.s32 @!p0 s2, s3  }
0x27: {  	s2 =	sadd.s32 @!p0 $0xFFFF3D30, s0;
	s3 =	sadd.s32 @!p0 $0xFFFFFF00, s1  }
0x28: {  	s0 =	ssub.s32 @!p0 $0xC350, s0;
	p1 =	sgt.s32 @!p0 s2, $0x7F;
	p2 =	sgt.s32 @!p0 s3, $0x7F  }
0x29: {  	s1 =	ssub.s32 @!p0 $0x180, s1;
	p1 =	por !p1, p0;
	p2 =	por !p2, p0  }
0x2a: {  	s0 =	simm.s32 @!p1 $0x0;
	s1 =	simm.s32 @!p2 $0x0  }
0x2b: {  	s0 =	smul.u32 @!p0 s1, s0  }
0x2c: {  	s4 =	smov.u32 s12  }
0x2d: {  	s2 =	simm.s32 @!p0 $0x2;
	s1 =	sadd.s32 $0x1000, s10;
	s0 =	sand.u32 @!p0 $0x3FFFFFFF, s0  }
0x2e: {  	s3 =	sadd.s32 $0x80, s12;
	p1 =	sgt.s32 s1, $0xC34F;
	_ =	swait.ge @!p0 [sflag:s2], s0  }
0x2f: {  	s4 =	smov.u32 @p1 s3;
	s3 =	rddreg [dreg:$0x2]  }
0x30: {  	s1 =	smov.u32 @p1 s3;
	p1 =	sgt.s32 s4, $0x12B  }
0x31: {  	s4 =	simm.s32 @p1 $0x0;
	p1 =	sne.s32 s13, s8  }
.Ltmp1:
0x32: {  	_ = 	snop;
	(pc) =	sbr.rel @!p1 .LBB1_14-.Ltmp1, $4  }
0x33: {  	s15 =	smov.u32 s9  }
0x34: {  	s14 =	smov.u32 s11;
	s0 =	ssub.s32 @!p0 $0x0, s0;
	[sflag:s2] =	ssyncset.done @!p0 $0x0  }
0x35: {  	s9 =	smov.u32 s10;
	s11 =	smov.u32 s12;
	[sflag:s2] =	ssyncadd.s32 @!p0 s0  }
0x36: {  	s13 =	sadd.s32 $0x1, s13;
	s10 =	smov.u32 s1;
	s12 =	smov.u32 s4  }
.LBB1_1:
0x37: {  	s0 =	rddreg [dreg:$0x5]  }
0x38: {  	s3 =	smov.u32 s12;
	s5 =	smov.u32 s10;
	p0 =	sge.u32 s13, s0  }
0x39: {  	s0 =	sshrl.u32 @!p0 s12, $0x3;
	s1 =	sshll.u32 @!p0 s10, $0x3;
	s2 =	sshll.u32 @!p0 s12, $0x7  }
0x3a: {  	p1 =	sgt.s32 @!p0 s12, $0xB0;
	s4 =	sshra.s32 @!p0 s12, $0x1F;
	s6 =	sshra.s32 @!p0 s10, $0x1F  }
0x3b: {  	s0 =	smul.u32 @!p0 $0x61C00, s0;
	s1 =	sand.u32 @!p0 $0xFFFFFC00, s1;
	p1 =	por !p1, p0  }
0x3c: {  	s4 =	sand.u32 @!p0 s4, s12;
	s6 =	sand.u32 @!p0 s6, s10;
	s3 =	simm.s32 @p1 $0xB0  }
0x3d: {  	p1 =	sgt.s32 @!p0 s10, $0xC300;
	s0 =	sadd.s32 @!p0 s0, s1;
	s1 =	sand.u32 @!p0 $0x380, s2  }
0x3e: {  	s2 =	sand.u32 @!p0 $0x7F, s10;
	p1 =	por !p1, p0;
	s0 =	sor.u32 @!p0 s1, s0  }
0x3f: {  	s3 =	ssub.s32 @!p0 s3, s4;
	s5 =	simm.s32 @p1 $0xC300;
	s1 =	sor.u32 @!p0 s2, s0  }
0x40: {  	s0 =	smulhi.u32 @!p0 $0xA79C7B17, s0;
	s4 =	ssub.s32 @!p0 s5, s6;
	s6 =	sadd.s32 @!p0 $0xFFFFFF50, s3  }
0x41: {  	s3 =	ssub.s32 @!p0 $0x130, s3;
	s2 =	smulhi.u32 @!p0 $0xA79C7B17, s1;
	s7 =	sadd.s32 @!p0 $0xFFFF3D00, s4  }
0x42: {  	p1 =	sgt.s32 @!p0 s6, $0x7F;
	s4 =	ssub.s32 @!p0 $0xC380, s4;
	s0 =	sshrl.u32 @!p0 s0, $0xF  }
0x43: {  	p2 =	sgt.s32 @!p0 s7, $0x7F;
	s2 =	sshrl.u32 @!p0 s2, $0xF;
	s5 =	smulhi.u32 @!p0 $0xD79436, s0  }
0x44: {  	p1 =	por !p1, p0;
	p2 =	por !p2, p0;
	s2 =	smul.u32 @!p0 $0xC380, s2  }
0x45: {  	s3 =	simm.s32 @!p1 $0x0;
	s4 =	simm.s32 @!p2 $0x0  }
0x46: {  	s5 =	smul.u32 @!p0 $0x130, s5;
	s1 =	ssub.s32 @!p0 s1, s2;
	s2 =	sxor.u32 @!p0 $0xFFFFFFFF, s13  }
0x47: {  	s3 =	smul.u32 @!p0 s3, s4;
	s2 =	sshll.u32 @!p0 s2, $0xE  }
0x48: {  	s0 =	ssub.s32 @!p0 s0, s5;
	s4 =	sshrl.u32 @!p0 s1, $0x3;
	s1 =	sand.u32 @!p0 $0x7, s1  }
0x49: {  	s3 =	sand.u32 @!p0 $0x3FFFFFFF, s3;
	s5 =	rddreg [dreg:$0x3];
	s0 =	smul.u32 @!p0 $0x1870, s0  }
0x4a: {  	s2 =	sand.u32 @!p0 $0x4000, s2;
	s4 =	sadd.s32 @!p0 s5, s4;
	s1 =	sshll.u32 @!p0 s1, $0x12  }
0x4b: {  	s1 =	sor.u32 @!p0 $0x400, s1;
	s0 =	sadd.s32 @!p0 s0, s4;
	s4 =	simm.s32 @!p0 $0x61C00  }
0x4c: {  	[tilespmem:s2], [sflag:$0x1] =	stream.strided.gather @!p0 [hbm4b:s0+s1], s3, s4, s1, $0x38;
	[tilespmem:$0x10100] =	vst v63  }
0x4d: {  	p0 =	seq.s32 s13, $0x0  }
0x4e: {  	p1 =	sge.u32 @!p0 s13, s8  }
0x4f: {  	p0 =	por p0, p1  }
.Ltmp2:
0x50: {  	_ = 	snop;
	(pc) =	sbr.rel @p0 .LBB1_13-.Ltmp2, $1  }
0x51: {  	_ =	sdelay $0x3  }
0x52: {  	s0 =	ssub.s32 $0x0, s11;
	s1 =	sshra.s32 s11, $0x1F;
	p0 =	sgt.s32 s11, $0xB0  }
0x53: {  	s2 =	smov.u32 s11;
	s25 =	ssub.s32 $0x0, s9;
	s26 =	sshra.s32 s9, $0x1F  }
0x54: {  	s3 =	smov.u32 s9;
	s2 =	simm.s32 @!p0 $0xB0;
	p0 =	sgt.s32 s9, $0xC300  }
0x55: {  	s4 =	sand.u32 s0, s1;
	s1 =	sand.u32 s25, s26;
	s3 =	simm.s32 @!p0 $0xC300  }
0x56: {  	s2 =	sadd.s32 s4, s2;
	[dreg:$0xb] =	wrdreg s1;
	s1 =	sadd.s32 s1, s3  }
0x57: {  	s27 =	sadd.s32 $0xFFFFFF50, s2;
	s2 =	ssub.s32 $0x130, s2;
	s28 =	sadd.s32 $0xFFFF3D00, s1  }
0x58: {  	p0 =	sgt.s32 s27, $0x7F;
	s0 =	ssub.s32 $0xC380, s1;
	p1 =	sgt.s32 s28, $0x7F  }
0x59: {  	s2 =	simm.s32 @p0 $0x0;
	s0 =	simm.s32 @p1 $0x0  }
0x5a: {  	s29 =	smul.u32 s2, s0;
	s2 =	sadd.s32 $0x80, s11  }
0x5b: {  	p0 =	slt.s32 s2, $0x12C  }
0x5c: {  	s2 =	simm.s32 @!p0 $0x12C  }
0x5d: {  	[dreg:$0x9] =	wrdreg s15;
	s19 =	ssub.s32 s2, s11  }
0x5e: {  	[dreg:$0x8] =	wrdreg s14;
	p0 =	slt.s32 s19, $0x1  }
.Ltmp3:
0x5f: {  	[dreg:$0x7] =	wrdreg s9;
	s30 =	simm.s32 $0x1;
	(pc) =	sbr.rel @p0 .LBB1_12-.Ltmp3, $4  }
0x60: {  	[dreg:$0xa] =	wrdreg s4;
	s0 =	sand.u32 $0x1, s13;
	s1 =	sand.u32 $0x3FFFFFFF, s29  }
0x61: {  	s31 =	smul.u32 $0x4080, s0;
	_ =	swait.ge [sflag:s30], s1  }
0x62: {  	s1 =	ssub.s32 $0x0, s1;
	[sflag:s30] =	ssyncset.done $0x0  }
0x63: {  	s17 =	sor.u32 $0x8000, s31;
	[sflag:s30] =	ssyncadd.s32 s1  }
0x64: {  	s2 =	rddreg [dreg:$0x7]  }
0x65: {  	s1 =	sadd.s32 $0x80, s2  }
0x66: {  	p0 =	slt.s32 s1, $0xC350  }
.Ltmp4:
0x67: {  	s1 =	simm.s32 @!p0 $0xC350;
	(pc) =	sbr.rel .LBB1_4-.Ltmp4, $4  }
0x68: {  	s22 =	sshll.u32 s0, $0xE;
	s1 =	ssub.s32 s1, s2  }
0x69: {  	s24 =	simm.s32 $0x0;
	s25 =	simm.s32 $0x400;
	s1 =	sadd.s32 $0xF, s1  }
0x6a: {  	s20 =	sand.u32 $0xFFFFFFF0, s1;
	s21 =	sand.u32 $0xFFFFFF00, s1;
	s31 =	sshll.u32 s1, $0x3  }
0x6b: {  	p0 =	slt.s32 s1, $0x100;
	s23 =	sand.u32 $0xFFFFF800, s31;
	p1 =	sge.s32 s21, s20  }
.LBB1_11:
0x6c: {  	s24 =	sadd.s32 $0x1, s24  }
0x6d: {  	p2 =	sne.s32 s24, s19  }
.Ltmp5:
0x6e: {  	_ = 	snop;
	(pc) =	sbr.rel @!p2 .LBB1_12-.Ltmp5, $2  }
0x6f: {  	_ =	sdelay $0x2  }
0x70: {  	s25 =	sadd.s32 $0x80, s25  }
.LBB1_4:
.Ltmp6:
0x71: {  	(pc) =	sbr.rel @p0 .LBB1_8-.Ltmp6, $2  }
0x72: {  	_ =	sdelay $0x2  }
0x73: {  	s26 =	sshll.u32 s24, $0x7;
	s27 =	sand.u32 $0x7F, s24  }
0x74: {  	s0 =	sshll.u32 s24, $0x3  }
0x75: {  	s5 =	sand.u32 $0x380, s26;
	s2 =	sshrl.u32 s0, $0x7  }
0x76: {  	s3 =	sadd.s32 $0x800, s0;
	s6 =	sadd.s32 $0x1000, s0;
	s18 =	sadd.s32 s5, s22  }
0x77: {  	s16 =	sadd.s32 $0x1800, s0;
	s7 =	sadd.s32 $0x2800, s0;
	s14 =	sadd.s32 $0x3000, s0  }
0x78: {  	s0 =	sadd.s32 $0x3800, s0;
	s1 =	sand.u32 $0x78, s2;
	s3 =	sshrl.u32 s3, $0x7  }
0x79: {  	s15 =	sshrl.u32 s6, $0x7;
	s6 =	sshrl.u32 s16, $0x7;
	s8 =	sshrl.u32 s7, $0x7  }
0x7a: {  	s16 =	sshrl.u32 s0, $0x7;
	s4 =	smul.u32 $0x204, s1;
	s3 =	sand.u32 $0x78, s3  }
0x7b: {  	s7 =	sadd.s32 $0x20, s2;
	v0 =	vmov s18;
	s18 =	sand.u32 $0x3C00, s25;
	s3 =	smul.u32 $0x204, s3  }
0x7c: {  	s5 =	sand.u32 $0x78, s15;
	s1 =	sxor.u32 $0x40, s1;
	s15 =	sshrl.u32 s14, $0x7  }
0x7d: {  	s5 =	smul.u32 $0x204, s5;
	s4 =	sshrl.u32 s4, $0x2;
	s3 =	sshrl.u32 s3, $0x2  }
0x7e: {  	s1 =	smul.u32 $0x204, s1;
	s4 =	sadd.s32 s4, s17;
	s3 =	sadd.s32 s3, s17  }
0x7f: {  	s28 =	sadd.s32 s27, s4;
	s4 =	sand.u32 $0x78, s6;
	s6 =	sshrl.u32 s5, $0x2  }
0x80: {  	s29 =	sadd.s32 s27, s3;
	s3 =	smul.u32 $0x204, s4;
	s4 =	sadd.s32 s6, s17  }
0x81: {  	s14 =	sand.u32 $0x78, s7;
	s30 =	sadd.s32 s27, s4;
	s4 =	sand.u32 $0x78, s8  }
0x82: {  	s7 =	sadd.s32 $0x30, s2;
	s1 =	sshrl.u32 s1, $0x2;
	s4 =	smul.u32 $0x204, s4  }
0x83: {  	s9 =	sadd.s32 s1, s17;
	s5 =	sand.u32 $0x78, s16;
	s3 =	sshrl.u32 s3, $0x2  }
0x84: {  	s31 =	sadd.s32 s27, s9;
	s3 =	sadd.s32 s3, s17;
	s4 =	sshrl.u32 s4, $0x2  }
0x85: {  	s1 =	sadd.s32 s27, s3;
	s3 =	sand.u32 $0x78, s15;
	s4 =	sadd.s32 s4, s17  }
0x86: {  	s6 =	sadd.s32 $0x10, s2;
	s3 =	smul.u32 $0x204, s3;
	s0 =	sadd.s32 s27, s4  }
0x87: {  	s4 =	smul.u32 $0x204, s5;
	s5 =	sand.u32 $0x78, s6;
	s6 =	sand.u32 $0x78, s7  }
0x88: {  	s7 =	sadd.s32 $0x50, s2;
	s3 =	sshrl.u32 s3, $0x2;
	s5 =	smul.u32 $0x204, s5  }
0x89: {  	s6 =	smul.u32 $0x204, s6;
	s7 =	sand.u32 $0x78, s7;
	s3 =	sadd.s32 s3, s17  }
0x8a: {  	s9 =	sshrl.u32 s4, $0x2;
	s4 =	smul.u32 $0x204, s14;
	s14 =	sadd.s32 $0x60, s2  }
0x8b: {  	s7 =	smul.u32 $0x204, s7;
	s2 =	sadd.s32 $0x70, s2;
	s8 =	sadd.s32 s27, s3  }
0x8c: {  	s3 =	sadd.s32 s9, s17;
	s15 =	sshrl.u32 s5, $0x2;
	s14 =	sand.u32 $0x78, s14  }
0x8d: {  	s6 =	sshrl.u32 s6, $0x2;
	s2 =	sand.u32 $0x78, s2;
	s5 =	sadd.s32 s27, s3  }
0x8e: {  	v1 =	vld.idx.msk [tilespmem:v0+s18+$0x0 ss:$0x1], $0xffff;
	s16 =	sadd.s32 s15, s17;
	s4 =	sshrl.u32 s4, $0x2;
	s14 =	smul.u32 $0x204, s14  }
0x8f: {  	s2 =	smul.u32 $0x204, s2;
	s7 =	sshrl.u32 s7, $0x2;
	s4 =	sadd.s32 s4, s17  }
0x90: {  	s15 =	sadd.s32 s6, s17;
	s7 =	sadd.s32 s7, s17;
	s3 =	sadd.s32 s27, s4  }
0x91: {  	s4 =	sadd.s32 s27, s15;
	s14 =	sshrl.u32 s14, $0x2;
	s2 =	sshrl.u32 s2, $0x2  }
0x92: {  	s15 =	sadd.s32 $0xFFFFFC00, s25;
	s14 =	sadd.s32 s14, s17;
	s9 =	sadd.s32 s2, s17  }
0x93: {  	[tilespmem:s28+$0x0 ss:$0x81] =	vst.msk $0xffff, v1;
	v1 =	vld.idx.msk [tilespmem:v0+s18+$0x20 ss:$0x1], $0xffff;
	s2 =	sadd.s32 s27, s7;
	s7 =	sadd.s32 s27, s14;
	s14 =	sand.u32 $0x3C00, s15  }
0x94: {  	v2 =	vld.idx.msk [tilespmem:v0+s14+$0x70 ss:$0x1], $0xffff  }
0x95: {  	v3 =	vld.idx.msk [tilespmem:v0+s14+$0x0 ss:$0x1], $0xffff  }
0x96: {  	v4 =	vld.idx.msk [tilespmem:v0+s14+$0x10 ss:$0x1], $0xffff  }
0x97: {  	v5 =	vld.idx.msk [tilespmem:v0+s14+$0x20 ss:$0x1], $0xffff  }
0x98: {  	v6 =	vld.idx.msk [tilespmem:v0+s14+$0x30 ss:$0x1], $0xffff  }
0x99: {  	v7 =	vld.idx.msk [tilespmem:v0+s14+$0x40 ss:$0x1], $0xffff;
	[tilespmem:s5+$0x0 ss:$0x81] =	vst.msk $0xffff, v2  }
0x9a: {  	v8 =	vld.idx.msk [tilespmem:v0+s14+$0x50 ss:$0x1], $0xffff;
	[tilespmem:s28+$0x0 ss:$0x81] =	vst.msk $0xffff, v3  }
0x9b: {  	p2 =	sgt.s32 s21, $0x100;
	v9 =	vld.idx.msk [tilespmem:v0+s14+$0x60 ss:$0x1], $0xffff;
	[tilespmem:s29+$0x0 ss:$0x81] =	vst.msk $0xffff, v4  }
.Ltmp7:
0x9c: {  	v4 =	vld.idx.msk [tilespmem:v0+s18+$0x10 ss:$0x1], $0xffff;
	[tilespmem:s30+$0x0 ss:$0x81] =	vst.msk $0xffff, v5;
	(pc) =	sbr.rel @!p2 .LBB1_7-.Ltmp7, $4  }
0x9d: {  	[tilespmem:s1+$0x0 ss:$0x81] =	vst.msk $0xffff, v6;
	v2 =	vld.idx.msk [tilespmem:v0+s18+$0x30 ss:$0x1], $0xffff  }
0x9e: {  	[tilespmem:s31+$0x0 ss:$0x81] =	vst.msk $0xffff, v7;
	v3 =	vld.idx.msk [tilespmem:v0+s18+$0x40 ss:$0x1], $0xffff  }
0x9f: {  	s6 =	sadd.s32 s27, s16;
	[tilespmem:s0+$0x0 ss:$0x81] =	vst.msk $0xffff, v8;
	v5 =	vld.idx.msk [tilespmem:v0+s18+$0x50 ss:$0x1], $0xffff  }
0xa0: {  	s16 =	sadd.s32 s27, s9;
	s15 =	sadd.s32 $0x800, s25;
	s14 =	simm.s32 $0x100;
	[tilespmem:s8+$0x0 ss:$0x81] =	vst.msk $0xffff, v9;
	v6 =	vld.idx.msk [tilespmem:v0+s18+$0x60 ss:$0x1], $0xffff  }
.LBB1_6:
0xa1: {  	s9 =	sadd.s32 $0xFFFFFC00, s15;
	s14 =	sadd.s32 $0x100, s14;
	[tilespmem:s6+$0x0 ss:$0x81] =	vst.msk $0xffff, v4;
	v4 =	vld.idx.msk [tilespmem:v0+s18+$0x70 ss:$0x1], $0xffff;
	s18 =	sand.u32 $0x3C00, s15  }
0xa2: {  	s9 =	sand.u32 $0x3C00, s9;
	v7 =	vld.idx.msk [tilespmem:v0+s18+$0x0 ss:$0x1], $0xffff;
	p2 =	slt.s32 s14, s21;
	[tilespmem:s3+$0x0 ss:$0x81] =	vst.msk $0xffff, v1  }
0xa3: {  	v1 =	vld.idx.msk [tilespmem:v0+s9+$0x70 ss:$0x1], $0xffff;
	[tilespmem:s4+$0x0 ss:$0x81] =	vst.msk $0xffff, v2  }
0xa4: {  	v2 =	vld.idx.msk [tilespmem:v0+s9+$0x0 ss:$0x1], $0xffff;
	[tilespmem:s31+$0x0 ss:$0x81] =	vst.msk $0xffff, v3  }
0xa5: {  	v3 =	vld.idx.msk [tilespmem:v0+s9+$0x10 ss:$0x1], $0xffff;
	[tilespmem:s2+$0x0 ss:$0x81] =	vst.msk $0xffff, v5  }
0xa6: {  	v5 =	vld.idx.msk [tilespmem:v0+s9+$0x20 ss:$0x1], $0xffff;
	[tilespmem:s7+$0x0 ss:$0x81] =	vst.msk $0xffff, v6  }
0xa7: {  	v6 =	vld.idx.msk [tilespmem:v0+s9+$0x30 ss:$0x1], $0xffff;
	[tilespmem:s16+$0x0 ss:$0x81] =	vst.msk $0xffff, v4  }
0xa8: {  	v8 =	vld.idx.msk [tilespmem:v0+s9+$0x40 ss:$0x1], $0xffff;
	[tilespmem:s28+$0x0 ss:$0x81] =	vst.msk $0xffff, v7  }
0xa9: {  	v7 =	vld.idx.msk [tilespmem:v0+s9+$0x50 ss:$0x1], $0xffff;
	[tilespmem:s5+$0x0 ss:$0x81] =	vst.msk $0xffff, v1  }
0xaa: {  	[tilespmem:s28+$0x0 ss:$0x81] =	vst.msk $0xffff, v2;
	v9 =	vld.idx.msk [tilespmem:v0+s9+$0x60 ss:$0x1], $0xffff  }
0xab: {  	[tilespmem:s29+$0x0 ss:$0x81] =	vst.msk $0xffff, v3;
	v4 =	vld.idx.msk [tilespmem:v0+s18+$0x10 ss:$0x1], $0xffff  }
.Ltmp8:
0xac: {  	[tilespmem:s30+$0x0 ss:$0x81] =	vst.msk $0xffff, v5;
	v1 =	vld.idx.msk [tilespmem:v0+s18+$0x20 ss:$0x1], $0xffff;
	(pc) =	sbr.rel @p2 .LBB1_6-.Ltmp8, $4  }
0xad: {  	[tilespmem:s1+$0x0 ss:$0x81] =	vst.msk $0xffff, v6;
	v2 =	vld.idx.msk [tilespmem:v0+s18+$0x30 ss:$0x1], $0xffff  }
0xae: {  	[tilespmem:s31+$0x0 ss:$0x81] =	vst.msk $0xffff, v8;
	v3 =	vld.idx.msk [tilespmem:v0+s18+$0x40 ss:$0x1], $0xffff  }
0xaf: {  	[tilespmem:s0+$0x0 ss:$0x81] =	vst.msk $0xffff, v7;
	v5 =	vld.idx.msk [tilespmem:v0+s18+$0x50 ss:$0x1], $0xffff  }
0xb0: {  	s15 =	sadd.s32 $0x800, s15;
	[tilespmem:s8+$0x0 ss:$0x81] =	vst.msk $0xffff, v9;
	v6 =	vld.idx.msk [tilespmem:v0+s18+$0x60 ss:$0x1], $0xffff  }
.LBB1_7:
0xb1: {  	_ =	sdelay $0x2  }
0xb2: {  	[tilespmem:s6+$0x0 ss:$0x81] =	vst.msk $0xffff, v4  }
0xb3: {  	v0 =	vld.idx.msk [tilespmem:v0+s18+$0x70 ss:$0x1], $0xffff;
	[tilespmem:s3+$0x0 ss:$0x81] =	vst.msk $0xffff, v1  }
0xb4: {  	[tilespmem:s4+$0x0 ss:$0x81] =	vst.msk $0xffff, v2  }
0xb5: {  	[tilespmem:s31+$0x0 ss:$0x81] =	vst.msk $0xffff, v3  }
0xb6: {  	[tilespmem:s2+$0x0 ss:$0x81] =	vst.msk $0xffff, v5  }
0xb7: {  	[tilespmem:s7+$0x0 ss:$0x81] =	vst.msk $0xffff, v6  }
0xb8: {  	[tilespmem:s16+$0x0 ss:$0x81] =	vst.msk $0xffff, v0  }
.LBB1_8:
.Ltmp9:
0xb9: {  	(pc) =	sbr.rel @p1 .LBB1_11-.Ltmp9, $1  }
0xba: {  	_ =	sdelay $0x3  }
0xbb: {  	s1 =	sand.u32 $0x380, s26;
	s0 =	sshrl.u32 s24, $0x4;
	s2 =	sadd.s32 s27, s17  }
0xbc: {  	s3 =	smov.u32 s23;
	s4 =	smov.u32 s21;
	s1 =	sadd.s32 s1, s22  }
.LBB1_10:
0xbd: {  	s5 =	sand.u32 $0x3C00, s3  }
0xbe: {  	s5 =	sadd.s32 s26, s5  }
0xbf: {  	s5 =	sand.u32 $0x3C00, s5  }
0xc0: {  	s6 =	sand.u32 $0x70, s4;
	s30 =	sadd.s32 s4, s0;
	s5 =	sadd.s32 s5, s1  }
0xc1: {  	s4 =	sadd.s32 $0x10, s4;
	s31 =	sand.u32 $0x78, s30;
	s5 =	sadd.s32 s6, s5  }
0xc2: {  	p2 =	slt.s32 s4, s20;
	v0 =	vld [tilespmem:s5+$0x0];
	s5 =	smul.u32 $0x204, s31  }
.Ltmp10:
0xc3: {  	_ = 	snop;
	(pc) =	sbr.rel @p2 .LBB1_10-.Ltmp10, $4  }
0xc4: {  	_ = 	snop  }
0xc5: {  	s5 =	sshrl.u32 s5, $0x2  }
0xc6: {  	s5 =	sadd.s32 s5, s2  }
0xc7: {  	s3 =	sadd.s32 $0x80, s3;
	[tilespmem:s5+$0x0 ss:$0x81] =	vst.msk $0xffff, v0  }
.Ltmp11:
0xc8: {  	_ = 	snop;
	(pc) =	sbr.rel .LBB1_11-.Ltmp11, $1  }
0xc9: {  	_ =	sdelay $0x3  }
.LBB1_14:
0xca: {  	_ =	sfence.sel $0x180000  }
0xcb: {  	s0 =	simm.s32 $0x1;
	[bflag:$0x0] =	sbarrier.arrive $0xFFFF  }
0xcc: {  	s30 =	simm.s32 $0x2;
	[sflag:s0] =	ssyncpa.u1 $0x1  }
0xcd: {  	[sflag:s30] =	ssyncpa.u1 $0x1  }
0xce: {  	_ =	strace $0x90000047  }
0xcf: {  	s31 =	stileid.u32;
	[bflag:$0x2] =	sbarrier.arrive $0xFFFF  }
0xd0: {  	p0 =	sne.s32 s31, $0x0;
	s0 =	rddreg [dreg:$0x1]  }
0xd1: {  	s0 =	sadd.s32 @!p0 $0x100000, s0  }
0xd2: {  	[sflag:s0] =	ssyncadd.tile.s32 @!p0 $0x1;
	_ =	shalt  }
.Lfunc_end1:
_tile_overlayer_lowered:
.L_overlay_start_2:
0xd3: {  	(tag) =	ssettag $0x2  }
0xd4: {  	s0 =	rddreg [dreg:$0x0];
	s2 =	stileid.u32  }
0xd5: {  	s1 =	rddreg [dreg:$0x1];
	p0 =	sne.s32 s2, $0x0  }
0xd6: {  	s3 =	rddreg [dreg:$0x2];
	[bflag:$0x3] =	sbarrier.arrive $0xFFFF;
	s2 =	simm.s32 @!p0 $0x1C01  }
0xd7: {  	[timem:s3], [sflag:s2] =	dma.local @!p0 [hbm:s0], s1  }
0xd8: {  	s0 =	simm.s32 @!p0 $0x1  }
0xd9: {  	_ =	swait.ge @!p0 [sflag:s0], s1  }
0xda: {  	s1 =	ssub.s32 @!p0 $0x0, s1;
	[sflag:s0] =	ssyncset.done @!p0 $0x0  }
0xdb: {  	[sflag:s0] =	ssyncadd.s32 @!p0 s1  }
0xdc: {  	[bflag:$0x3] =	sbarrier.arrive $0xFFFF  }
0xdd: {  	_ =	shalt  }

// kernel: sparse-core-data-format-call.cloned.1.call-start
scs
called_computation.1_lowered:
.L_overlay_start_0:
0x0: {  	s2 =	sld [smem:$0x3FD9]  }
0x1: {  	s3 =	sld [smem:$0x3FFE];
	_ =	sdelay $0x1  }
0x2: {  	s1 =	srdreg.scid  }
0x3: {  	s0 =	sand.u32 $0x1, s1  }
0x4: {  	s18 =	sshll.u32 s0, $0xA;
	s2 =	sadd.s32 s3, s2  }
0x5: {  	s2 =	sadd.s32 s2, s18  }
0x6: {  	[smem:$0x3FAD] =	sst s2  }
0x7: {  	_ = 	snop  }
0x8: {  	(tm) =	ssettm $0x1  }
0x9: {  	s19 =	sld [smem:$0x3FFB];
	_ =	sdelay $0x3  }
0xa: {  	_ =	strace s19  }
0xb: {  	s2 =	sld [smem:$0x3FFC];
	_ =	sdelay $0x3  }
0xc: {  	_ =	strace s2  }
0xd: {  	s2 =	sld [smem:$0x3FFD];
	_ =	sdelay $0x3  }
0xe: {  	_ =	strace s2  }
0xf: {  	_ =	strace $0x8FFFFFFF  }
0x10: {  	s20 =	sld [smem:$0x3FDB];
	_ =	sdelay $0x1  }
0x11: {  	s21 =	simm.s32 $_scs_section_size  }
0x12: {  	s4 =	simm.s32 $_size__tile_overlayer_lowered;
	s5 =	simm.s32 $_tile_overlayer_lowered  }
0x13: {  	s6 =	simm.s32 $0x1BFF;
	s22 =	sshll.u32 s5, $0x1;
	s3 =	sadd.s32 s21, s20  }
0x14: {  	s23 =	simm.s32 $0x0;
	s4 =	sshll.u32 s4, $0x1;
	s5 =	sadd.s32 s22, s3  }
0x15: {  	[timem:s23], [sflag:s6] =	dma.local [hbm:s5], s4  }
0x16: {  	_ =	swait.ge [sflag:s6], s4  }
0x17: {  	s4 =	ssub.s32 $0x0, s4;
	[sflag:s6] =	ssyncset.done $0x0  }
0x18: {  	[sflag:s6] =	ssyncadd.s32 s4;
	_ =	sdelay $0x1  }
0x19: {  	s24 =	simm.s32 $0x1B8B  }
0x1a: {  	_ =	swait.ge [sflag:s24], $0x1  }
0x1b: {  	[sflag:s24] =	ssyncset.done $0x0  }
0x1c: {  	[sflag:s24] =	ssyncadd.s32 $0xFFFFFFFF  }
0x1d: {  	s4 =	sld [smem:$0x0]  }
0x1e: {  	s5 =	sand.u32 $0xFFFFFFFE, s1  }
0x1f: {  	p0 =	sne.s32 s1, s5  }
0x20: {  	s5 =	sshll.u32 @p0 s5, $0xE  }
0x21: {  	s5 =	sadd.s32 @p0 $0x11B8D, s5;
	s6 =	sshll.u32 @p0 s4, $0x11  }
0x22: {  	s5 =	sor.u32 @p0 s6, s5  }
0x23: {  	[sflag:s5] =	ssyncadd.remote.s32 @p0 $0x1;
	_ =	sdelay $0x1  }
0x24: {  	s5 =	simm.s32 @p0 $0x1B8D  }
0x25: {  	_ =	swait.eq @p0 [sflag:s5], $0x1  }
0x26: {  	[sflag:s5] =	ssyncadd.s32 @p0 $0xFFFFFFFF  }
0x27: {  	s6 =	sshll.u32 @!p0 s1, $0xE  }
0x28: {  	s6 =	sor.u32 @!p0 $0x4000, s6;
	s5 =	simm.s32 @!p0 $0x1B8D  }
0x29: {  	s4 =	sshll.u32 @!p0 s4, $0x11;
	s6 =	sadd.s32 @!p0 $0x11B8D, s6;
	_ =	swait.eq @!p0 [sflag:s5], $0x1  }
0x2a: {  	s4 =	sor.u32 @!p0 s4, s6;
	[sflag:s5] =	ssyncadd.s32 @!p0 $0xFFFFFFFF  }
0x2b: {  	s26 =	simm.s32 $0x1B8E;
	s25 =	sld [smem:$0x3FFE];
	[sflag:s4] =	ssyncadd.remote.s32 @!p0 $0x1  }
0x2c: {  	s27 =	simm.s32 $execute0_lowered;
	[smem:$0x3FD2] =	sst s26  }
0x2d: {  	s5 =	sshll.u32 s27, $0x1;
	_ =	strace $0x80000049;
	[dreg:$0x1] =	wrdreg $0xFFFFFFFF  }
0x2e: {  	s28 =	simm.s32 $_size_execute0_lowered;
	s3 =	sadd.s32 s3, s5;
	[dreg:$0x0] =	wrdreg $0x0  }
0x2f: {  	s5 =	sshll.u32 s28, $0x1;
	[dreg:$0x2] =	wrdreg s3  }
0x30: {  	[dreg:$0x3] =	wrdreg s5  }
0x31: {  	[dreg:$0x4] =	wrdreg $0xC0  }
0x32: {  	_ =	task [dreg:s23], $0x5FFFF  }
0x33: {  	[dreg:$0x1] =	wrdreg $0xFFFFFFFF  }
0x34: {  	[dreg:$0x0] =	wrdreg $0x60  }
0x35: {  	[dreg:$0x2] =	wrdreg s25  }
0x36: {  	[dreg:$0x3] =	wrdreg $0x9  }
0x37: {  	_ =	task.clear_ibuf [dreg:s23], $0x4FFFF;
	_ =	strace $0x90000049  }
0x38: {  	s29 =	simm.s32 $0x9;
	_ =	strace $0x8000004B  }
0x39: {  	_ =	swait.ge [sflag:s29], $0x1  }
0x3a: {  	[sflag:s29] =	ssyncadd.s32 $0xFFFFFFFF  }
0x3b: {  	_ =	strace $0x9000004B  }
0x3c: {  	_ =	sfence  }
0x3d: {  	s30 =	sld [smem:$0x0];
	_ =	sdelay $0x2  }
0x3e: {  	s31 =	sshll.u32 s1, $0xD;
	s1 =	sshrl.u32 s1, $0x2  }
0x3f: {  	s4 =	sand.u32 $0x4000, s31;
	s1 =	sadd.s32 s1, s30  }
0x40: {  	s0 =	sor.u32 s4, s0;
	s1 =	sshll.u32 s1, $0x11  }
0x41: {  	s0 =	sor.u32 s1, s0  }
0x42: {  	s0 =	sadd.s32 $0x8F2B, s0  }
0x43: {  	[sflag:s0] =	ssyncadd.remote.s32 $0x1  }
0x44: {  	_ =	sfence.sel $0xFFFF  }
0x45: {  	[dreg:$0x0] =	wrdreg $0xFFFFFFFF;
	(pc) =	sbr.abs _section_cstart, $3  }
0x46: {  	[dreg:$0x1] =	wrdreg $0xFFFFFFFF  }
0x47: {  	_ =	task.clear_ibuf [dreg:s23], $0x2FFFF;
	_ =	strace $0x9FFFFFFF  }
0x48: {  	(tm) =	ssettm $0x7FFFFFFF  }
0x49: {  	_ =	shalt  }
tec
execute0_lowered:
.L_overlay_start_1:
0x0: {  	(tag) =	ssettag $0x1  }
0x1: {  	s0 =	srdreg.scid  }
0x2: {  	s0 =	sshll.u32 s0, $0x4  }
0x3: {  	s1 =	stileid.u32;
	s0 =	sand.u32 $0x10, s0  }
0x4: {  	s0 =	sor.u32 s1, s0  }
0x5: {  	s29 =	rddreg [dreg:$0x0];
	s10 =	sshll.u32 s0, $0x7  }
0x6: {  	_ =	strace $0x8000004A;
	s2 =	simm.s32 $0x1;
	s0 =	ssub.s32 $0xC300, s10  }
0x7: {  	s30 =	simm.s32 $0x2;
	s15 =	simm.s32 $0x0;
	s0 =	sshrl.u32 s0, $0xC  }
0x8: {  	s14 =	simm.s32 $0x0;
	s3 =	sadd.s32 $0x665800, s29;
	s0 =	smul.u32 $0x3, s0  }
.Ltmp0:
0x9: {  	[dreg:$0x3] =	wrdreg s3;
	s1 =	sadd.s32 $0x835E00, s29;
	(pc) =	sbr.rel .LBB1_1-.Ltmp0, $4  }
0xa: {  	s9 =	simm.s32 $0x0;
	s11 =	simm.s32 $0x0;
	[dreg:$0x4] =	wrdreg s1  }
0xb: {  	s12 =	simm.s32 $0x0;
	[dreg:$0x2] =	wrdreg s10;
	s31 =	sadd.s32 $0x3, s0  }
0xc: {  	[sflag:s2] =	ssyncpa.u1 $0x0;
	s8 =	sadd.s32 $0x4, s0;
	[dreg:$0x5] =	wrdreg s31  }
0xd: {  	s13 =	simm.s32 $0x0;
	[sflag:s30] =	ssyncpa.u1 $0x0;
	[dreg:$0x6] =	wrdreg s8  }
.LBB1_12:
0xe: {  	s9 =	rddreg [dreg:$0x7];
	s1 =	sshll.u32 s11, $0x3  }
0xf: {  	s26 =	sand.u32 $0x7F, s11;
	s5 =	rddreg [dreg:$0xb];
	s0 =	sshrl.u32 s9, $0x3  }
0x10: {  	s4 =	smov.u32 s11;
	s6 =	rddreg [dreg:$0xa];
	s0 =	smul.u32 $0xC00, s0  }
0x11: {  	s30 =	rddreg [dreg:$0x4];
	s1 =	sand.u32 $0xFFFFFC00, s1;
	s2 =	sshll.u32 s9, $0x7  }
0x12: {  	s31 =	simm.s32 $0xC00;
	s25 =	sand.u32 $0x380, s2;
	s0 =	sadd.s32 s1, s0  }
0x13: {  	p0 =	sgt.s32 s9, $0xC2D0;
	s2 =	smov.u32 s9;
	s0 =	sor.u32 s25, s0  }
0x14: {  	s2 =	simm.s32 @!p0 $0xC2D0;
	s1 =	sor.u32 s26, s0;
	s0 =	smulhi.u32 $0xAAAAAAAB, s0  }
0x15: {  	s8 =	rddreg [dreg:$0x6];
	p0 =	sgt.s32 s11, $0x100;
	s2 =	sadd.s32 s5, s2  }
0x16: {  	s4 =	simm.s32 @!p0 $0x100;
	s3 =	smulhi.u32 $0xAAAAAAAB, s1;
	s0 =	sshrl.u32 s0, $0x8  }
0x17: {  	s4 =	sadd.s32 s6, s4;
	s28 =	sadd.s32 $0xFFFF3D30, s2;
	s27 =	smulhi.u32 $0x14F8B59, s0  }
0x18: {  	s2 =	ssub.s32 $0xC350, s2;
	p0 =	sgt.s32 s28, $0x7F;
	s3 =	sshrl.u32 s3, $0x8  }
0x19: {  	s29 =	sadd.s32 $0xFFFFFF00, s4;
	s3 =	smul.u32 $0x180, s3;
	s5 =	sshrl.u32 s27, $0x8  }
0x1a: {  	s4 =	ssub.s32 $0x180, s4;
	p1 =	sgt.s32 s29, $0x7F;
	s5 =	smul.u32 $0xC350, s5  }
0x1b: {  	s14 =	rddreg [dreg:$0x8];
	s2 =	simm.s32 @p0 $0x0;
	s4 =	simm.s32 @p1 $0x0  }
0x1c: {  	s2 =	smul.u32 s4, s2;
	s1 =	ssub.s32 s1, s3;
	s0 =	ssub.s32 s0, s5  }
0x1d: {  	s3 =	sshrl.u32 s1, $0x3;
	s1 =	sand.u32 $0x7, s1;
	s0 =	smul.u32 $0x30, s0  }
0x1e: {  	s15 =	rddreg [dreg:$0x9];
	s3 =	sadd.s32 s30, s3;
	s1 =	sshll.u32 s1, $0x12  }
0x1f: {  	s2 =	sand.u32 $0x3FFFFFFF, s2;
	s1 =	sor.u32 $0x400, s1;
	s0 =	sadd.s32 s0, s3  }
0x20: {  	[hbm4b:s0+s1] =	stream.strided.scatter [tilespmem:s17], [sflag:$0x2], s2, s31, s1, $0x20;
	[tilespmem:$0x10100] =	vst v63  }
.LBB1_13:
0x21: {  	p0 =	slt.u32 s13, $0x2  }
0x22: {  	s1 =	smov.u32 s15;
	s2 =	smov.u32 s14;
	p1 =	sgt.s32 @!p0 s15, $0xC2D0  }
0x23: {  	s0 =	sshra.s32 @!p0 s15, $0x1F;
	p2 =	sgt.s32 @!p0 s14, $0x100;
	s3 =	sshra.s32 @!p0 s14, $0x1F  }
0x24: {  	p1 =	por !p1, p0;
	s0 =	sand.u32 @!p0 s0, s15;
	p2 =	por !p2, p0  }
0x25: {  	s3 =	sand.u32 @!p0 s3, s14;
	s1 =	simm.s32 @p1 $0xC2D0;
	s2 =	simm.s32 @p2 $0x100  }
0x26: {  	s0 =	ssub.s32 @!p0 s1, s0;
	s1 =	ssub.s32 @!p0 s2, s3  }
0x27: {  	s2 =	sadd.s32 @!p0 $0xFFFF3D30, s0;
	s3 =	sadd.s32 @!p0 $0xFFFFFF00, s1  }
0x28: {  	s0 =	ssub.s32 @!p0 $0xC350, s0;
	p1 =	sgt.s32 @!p0 s2, $0x7F;
	p2 =	sgt.s32 @!p0 s3, $0x7F  }
0x29: {  	s1 =	ssub.s32 @!p0 $0x180, s1;
	p1 =	por !p1, p0;
	p2 =	por !p2, p0  }
0x2a: {  	s0 =	simm.s32 @!p1 $0x0;
	s1 =	simm.s32 @!p2 $0x0  }
0x2b: {  	s0 =	smul.u32 @!p0 s1, s0  }
0x2c: {  	s4 =	smov.u32 s12  }
0x2d: {  	s2 =	simm.s32 @!p0 $0x2;
	s1 =	sadd.s32 $0x1000, s10;
	s0 =	sand.u32 @!p0 $0x3FFFFFFF, s0  }
0x2e: {  	s3 =	sadd.s32 $0x80, s12;
	p1 =	sgt.s32 s1, $0xC34F;
	_ =	swait.ge @!p0 [sflag:s2], s0  }
0x2f: {  	s4 =	smov.u32 @p1 s3;
	s3 =	rddreg [dreg:$0x2]  }
0x30: {  	s1 =	smov.u32 @p1 s3;
	p1 =	sgt.s32 s4, $0x12B  }
0x31: {  	s4 =	simm.s32 @p1 $0x0;
	p1 =	sne.s32 s13, s8  }
.Ltmp1:
0x32: {  	_ = 	snop;
	(pc) =	sbr.rel @!p1 .LBB1_14-.Ltmp1, $4  }
0x33: {  	s15 =	smov.u32 s9  }
0x34: {  	s14 =	smov.u32 s11;
	s0 =	ssub.s32 @!p0 $0x0, s0;
	[sflag:s2] =	ssyncset.done @!p0 $0x0  }
0x35: {  	s9 =	smov.u32 s10;
	s11 =	smov.u32 s12;
	[sflag:s2] =	ssyncadd.s32 @!p0 s0  }
0x36: {  	s13 =	sadd.s32 $0x1, s13;
	s10 =	smov.u32 s1;
	s12 =	smov.u32 s4  }
.LBB1_1:
0x37: {  	s0 =	rddreg [dreg:$0x5]  }
0x38: {  	s3 =	smov.u32 s12;
	s5 =	smov.u32 s10;
	p0 =	sge.u32 s13, s0  }
0x39: {  	s0 =	sshrl.u32 @!p0 s12, $0x3;
	s1 =	sshll.u32 @!p0 s10, $0x3;
	s2 =	sshll.u32 @!p0 s12, $0x7  }
0x3a: {  	p1 =	sgt.s32 @!p0 s12, $0xB0;
	s4 =	sshra.s32 @!p0 s12, $0x1F;
	s6 =	sshra.s32 @!p0 s10, $0x1F  }
0x3b: {  	s0 =	smul.u32 @!p0 $0x61C00, s0;
	s1 =	sand.u32 @!p0 $0xFFFFFC00, s1;
	p1 =	por !p1, p0  }
0x3c: {  	s4 =	sand.u32 @!p0 s4, s12;
	s6 =	sand.u32 @!p0 s6, s10;
	s3 =	simm.s32 @p1 $0xB0  }
0x3d: {  	p1 =	sgt.s32 @!p0 s10, $0xC300;
	s0 =	sadd.s32 @!p0 s0, s1;
	s1 =	sand.u32 @!p0 $0x380, s2  }
0x3e: {  	s2 =	sand.u32 @!p0 $0x7F, s10;
	p1 =	por !p1, p0;
	s0 =	sor.u32 @!p0 s1, s0  }
0x3f: {  	s3 =	ssub.s32 @!p0 s3, s4;
	s5 =	simm.s32 @p1 $0xC300;
	s1 =	sor.u32 @!p0 s2, s0  }
0x40: {  	s0 =	smulhi.u32 @!p0 $0xA79C7B17, s0;
	s4 =	ssub.s32 @!p0 s5, s6;
	s6 =	sadd.s32 @!p0 $0xFFFFFF50, s3  }
0x41: {  	s3 =	ssub.s32 @!p0 $0x130, s3;
	s2 =	smulhi.u32 @!p0 $0xA79C7B17, s1;
	s7 =	sadd.s32 @!p0 $0xFFFF3D00, s4  }
0x42: {  	p1 =	sgt.s32 @!p0 s6, $0x7F;
	s4 =	ssub.s32 @!p0 $0xC380, s4;
	s0 =	sshrl.u32 @!p0 s0, $0xF  }
0x43: {  	p2 =	sgt.s32 @!p0 s7, $0x7F;
	s2 =	sshrl.u32 @!p0 s2, $0xF;
	s5 =	smulhi.u32 @!p0 $0xD79436, s0  }
0x44: {  	p1 =	por !p1, p0;
	p2 =	por !p2, p0;
	s2 =	smul.u32 @!p0 $0xC380, s2  }
0x45: {  	s3 =	simm.s32 @!p1 $0x0;
	s4 =	simm.s32 @!p2 $0x0  }
0x46: {  	s5 =	smul.u32 @!p0 $0x130, s5;
	s1 =	ssub.s32 @!p0 s1, s2;
	s2 =	sxor.u32 @!p0 $0xFFFFFFFF, s13  }
0x47: {  	s3 =	smul.u32 @!p0 s3, s4;
	s2 =	sshll.u32 @!p0 s2, $0xE  }
0x48: {  	s0 =	ssub.s32 @!p0 s0, s5;
	s4 =	sshrl.u32 @!p0 s1, $0x3;
	s1 =	sand.u32 @!p0 $0x7, s1  }
0x49: {  	s3 =	sand.u32 @!p0 $0x3FFFFFFF, s3;
	s5 =	rddreg [dreg:$0x3];
	s0 =	smul.u32 @!p0 $0x1870, s0  }
0x4a: {  	s2 =	sand.u32 @!p0 $0x4000, s2;
	s4 =	sadd.s32 @!p0 s5, s4;
	s1 =	sshll.u32 @!p0 s1, $0x12  }
0x4b: {  	s1 =	sor.u32 @!p0 $0x400, s1;
	s0 =	sadd.s32 @!p0 s0, s4;
	s4 =	simm.s32 @!p0 $0x61C00  }
0x4c: {  	[tilespmem:s2], [sflag:$0x1] =	stream.strided.gather @!p0 [hbm4b:s0+s1], s3, s4, s1, $0x38;
	[tilespmem:$0x10100] =	vst v63  }
0x4d: {  	p0 =	seq.s32 s13, $0x0  }
0x4e: {  	p1 =	sge.u32 @!p0 s13, s8  }
0x4f: {  	p0 =	por p0, p1  }
.Ltmp2:
0x50: {  	_ = 	snop;
	(pc) =	sbr.rel @p0 .LBB1_13-.Ltmp2, $1  }
0x51: {  	_ =	sdelay $0x3  }
0x52: {  	s0 =	ssub.s32 $0x0, s11;
	s1 =	sshra.s32 s11, $0x1F;
	p0 =	sgt.s32 s11, $0xB0  }
0x53: {  	s2 =	smov.u32 s11;
	s25 =	ssub.s32 $0x0, s9;
	s26 =	sshra.s32 s9, $0x1F  }
0x54: {  	s3 =	smov.u32 s9;
	s2 =	simm.s32 @!p0 $0xB0;
	p0 =	sgt.s32 s9, $0xC300  }
0x55: {  	s4 =	sand.u32 s0, s1;
	s1 =	sand.u32 s25, s26;
	s3 =	simm.s32 @!p0 $0xC300  }
0x56: {  	s2 =	sadd.s32 s4, s2;
	[dreg:$0xb] =	wrdreg s1;
	s1 =	sadd.s32 s1, s3  }
0x57: {  	s27 =	sadd.s32 $0xFFFFFF50, s2;
	s2 =	ssub.s32 $0x130, s2;
	s28 =	sadd.s32 $0xFFFF3D00, s1  }
0x58: {  	p0 =	sgt.s32 s27, $0x7F;
	s0 =	ssub.s32 $0xC380, s1;
	p1 =	sgt.s32 s28, $0x7F  }
0x59: {  	s2 =	simm.s32 @p0 $0x0;
	s0 =	simm.s32 @p1 $0x0  }
0x5a: {  	s29 =	smul.u32 s2, s0;
	s2 =	sadd.s32 $0x80, s11  }
0x5b: {  	p0 =	slt.s32 s2, $0x12C  }
0x5c: {  	s2 =	simm.s32 @!p0 $0x12C  }
0x5d: {  	[dreg:$0x9] =	wrdreg s15;
	s19 =	ssub.s32 s2, s11  }
0x5e: {  	[dreg:$0x8] =	wrdreg s14;
	p0 =	slt.s32 s19, $0x1  }
.Ltmp3:
0x5f: {  	[dreg:$0x7] =	wrdreg s9;
	s30 =	simm.s32 $0x1;
	(pc) =	sbr.rel @p0 .LBB1_12-.Ltmp3, $4  }
0x60: {  	[dreg:$0xa] =	wrdreg s4;
	s0 =	sand.u32 $0x1, s13;
	s1 =	sand.u32 $0x3FFFFFFF, s29  }
0x61: {  	s31 =	smul.u32 $0x4080, s0;
	_ =	swait.ge [sflag:s30], s1  }
0x62: {  	s1 =	ssub.s32 $0x0, s1;
	[sflag:s30] =	ssyncset.done $0x0  }
0x63: {  	s17 =	sor.u32 $0x8000, s31;
	[sflag:s30] =	ssyncadd.s32 s1  }
0x64: {  	s2 =	rddreg [dreg:$0x7]  }
0x65: {  	s1 =	sadd.s32 $0x80, s2  }
0x66: {  	p0 =	slt.s32 s1, $0xC350  }
.Ltmp4:
0x67: {  	s1 =	simm.s32 @!p0 $0xC350;
	(pc) =	sbr.rel .LBB1_4-.Ltmp4, $4  }
0x68: {  	s22 =	sshll.u32 s0, $0xE;
	s1 =	ssub.s32 s1, s2  }
0x69: {  	s24 =	simm.s32 $0x0;
	s25 =	simm.s32 $0x400;
	s1 =	sadd.s32 $0xF, s1  }
0x6a: {  	s20 =	sand.u32 $0xFFFFFFF0, s1;
	s21 =	sand.u32 $0xFFFFFF00, s1;
	s31 =	sshll.u32 s1, $0x3  }
0x6b: {  	p0 =	slt.s32 s1, $0x100;
	s23 =	sand.u32 $0xFFFFF800, s31;
	p1 =	sge.s32 s21, s20  }
.LBB1_11:
0x6c: {  	s24 =	sadd.s32 $0x1, s24  }
0x6d: {  	p2 =	sne.s32 s24, s19  }
.Ltmp5:
0x6e: {  	_ = 	snop;
	(pc) =	sbr.rel @!p2 .LBB1_12-.Ltmp5, $2  }
0x6f: {  	_ =	sdelay $0x2  }
0x70: {  	s25 =	sadd.s32 $0x80, s25  }
.LBB1_4:
.Ltmp6:
0x71: {  	(pc) =	sbr.rel @p0 .LBB1_8-.Ltmp6, $2  }
0x72: {  	_ =	sdelay $0x2  }
0x73: {  	s26 =	sshll.u32 s24, $0x7;
	s27 =	sand.u32 $0x7F, s24  }
0x74: {  	s0 =	sshll.u32 s24, $0x3  }
0x75: {  	s5 =	sand.u32 $0x380, s26;
	s2 =	sshrl.u32 s0, $0x7  }
0x76: {  	s3 =	sadd.s32 $0x800, s0;
	s6 =	sadd.s32 $0x1000, s0;
	s18 =	sadd.s32 s5, s22  }
0x77: {  	s16 =	sadd.s32 $0x1800, s0;
	s7 =	sadd.s32 $0x2800, s0;
	s14 =	sadd.s32 $0x3000, s0  }
0x78: {  	s0 =	sadd.s32 $0x3800, s0;
	s1 =	sand.u32 $0x78, s2;
	s3 =	sshrl.u32 s3, $0x7  }
0x79: {  	s15 =	sshrl.u32 s6, $0x7;
	s6 =	sshrl.u32 s16, $0x7;
	s8 =	sshrl.u32 s7, $0x7  }
0x7a: {  	s16 =	sshrl.u32 s0, $0x7;
	s4 =	smul.u32 $0x204, s1;
	s3 =	sand.u32 $0x78, s3  }
0x7b: {  	s7 =	sadd.s32 $0x20, s2;
	v0 =	vmov s18;
	s18 =	sand.u32 $0x3C00, s25;
	s3 =	smul.u32 $0x204, s3  }
0x7c: {  	s5 =	sand.u32 $0x78, s15;
	s1 =	sxor.u32 $0x40, s1;
	s15 =	sshrl.u32 s14, $0x7  }
0x7d: {  	s5 =	smul.u32 $0x204, s5;
	s4 =	sshrl.u32 s4, $0x2;
	s3 =	sshrl.u32 s3, $0x2  }
0x7e: {  	s1 =	smul.u32 $0x204, s1;
	s4 =	sadd.s32 s4, s17;
	s3 =	sadd.s32 s3, s17  }
0x7f: {  	s28 =	sadd.s32 s27, s4;
	s4 =	sand.u32 $0x78, s6;
	s6 =	sshrl.u32 s5, $0x2  }
0x80: {  	s29 =	sadd.s32 s27, s3;
	s3 =	smul.u32 $0x204, s4;
	s4 =	sadd.s32 s6, s17  }
0x81: {  	s14 =	sand.u32 $0x78, s7;
	s30 =	sadd.s32 s27, s4;
	s4 =	sand.u32 $0x78, s8  }
0x82: {  	s7 =	sadd.s32 $0x30, s2;
	s1 =	sshrl.u32 s1, $0x2;
	s4 =	smul.u32 $0x204, s4  }
0x83: {  	s9 =	sadd.s32 s1, s17;
	s5 =	sand.u32 $0x78, s16;
	s3 =	sshrl.u32 s3, $0x2  }
0x84: {  	s31 =	sadd.s32 s27, s9;
	s3 =	sadd.s32 s3, s17;
	s4 =	sshrl.u32 s4, $0x2  }
0x85: {  	s1 =	sadd.s32 s27, s3;
	s3 =	sand.u32 $0x78, s15;
	s4 =	sadd.s32 s4, s17  }
0x86: {  	s6 =	sadd.s32 $0x10, s2;
	s3 =	smul.u32 $0x204, s3;
	s0 =	sadd.s32 s27, s4  }
0x87: {  	s4 =	smul.u32 $0x204, s5;
	s5 =	sand.u32 $0x78, s6;
	s6 =	sand.u32 $0x78, s7  }
0x88: {  	s7 =	sadd.s32 $0x50, s2;
	s3 =	sshrl.u32 s3, $0x2;
	s5 =	smul.u32 $0x204, s5  }
0x89: {  	s6 =	smul.u32 $0x204, s6;
	s7 =	sand.u32 $0x78, s7;
	s3 =	sadd.s32 s3, s17  }
0x8a: {  	s9 =	sshrl.u32 s4, $0x2;
	s4 =	smul.u32 $0x204, s14;
	s14 =	sadd.s32 $0x60, s2  }
0x8b: {  	s7 =	smul.u32 $0x204, s7;
	s2 =	sadd.s32 $0x70, s2;
	s8 =	sadd.s32 s27, s3  }
0x8c: {  	s3 =	sadd.s32 s9, s17;
	s15 =	sshrl.u32 s5, $0x2;
	s14 =	sand.u32 $0x78, s14  }
0x8d: {  	s6 =	sshrl.u32 s6, $0x2;
	s2 =	sand.u32 $0x78, s2;
	s5 =	sadd.s32 s27, s3  }
0x8e: {  	v1 =	vld.idx.msk [tilespmem:v0+s18+$0x0 ss:$0x1], $0xffff;
	s16 =	sadd.s32 s15, s17;
	s4 =	sshrl.u32 s4, $0x2;
	s14 =	smul.u32 $0x204, s14  }
0x8f: {  	s2 =	smul.u32 $0x204, s2;
	s7 =	sshrl.u32 s7, $0x2;
	s4 =	sadd.s32 s4, s17  }
0x90: {  	s15 =	sadd.s32 s6, s17;
	s7 =	sadd.s32 s7, s17;
	s3 =	sadd.s32 s27, s4  }
0x91: {  	s4 =	sadd.s32 s27, s15;
	s14 =	sshrl.u32 s14, $0x2;
	s2 =	sshrl.u32 s2, $0x2  }
0x92: {  	s15 =	sadd.s32 $0xFFFFFC00, s25;
	s14 =	sadd.s32 s14, s17;
	s9 =	sadd.s32 s2, s17  }
0x93: {  	[tilespmem:s28+$0x0 ss:$0x81] =	vst.msk $0xffff, v1;
	v1 =	vld.idx.msk [tilespmem:v0+s18+$0x20 ss:$0x1], $0xffff;
	s2 =	sadd.s32 s27, s7;
	s7 =	sadd.s32 s27, s14;
	s14 =	sand.u32 $0x3C00, s15  }
0x94: {  	v2 =	vld.idx.msk [tilespmem:v0+s14+$0x70 ss:$0x1], $0xffff  }
0x95: {  	v3 =	vld.idx.msk [tilespmem:v0+s14+$0x0 ss:$0x1], $0xffff  }
0x96: {  	v4 =	vld.idx.msk [tilespmem:v0+s14+$0x10 ss:$0x1], $0xffff  }
0x97: {  	v5 =	vld.idx.msk [tilespmem:v0+s14+$0x20 ss:$0x1], $0xffff  }
0x98: {  	v6 =	vld.idx.msk [tilespmem:v0+s14+$0x30 ss:$0x1], $0xffff  }
0x99: {  	v7 =	vld.idx.msk [tilespmem:v0+s14+$0x40 ss:$0x1], $0xffff;
	[tilespmem:s5+$0x0 ss:$0x81] =	vst.msk $0xffff, v2  }
0x9a: {  	v8 =	vld.idx.msk [tilespmem:v0+s14+$0x50 ss:$0x1], $0xffff;
	[tilespmem:s28+$0x0 ss:$0x81] =	vst.msk $0xffff, v3  }
0x9b: {  	p2 =	sgt.s32 s21, $0x100;
	v9 =	vld.idx.msk [tilespmem:v0+s14+$0x60 ss:$0x1], $0xffff;
	[tilespmem:s29+$0x0 ss:$0x81] =	vst.msk $0xffff, v4  }
.Ltmp7:
0x9c: {  	v4 =	vld.idx.msk [tilespmem:v0+s18+$0x10 ss:$0x1], $0xffff;
	[tilespmem:s30+$0x0 ss:$0x81] =	vst.msk $0xffff, v5;
	(pc) =	sbr.rel @!p2 .LBB1_7-.Ltmp7, $4  }
0x9d: {  	[tilespmem:s1+$0x0 ss:$0x81] =	vst.msk $0xffff, v6;
	v2 =	vld.idx.msk [tilespmem:v0+s18+$0x30 ss:$0x1], $0xffff  }
0x9e: {  	[tilespmem:s31+$0x0 ss:$0x81] =	vst.msk $0xffff, v7;
	v3 =	vld.idx.msk [tilespmem:v0+s18+$0x40 ss:$0x1], $0xffff  }
0x9f: {  	s6 =	sadd.s32 s27, s16;
	[tilespmem:s0+$0x0 ss:$0x81] =	vst.msk $0xffff, v8;
	v5 =	vld.idx.msk [tilespmem:v0+s18+$0x50 ss:$0x1], $0xffff  }
0xa0: {  	s16 =	sadd.s32 s27, s9;
	s15 =	sadd.s32 $0x800, s25;
	s14 =	simm.s32 $0x100;
	[tilespmem:s8+$0x0 ss:$0x81] =	vst.msk $0xffff, v9;
	v6 =	vld.idx.msk [tilespmem:v0+s18+$0x60 ss:$0x1], $0xffff  }
.LBB1_6:
0xa1: {  	s9 =	sadd.s32 $0xFFFFFC00, s15;
	s14 =	sadd.s32 $0x100, s14;
	[tilespmem:s6+$0x0 ss:$0x81] =	vst.msk $0xffff, v4;
	v4 =	vld.idx.msk [tilespmem:v0+s18+$0x70 ss:$0x1], $0xffff;
	s18 =	sand.u32 $0x3C00, s15  }
0xa2: {  	s9 =	sand.u32 $0x3C00, s9;
	v7 =	vld.idx.msk [tilespmem:v0+s18+$0x0 ss:$0x1], $0xffff;
	p2 =	slt.s32 s14, s21;
	[tilespmem:s3+$0x0 ss:$0x81] =	vst.msk $0xffff, v1  }
0xa3: {  	v1 =	vld.idx.msk [tilespmem:v0+s9+$0x70 ss:$0x1], $0xffff;
	[tilespmem:s4+$0x0 ss:$0x81] =	vst.msk $0xffff, v2  }
0xa4: {  	v2 =	vld.idx.msk [tilespmem:v0+s9+$0x0 ss:$0x1], $0xffff;
	[tilespmem:s31+$0x0 ss:$0x81] =	vst.msk $0xffff, v3  }
0xa5: {  	v3 =	vld.idx.msk [tilespmem:v0+s9+$0x10 ss:$0x1], $0xffff;
	[tilespmem:s2+$0x0 ss:$0x81] =	vst.msk $0xffff, v5  }
0xa6: {  	v5 =	vld.idx.msk [tilespmem:v0+s9+$0x20 ss:$0x1], $0xffff;
	[tilespmem:s7+$0x0 ss:$0x81] =	vst.msk $0xffff, v6  }
0xa7: {  	v6 =	vld.idx.msk [tilespmem:v0+s9+$0x30 ss:$0x1], $0xffff;
	[tilespmem:s16+$0x0 ss:$0x81] =	vst.msk $0xffff, v4  }
0xa8: {  	v8 =	vld.idx.msk [tilespmem:v0+s9+$0x40 ss:$0x1], $0xffff;
	[tilespmem:s28+$0x0 ss:$0x81] =	vst.msk $0xffff, v7  }
0xa9: {  	v7 =	vld.idx.msk [tilespmem:v0+s9+$0x50 ss:$0x1], $0xffff;
	[tilespmem:s5+$0x0 ss:$0x81] =	vst.msk $0xffff, v1  }
0xaa: {  	[tilespmem:s28+$0x0 ss:$0x81] =	vst.msk $0xffff, v2;
	v9 =	vld.idx.msk [tilespmem:v0+s9+$0x60 ss:$0x1], $0xffff  }
0xab: {  	[tilespmem:s29+$0x0 ss:$0x81] =	vst.msk $0xffff, v3;
	v4 =	vld.idx.msk [tilespmem:v0+s18+$0x10 ss:$0x1], $0xffff  }
.Ltmp8:
0xac: {  	[tilespmem:s30+$0x0 ss:$0x81] =	vst.msk $0xffff, v5;
	v1 =	vld.idx.msk [tilespmem:v0+s18+$0x20 ss:$0x1], $0xffff;
	(pc) =	sbr.rel @p2 .LBB1_6-.Ltmp8, $4  }
0xad: {  	[tilespmem:s1+$0x0 ss:$0x81] =	vst.msk $0xffff, v6;
	v2 =	vld.idx.msk [tilespmem:v0+s18+$0x30 ss:$0x1], $0xffff  }
0xae: {  	[tilespmem:s31+$0x0 ss:$0x81] =	vst.msk $0xffff, v8;
	v3 =	vld.idx.msk [tilespmem:v0+s18+$0x40 ss:$0x1], $0xffff  }
0xaf: {  	[tilespmem:s0+$0x0 ss:$0x81] =	vst.msk $0xffff, v7;
	v5 =	vld.idx.msk [tilespmem:v0+s18+$0x50 ss:$0x1], $0xffff  }
0xb0: {  	s15 =	sadd.s32 $0x800, s15;
	[tilespmem:s8+$0x0 ss:$0x81] =	vst.msk $0xffff, v9;
	v6 =	vld.idx.msk [tilespmem:v0+s18+$0x60 ss:$0x1], $0xffff  }
.LBB1_7:
0xb1: {  	_ =	sdelay $0x2  }
0xb2: {  	[tilespmem:s6+$0x0 ss:$0x81] =	vst.msk $0xffff, v4  }
0xb3: {  	v0 =	vld.idx.msk [tilespmem:v0+s18+$0x70 ss:$0x1], $0xffff;
	[tilespmem:s3+$0x0 ss:$0x81] =	vst.msk $0xffff, v1  }
0xb4: {  	[tilespmem:s4+$0x0 ss:$0x81] =	vst.msk $0xffff, v2  }
0xb5: {  	[tilespmem:s31+$0x0 ss:$0x81] =	vst.msk $0xffff, v3  }
0xb6: {  	[tilespmem:s2+$0x0 ss:$0x81] =	vst.msk $0xffff, v5  }
0xb7: {  	[tilespmem:s7+$0x0 ss:$0x81] =	vst.msk $0xffff, v6  }
0xb8: {  	[tilespmem:s16+$0x0 ss:$0x81] =	vst.msk $0xffff, v0  }
.LBB1_8:
.Ltmp9:
0xb9: {  	(pc) =	sbr.rel @p1 .LBB1_11-.Ltmp9, $1  }
0xba: {  	_ =	sdelay $0x3  }
0xbb: {  	s1 =	sand.u32 $0x380, s26;
	s0 =	sshrl.u32 s24, $0x4;
	s2 =	sadd.s32 s27, s17  }
0xbc: {  	s3 =	smov.u32 s23;
	s4 =	smov.u32 s21;
	s1 =	sadd.s32 s1, s22  }
.LBB1_10:
0xbd: {  	s5 =	sand.u32 $0x3C00, s3  }
0xbe: {  	s5 =	sadd.s32 s26, s5  }
0xbf: {  	s5 =	sand.u32 $0x3C00, s5  }
0xc0: {  	s6 =	sand.u32 $0x70, s4;
	s30 =	sadd.s32 s4, s0;
	s5 =	sadd.s32 s5, s1  }
0xc1: {  	s4 =	sadd.s32 $0x10, s4;
	s31 =	sand.u32 $0x78, s30;
	s5 =	sadd.s32 s6, s5  }
0xc2: {  	p2 =	slt.s32 s4, s20;
	v0 =	vld [tilespmem:s5+$0x0];
	s5 =	smul.u32 $0x204, s31  }
.Ltmp10:
0xc3: {  	_ = 	snop;
	(pc) =	sbr.rel @p2 .LBB1_10-.Ltmp10, $4  }
0xc4: {  	_ = 	snop  }
0xc5: {  	s5 =	sshrl.u32 s5, $0x2  }
0xc6: {  	s5 =	sadd.s32 s5, s2  }
0xc7: {  	s3 =	sadd.s32 $0x80, s3;
	[tilespmem:s5+$0x0 ss:$0x81] =	vst.msk $0xffff, v0  }
.Ltmp11:
0xc8: {  	_ = 	snop;
	(pc) =	sbr.rel .LBB1_11-.Ltmp11, $1  }
0xc9: {  	_ =	sdelay $0x3  }
.LBB1_14:
0xca: {  	_ =	sfence.sel $0x180000  }
0xcb: {  	s0 =	simm.s32 $0x1;
	[bflag:$0x0] =	sbarrier.arrive $0xFFFF  }
0xcc: {  	s30 =	simm.s32 $0x2;
	[sflag:s0] =	ssyncpa.u1 $0x1  }
0xcd: {  	[sflag:s30] =	ssyncpa.u1 $0x1  }
0xce: {  	_ =	strace $0x9000004A  }
0xcf: {  	s31 =	stileid.u32;
	[bflag:$0x2] =	sbarrier.arrive $0xFFFF  }
0xd0: {  	p0 =	sne.s32 s31, $0x0;
	s0 =	rddreg [dreg:$0x1]  }
0xd1: {  	s0 =	sadd.s32 @!p0 $0x100000, s0  }
0xd2: {  	[sflag:s0] =	ssyncadd.tile.s32 @!p0 $0x1;
	_ =	shalt  }
.Lfunc_end1:
_tile_overlayer_lowered:
.L_overlay_start_2:
0xd3: {  	(tag) =	ssettag $0x2  }
0xd4: {  	s0 =	rddreg [dreg:$0x0];
	s2 =	stileid.u32  }
0xd5: {  	s1 =	rddreg [dreg:$0x1];
	p0 =	sne.s32 s2, $0x0  }
0xd6: {  	s3 =	rddreg [dreg:$0x2];
	[bflag:$0x3] =	sbarrier.arrive $0xFFFF;
	s2 =	simm.s32 @!p0 $0x1C01  }
0xd7: {  	[timem:s3], [sflag:s2] =	dma.local @!p0 [hbm:s0], s1  }
0xd8: {  	s0 =	simm.s32 @!p0 $0x1  }
0xd9: {  	_ =	swait.ge @!p0 [sflag:s0], s1  }
0xda: {  	s1 =	ssub.s32 @!p0 $0x0, s1;
	[sflag:s0] =	ssyncset.done @!p0 $0x0  }
0xdb: {  	[sflag:s0] =	ssyncadd.s32 @!p0 s1  }
0xdc: {  	[bflag:$0x3] =	sbarrier.arrive $0xFFFF  }
0xdd: {  	_ =	shalt  }

</sc_bundles>
